<compile_context>
chip_gen: v7x
topology: tpu7x:2x2x1
jax: 0.10.2.dev20260603
libtpu: 0.0.44.dev20260713+nightly
codegen_flags: <defaults>
</compile_context>

<pallas_src>
import functools

import jax
import jax.numpy as jnp
from jax import lax
from jax.experimental import pallas as pl
from jax.experimental.pallas import tpu as pltpu
from jax.experimental.pallas import tpu_sc as plsc

N = 10000
E = 320000
D = 128
DE = 16
NC = 2
NS = 16
NW = NC * NS
CH = 112
EPT = E // NW
NCH = 90
EPT_PAD = NCH * CH
EPAD = EPT_PAD * NW
TRASH = N
RPT = 632
NP = NS * RPT
ZCH = [(0, 112), (112, 112), (224, 112), (336, 112), (448, 112), (560, 72)]

_mesh = plsc.VectorSubcoreMesh(core_axis_name="c", subcore_axis_name="s",
                               num_cores=NC, num_subcores=NS)


def _zero_rows(buf, nrow, ncol):
    zeros16 = jnp.zeros((16,), jnp.float32)

    def body(r, _):
        for c in range(ncol // 16):
            buf[r, pl.ds(c * 16, 16)] = zeros16
        return 0

    lax.fori_loop(0, nrow, body, 0)


@functools.partial(
    pl.kernel,
    out_type=jax.ShapeDtypeStruct((NC, NP, D), jnp.float32),
    mesh=_mesh,
    scratch_types=[
        pltpu.VMEM((NCH, CH), jnp.int32),
        pltpu.VMEM((CH, D), jnp.float32),
        pltpu.VMEM_SHARED((NP, D), jnp.float32),
    ],
)
def _sc_deg(dstp, out, dst_v, val_v, acc_sh):
    cid = lax.axis_index("c")
    sid = lax.axis_index("s")
    wid = sid * NC + cid

    _zero_rows(val_v, CH, D)
    for off, nn in ZCH:
        pltpu.sync_copy(val_v.at[pl.ds(0, nn)],
                        acc_sh.at[pl.ds(sid * RPT + off, nn)])
    pltpu.sync_copy(dstp.at[wid], dst_v)
    plsc.subcore_barrier()

    ones16 = jnp.ones((16,), jnp.float32)

    def fill(r, _):
        for c in range(D // 16):
            val_v[r, pl.ds(c * 16, 16)] = ones16
        return 0

    lax.fori_loop(0, CH, fill, 0)

    def chunk(j, _):
        pltpu.sync_copy(val_v, acc_sh.at[dst_v.at[j]], add=True)
        return 0

    lax.fori_loop(0, NCH, chunk, 0)
    plsc.subcore_barrier()

    for off, nn in ZCH:
        sl = pl.ds(sid * RPT + off, nn)
        vv = val_v.at[pl.ds(0, nn)]
        pltpu.sync_copy(acc_sh.at[sl], vv)
        pltpu.sync_copy(vv, out.at[cid, sl])


@functools.partial(
    pl.kernel,
    out_type=jax.ShapeDtypeStruct((NC, NP, D), jnp.float32),
    mesh=_mesh,
    scratch_types=[
        pltpu.VMEM((NCH, CH), jnp.int32),
        pltpu.VMEM((NCH, CH), jnp.int32),
        pltpu.VMEM((CH, D), jnp.float32),
        pltpu.SemaphoreType.DMA,
        pltpu.VMEM_SHARED((NP, D), jnp.float32),
    ],
)
def _sc_agg(table, srcp, dstp, out, src_v, dst_v, rows_v, sem, acc_sh):
    cid = lax.axis_index("c")
    sid = lax.axis_index("s")
    wid = sid * NC + cid

    _zero_rows(rows_v, CH, D)
    for off, nn in ZCH:
        pltpu.sync_copy(rows_v.at[pl.ds(0, nn)],
                        acc_sh.at[pl.ds(sid * RPT + off, nn)])
    pltpu.sync_copy(srcp.at[wid], src_v)
    pltpu.sync_copy(dstp.at[wid], dst_v)
    plsc.subcore_barrier()

    def chunk(j, _):
        pltpu.async_copy(table.at[src_v.at[j]], rows_v, sem).wait()
        pltpu.sync_copy(rows_v, acc_sh.at[dst_v.at[j]], add=True)
        return 0

    lax.fori_loop(0, NCH, chunk, 0)
    plsc.subcore_barrier()

    for off, nn in ZCH:
        sl = pl.ds(sid * RPT + off, nn)
        vv = rows_v.at[pl.ds(0, nn)]
        pltpu.sync_copy(acc_sh.at[sl], vv)
        pltpu.sync_copy(vv, out.at[cid, sl])


@functools.partial(
    pl.kernel,
    out_type=jax.ShapeDtypeStruct((EPAD, D), jnp.float32),
    mesh=_mesh,
    scratch_types=[
        pltpu.VMEM((NCH, CH), jnp.int32),
        pltpu.VMEM((NCH, CH), jnp.int32),
        pltpu.VMEM((CH, D), jnp.float32),
        pltpu.VMEM((CH, D), jnp.float32),
        pltpu.SemaphoreType.DMA,
        pltpu.SemaphoreType.DMA,
    ],
)
def _sc_pair(hA, hB, srcp, dstp, out, src_v, dst_v, ra_v, rb_v, semA, semB):
    cid = lax.axis_index("c")
    sid = lax.axis_index("s")
    wid = sid * NC + cid

    pltpu.sync_copy(srcp.at[wid], src_v)
    pltpu.sync_copy(dstp.at[wid], dst_v)

    def chunk(j, _):
        ca = pltpu.async_copy(hA.at[src_v.at[j]], ra_v, semA)
        cb = pltpu.async_copy(hB.at[dst_v.at[j]], rb_v, semB)
        ca.wait()
        cb.wait()

        def add_row(r, _):
            for c in range(D // 16):
                sl = pl.ds(c * 16, 16)
                ra_v[r, sl] = ra_v[r, sl] + rb_v[r, sl]
            return 0

        lax.fori_loop(0, CH, add_row, 0)
        pltpu.sync_copy(ra_v, out.at[pl.ds((wid * NCH + j) * CH, CH)])
        return 0

    lax.fori_loop(0, NCH, chunk, 0)


_NB = 10
_BR = N // _NB


def _mm0_body(x_ref, w_ref, hw_ref):
    xv = x_ref[...]
    xv = jnp.where(jnp.isnan(xv), 0.0, xv)
    hw_ref[...] = jnp.dot(xv, w_ref[...], preferred_element_type=jnp.float32)


def _tc_mm0(x, W0):
    return pl.pallas_call(
        _mm0_body,
        grid=(_NB,),
        in_specs=[
            pl.BlockSpec((_BR, D), lambda i: (i, 0)),
            pl.BlockSpec((D, D), lambda i: (0, 0)),
        ],
        out_specs=pl.BlockSpec((_BR, D), lambda i: (i, 0)),
        out_shape=jax.ShapeDtypeStruct((N, D), jnp.float32),
    )(x, W0)


def _scale_body(hw_ref, degp_ref, dinv_ref, hs_ref):
    deg = degp_ref[0, :, 0:1] + degp_ref[1, :, 0:1] + 1.0
    dinv = lax.rsqrt(deg)
    dinv_ref[...] = dinv
    hs_ref[...] = hw_ref[...] * dinv


def _tc_prep(hw, degp):
    return pl.pallas_call(
        _scale_body,
        grid=(_NB,),
        in_specs=[
            pl.BlockSpec((_BR, D), lambda i: (i, 0)),
            pl.BlockSpec((NC, _BR, D), lambda i: (0, i, 0)),
        ],
        out_specs=[
            pl.BlockSpec((_BR, 1), lambda i: (i, 0)),
            pl.BlockSpec((_BR, D), lambda i: (i, 0)),
        ],
        out_shape=[
            jax.ShapeDtypeStruct((N, 1), jnp.float32),
            jax.ShapeDtypeStruct((N, D), jnp.float32),
        ],
    )(hw, degp)


def _stats_body(accp_ref, hs_ref, dinv_ref, b_ref, comb_ref, s1_ref, s2_ref):
    i = pl.program_id(0)
    acc = accp_ref[0] + accp_ref[1]
    comb = (acc + hs_ref[...]) * dinv_ref[...] + b_ref[...]
    comb_ref[...] = comb
    p1 = jnp.sum(comb.reshape(_BR // 8, 8, D), axis=0)
    p2 = jnp.sum((comb * comb).reshape(_BR // 8, 8, D), axis=0)

    @pl.when(i == 0)
    def _():
        s1_ref[...] = p1
        s2_ref[...] = p2

    @pl.when(i > 0)
    def _():
        s1_ref[...] += p1
        s2_ref[...] += p2


def _tc_stats(accp, hs, dinv, b):
    return pl.pallas_call(
        _stats_body,
        grid=(_NB,),
        in_specs=[
            pl.BlockSpec((NC, _BR, D), lambda i: (0, i, 0)),
            pl.BlockSpec((_BR, D), lambda i: (i, 0)),
            pl.BlockSpec((_BR, 1), lambda i: (i, 0)),
            pl.BlockSpec((1, D), lambda i: (0, 0)),
        ],
        out_specs=[
            pl.BlockSpec((_BR, D), lambda i: (i, 0)),
            pl.BlockSpec((8, D), lambda i: (0, 0)),
            pl.BlockSpec((8, D), lambda i: (0, 0)),
        ],
        out_shape=[
            jax.ShapeDtypeStruct((N, D), jnp.float32),
            jax.ShapeDtypeStruct((8, D), jnp.float32),
            jax.ShapeDtypeStruct((8, D), jnp.float32),
        ],
    )(accp, hs, dinv, b.reshape(1, D))


def _bn_scale(s1_ref, s2_ref, g_ref, bt_ref):
    mu = jnp.sum(s1_ref[...], axis=0, keepdims=True) * (1.0 / N)
    ex2 = jnp.sum(s2_ref[...], axis=0, keepdims=True) * (1.0 / N)
    var = ex2 - mu * mu
    a = g_ref[...] * lax.rsqrt(var + 1e-5)
    c = bt_ref[...] - mu * a
    return a, c


def _next_body(comb_ref, s1_ref, s2_ref, g_ref, bt_ref, w_ref, dinv_ref, out_ref):
    a, c = _bn_scale(s1_ref, s2_ref, g_ref, bt_ref)
    h = jnp.maximum(comb_ref[...] * a + c, 0.0)
    out_ref[...] = jnp.dot(h, w_ref[...], preferred_element_type=jnp.float32) * dinv_ref[...]


def _tc_next(comb, s1, s2, g, bt, W, dinv):
    return pl.pallas_call(
        _next_body,
        grid=(_NB,),
        in_specs=[
            pl.BlockSpec((_BR, D), lambda i: (i, 0)),
            pl.BlockSpec((8, D), lambda i: (0, 0)),
            pl.BlockSpec((8, D), lambda i: (0, 0)),
            pl.BlockSpec((1, D), lambda i: (0, 0)),
            pl.BlockSpec((1, D), lambda i: (0, 0)),
            pl.BlockSpec((D, D), lambda i: (0, 0)),
            pl.BlockSpec((_BR, 1), lambda i: (i, 0)),
        ],
        out_specs=pl.BlockSpec((_BR, D), lambda i: (i, 0)),
        out_shape=jax.ShapeDtypeStruct((N, D), jnp.float32),
    )(comb, s1, s2, g.reshape(1, D), bt.reshape(1, D), W, dinv)


def _final_body(comb_ref, s1_ref, s2_ref, g_ref, bt_ref, wa_ref, wb_ref,
                outa_ref, outb_ref):
    a, c = _bn_scale(s1_ref, s2_ref, g_ref, bt_ref)
    h = jnp.maximum(comb_ref[...] * a + c, 0.0)
    outa_ref[...] = jnp.dot(h, wa_ref[...], preferred_element_type=jnp.float32)
    outb_ref[...] = jnp.dot(h, wb_ref[...], preferred_element_type=jnp.float32)


def _tc_final_nodes(comb, s1, s2, g, bt, WA, WB):
    return pl.pallas_call(
        _final_body,
        grid=(_NB,),
        in_specs=[
            pl.BlockSpec((_BR, D), lambda i: (i, 0)),
            pl.BlockSpec((8, D), lambda i: (0, 0)),
            pl.BlockSpec((8, D), lambda i: (0, 0)),
            pl.BlockSpec((1, D), lambda i: (0, 0)),
            pl.BlockSpec((1, D), lambda i: (0, 0)),
            pl.BlockSpec((D, D), lambda i: (0, 0)),
            pl.BlockSpec((D, D), lambda i: (0, 0)),
        ],
        out_specs=[
            pl.BlockSpec((_BR, D), lambda i: (i, 0)),
            pl.BlockSpec((_BR, D), lambda i: (i, 0)),
        ],
        out_shape=[
            jax.ShapeDtypeStruct((N, D), jnp.float32),
            jax.ShapeDtypeStruct((N, D), jnp.float32),
        ],
    )(comb, s1, s2, g.reshape(1, D), bt.reshape(1, D), WA, WB)


_EB = 2000
_NEB = E // _EB
_H2 = 64


def _mlp_body(g_ref, ea_ref, w1c_ref, b1_ref, w2_ref, b2_ref, w3_ref, b3_ref,
              out_ref):
    ea = ea_ref[...]
    ea = jnp.where(jnp.isnan(ea), 0.0, ea)
    z1 = g_ref[...] + jnp.dot(ea, w1c_ref[...], preferred_element_type=jnp.float32) + b1_ref[...]
    z1 = jnp.maximum(z1, 0.0)
    z2 = jnp.maximum(jnp.dot(z1, w2_ref[...], preferred_element_type=jnp.float32) + b2_ref[...], 0.0)
    out_ref[...] = jnp.dot(z2, w3_ref[...], preferred_element_type=jnp.float32) + b3_ref[...]


def _tc_mlp(gpairs, ea, W1c, bc1, Wc2, bc2, Wc3, bc3):
    return pl.pallas_call(
        _mlp_body,
        grid=(_NEB,),
        in_specs=[
            pl.BlockSpec((_EB, D), lambda i: (i, 0)),
            pl.BlockSpec((_EB, DE), lambda i: (i, 0)),
            pl.BlockSpec((DE, D), lambda i: (0, 0)),
            pl.BlockSpec((1, D), lambda i: (0, 0)),
            pl.BlockSpec((D, _H2), lambda i: (0, 0)),
            pl.BlockSpec((1, _H2), lambda i: (0, 0)),
            pl.BlockSpec((_H2, 2), lambda i: (0, 0)),
            pl.BlockSpec((1, 2), lambda i: (0, 0)),
        ],
        out_specs=pl.BlockSpec((_EB, 2), lambda i: (i, 0)),
        out_shape=jax.ShapeDtypeStruct((E, 2), jnp.float32),
    )(gpairs, ea, W1c, bc1.reshape(1, D), Wc2, bc2.reshape(1, _H2), Wc3,
      bc3.reshape(1, 2))


def kernel(x, edge_index, edge_attr, W0, b0, W1, b1, W2, b2, g0, bt0, g1, bt1,
           g2, bt2, Wc1, bc1, Wc2, bc2, Wc3, bc3):
    src = edge_index[0]
    dst = edge_index[1]
    pad = EPAD - E
    srcp = jnp.concatenate([src, jnp.zeros((pad,), jnp.int32)]).reshape(NW, NCH, CH)
    dstp_agg = jnp.concatenate([dst, jnp.full((pad,), TRASH, jnp.int32)]).reshape(NW, NCH, CH)
    dstp_pair = jnp.concatenate([dst, jnp.zeros((pad,), jnp.int32)]).reshape(NW, NCH, CH)

    hw0 = _tc_mm0(x, W0)
    degp = _sc_deg(dstp_agg)
    dinv, hs = _tc_prep(hw0, degp)

    accp = _sc_agg(hs, srcp, dstp_agg)
    comb, s1, s2 = _tc_stats(accp, hs, dinv, b0)
    hs = _tc_next(comb, s1, s2, g0, bt0, W1, dinv)

    accp = _sc_agg(hs, srcp, dstp_agg)
    comb, s1, s2 = _tc_stats(accp, hs, dinv, b1)
    hs = _tc_next(comb, s1, s2, g1, bt1, W2, dinv)

    accp = _sc_agg(hs, srcp, dstp_agg)
    comb, s1, s2 = _tc_stats(accp, hs, dinv, b2)
    hA, hB = _tc_final_nodes(comb, s1, s2, g2, bt2, Wc1[:D], Wc1[D:2 * D])

    gpairs = _sc_pair(hA, hB, srcp, dstp_pair)
    return _tc_mlp(gpairs, edge_attr, Wc1[2 * D:], bc1, Wc2, bc2, Wc3, bc3)

# --- scband reference (transcript-rebuilt; emitter-appended) ---
"""Pipeline reference for scband-edge-level-gnn-24747601560282 (READ-ONLY COPY).

The authoritative reference and input builder live on the scoring server;
editing this copy changes nothing except your own understanding.
"""

import jax, jax.numpy as jnp
import numpy as np

N_NODES = 10000
N_EDGES = 320000
D_FEAT = 128
HIDDEN = 128
D_EDGE = 16
OUT_DIM = 2


def _glorot(key, shape):
    fan_in = shape[0]
    return jax.random.normal(key, shape, dtype=jnp.float32) * (1.0 / np.sqrt(fan_in))


def setup_inputs(seed: int = 0) -> dict:
    key = jax.random.key(seed)
    ks = [jax.random.fold_in(key, i) for i in range(32)]
    inp = {}
    inp['x'] = jax.random.normal(ks[0], (N_NODES, D_FEAT), dtype=jnp.float32)
    inp['edge_index'] = jax.random.randint(ks[1], (2, N_EDGES), 0, N_NODES, dtype=jnp.int32)
    inp['edge_attr'] = jax.random.normal(ks[2], (N_EDGES, D_EDGE), dtype=jnp.float32)
    # GCN layer weights (3 layers)
    inp['W0'] = _glorot(ks[3], (D_FEAT, HIDDEN)); inp['b0'] = jnp.zeros((HIDDEN,), jnp.float32)
    inp['W1'] = _glorot(ks[4], (HIDDEN, HIDDEN)); inp['b1'] = jnp.zeros((HIDDEN,), jnp.float32)
    inp['W2'] = _glorot(ks[5], (HIDDEN, HIDDEN)); inp['b2'] = jnp.zeros((HIDDEN,), jnp.float32)
    # BatchNorm affine params
    inp['g0'] = jnp.ones((HIDDEN,), jnp.float32); inp['bt0'] = jnp.zeros((HIDDEN,), jnp.float32)
    inp['g1'] = jnp.ones((HIDDEN,), jnp.float32); inp['bt1'] = jnp.zeros((HIDDEN,), jnp.float32)
    inp['g2'] = jnp.ones((HIDDEN,), jnp.float32); inp['bt2'] = jnp.zeros((HIDDEN,), jnp.float32)
    # Edge classifier (lazy-built in torch): in = 2*HIDDEN + D_EDGE = 272
    cin = 2 * HIDDEN + D_EDGE
    inp['Wc1'] = _glorot(ks[6], (cin, HIDDEN)); inp['bc1'] = jnp.zeros((HIDDEN,), jnp.float32)
    inp['Wc2'] = _glorot(ks[7], (HIDDEN, HIDDEN // 2)); inp['bc2'] = jnp.zeros((HIDDEN // 2,), jnp.float32)
    inp['Wc3'] = _glorot(ks[8], (HIDDEN // 2, OUT_DIM)); inp['bc3'] = jnp.zeros((OUT_DIM,), jnp.float32)
    return inp


def _gcn_conv(x, edge_index, W, b):
    N = x.shape[0]
    loop = jnp.arange(N, dtype=edge_index.dtype)
    src = jnp.concatenate([edge_index[0], loop])
    dst = jnp.concatenate([edge_index[1], loop])
    deg = jnp.zeros((N,), jnp.float32).at[dst].add(1.0)
    dinv = jnp.where(deg > 0, 1.0 / jnp.sqrt(deg), 0.0)
    norm = dinv[src] * dinv[dst]
    h = x @ W
    msg = h[src] * norm[:, None]
    out = jnp.zeros((N, h.shape[1]), jnp.float32).at[dst].add(msg)
    return out + b


def _batch_norm(x, g, bt, eps=1e-5):
    mu = jnp.mean(x, axis=0)
    var = jnp.var(x, axis=0)
    return (x - mu) / jnp.sqrt(var + eps) * g + bt


def reference(x, edge_index, edge_attr, W0, b0, W1, b1, W2, b2, g0, bt0, g1, bt1, g2, bt2, Wc1, bc1, Wc2, bc2, Wc3, bc3):
    h = jnp.nan_to_num(x, nan=0.0)
    for W, b, g, bt in ((W0, b0, g0, bt0), (W1, b1, g1, bt1), (W2, b2, g2, bt2)):
        h = _gcn_conv(h, edge_index, W, b)
        h = _batch_norm(h, g, bt)
        h = jax.nn.relu(h)
        h = jnp.nan_to_num(h, nan=0.0)  # dropout is identity in eval
    src_f = h[edge_index[0]]
    tgt_f = h[edge_index[1]]
    ea = jnp.nan_to_num(edge_attr, nan=0.0)
    ef = jnp.concatenate([src_f, tgt_f, ea], axis=1)
    z = jax.nn.relu(ef @ Wc1 + bc1)
    z = jax.nn.relu(z @ Wc2 + bc2)
    out = z @ Wc3 + bc3
    return jnp.nan_to_num(out, nan=0.0)

if __name__ == "__main__":
    import jax
    _d = setup_inputs()
    print(jax.jit(kernel)(*tuple(_d.values())))

</pallas_src>

<mosaic_0001>
#map = affine_map<(d0, d1) -> (0, 0)>
#map1 = affine_map<(d0, d1) -> (0, 0, 0)>
module attributes {stable_mosaic.version = 14 : i64} {
  func.func @_sc_agg(%arg0: i32, %arg1: i32, %arg2: memref<10000x128xf32, #tpu.memory_space<hbm>>, %arg3: memref<32x90x112xi32, #tpu.memory_space<hbm>>, %arg4: memref<32x90x112xi32, #tpu.memory_space<hbm>>, %arg5: memref<2x10112x128xf32, #tpu.memory_space<hbm>>, %arg6: memref<90x112xi32, #tpu.memory_space<vmem>>, %arg7: memref<90x112xi32, #tpu.memory_space<vmem>>, %arg8: memref<112x128xf32, #tpu.memory_space<vmem>>, %arg9: memref<!tpu.dma_semaphore, #tpu.memory_space<semaphore_mem>>, %arg10: memref<10112x128xf32, #tpu.memory_space<vmem_shared>>) attributes {dimension_semantics = [#tpu.dimension_semantics<core_parallel>, #tpu.dimension_semantics<subcore_parallel>], iteration_bounds = array<i64: 2, 16>, scalar_prefetch = 0 : i64, scratch_operands = 5 : i64, tpu.core_type = #tpu.core_type<sc_vector_subcore>, window_params = [{transform_indices = #map}, {transform_indices = #map1}, {transform_indices = #map1}, {transform_indices = #map1}]} {
    %mul3A = arith.constant 2 : i32
    %mul3A_0 = arith.muli %arg1, %mul3A : i32
    %add3A = arith.addi %mul3A_0, %arg0 : i32
    %broadcast_in_dim3A = arith.constant 0.000000e+00 : f32
    %broadcast_in_dim3A_1 = vector.broadcast %broadcast_in_dim3A : f32 to vector<16xf32>
    %scan3A = arith.constant 0 : i32
    %scan3A_2 = arith.constant 0 : i32
    %scan3A_3 = arith.constant 112 : i32
    %scan3A_4 = arith.addi %scan3A_2, %scan3A_3 : i32
    %scan3A_5 = arith.constant 1 : i32
    %scan3A_6 = scf.for %scan3A_64 = %scan3A_2 to %scan3A_4 step %scan3A_5 iter_args(%scan3A_65 = %scan3A) -> (i32)  : i32 {
      %swap3A = arith.index_cast %scan3A_64 : i32 to index
      %swap3A_66 = arith.constant 0 : index
      %swap3A_67 = tpu.vector_load %arg8[%swap3A, %swap3A_66] {strides = array<i32>} : memref<112x128xf32, #tpu.memory_space<vmem>>, vector<1x16xf32>,
      %swap3A_68 = vector.shape_cast %swap3A_67 : vector<1x16xf32> to vector<16xf32>
      %swap3A_69 = vector.shape_cast %broadcast_in_dim3A_1 : vector<16xf32> to vector<1x16xf32>
      tpu.vector_store %arg8[%swap3A, %swap3A_66], %swap3A_69 {strides = array<i32>} : memref<112x128xf32, #tpu.memory_space<vmem>>, vector<1x16xf32>,
      %swap3A_70 = arith.index_cast %scan3A_64 : i32 to index
      %swap3A_71 = arith.constant 16 : index
      %swap3A_72 = tpu.vector_load %arg8[%swap3A_70, %swap3A_71] {strides = array<i32>} : memref<112x128xf32, #tpu.memory_space<vmem>>, vector<1x16xf32>,
      %swap3A_73 = vector.shape_cast %swap3A_72 : vector<1x16xf32> to vector<16xf32>
      %swap3A_74 = vector.shape_cast %broadcast_in_dim3A_1 : vector<16xf32> to vector<1x16xf32>
      tpu.vector_store %arg8[%swap3A_70, %swap3A_71], %swap3A_74 {strides = array<i32>} : memref<112x128xf32, #tpu.memory_space<vmem>>, vector<1x16xf32>,
      %swap3A_75 = arith.index_cast %scan3A_64 : i32 to index
      %swap3A_76 = arith.constant 32 : index
      %swap3A_77 = tpu.vector_load %arg8[%swap3A_75, %swap3A_76] {strides = array<i32>} : memref<112x128xf32, #tpu.memory_space<vmem>>, vector<1x16xf32>,
      %swap3A_78 = vector.shape_cast %swap3A_77 : vector<1x16xf32> to vector<16xf32>
      %swap3A_79 = vector.shape_cast %broadcast_in_dim3A_1 : vector<16xf32> to vector<1x16xf32>
      tpu.vector_store %arg8[%swap3A_75, %swap3A_76], %swap3A_79 {strides = array<i32>} : memref<112x128xf32, #tpu.memory_space<vmem>>, vector<1x16xf32>,
      %swap3A_80 = arith.index_cast %scan3A_64 : i32 to index
      %swap3A_81 = arith.constant 48 : index
      %swap3A_82 = tpu.vector_load %arg8[%swap3A_80, %swap3A_81] {strides = array<i32>} : memref<112x128xf32, #tpu.memory_space<vmem>>, vector<1x16xf32>,
      %swap3A_83 = vector.shape_cast %swap3A_82 : vector<1x16xf32> to vector<16xf32>
      %swap3A_84 = vector.shape_cast %broadcast_in_dim3A_1 : vector<16xf32> to vector<1x16xf32>
      tpu.vector_store %arg8[%swap3A_80, %swap3A_81], %swap3A_84 {strides = array<i32>} : memref<112x128xf32, #tpu.memory_space<vmem>>, vector<1x16xf32>,
      %swap3A_85 = arith.index_cast %scan3A_64 : i32 to index
      %swap3A_86 = arith.constant 64 : index
      %swap3A_87 = tpu.vector_load %arg8[%swap3A_85, %swap3A_86] {strides = array<i32>} : memref<112x128xf32, #tpu.memory_space<vmem>>, vector<1x16xf32>,
      %swap3A_88 = vector.shape_cast %swap3A_87 : vector<1x16xf32> to vector<16xf32>
      %swap3A_89 = vector.shape_cast %broadcast_in_dim3A_1 : vector<16xf32> to vector<1x16xf32>
      tpu.vector_store %arg8[%swap3A_85, %swap3A_86], %swap3A_89 {strides = array<i32>} : memref<112x128xf32, #tpu.memory_space<vmem>>, vector<1x16xf32>,
      %swap3A_90 = arith.index_cast %scan3A_64 : i32 to index
      %swap3A_91 = arith.constant 80 : index
      %swap3A_92 = tpu.vector_load %arg8[%swap3A_90, %swap3A_91] {strides = array<i32>} : memref<112x128xf32, #tpu.memory_space<vmem>>, vector<1x16xf32>,
      %swap3A_93 = vector.shape_cast %swap3A_92 : vector<1x16xf32> to vector<16xf32>
      %swap3A_94 = vector.shape_cast %broadcast_in_dim3A_1 : vector<16xf32> to vector<1x16xf32>
      tpu.vector_store %arg8[%swap3A_90, %swap3A_91], %swap3A_94 {strides = array<i32>} : memref<112x128xf32, #tpu.memory_space<vmem>>, vector<1x16xf32>,
      %swap3A_95 = arith.index_cast %scan3A_64 : i32 to index
      %swap3A_96 = arith.constant 96 : index
      %swap3A_97 = tpu.vector_load %arg8[%swap3A_95, %swap3A_96] {strides = array<i32>} : memref<112x128xf32, #tpu.memory_space<vmem>>, vector<1x16xf32>,
      %swap3A_98 = vector.shape_cast %swap3A_97 : vector<1x16xf32> to vector<16xf32>
      %swap3A_99 = vector.shape_cast %broadcast_in_dim3A_1 : vector<16xf32> to vector<1x16xf32>
      tpu.vector_store %arg8[%swap3A_95, %swap3A_96], %swap3A_99 {strides = array<i32>} : memref<112x128xf32, #tpu.memory_space<vmem>>, vector<1x16xf32>,
      %swap3A_100 = arith.index_cast %scan3A_64 : i32 to index
      %swap3A_101 = arith.constant 112 : index
      %swap3A_102 = tpu.vector_load %arg8[%swap3A_100, %swap3A_101] {strides = array<i32>} : memref<112x128xf32, #tpu.memory_space<vmem>>, vector<1x16xf32>,
      %swap3A_103 = vector.shape_cast %swap3A_102 : vector<1x16xf32> to vector<16xf32>
      %swap3A_104 = vector.shape_cast %broadcast_in_dim3A_1 : vector<16xf32> to vector<1x16xf32>
      tpu.vector_store %arg8[%swap3A_100, %swap3A_101], %swap3A_104 {strides = array<i32>} : memref<112x128xf32, #tpu.memory_space<vmem>>, vector<1x16xf32>,
      %scan3A_105 = arith.constant 0 : i32
      scf.yield %scan3A_105 : i32
    }
    %scan3A_7 = arith.constant 112 : i32
    %mul3A_8 = arith.constant 632 : i32
    %mul3A_9 = arith.muli %arg1, %mul3A_8 : i32
    %add3A_10 = arith.constant 0 : i32
    %add3A_11 = arith.addi %mul3A_9, %add3A_10 : i32
    "tpu.region"() ({
      %run_scoped3A = tpu.sem_alloc : memref<!tpu.dma_semaphore, #tpu.memory_space<semaphore_mem>>
      %dma_start3A = arith.constant 0 : i32
      %dma_start3A_64 = arith.constant 0 : i32
      %dma_start3A_65 = tpu.memref_slice %arg8[%dma_start3A, %dma_start3A_64] : memref<112x128xf32, #tpu.memory_space<vmem>> -> memref<112x128xf32, #tpu.memory_space<vmem>>
      %dma_start3A_66 = arith.constant 0 : i32
      %dma_start3A_67 = tpu.memref_slice %arg10[%add3A_11, %dma_start3A_66] : memref<10112x128xf32, #tpu.memory_space<vmem_shared>> -> memref<112x128xf32, #tpu.memory_space<vmem_shared>>
      %dma_start3A_68 = arith.constant 0 : i32
      %dma_start3A_69 = tpu.memref_slice %arg10[%add3A_11, %dma_start3A_68] : memref<10112x128xf32, #tpu.memory_space<vmem_shared>> -> memref<112x128xf32, #tpu.memory_space<vmem_shared>>
      %dma_start3A_70 = arith.constant 0 : i32
      %dma_start3A_71 = arith.constant 0 : i32
      %dma_start3A_72 = tpu.memref_slice %arg8[%dma_start3A_70, %dma_start3A_71] : memref<112x128xf32, #tpu.memory_space<vmem>> -> memref<112x128xf32, #tpu.memory_space<vmem>>
      tpu.enqueue_dma source(%dma_start3A_72 : memref<112x128xf32, #tpu.memory_space<vmem>>) target(%dma_start3A_69 : memref<112x128xf32, #tpu.memory_space<vmem_shared>>) target_semaphore(%run_scoped3A : memref<!tpu.dma_semaphore, #tpu.memory_space<semaphore_mem>>)
      %dma_wait3A = arith.constant 0 : i32
      %dma_wait3A_73 = arith.constant 0 : i32
      %dma_wait3A_74 = tpu.memref_slice %arg8[%dma_wait3A, %dma_wait3A_73] : memref<112x128xf32, #tpu.memory_space<vmem>> -> memref<112x128xf32, #tpu.memory_space<vmem>>
      %dma_wait3A_75 = arith.constant 0 : i32
      %dma_wait3A_76 = tpu.memref_slice %arg10[%add3A_11, %dma_wait3A_75] : memref<10112x128xf32, #tpu.memory_space<vmem_shared>> -> memref<112x128xf32, #tpu.memory_space<vmem_shared>>
      %dma_wait3A_77 = arith.constant 0 : i32
      %dma_wait3A_78 = tpu.memref_slice %arg10[%add3A_11, %dma_wait3A_77] : memref<10112x128xf32, #tpu.memory_space<vmem_shared>> -> memref<112x128xf32, #tpu.memory_space<vmem_shared>>
      %dma_wait3A_79 = arith.constant 0 : i32
      %dma_wait3A_80 = arith.constant 0 : i32
      %dma_wait3A_81 = tpu.memref_slice %arg8[%dma_wait3A_79, %dma_wait3A_80] : memref<112x128xf32, #tpu.memory_space<vmem>> -> memref<112x128xf32, #tpu.memory_space<vmem>>
      tpu.wait_dma2 semaphore(%run_scoped3A : memref<!tpu.dma_semaphore, #tpu.memory_space<semaphore_mem>>) src(%dma_wait3A_81 : memref<112x128xf32, #tpu.memory_space<vmem>>) dst(%dma_wait3A_78 : memref<112x128xf32, #tpu.memory_space<vmem_shared>>)
      tpu.yield
    }) : () -> ()
    %mul3A_12 = arith.constant 632 : i32
    %mul3A_13 = arith.muli %arg1, %mul3A_12 : i32
    %add3A_14 = arith.constant 112 : i32
    %add3A_15 = arith.addi %mul3A_13, %add3A_14 : i32
    "tpu.region"() ({
      %run_scoped3A = tpu.sem_alloc : memref<!tpu.dma_semaphore, #tpu.memory_space<semaphore_mem>>
      %dma_start3A = arith.constant 0 : i32
      %dma_start3A_64 = arith.constant 0 : i32
      %dma_start3A_65 = tpu.memref_slice %arg8[%dma_start3A, %dma_start3A_64] : memref<112x128xf32, #tpu.memory_space<vmem>> -> memref<112x128xf32, #tpu.memory_space<vmem>>
      %dma_start3A_66 = arith.constant 0 : i32
      %dma_start3A_67 = tpu.memref_slice %arg10[%add3A_15, %dma_start3A_66] : memref<10112x128xf32, #tpu.memory_space<vmem_shared>> -> memref<112x128xf32, #tpu.memory_space<vmem_shared>>
      %dma_start3A_68 = arith.constant 0 : i32
      %dma_start3A_69 = tpu.memref_slice %arg10[%add3A_15, %dma_start3A_68] : memref<10112x128xf32, #tpu.memory_space<vmem_shared>> -> memref<112x128xf32, #tpu.memory_space<vmem_shared>>
      %dma_start3A_70 = arith.constant 0 : i32
      %dma_start3A_71 = arith.constant 0 : i32
      %dma_start3A_72 = tpu.memref_slice %arg8[%dma_start3A_70, %dma_start3A_71] : memref<112x128xf32, #tpu.memory_space<vmem>> -> memref<112x128xf32, #tpu.memory_space<vmem>>
      tpu.enqueue_dma source(%dma_start3A_72 : memref<112x128xf32, #tpu.memory_space<vmem>>) target(%dma_start3A_69 : memref<112x128xf32, #tpu.memory_space<vmem_shared>>) target_semaphore(%run_scoped3A : memref<!tpu.dma_semaphore, #tpu.memory_space<semaphore_mem>>)
      %dma_wait3A = arith.constant 0 : i32
      %dma_wait3A_73 = arith.constant 0 : i32
      %dma_wait3A_74 = tpu.memref_slice %arg8[%dma_wait3A, %dma_wait3A_73] : memref<112x128xf32, #tpu.memory_space<vmem>> -> memref<112x128xf32, #tpu.memory_space<vmem>>
      %dma_wait3A_75 = arith.constant 0 : i32
      %dma_wait3A_76 = tpu.memref_slice %arg10[%add3A_15, %dma_wait3A_75] : memref<10112x128xf32, #tpu.memory_space<vmem_shared>> -> memref<112x128xf32, #tpu.memory_space<vmem_shared>>
      %dma_wait3A_77 = arith.constant 0 : i32
      %dma_wait3A_78 = tpu.memref_slice %arg10[%add3A_15, %dma_wait3A_77] : memref<10112x128xf32, #tpu.memory_space<vmem_shared>> -> memref<112x128xf32, #tpu.memory_space<vmem_shared>>
      %dma_wait3A_79 = arith.constant 0 : i32
      %dma_wait3A_80 = arith.constant 0 : i32
      %dma_wait3A_81 = tpu.memref_slice %arg8[%dma_wait3A_79, %dma_wait3A_80] : memref<112x128xf32, #tpu.memory_space<vmem>> -> memref<112x128xf32, #tpu.memory_space<vmem>>
      tpu.wait_dma2 semaphore(%run_scoped3A : memref<!tpu.dma_semaphore, #tpu.memory_space<semaphore_mem>>) src(%dma_wait3A_81 : memref<112x128xf32, #tpu.memory_space<vmem>>) dst(%dma_wait3A_78 : memref<112x128xf32, #tpu.memory_space<vmem_shared>>)
      tpu.yield
    }) : () -> ()
    %mul3A_16 = arith.constant 632 : i32
    %mul3A_17 = arith.muli %arg1, %mul3A_16 : i32
    %add3A_18 = arith.constant 224 : i32
    %add3A_19 = arith.addi %mul3A_17, %add3A_18 : i32
    "tpu.region"() ({
      %run_scoped3A = tpu.sem_alloc : memref<!tpu.dma_semaphore, #tpu.memory_space<semaphore_mem>>
      %dma_start3A = arith.constant 0 : i32
      %dma_start3A_64 = arith.constant 0 : i32
      %dma_start3A_65 = tpu.memref_slice %arg8[%dma_start3A, %dma_start3A_64] : memref<112x128xf32, #tpu.memory_space<vmem>> -> memref<112x128xf32, #tpu.memory_space<vmem>>
      %dma_start3A_66 = arith.constant 0 : i32
      %dma_start3A_67 = tpu.memref_slice %arg10[%add3A_19, %dma_start3A_66] : memref<10112x128xf32, #tpu.memory_space<vmem_shared>> -> memref<112x128xf32, #tpu.memory_space<vmem_shared>>
      %dma_start3A_68 = arith.constant 0 : i32
      %dma_start3A_69 = tpu.memref_slice %arg10[%add3A_19, %dma_start3A_68] : memref<10112x128xf32, #tpu.memory_space<vmem_shared>> -> memref<112x128xf32, #tpu.memory_space<vmem_shared>>
      %dma_start3A_70 = arith.constant 0 : i32
      %dma_start3A_71 = arith.constant 0 : i32
      %dma_start3A_72 = tpu.memref_slice %arg8[%dma_start3A_70, %dma_start3A_71] : memref<112x128xf32, #tpu.memory_space<vmem>> -> memref<112x128xf32, #tpu.memory_space<vmem>>
      tpu.enqueue_dma source(%dma_start3A_72 : memref<112x128xf32, #tpu.memory_space<vmem>>) target(%dma_start3A_69 : memref<112x128xf32, #tpu.memory_space<vmem_shared>>) target_semaphore(%run_scoped3A : memref<!tpu.dma_semaphore, #tpu.memory_space<semaphore_mem>>)
      %dma_wait3A = arith.constant 0 : i32
      %dma_wait3A_73 = arith.constant 0 : i32
      %dma_wait3A_74 = tpu.memref_slice %arg8[%dma_wait3A, %dma_wait3A_73] : memref<112x128xf32, #tpu.memory_space<vmem>> -> memref<112x128xf32, #tpu.memory_space<vmem>>
      %dma_wait3A_75 = arith.constant 0 : i32
      %dma_wait3A_76 = tpu.memref_slice %arg10[%add3A_19, %dma_wait3A_75] : memref<10112x128xf32, #tpu.memory_space<vmem_shared>> -> memref<112x128xf32, #tpu.memory_space<vmem_shared>>
      %dma_wait3A_77 = arith.constant 0 : i32
      %dma_wait3A_78 = tpu.memref_slice %arg10[%add3A_19, %dma_wait3A_77] : memref<10112x128xf32, #tpu.memory_space<vmem_shared>> -> memref<112x128xf32, #tpu.memory_space<vmem_shared>>
      %dma_wait3A_79 = arith.constant 0 : i32
      %dma_wait3A_80 = arith.constant 0 : i32
      %dma_wait3A_81 = tpu.memref_slice %arg8[%dma_wait3A_79, %dma_wait3A_80] : memref<112x128xf32, #tpu.memory_space<vmem>> -> memref<112x128xf32, #tpu.memory_space<vmem>>
      tpu.wait_dma2 semaphore(%run_scoped3A : memref<!tpu.dma_semaphore, #tpu.memory_space<semaphore_mem>>) src(%dma_wait3A_81 : memref<112x128xf32, #tpu.memory_space<vmem>>) dst(%dma_wait3A_78 : memref<112x128xf32, #tpu.memory_space<vmem_shared>>)
      tpu.yield
    }) : () -> ()
    %mul3A_20 = arith.constant 632 : i32
    %mul3A_21 = arith.muli %arg1, %mul3A_20 : i32
    %add3A_22 = arith.constant 336 : i32
    %add3A_23 = arith.addi %mul3A_21, %add3A_22 : i32
    "tpu.region"() ({
      %run_scoped3A = tpu.sem_alloc : memref<!tpu.dma_semaphore, #tpu.memory_space<semaphore_mem>>
      %dma_start3A = arith.constant 0 : i32
      %dma_start3A_64 = arith.constant 0 : i32
      %dma_start3A_65 = tpu.memref_slice %arg8[%dma_start3A, %dma_start3A_64] : memref<112x128xf32, #tpu.memory_space<vmem>> -> memref<112x128xf32, #tpu.memory_space<vmem>>
      %dma_start3A_66 = arith.constant 0 : i32
      %dma_start3A_67 = tpu.memref_slice %arg10[%add3A_23, %dma_start3A_66] : memref<10112x128xf32, #tpu.memory_space<vmem_shared>> -> memref<112x128xf32, #tpu.memory_space<vmem_shared>>
      %dma_start3A_68 = arith.constant 0 : i32
      %dma_start3A_69 = tpu.memref_slice %arg10[%add3A_23, %dma_start3A_68] : memref<10112x128xf32, #tpu.memory_space<vmem_shared>> -> memref<112x128xf32, #tpu.memory_space<vmem_shared>>
      %dma_start3A_70 = arith.constant 0 : i32
      %dma_start3A_71 = arith.constant 0 : i32
      %dma_start3A_72 = tpu.memref_slice %arg8[%dma_start3A_70, %dma_start3A_71] : memref<112x128xf32, #tpu.memory_space<vmem>> -> memref<112x128xf32, #tpu.memory_space<vmem>>
      tpu.enqueue_dma source(%dma_start3A_72 : memref<112x128xf32, #tpu.memory_space<vmem>>) target(%dma_start3A_69 : memref<112x128xf32, #tpu.memory_space<vmem_shared>>) target_semaphore(%run_scoped3A : memref<!tpu.dma_semaphore, #tpu.memory_space<semaphore_mem>>)
      %dma_wait3A = arith.constant 0 : i32
      %dma_wait3A_73 = arith.constant 0 : i32
      %dma_wait3A_74 = tpu.memref_slice %arg8[%dma_wait3A, %dma_wait3A_73] : memref<112x128xf32, #tpu.memory_space<vmem>> -> memref<112x128xf32, #tpu.memory_space<vmem>>
      %dma_wait3A_75 = arith.constant 0 : i32
      %dma_wait3A_76 = tpu.memref_slice %arg10[%add3A_23, %dma_wait3A_75] : memref<10112x128xf32, #tpu.memory_space<vmem_shared>> -> memref<112x128xf32, #tpu.memory_space<vmem_shared>>
      %dma_wait3A_77 = arith.constant 0 : i32
      %dma_wait3A_78 = tpu.memref_slice %arg10[%add3A_23, %dma_wait3A_77] : memref<10112x128xf32, #tpu.memory_space<vmem_shared>> -> memref<112x128xf32, #tpu.memory_space<vmem_shared>>
      %dma_wait3A_79 = arith.constant 0 : i32
      %dma_wait3A_80 = arith.constant 0 : i32
      %dma_wait3A_81 = tpu.memref_slice %arg8[%dma_wait3A_79, %dma_wait3A_80] : memref<112x128xf32, #tpu.memory_space<vmem>> -> memref<112x128xf32, #tpu.memory_space<vmem>>
      tpu.wait_dma2 semaphore(%run_scoped3A : memref<!tpu.dma_semaphore, #tpu.memory_space<semaphore_mem>>) src(%dma_wait3A_81 : memref<112x128xf32, #tpu.memory_space<vmem>>) dst(%dma_wait3A_78 : memref<112x128xf32, #tpu.memory_space<vmem_shared>>)
      tpu.yield
    }) : () -> ()
    %mul3A_24 = arith.constant 632 : i32
    %mul3A_25 = arith.muli %arg1, %mul3A_24 : i32
    %add3A_26 = arith.constant 448 : i32
    %add3A_27 = arith.addi %mul3A_25, %add3A_26 : i32
    "tpu.region"() ({
      %run_scoped3A = tpu.sem_alloc : memref<!tpu.dma_semaphore, #tpu.memory_space<semaphore_mem>>
      %dma_start3A = arith.constant 0 : i32
      %dma_start3A_64 = arith.constant 0 : i32
      %dma_start3A_65 = tpu.memref_slice %arg8[%dma_start3A, %dma_start3A_64] : memref<112x128xf32, #tpu.memory_space<vmem>> -> memref<112x128xf32, #tpu.memory_space<vmem>>
      %dma_start3A_66 = arith.constant 0 : i32
      %dma_start3A_67 = tpu.memref_slice %arg10[%add3A_27, %dma_start3A_66] : memref<10112x128xf32, #tpu.memory_space<vmem_shared>> -> memref<112x128xf32, #tpu.memory_space<vmem_shared>>
      %dma_start3A_68 = arith.constant 0 : i32
      %dma_start3A_69 = tpu.memref_slice %arg10[%add3A_27, %dma_start3A_68] : memref<10112x128xf32, #tpu.memory_space<vmem_shared>> -> memref<112x128xf32, #tpu.memory_space<vmem_shared>>
      %dma_start3A_70 = arith.constant 0 : i32
      %dma_start3A_71 = arith.constant 0 : i32
      %dma_start3A_72 = tpu.memref_slice %arg8[%dma_start3A_70, %dma_start3A_71] : memref<112x128xf32, #tpu.memory_space<vmem>> -> memref<112x128xf32, #tpu.memory_space<vmem>>
      tpu.enqueue_dma source(%dma_start3A_72 : memref<112x128xf32, #tpu.memory_space<vmem>>) target(%dma_start3A_69 : memref<112x128xf32, #tpu.memory_space<vmem_shared>>) target_semaphore(%run_scoped3A : memref<!tpu.dma_semaphore, #tpu.memory_space<semaphore_mem>>)
      %dma_wait3A = arith.constant 0 : i32
      %dma_wait3A_73 = arith.constant 0 : i32
      %dma_wait3A_74 = tpu.memref_slice %arg8[%dma_wait3A, %dma_wait3A_73] : memref<112x128xf32, #tpu.memory_space<vmem>> -> memref<112x128xf32, #tpu.memory_space<vmem>>
      %dma_wait3A_75 = arith.constant 0 : i32
      %dma_wait3A_76 = tpu.memref_slice %arg10[%add3A_27, %dma_wait3A_75] : memref<10112x128xf32, #tpu.memory_space<vmem_shared>> -> memref<112x128xf32, #tpu.memory_space<vmem_shared>>
      %dma_wait3A_77 = arith.constant 0 : i32
      %dma_wait3A_78 = tpu.memref_slice %arg10[%add3A_27, %dma_wait3A_77] : memref<10112x128xf32, #tpu.memory_space<vmem_shared>> -> memref<112x128xf32, #tpu.memory_space<vmem_shared>>
      %dma_wait3A_79 = arith.constant 0 : i32
      %dma_wait3A_80 = arith.constant 0 : i32
      %dma_wait3A_81 = tpu.memref_slice %arg8[%dma_wait3A_79, %dma_wait3A_80] : memref<112x128xf32, #tpu.memory_space<vmem>> -> memref<112x128xf32, #tpu.memory_space<vmem>>
      tpu.wait_dma2 semaphore(%run_scoped3A : memref<!tpu.dma_semaphore, #tpu.memory_space<semaphore_mem>>) src(%dma_wait3A_81 : memref<112x128xf32, #tpu.memory_space<vmem>>) dst(%dma_wait3A_78 : memref<112x128xf32, #tpu.memory_space<vmem_shared>>)
      tpu.yield
    }) : () -> ()
    %mul3A_28 = arith.constant 632 : i32
    %mul3A_29 = arith.muli %arg1, %mul3A_28 : i32
    %add3A_30 = arith.constant 560 : i32
    %add3A_31 = arith.addi %mul3A_29, %add3A_30 : i32
    "tpu.region"() ({
      %run_scoped3A = tpu.sem_alloc : memref<!tpu.dma_semaphore, #tpu.memory_space<semaphore_mem>>
      %dma_start3A = arith.constant 0 : i32
      %dma_start3A_64 = arith.constant 0 : i32
      %dma_start3A_65 = tpu.memref_slice %arg8[%dma_start3A, %dma_start3A_64] : memref<112x128xf32, #tpu.memory_space<vmem>> -> memref<72x128xf32, #tpu.memory_space<vmem>>
      %dma_start3A_66 = arith.constant 0 : i32
      %dma_start3A_67 = tpu.memref_slice %arg10[%add3A_31, %dma_start3A_66] : memref<10112x128xf32, #tpu.memory_space<vmem_shared>> -> memref<72x128xf32, #tpu.memory_space<vmem_shared>>
      %dma_start3A_68 = arith.constant 0 : i32
      %dma_start3A_69 = tpu.memref_slice %arg10[%add3A_31, %dma_start3A_68] : memref<10112x128xf32, #tpu.memory_space<vmem_shared>> -> memref<72x128xf32, #tpu.memory_space<vmem_shared>>
      %dma_start3A_70 = arith.constant 0 : i32
      %dma_start3A_71 = arith.constant 0 : i32
      %dma_start3A_72 = tpu.memref_slice %arg8[%dma_start3A_70, %dma_start3A_71] : memref<112x128xf32, #tpu.memory_space<vmem>> -> memref<72x128xf32, #tpu.memory_space<vmem>>
      tpu.enqueue_dma source(%dma_start3A_72 : memref<72x128xf32, #tpu.memory_space<vmem>>) target(%dma_start3A_69 : memref<72x128xf32, #tpu.memory_space<vmem_shared>>) target_semaphore(%run_scoped3A : memref<!tpu.dma_semaphore, #tpu.memory_space<semaphore_mem>>)
      %dma_wait3A = arith.constant 0 : i32
      %dma_wait3A_73 = arith.constant 0 : i32
      %dma_wait3A_74 = tpu.memref_slice %arg8[%dma_wait3A, %dma_wait3A_73] : memref<112x128xf32, #tpu.memory_space<vmem>> -> memref<72x128xf32, #tpu.memory_space<vmem>>
      %dma_wait3A_75 = arith.constant 0 : i32
      %dma_wait3A_76 = tpu.memref_slice %arg10[%add3A_31, %dma_wait3A_75] : memref<10112x128xf32, #tpu.memory_space<vmem_shared>> -> memref<72x128xf32, #tpu.memory_space<vmem_shared>>
      %dma_wait3A_77 = arith.constant 0 : i32
      %dma_wait3A_78 = tpu.memref_slice %arg10[%add3A_31, %dma_wait3A_77] : memref<10112x128xf32, #tpu.memory_space<vmem_shared>> -> memref<72x128xf32, #tpu.memory_space<vmem_shared>>
      %dma_wait3A_79 = arith.constant 0 : i32
      %dma_wait3A_80 = arith.constant 0 : i32
      %dma_wait3A_81 = tpu.memref_slice %arg8[%dma_wait3A_79, %dma_wait3A_80] : memref<112x128xf32, #tpu.memory_space<vmem>> -> memref<72x128xf32, #tpu.memory_space<vmem>>
      tpu.wait_dma2 semaphore(%run_scoped3A : memref<!tpu.dma_semaphore, #tpu.memory_space<semaphore_mem>>) src(%dma_wait3A_81 : memref<72x128xf32, #tpu.memory_space<vmem>>) dst(%dma_wait3A_78 : memref<72x128xf32, #tpu.memory_space<vmem_shared>>)
      tpu.yield
    }) : () -> ()
    "tpu.region"() ({
      %run_scoped3A = tpu.sem_alloc : memref<!tpu.dma_semaphore, #tpu.memory_space<semaphore_mem>>
      %dma_start3A = arith.constant 0 : i32
      %dma_start3A_64 = arith.constant 0 : i32
      %dma_start3A_65 = tpu.memref_slice %arg3[%add3A, %dma_start3A, %dma_start3A_64] : memref<32x90x112xi32, #tpu.memory_space<hbm>> -> memref<1x90x112xi32, #tpu.memory_space<hbm>>
      %dma_start3A_66 = tpu.memref_squeeze %dma_start3A_65 : memref<1x90x112xi32, #tpu.memory_space<hbm>> -> memref<90x112xi32, #tpu.memory_space<hbm>>
      %dma_start3A_67 = arith.constant 0 : i32
      %dma_start3A_68 = arith.constant 0 : i32
      %dma_start3A_69 = tpu.memref_slice %arg3[%add3A, %dma_start3A_67, %dma_start3A_68] : memref<32x90x112xi32, #tpu.memory_space<hbm>> -> memref<1x90x112xi32, #tpu.memory_space<hbm>>
      %dma_start3A_70 = tpu.memref_squeeze %dma_start3A_69 : memref<1x90x112xi32, #tpu.memory_space<hbm>> -> memref<90x112xi32, #tpu.memory_space<hbm>>
      tpu.enqueue_dma source(%dma_start3A_70 : memref<90x112xi32, #tpu.memory_space<hbm>>) target(%arg6 : memref<90x112xi32, #tpu.memory_space<vmem>>) target_semaphore(%run_scoped3A : memref<!tpu.dma_semaphore, #tpu.memory_space<semaphore_mem>>)
      %dma_wait3A = arith.constant 0 : i32
      %dma_wait3A_71 = arith.constant 0 : i32
      %dma_wait3A_72 = tpu.memref_slice %arg3[%add3A, %dma_wait3A, %dma_wait3A_71] : memref<32x90x112xi32, #tpu.memory_space<hbm>> -> memref<1x90x112xi32, #tpu.memory_space<hbm>>
      %dma_wait3A_73 = tpu.memref_squeeze %dma_wait3A_72 : memref<1x90x112xi32, #tpu.memory_space<hbm>> -> memref<90x112xi32, #tpu.memory_space<hbm>>
      %dma_wait3A_74 = arith.constant 0 : i32
      %dma_wait3A_75 = arith.constant 0 : i32
      %dma_wait3A_76 = tpu.memref_slice %arg3[%add3A, %dma_wait3A_74, %dma_wait3A_75] : memref<32x90x112xi32, #tpu.memory_space<hbm>> -> memref<1x90x112xi32, #tpu.memory_space<hbm>>
      %dma_wait3A_77 = tpu.memref_squeeze %dma_wait3A_76 : memref<1x90x112xi32, #tpu.memory_space<hbm>> -> memref<90x112xi32, #tpu.memory_space<hbm>>
      tpu.wait_dma2 semaphore(%run_scoped3A : memref<!tpu.dma_semaphore, #tpu.memory_space<semaphore_mem>>) src(%dma_wait3A_77 : memref<90x112xi32, #tpu.memory_space<hbm>>) dst(%arg6 : memref<90x112xi32, #tpu.memory_space<vmem>>)
      tpu.yield
    }) : () -> ()
    "tpu.region"() ({
      %run_scoped3A = tpu.sem_alloc : memref<!tpu.dma_semaphore, #tpu.memory_space<semaphore_mem>>
      %dma_start3A = arith.constant 0 : i32
      %dma_start3A_64 = arith.constant 0 : i32
      %dma_start3A_65 = tpu.memref_slice %arg4[%add3A, %dma_start3A, %dma_start3A_64] : memref<32x90x112xi32, #tpu.memory_space<hbm>> -> memref<1x90x112xi32, #tpu.memory_space<hbm>>
      %dma_start3A_66 = tpu.memref_squeeze %dma_start3A_65 : memref<1x90x112xi32, #tpu.memory_space<hbm>> -> memref<90x112xi32, #tpu.memory_space<hbm>>
      %dma_start3A_67 = arith.constant 0 : i32
      %dma_start3A_68 = arith.constant 0 : i32
      %dma_start3A_69 = tpu.memref_slice %arg4[%add3A, %dma_start3A_67, %dma_start3A_68] : memref<32x90x112xi32, #tpu.memory_space<hbm>> -> memref<1x90x112xi32, #tpu.memory_space<hbm>>
      %dma_start3A_70 = tpu.memref_squeeze %dma_start3A_69 : memref<1x90x112xi32, #tpu.memory_space<hbm>> -> memref<90x112xi32, #tpu.memory_space<hbm>>
      tpu.enqueue_dma source(%dma_start3A_70 : memref<90x112xi32, #tpu.memory_space<hbm>>) target(%arg7 : memref<90x112xi32, #tpu.memory_space<vmem>>) target_semaphore(%run_scoped3A : memref<!tpu.dma_semaphore, #tpu.memory_space<semaphore_mem>>)
      %dma_wait3A = arith.constant 0 : i32
      %dma_wait3A_71 = arith.constant 0 : i32
      %dma_wait3A_72 = tpu.memref_slice %arg4[%add3A, %dma_wait3A, %dma_wait3A_71] : memref<32x90x112xi32, #tpu.memory_space<hbm>> -> memref<1x90x112xi32, #tpu.memory_space<hbm>>
      %dma_wait3A_73 = tpu.memref_squeeze %dma_wait3A_72 : memref<1x90x112xi32, #tpu.memory_space<hbm>> -> memref<90x112xi32, #tpu.memory_space<hbm>>
      %dma_wait3A_74 = arith.constant 0 : i32
      %dma_wait3A_75 = arith.constant 0 : i32
      %dma_wait3A_76 = tpu.memref_slice %arg4[%add3A, %dma_wait3A_74, %dma_wait3A_75] : memref<32x90x112xi32, #tpu.memory_space<hbm>> -> memref<1x90x112xi32, #tpu.memory_space<hbm>>
      %dma_wait3A_77 = tpu.memref_squeeze %dma_wait3A_76 : memref<1x90x112xi32, #tpu.memory_space<hbm>> -> memref<90x112xi32, #tpu.memory_space<hbm>>
      tpu.wait_dma2 semaphore(%run_scoped3A : memref<!tpu.dma_semaphore, #tpu.memory_space<semaphore_mem>>) src(%dma_wait3A_77 : memref<90x112xi32, #tpu.memory_space<hbm>>) dst(%arg7 : memref<90x112xi32, #tpu.memory_space<vmem>>)
      tpu.yield
    }) : () -> ()
    %barrier3A = arith.constant 0 : index
    tpu.barrier barrier_id(%barrier3A)
    %scan3A_32 = arith.constant 0 : i32
    %scan3A_33 = arith.constant 0 : i32
    %scan3A_34 = arith.constant 90 : i32
    %scan3A_35 = arith.addi %scan3A_33, %scan3A_34 : i32
    %scan3A_36 = arith.constant 1 : i32
    %scan3A_37 = scf.for %scan3A_64 = %scan3A_33 to %scan3A_35 step %scan3A_36 iter_args(%scan3A_65 = %scan3A_32) -> (i32)  : i32 {
      %dma_start3A = arith.constant 0 : i32
      %dma_start3A_66 = tpu.memref_slice %arg6[%scan3A_64, %dma_start3A] : memref<90x112xi32, #tpu.memory_space<vmem>> -> memref<1x112xi32, #tpu.memory_space<vmem>>
      %dma_start3A_67 = tpu.memref_squeeze %dma_start3A_66 : memref<1x112xi32, #tpu.memory_space<vmem>> -> memref<112xi32, #tpu.memory_space<vmem>>
      %dma_start3A_68 = arith.constant 0 : i32
      %dma_start3A_69 = arith.constant 0 : i32
      %dma_start3A_70 = tpu.memref_slice %arg2[%dma_start3A_68, %dma_start3A_69] : memref<10000x128xf32, #tpu.memory_space<hbm>> -> memref<10000x128xf32, #tpu.memory_space<hbm>>
      tpu.enqueue_indirect_dma source(%dma_start3A_70 : memref<10000x128xf32, #tpu.memory_space<hbm>>) target(%arg8 : memref<112x128xf32, #tpu.memory_space<vmem>>) offsets(%dma_start3A_67 : memref<112xi32, #tpu.memory_space<vmem>>) semaphore(%arg9 : memref<!tpu.dma_semaphore, #tpu.memory_space<semaphore_mem>>)
      %dma_wait3A = arith.constant 0 : i32
      %dma_wait3A_71 = tpu.memref_slice %arg6[%scan3A_64, %dma_wait3A] : memref<90x112xi32, #tpu.memory_space<vmem>> -> memref<1x112xi32, #tpu.memory_space<vmem>>
      %dma_wait3A_72 = tpu.memref_squeeze %dma_wait3A_71 : memref<1x112xi32, #tpu.memory_space<vmem>> -> memref<112xi32, #tpu.memory_space<vmem>>
      %dma_wait3A_73 = arith.constant 0 : i32
      %dma_wait3A_74 = arith.constant 0 : i32
      %dma_wait3A_75 = tpu.memref_slice %arg2[%dma_wait3A_73, %dma_wait3A_74] : memref<10000x128xf32, #tpu.memory_space<hbm>> -> memref<10000x128xf32, #tpu.memory_space<hbm>>
      tpu.wait_indirect_dma semaphore(%arg9 : memref<!tpu.dma_semaphore, #tpu.memory_space<semaphore_mem>>) src(%dma_wait3A_75 : memref<10000x128xf32, #tpu.memory_space<hbm>>) dst(%arg8 : memref<112x128xf32, #tpu.memory_space<vmem>>)
      "tpu.region"() ({
        %run_scoped3A = tpu.sem_alloc : memref<!tpu.dma_semaphore, #tpu.memory_space<semaphore_mem>>
        %dma_start3A_77 = arith.constant 0 : i32
        %dma_start3A_78 = tpu.memref_slice %arg7[%scan3A_64, %dma_start3A_77] : memref<90x112xi32, #tpu.memory_space<vmem>> -> memref<1x112xi32, #tpu.memory_space<vmem>>
        %dma_start3A_79 = tpu.memref_squeeze %dma_start3A_78 : memref<1x112xi32, #tpu.memory_space<vmem>> -> memref<112xi32, #tpu.memory_space<vmem>>
        %dma_start3A_80 = arith.constant 0 : i32
        %dma_start3A_81 = arith.constant 0 : i32
        %dma_start3A_82 = tpu.memref_slice %arg10[%dma_start3A_80, %dma_start3A_81] : memref<10112x128xf32, #tpu.memory_space<vmem_shared>> -> memref<10112x128xf32, #tpu.memory_space<vmem_shared>>
        tpu.enqueue_indirect_dma source(%arg8 : memref<112x128xf32, #tpu.memory_space<vmem>>) target(%dma_start3A_82 : memref<10112x128xf32, #tpu.memory_space<vmem_shared>>) offsets(%dma_start3A_79 : memref<112xi32, #tpu.memory_space<vmem>>) semaphore(%run_scoped3A : memref<!tpu.dma_semaphore, #tpu.memory_space<semaphore_mem>>) {add = true}
        %dma_wait3A_83 = arith.constant 0 : i32
        %dma_wait3A_84 = tpu.memref_slice %arg7[%scan3A_64, %dma_wait3A_83] : memref<90x112xi32, #tpu.memory_space<vmem>> -> memref<1x112xi32, #tpu.memory_space<vmem>>
        %dma_wait3A_85 = tpu.memref_squeeze %dma_wait3A_84 : memref<1x112xi32, #tpu.memory_space<vmem>> -> memref<112xi32, #tpu.memory_space<vmem>>
        %dma_wait3A_86 = arith.constant 0 : i32
        %dma_wait3A_87 = arith.constant 0 : i32
        %dma_wait3A_88 = tpu.memref_slice %arg10[%dma_wait3A_86, %dma_wait3A_87] : memref<10112x128xf32, #tpu.memory_space<vmem_shared>> -> memref<10112x128xf32, #tpu.memory_space<vmem_shared>>
        tpu.wait_indirect_dma semaphore(%run_scoped3A : memref<!tpu.dma_semaphore, #tpu.memory_space<semaphore_mem>>) src(%arg8 : memref<112x128xf32, #tpu.memory_space<vmem>>) dst(%dma_wait3A_88 : memref<10112x128xf32, #tpu.memory_space<vmem_shared>>)
        tpu.yield
      }) : () -> ()
      %scan3A_76 = arith.constant 0 : i32
      scf.yield %scan3A_76 : i32
    }
    %scan3A_38 = arith.constant 90 : i32
    %barrier3A_39 = arith.constant 0 : index
    tpu.barrier barrier_id(%barrier3A_39)
    %mul3A_40 = arith.constant 632 : i32
    %mul3A_41 = arith.muli %arg1, %mul3A_40 : i32
    %add3A_42 = arith.constant 0 : i32
    %add3A_43 = arith.addi %mul3A_41, %add3A_42 : i32
    "tpu.region"() ({
      %run_scoped3A = tpu.sem_alloc : memref<!tpu.dma_semaphore, #tpu.memory_space<semaphore_mem>>
      %dma_start3A = arith.constant 0 : i32
      %dma_start3A_64 = arith.constant 0 : i32
      %dma_start3A_65 = tpu.memref_slice %arg8[%dma_start3A, %dma_start3A_64] : memref<112x128xf32, #tpu.memory_space<vmem>> -> memref<112x128xf32, #tpu.memory_space<vmem>>
      %dma_start3A_66 = arith.constant 0 : i32
      %dma_start3A_67 = tpu.memref_slice %arg10[%add3A_43, %dma_start3A_66] : memref<10112x128xf32, #tpu.memory_space<vmem_shared>> -> memref<112x128xf32, #tpu.memory_space<vmem_shared>>
      %dma_start3A_68 = arith.constant 0 : i32
      %dma_start3A_69 = arith.constant 0 : i32
      %dma_start3A_70 = tpu.memref_slice %arg8[%dma_start3A_68, %dma_start3A_69] : memref<112x128xf32, #tpu.memory_space<vmem>> -> memref<112x128xf32, #tpu.memory_space<vmem>>
      %dma_start3A_71 = arith.constant 0 : i32
      %dma_start3A_72 = tpu.memref_slice %arg10[%add3A_43, %dma_start3A_71] : memref<10112x128xf32, #tpu.memory_space<vmem_shared>> -> memref<112x128xf32, #tpu.memory_space<vmem_shared>>
      tpu.enqueue_dma source(%dma_start3A_72 : memref<112x128xf32, #tpu.memory_space<vmem_shared>>) target(%dma_start3A_70 : memref<112x128xf32, #tpu.memory_space<vmem>>) target_semaphore(%run_scoped3A : memref<!tpu.dma_semaphore, #tpu.memory_space<semaphore_mem>>)
      %dma_wait3A = arith.constant 0 : i32
      %dma_wait3A_73 = arith.constant 0 : i32
      %dma_wait3A_74 = tpu.memref_slice %arg8[%dma_wait3A, %dma_wait3A_73] : memref<112x128xf32, #tpu.memory_space<vmem>> -> memref<112x128xf32, #tpu.memory_space<vmem>>
      %dma_wait3A_75 = arith.constant 0 : i32
      %dma_wait3A_76 = tpu.memref_slice %arg10[%add3A_43, %dma_wait3A_75] : memref<10112x128xf32, #tpu.memory_space<vmem_shared>> -> memref<112x128xf32, #tpu.memory_space<vmem_shared>>
      %dma_wait3A_77 = arith.constant 0 : i32
      %dma_wait3A_78 = arith.constant 0 : i32
      %dma_wait3A_79 = tpu.memref_slice %arg8[%dma_wait3A_77, %dma_wait3A_78] : memref<112x128xf32, #tpu.memory_space<vmem>> -> memref<112x128xf32, #tpu.memory_space<vmem>>
      %dma_wait3A_80 = arith.constant 0 : i32
      %dma_wait3A_81 = tpu.memref_slice %arg10[%add3A_43, %dma_wait3A_80] : memref<10112x128xf32, #tpu.memory_space<vmem_shared>> -> memref<112x128xf32, #tpu.memory_space<vmem_shared>>
      tpu.wait_dma2 semaphore(%run_scoped3A : memref<!tpu.dma_semaphore, #tpu.memory_space<semaphore_mem>>) src(%dma_wait3A_81 : memref<112x128xf32, #tpu.memory_space<vmem_shared>>) dst(%dma_wait3A_79 : memref<112x128xf32, #tpu.memory_space<vmem>>)
      tpu.yield
    }) : () -> ()
    "tpu.region"() ({
      %run_scoped3A = tpu.sem_alloc : memref<!tpu.dma_semaphore, #tpu.memory_space<semaphore_mem>>
      %dma_start3A = arith.constant 0 : i32
      %dma_start3A_64 = arith.constant 0 : i32
      %dma_start3A_65 = tpu.memref_slice %arg8[%dma_start3A, %dma_start3A_64] : memref<112x128xf32, #tpu.memory_space<vmem>> -> memref<112x128xf32, #tpu.memory_space<vmem>>
      %dma_start3A_66 = arith.constant 0 : i32
      %dma_start3A_67 = tpu.memref_slice %arg5[%arg0, %add3A_43, %dma_start3A_66] : memref<2x10112x128xf32, #tpu.memory_space<hbm>> -> memref<1x112x128xf32, #tpu.memory_space<hbm>>
      %dma_start3A_68 = tpu.memref_squeeze %dma_start3A_67 : memref<1x112x128xf32, #tpu.memory_space<hbm>> -> memref<112x128xf32, #tpu.memory_space<hbm>>
      %dma_start3A_69 = arith.constant 0 : i32
      %dma_start3A_70 = tpu.memref_slice %arg5[%arg0, %add3A_43, %dma_start3A_69] : memref<2x10112x128xf32, #tpu.memory_space<hbm>> -> memref<1x112x128xf32, #tpu.memory_space<hbm>>
      %dma_start3A_71 = tpu.memref_squeeze %dma_start3A_70 : memref<1x112x128xf32, #tpu.memory_space<hbm>> -> memref<112x128xf32, #tpu.memory_space<hbm>>
      %dma_start3A_72 = arith.constant 0 : i32
      %dma_start3A_73 = arith.constant 0 : i32
      %dma_start3A_74 = tpu.memref_slice %arg8[%dma_start3A_72, %dma_start3A_73] : memref<112x128xf32, #tpu.memory_space<vmem>> -> memref<112x128xf32, #tpu.memory_space<vmem>>
      tpu.enqueue_dma source(%dma_start3A_74 : memref<112x128xf32, #tpu.memory_space<vmem>>) target(%dma_start3A_71 : memref<112x128xf32, #tpu.memory_space<hbm>>) target_semaphore(%run_scoped3A : memref<!tpu.dma_semaphore, #tpu.memory_space<semaphore_mem>>)
      %dma_wait3A = arith.constant 0 : i32
      %dma_wait3A_75 = arith.constant 0 : i32
      %dma_wait3A_76 = tpu.memref_slice %arg8[%dma_wait3A, %dma_wait3A_75] : memref<112x128xf32, #tpu.memory_space<vmem>> -> memref<112x128xf32, #tpu.memory_space<vmem>>
      %dma_wait3A_77 = arith.constant 0 : i32
      %dma_wait3A_78 = tpu.memref_slice %arg5[%arg0, %add3A_43, %dma_wait3A_77] : memref<2x10112x128xf32, #tpu.memory_space<hbm>> -> memref<1x112x128xf32, #tpu.memory_space<hbm>>
      %dma_wait3A_79 = tpu.memref_squeeze %dma_wait3A_78 : memref<1x112x128xf32, #tpu.memory_space<hbm>> -> memref<112x128xf32, #tpu.memory_space<hbm>>
      %dma_wait3A_80 = arith.constant 0 : i32
      %dma_wait3A_81 = tpu.memref_slice %arg5[%arg0, %add3A_43, %dma_wait3A_80] : memref<2x10112x128xf32, #tpu.memory_space<hbm>> -> memref<1x112x128xf32, #tpu.memory_space<hbm>>
      %dma_wait3A_82 = tpu.memref_squeeze %dma_wait3A_81 : memref<1x112x128xf32, #tpu.memory_space<hbm>> -> memref<112x128xf32, #tpu.memory_space<hbm>>
      %dma_wait3A_83 = arith.constant 0 : i32
      %dma_wait3A_84 = arith.constant 0 : i32
      %dma_wait3A_85 = tpu.memref_slice %arg8[%dma_wait3A_83, %dma_wait3A_84] : memref<112x128xf32, #tpu.memory_space<vmem>> -> memref<112x128xf32, #tpu.memory_space<vmem>>
      tpu.wait_dma2 semaphore(%run_scoped3A : memref<!tpu.dma_semaphore, #tpu.memory_space<semaphore_mem>>) src(%dma_wait3A_85 : memref<112x128xf32, #tpu.memory_space<vmem>>) dst(%dma_wait3A_82 : memref<112x128xf32, #tpu.memory_space<hbm>>)
      tpu.yield
    }) : () -> ()
    %mul3A_44 = arith.constant 632 : i32
    %mul3A_45 = arith.muli %arg1, %mul3A_44 : i32
    %add3A_46 = arith.constant 112 : i32
    %add3A_47 = arith.addi %mul3A_45, %add3A_46 : i32
    "tpu.region"() ({
      %run_scoped3A = tpu.sem_alloc : memref<!tpu.dma_semaphore, #tpu.memory_space<semaphore_mem>>
      %dma_start3A = arith.constant 0 : i32
      %dma_start3A_64 = arith.constant 0 : i32
      %dma_start3A_65 = tpu.memref_slice %arg8[%dma_start3A, %dma_start3A_64] : memref<112x128xf32, #tpu.memory_space<vmem>> -> memref<112x128xf32, #tpu.memory_space<vmem>>
      %dma_start3A_66 = arith.constant 0 : i32
      %dma_start3A_67 = tpu.memref_slice %arg10[%add3A_47, %dma_start3A_66] : memref<10112x128xf32, #tpu.memory_space<vmem_shared>> -> memref<112x128xf32, #tpu.memory_space<vmem_shared>>
      %dma_start3A_68 = arith.constant 0 : i32
      %dma_start3A_69 = arith.constant 0 : i32
      %dma_start3A_70 = tpu.memref_slice %arg8[%dma_start3A_68, %dma_start3A_69] : memref<112x128xf32, #tpu.memory_space<vmem>> -> memref<112x128xf32, #tpu.memory_space<vmem>>
      %dma_start3A_71 = arith.constant 0 : i32
      %dma_start3A_72 = tpu.memref_slice %arg10[%add3A_47, %dma_start3A_71] : memref<10112x128xf32, #tpu.memory_space<vmem_shared>> -> memref<112x128xf32, #tpu.memory_space<vmem_shared>>
      tpu.enqueue_dma source(%dma_start3A_72 : memref<112x128xf32, #tpu.memory_space<vmem_shared>>) target(%dma_start3A_70 : memref<112x128xf32, #tpu.memory_space<vmem>>) target_semaphore(%run_scoped3A : memref<!tpu.dma_semaphore, #tpu.memory_space<semaphore_mem>>)
      %dma_wait3A = arith.constant 0 : i32
      %dma_wait3A_73 = arith.constant 0 : i32
      %dma_wait3A_74 = tpu.memref_slice %arg8[%dma_wait3A, %dma_wait3A_73] : memref<112x128xf32, #tpu.memory_space<vmem>> -> memref<112x128xf32, #tpu.memory_space<vmem>>
      %dma_wait3A_75 = arith.constant 0 : i32
      %dma_wait3A_76 = tpu.memref_slice %arg10[%add3A_47, %dma_wait3A_75] : memref<10112x128xf32, #tpu.memory_space<vmem_shared>> -> memref<112x128xf32, #tpu.memory_space<vmem_shared>>
      %dma_wait3A_77 = arith.constant 0 : i32
      %dma_wait3A_78 = arith.constant 0 : i32
      %dma_wait3A_79 = tpu.memref_slice %arg8[%dma_wait3A_77, %dma_wait3A_78] : memref<112x128xf32, #tpu.memory_space<vmem>> -> memref<112x128xf32, #tpu.memory_space<vmem>>
      %dma_wait3A_80 = arith.constant 0 : i32
      %dma_wait3A_81 = tpu.memref_slice %arg10[%add3A_47, %dma_wait3A_80] : memref<10112x128xf32, #tpu.memory_space<vmem_shared>> -> memref<112x128xf32, #tpu.memory_space<vmem_shared>>
      tpu.wait_dma2 semaphore(%run_scoped3A : memref<!tpu.dma_semaphore, #tpu.memory_space<semaphore_mem>>) src(%dma_wait3A_81 : memref<112x128xf32, #tpu.memory_space<vmem_shared>>) dst(%dma_wait3A_79 : memref<112x128xf32, #tpu.memory_space<vmem>>)
      tpu.yield
    }) : () -> ()
    "tpu.region"() ({
      %run_scoped3A = tpu.sem_alloc : memref<!tpu.dma_semaphore, #tpu.memory_space<semaphore_mem>>
      %dma_start3A = arith.constant 0 : i32
      %dma_start3A_64 = arith.constant 0 : i32
      %dma_start3A_65 = tpu.memref_slice %arg8[%dma_start3A, %dma_start3A_64] : memref<112x128xf32, #tpu.memory_space<vmem>> -> memref<112x128xf32, #tpu.memory_space<vmem>>
      %dma_start3A_66 = arith.constant 0 : i32
      %dma_start3A_67 = tpu.memref_slice %arg5[%arg0, %add3A_47, %dma_start3A_66] : memref<2x10112x128xf32, #tpu.memory_space<hbm>> -> memref<1x112x128xf32, #tpu.memory_space<hbm>>
      %dma_start3A_68 = tpu.memref_squeeze %dma_start3A_67 : memref<1x112x128xf32, #tpu.memory_space<hbm>> -> memref<112x128xf32, #tpu.memory_space<hbm>>
      %dma_start3A_69 = arith.constant 0 : i32
      %dma_start3A_70 = tpu.memref_slice %arg5[%arg0, %add3A_47, %dma_start3A_69] : memref<2x10112x128xf32, #tpu.memory_space<hbm>> -> memref<1x112x128xf32, #tpu.memory_space<hbm>>
      %dma_start3A_71 = tpu.memref_squeeze %dma_start3A_70 : memref<1x112x128xf32, #tpu.memory_space<hbm>> -> memref<112x128xf32, #tpu.memory_space<hbm>>
      %dma_start3A_72 = arith.constant 0 : i32
      %dma_start3A_73 = arith.constant 0 : i32
      %dma_start3A_74 = tpu.memref_slice %arg8[%dma_start3A_72, %dma_start3A_73] : memref<112x128xf32, #tpu.memory_space<vmem>> -> memref<112x128xf32, #tpu.memory_space<vmem>>
      tpu.enqueue_dma source(%dma_start3A_74 : memref<112x128xf32, #tpu.memory_space<vmem>>) target(%dma_start3A_71 : memref<112x128xf32, #tpu.memory_space<hbm>>) target_semaphore(%run_scoped3A : memref<!tpu.dma_semaphore, #tpu.memory_space<semaphore_mem>>)
      %dma_wait3A = arith.constant 0 : i32
      %dma_wait3A_75 = arith.constant 0 : i32
      %dma_wait3A_76 = tpu.memref_slice %arg8[%dma_wait3A, %dma_wait3A_75] : memref<112x128xf32, #tpu.memory_space<vmem>> -> memref<112x128xf32, #tpu.memory_space<vmem>>
      %dma_wait3A_77 = arith.constant 0 : i32
      %dma_wait3A_78 = tpu.memref_slice %arg5[%arg0, %add3A_47, %dma_wait3A_77] : memref<2x10112x128xf32, #tpu.memory_space<hbm>> -> memref<1x112x128xf32, #tpu.memory_space<hbm>>
      %dma_wait3A_79 = tpu.memref_squeeze %dma_wait3A_78 : memref<1x112x128xf32, #tpu.memory_space<hbm>> -> memref<112x128xf32, #tpu.memory_space<hbm>>
      %dma_wait3A_80 = arith.constant 0 : i32
      %dma_wait3A_81 = tpu.memref_slice %arg5[%arg0, %add3A_47, %dma_wait3A_80] : memref<2x10112x128xf32, #tpu.memory_space<hbm>> -> memref<1x112x128xf32, #tpu.memory_space<hbm>>
      %dma_wait3A_82 = tpu.memref_squeeze %dma_wait3A_81 : memref<1x112x128xf32, #tpu.memory_space<hbm>> -> memref<112x128xf32, #tpu.memory_space<hbm>>
      %dma_wait3A_83 = arith.constant 0 : i32
      %dma_wait3A_84 = arith.constant 0 : i32
      %dma_wait3A_85 = tpu.memref_slice %arg8[%dma_wait3A_83, %dma_wait3A_84] : memref<112x128xf32, #tpu.memory_space<vmem>> -> memref<112x128xf32, #tpu.memory_space<vmem>>
      tpu.wait_dma2 semaphore(%run_scoped3A : memref<!tpu.dma_semaphore, #tpu.memory_space<semaphore_mem>>) src(%dma_wait3A_85 : memref<112x128xf32, #tpu.memory_space<vmem>>) dst(%dma_wait3A_82 : memref<112x128xf32, #tpu.memory_space<hbm>>)
      tpu.yield
    }) : () -> ()
    %mul3A_48 = arith.constant 632 : i32
    %mul3A_49 = arith.muli %arg1, %mul3A_48 : i32
    %add3A_50 = arith.constant 224 : i32
    %add3A_51 = arith.addi %mul3A_49, %add3A_50 : i32
    "tpu.region"() ({
      %run_scoped3A = tpu.sem_alloc : memref<!tpu.dma_semaphore, #tpu.memory_space<semaphore_mem>>
      %dma_start3A = arith.constant 0 : i32
      %dma_start3A_64 = arith.constant 0 : i32
      %dma_start3A_65 = tpu.memref_slice %arg8[%dma_start3A, %dma_start3A_64] : memref<112x128xf32, #tpu.memory_space<vmem>> -> memref<112x128xf32, #tpu.memory_space<vmem>>
      %dma_start3A_66 = arith.constant 0 : i32
      %dma_start3A_67 = tpu.memref_slice %arg10[%add3A_51, %dma_start3A_66] : memref<10112x128xf32, #tpu.memory_space<vmem_shared>> -> memref<112x128xf32, #tpu.memory_space<vmem_shared>>
      %dma_start3A_68 = arith.constant 0 : i32
      %dma_start3A_69 = arith.constant 0 : i32
      %dma_start3A_70 = tpu.memref_slice %arg8[%dma_start3A_68, %dma_start3A_69] : memref<112x128xf32, #tpu.memory_space<vmem>> -> memref<112x128xf32, #tpu.memory_space<vmem>>
      %dma_start3A_71 = arith.constant 0 : i32
      %dma_start3A_72 = tpu.memref_slice %arg10[%add3A_51, %dma_start3A_71] : memref<10112x128xf32, #tpu.memory_space<vmem_shared>> -> memref<112x128xf32, #tpu.memory_space<vmem_shared>>
      tpu.enqueue_dma source(%dma_start3A_72 : memref<112x128xf32, #tpu.memory_space<vmem_shared>>) target(%dma_start3A_70 : memref<112x128xf32, #tpu.memory_space<vmem>>) target_semaphore(%run_scoped3A : memref<!tpu.dma_semaphore, #tpu.memory_space<semaphore_mem>>)
      %dma_wait3A = arith.constant 0 : i32
      %dma_wait3A_73 = arith.constant 0 : i32
      %dma_wait3A_74 = tpu.memref_slice %arg8[%dma_wait3A, %dma_wait3A_73] : memref<112x128xf32, #tpu.memory_space<vmem>> -> memref<112x128xf32, #tpu.memory_space<vmem>>
      %dma_wait3A_75 = arith.constant 0 : i32
      %dma_wait3A_76 = tpu.memref_slice %arg10[%add3A_51, %dma_wait3A_75] : memref<10112x128xf32, #tpu.memory_space<vmem_shared>> -> memref<112x128xf32, #tpu.memory_space<vmem_shared>>
      %dma_wait3A_77 = arith.constant 0 : i32
      %dma_wait3A_78 = arith.constant 0 : i32
      %dma_wait3A_79 = tpu.memref_slice %arg8[%dma_wait3A_77, %dma_wait3A_78] : memref<112x128xf32, #tpu.memory_space<vmem>> -> memref<112x128xf32, #tpu.memory_space<vmem>>
      %dma_wait3A_80 = arith.constant 0 : i32
      %dma_wait3A_81 = tpu.memref_slice %arg10[%add3A_51, %dma_wait3A_80] : memref<10112x128xf32, #tpu.memory_space<vmem_shared>> -> memref<112x128xf32, #tpu.memory_space<vmem_shared>>
      tpu.wait_dma2 semaphore(%run_scoped3A : memref<!tpu.dma_semaphore, #tpu.memory_space<semaphore_mem>>) src(%dma_wait3A_81 : memref<112x128xf32, #tpu.memory_space<vmem_shared>>) dst(%dma_wait3A_79 : memref<112x128xf32, #tpu.memory_space<vmem>>)
      tpu.yield
    }) : () -> ()
    "tpu.region"() ({
      %run_scoped3A = tpu.sem_alloc : memref<!tpu.dma_semaphore, #tpu.memory_space<semaphore_mem>>
      %dma_start3A = arith.constant 0 : i32
      %dma_start3A_64 = arith.constant 0 : i32
      %dma_start3A_65 = tpu.memref_slice %arg8[%dma_start3A, %dma_start3A_64] : memref<112x128xf32, #tpu.memory_space<vmem>> -> memref<112x128xf32, #tpu.memory_space<vmem>>
      %dma_start3A_66 = arith.constant 0 : i32
      %dma_start3A_67 = tpu.memref_slice %arg5[%arg0, %add3A_51, %dma_start3A_66] : memref<2x10112x128xf32, #tpu.memory_space<hbm>> -> memref<1x112x128xf32, #tpu.memory_space<hbm>>
      %dma_start3A_68 = tpu.memref_squeeze %dma_start3A_67 : memref<1x112x128xf32, #tpu.memory_space<hbm>> -> memref<112x128xf32, #tpu.memory_space<hbm>>
      %dma_start3A_69 = arith.constant 0 : i32
      %dma_start3A_70 = tpu.memref_slice %arg5[%arg0, %add3A_51, %dma_start3A_69] : memref<2x10112x128xf32, #tpu.memory_space<hbm>> -> memref<1x112x128xf32, #tpu.memory_space<hbm>>
      %dma_start3A_71 = tpu.memref_squeeze %dma_start3A_70 : memref<1x112x128xf32, #tpu.memory_space<hbm>> -> memref<112x128xf32, #tpu.memory_space<hbm>>
      %dma_start3A_72 = arith.constant 0 : i32
      %dma_start3A_73 = arith.constant 0 : i32
      %dma_start3A_74 = tpu.memref_slice %arg8[%dma_start3A_72, %dma_start3A_73] : memref<112x128xf32, #tpu.memory_space<vmem>> -> memref<112x128xf32, #tpu.memory_space<vmem>>
      tpu.enqueue_dma source(%dma_start3A_74 : memref<112x128xf32, #tpu.memory_space<vmem>>) target(%dma_start3A_71 : memref<112x128xf32, #tpu.memory_space<hbm>>) target_semaphore(%run_scoped3A : memref<!tpu.dma_semaphore, #tpu.memory_space<semaphore_mem>>)
      %dma_wait3A = arith.constant 0 : i32
      %dma_wait3A_75 = arith.constant 0 : i32
      %dma_wait3A_76 = tpu.memref_slice %arg8[%dma_wait3A, %dma_wait3A_75] : memref<112x128xf32, #tpu.memory_space<vmem>> -> memref<112x128xf32, #tpu.memory_space<vmem>>
      %dma_wait3A_77 = arith.constant 0 : i32
      %dma_wait3A_78 = tpu.memref_slice %arg5[%arg0, %add3A_51, %dma_wait3A_77] : memref<2x10112x128xf32, #tpu.memory_space<hbm>> -> memref<1x112x128xf32, #tpu.memory_space<hbm>>
      %dma_wait3A_79 = tpu.memref_squeeze %dma_wait3A_78 : memref<1x112x128xf32, #tpu.memory_space<hbm>> -> memref<112x128xf32, #tpu.memory_space<hbm>>
      %dma_wait3A_80 = arith.constant 0 : i32
      %dma_wait3A_81 = tpu.memref_slice %arg5[%arg0, %add3A_51, %dma_wait3A_80] : memref<2x10112x128xf32, #tpu.memory_space<hbm>> -> memref<1x112x128xf32, #tpu.memory_space<hbm>>
      %dma_wait3A_82 = tpu.memref_squeeze %dma_wait3A_81 : memref<1x112x128xf32, #tpu.memory_space<hbm>> -> memref<112x128xf32, #tpu.memory_space<hbm>>
      %dma_wait3A_83 = arith.constant 0 : i32
      %dma_wait3A_84 = arith.constant 0 : i32
      %dma_wait3A_85 = tpu.memref_slice %arg8[%dma_wait3A_83, %dma_wait3A_84] : memref<112x128xf32, #tpu.memory_space<vmem>> -> memref<112x128xf32, #tpu.memory_space<vmem>>
      tpu.wait_dma2 semaphore(%run_scoped3A : memref<!tpu.dma_semaphore, #tpu.memory_space<semaphore_mem>>) src(%dma_wait3A_85 : memref<112x128xf32, #tpu.memory_space<vmem>>) dst(%dma_wait3A_82 : memref<112x128xf32, #tpu.memory_space<hbm>>)
      tpu.yield
    }) : () -> ()
    %mul3A_52 = arith.constant 632 : i32
    %mul3A_53 = arith.muli %arg1, %mul3A_52 : i32
    %add3A_54 = arith.constant 336 : i32
    %add3A_55 = arith.addi %mul3A_53, %add3A_54 : i32
    "tpu.region"() ({
      %run_scoped3A = tpu.sem_alloc : memref<!tpu.dma_semaphore, #tpu.memory_space<semaphore_mem>>
      %dma_start3A = arith.constant 0 : i32
      %dma_start3A_64 = arith.constant 0 : i32
      %dma_start3A_65 = tpu.memref_slice %arg8[%dma_start3A, %dma_start3A_64] : memref<112x128xf32, #tpu.memory_space<vmem>> -> memref<112x128xf32, #tpu.memory_space<vmem>>
      %dma_start3A_66 = arith.constant 0 : i32
      %dma_start3A_67 = tpu.memref_slice %arg10[%add3A_55, %dma_start3A_66] : memref<10112x128xf32, #tpu.memory_space<vmem_shared>> -> memref<112x128xf32, #tpu.memory_space<vmem_shared>>
      %dma_start3A_68 = arith.constant 0 : i32
      %dma_start3A_69 = arith.constant 0 : i32
      %dma_start3A_70 = tpu.memref_slice %arg8[%dma_start3A_68, %dma_start3A_69] : memref<112x128xf32, #tpu.memory_space<vmem>> -> memref<112x128xf32, #tpu.memory_space<vmem>>
      %dma_start3A_71 = arith.constant 0 : i32
      %dma_start3A_72 = tpu.memref_slice %arg10[%add3A_55, %dma_start3A_71] : memref<10112x128xf32, #tpu.memory_space<vmem_shared>> -> memref<112x128xf32, #tpu.memory_space<vmem_shared>>
      tpu.enqueue_dma source(%dma_start3A_72 : memref<112x128xf32, #tpu.memory_space<vmem_shared>>) target(%dma_start3A_70 : memref<112x128xf32, #tpu.memory_space<vmem>>) target_semaphore(%run_scoped3A : memref<!tpu.dma_semaphore, #tpu.memory_space<semaphore_mem>>)
      %dma_wait3A = arith.constant 0 : i32
      %dma_wait3A_73 = arith.constant 0 : i32
      %dma_wait3A_74 = tpu.memref_slice %arg8[%dma_wait3A, %dma_wait3A_73] : memref<112x128xf32, #tpu.memory_space<vmem>> -> memref<112x128xf32, #tpu.memory_space<vmem>>
      %dma_wait3A_75 = arith.constant 0 : i32
      %dma_wait3A_76 = tpu.memref_slice %arg10[%add3A_55, %dma_wait3A_75] : memref<10112x128xf32, #tpu.memory_space<vmem_shared>> -> memref<112x128xf32, #tpu.memory_space<vmem_shared>>
      %dma_wait3A_77 = arith.constant 0 : i32
      %dma_wait3A_78 = arith.constant 0 : i32
      %dma_wait3A_79 = tpu.memref_slice %arg8[%dma_wait3A_77, %dma_wait3A_78] : memref<112x128xf32, #tpu.memory_space<vmem>> -> memref<112x128xf32, #tpu.memory_space<vmem>>
      %dma_wait3A_80 = arith.constant 0 : i32
      %dma_wait3A_81 = tpu.memref_slice %arg10[%add3A_55, %dma_wait3A_80] : memref<10112x128xf32, #tpu.memory_space<vmem_shared>> -> memref<112x128xf32, #tpu.memory_space<vmem_shared>>
      tpu.wait_dma2 semaphore(%run_scoped3A : memref<!tpu.dma_semaphore, #tpu.memory_space<semaphore_mem>>) src(%dma_wait3A_81 : memref<112x128xf32, #tpu.memory_space<vmem_shared>>) dst(%dma_wait3A_79 : memref<112x128xf32, #tpu.memory_space<vmem>>)
      tpu.yield
    }) : () -> ()
    "tpu.region"() ({
      %run_scoped3A = tpu.sem_alloc : memref<!tpu.dma_semaphore, #tpu.memory_space<semaphore_mem>>
      %dma_start3A = arith.constant 0 : i32
      %dma_start3A_64 = arith.constant 0 : i32
      %dma_start3A_65 = tpu.memref_slice %arg8[%dma_start3A, %dma_start3A_64] : memref<112x128xf32, #tpu.memory_space<vmem>> -> memref<112x128xf32, #tpu.memory_space<vmem>>
      %dma_start3A_66 = arith.constant 0 : i32
      %dma_start3A_67 = tpu.memref_slice %arg5[%arg0, %add3A_55, %dma_start3A_66] : memref<2x10112x128xf32, #tpu.memory_space<hbm>> -> memref<1x112x128xf32, #tpu.memory_space<hbm>>
      %dma_start3A_68 = tpu.memref_squeeze %dma_start3A_67 : memref<1x112x128xf32, #tpu.memory_space<hbm>> -> memref<112x128xf32, #tpu.memory_space<hbm>>
      %dma_start3A_69 = arith.constant 0 : i32
      %dma_start3A_70 = tpu.memref_slice %arg5[%arg0, %add3A_55, %dma_start3A_69] : memref<2x10112x128xf32, #tpu.memory_space<hbm>> -> memref<1x112x128xf32, #tpu.memory_space<hbm>>
      %dma_start3A_71 = tpu.memref_squeeze %dma_start3A_70 : memref<1x112x128xf32, #tpu.memory_space<hbm>> -> memref<112x128xf32, #tpu.memory_space<hbm>>
      %dma_start3A_72 = arith.constant 0 : i32
      %dma_start3A_73 = arith.constant 0 : i32
      %dma_start3A_74 = tpu.memref_slice %arg8[%dma_start3A_72, %dma_start3A_73] : memref<112x128xf32, #tpu.memory_space<vmem>> -> memref<112x128xf32, #tpu.memory_space<vmem>>
      tpu.enqueue_dma source(%dma_start3A_74 : memref<112x128xf32, #tpu.memory_space<vmem>>) target(%dma_start3A_71 : memref<112x128xf32, #tpu.memory_space<hbm>>) target_semaphore(%run_scoped3A : memref<!tpu.dma_semaphore, #tpu.memory_space<semaphore_mem>>)
      %dma_wait3A = arith.constant 0 : i32
      %dma_wait3A_75 = arith.constant 0 : i32
      %dma_wait3A_76 = tpu.memref_slice %arg8[%dma_wait3A, %dma_wait3A_75] : memref<112x128xf32, #tpu.memory_space<vmem>> -> memref<112x128xf32, #tpu.memory_space<vmem>>
      %dma_wait3A_77 = arith.constant 0 : i32
      %dma_wait3A_78 = tpu.memref_slice %arg5[%arg0, %add3A_55, %dma_wait3A_77] : memref<2x10112x128xf32, #tpu.memory_space<hbm>> -> memref<1x112x128xf32, #tpu.memory_space<hbm>>
      %dma_wait3A_79 = tpu.memref_squeeze %dma_wait3A_78 : memref<1x112x128xf32, #tpu.memory_space<hbm>> -> memref<112x128xf32, #tpu.memory_space<hbm>>
      %dma_wait3A_80 = arith.constant 0 : i32
      %dma_wait3A_81 = tpu.memref_slice %arg5[%arg0, %add3A_55, %dma_wait3A_80] : memref<2x10112x128xf32, #tpu.memory_space<hbm>> -> memref<1x112x128xf32, #tpu.memory_space<hbm>>
      %dma_wait3A_82 = tpu.memref_squeeze %dma_wait3A_81 : memref<1x112x128xf32, #tpu.memory_space<hbm>> -> memref<112x128xf32, #tpu.memory_space<hbm>>
      %dma_wait3A_83 = arith.constant 0 : i32
      %dma_wait3A_84 = arith.constant 0 : i32
      %dma_wait3A_85 = tpu.memref_slice %arg8[%dma_wait3A_83, %dma_wait3A_84] : memref<112x128xf32, #tpu.memory_space<vmem>> -> memref<112x128xf32, #tpu.memory_space<vmem>>
      tpu.wait_dma2 semaphore(%run_scoped3A : memref<!tpu.dma_semaphore, #tpu.memory_space<semaphore_mem>>) src(%dma_wait3A_85 : memref<112x128xf32, #tpu.memory_space<vmem>>) dst(%dma_wait3A_82 : memref<112x128xf32, #tpu.memory_space<hbm>>)
      tpu.yield
    }) : () -> ()
    %mul3A_56 = arith.constant 632 : i32
    %mul3A_57 = arith.muli %arg1, %mul3A_56 : i32
    %add3A_58 = arith.constant 448 : i32
    %add3A_59 = arith.addi %mul3A_57, %add3A_58 : i32
    "tpu.region"() ({
      %run_scoped3A = tpu.sem_alloc : memref<!tpu.dma_semaphore, #tpu.memory_space<semaphore_mem>>
      %dma_start3A = arith.constant 0 : i32
      %dma_start3A_64 = arith.constant 0 : i32
      %dma_start3A_65 = tpu.memref_slice %arg8[%dma_start3A, %dma_start3A_64] : memref<112x128xf32, #tpu.memory_space<vmem>> -> memref<112x128xf32, #tpu.memory_space<vmem>>
      %dma_start3A_66 = arith.constant 0 : i32
      %dma_start3A_67 = tpu.memref_slice %arg10[%add3A_59, %dma_start3A_66] : memref<10112x128xf32, #tpu.memory_space<vmem_shared>> -> memref<112x128xf32, #tpu.memory_space<vmem_shared>>
      %dma_start3A_68 = arith.constant 0 : i32
      %dma_start3A_69 = arith.constant 0 : i32
      %dma_start3A_70 = tpu.memref_slice %arg8[%dma_start3A_68, %dma_start3A_69] : memref<112x128xf32, #tpu.memory_space<vmem>> -> memref<112x128xf32, #tpu.memory_space<vmem>>
      %dma_start3A_71 = arith.constant 0 : i32
      %dma_start3A_72 = tpu.memref_slice %arg10[%add3A_59, %dma_start3A_71] : memref<10112x128xf32, #tpu.memory_space<vmem_shared>> -> memref<112x128xf32, #tpu.memory_space<vmem_shared>>
      tpu.enqueue_dma source(%dma_start3A_72 : memref<112x128xf32, #tpu.memory_space<vmem_shared>>) target(%dma_start3A_70 : memref<112x128xf32, #tpu.memory_space<vmem>>) target_semaphore(%run_scoped3A : memref<!tpu.dma_semaphore, #tpu.memory_space<semaphore_mem>>)
      %dma_wait3A = arith.constant 0 : i32
      %dma_wait3A_73 = arith.constant 0 : i32
      %dma_wait3A_74 = tpu.memref_slice %arg8[%dma_wait3A, %dma_wait3A_73] : memref<112x128xf32, #tpu.memory_space<vmem>> -> memref<112x128xf32, #tpu.memory_space<vmem>>
      %dma_wait3A_75 = arith.constant 0 : i32
      %dma_wait3A_76 = tpu.memref_slice %arg10[%add3A_59, %dma_wait3A_75] : memref<10112x128xf32, #tpu.memory_space<vmem_shared>> -> memref<112x128xf32, #tpu.memory_space<vmem_shared>>
      %dma_wait3A_77 = arith.constant 0 : i32
      %dma_wait3A_78 = arith.constant 0 : i32
      %dma_wait3A_79 = tpu.memref_slice %arg8[%dma_wait3A_77, %dma_wait3A_78] : memref<112x128xf32, #tpu.memory_space<vmem>> -> memref<112x128xf32, #tpu.memory_space<vmem>>
      %dma_wait3A_80 = arith.constant 0 : i32
      %dma_wait3A_81 = tpu.memref_slice %arg10[%add3A_59, %dma_wait3A_80] : memref<10112x128xf32, #tpu.memory_space<vmem_shared>> -> memref<112x128xf32, #tpu.memory_space<vmem_shared>>
      tpu.wait_dma2 semaphore(%run_scoped3A : memref<!tpu.dma_semaphore, #tpu.memory_space<semaphore_mem>>) src(%dma_wait3A_81 : memref<112x128xf32, #tpu.memory_space<vmem_shared>>) dst(%dma_wait3A_79 : memref<112x128xf32, #tpu.memory_space<vmem>>)
      tpu.yield
    }) : () -> ()
    "tpu.region"() ({
      %run_scoped3A = tpu.sem_alloc : memref<!tpu.dma_semaphore, #tpu.memory_space<semaphore_mem>>
      %dma_start3A = arith.constant 0 : i32
      %dma_start3A_64 = arith.constant 0 : i32
      %dma_start3A_65 = tpu.memref_slice %arg8[%dma_start3A, %dma_start3A_64] : memref<112x128xf32, #tpu.memory_space<vmem>> -> memref<112x128xf32, #tpu.memory_space<vmem>>
      %dma_start3A_66 = arith.constant 0 : i32
      %dma_start3A_67 = tpu.memref_slice %arg5[%arg0, %add3A_59, %dma_start3A_66] : memref<2x10112x128xf32, #tpu.memory_space<hbm>> -> memref<1x112x128xf32, #tpu.memory_space<hbm>>
      %dma_start3A_68 = tpu.memref_squeeze %dma_start3A_67 : memref<1x112x128xf32, #tpu.memory_space<hbm>> -> memref<112x128xf32, #tpu.memory_space<hbm>>
      %dma_start3A_69 = arith.constant 0 : i32
      %dma_start3A_70 = tpu.memref_slice %arg5[%arg0, %add3A_59, %dma_start3A_69] : memref<2x10112x128xf32, #tpu.memory_space<hbm>> -> memref<1x112x128xf32, #tpu.memory_space<hbm>>
      %dma_start3A_71 = tpu.memref_squeeze %dma_start3A_70 : memref<1x112x128xf32, #tpu.memory_space<hbm>> -> memref<112x128xf32, #tpu.memory_space<hbm>>
      %dma_start3A_72 = arith.constant 0 : i32
      %dma_start3A_73 = arith.constant 0 : i32
      %dma_start3A_74 = tpu.memref_slice %arg8[%dma_start3A_72, %dma_start3A_73] : memref<112x128xf32, #tpu.memory_space<vmem>> -> memref<112x128xf32, #tpu.memory_space<vmem>>
      tpu.enqueue_dma source(%dma_start3A_74 : memref<112x128xf32, #tpu.memory_space<vmem>>) target(%dma_start3A_71 : memref<112x128xf32, #tpu.memory_space<hbm>>) target_semaphore(%run_scoped3A : memref<!tpu.dma_semaphore, #tpu.memory_space<semaphore_mem>>)
      %dma_wait3A = arith.constant 0 : i32
      %dma_wait3A_75 = arith.constant 0 : i32
      %dma_wait3A_76 = tpu.memref_slice %arg8[%dma_wait3A, %dma_wait3A_75] : memref<112x128xf32, #tpu.memory_space<vmem>> -> memref<112x128xf32, #tpu.memory_space<vmem>>
      %dma_wait3A_77 = arith.constant 0 : i32
      %dma_wait3A_78 = tpu.memref_slice %arg5[%arg0, %add3A_59, %dma_wait3A_77] : memref<2x10112x128xf32, #tpu.memory_space<hbm>> -> memref<1x112x128xf32, #tpu.memory_space<hbm>>
      %dma_wait3A_79 = tpu.memref_squeeze %dma_wait3A_78 : memref<1x112x128xf32, #tpu.memory_space<hbm>> -> memref<112x128xf32, #tpu.memory_space<hbm>>
      %dma_wait3A_80 = arith.constant 0 : i32
      %dma_wait3A_81 = tpu.memref_slice %arg5[%arg0, %add3A_59, %dma_wait3A_80] : memref<2x10112x128xf32, #tpu.memory_space<hbm>> -> memref<1x112x128xf32, #tpu.memory_space<hbm>>
      %dma_wait3A_82 = tpu.memref_squeeze %dma_wait3A_81 : memref<1x112x128xf32, #tpu.memory_space<hbm>> -> memref<112x128xf32, #tpu.memory_space<hbm>>
      %dma_wait3A_83 = arith.constant 0 : i32
      %dma_wait3A_84 = arith.constant 0 : i32
      %dma_wait3A_85 = tpu.memref_slice %arg8[%dma_wait3A_83, %dma_wait3A_84] : memref<112x128xf32, #tpu.memory_space<vmem>> -> memref<112x128xf32, #tpu.memory_space<vmem>>
      tpu.wait_dma2 semaphore(%run_scoped3A : memref<!tpu.dma_semaphore, #tpu.memory_space<semaphore_mem>>) src(%dma_wait3A_85 : memref<112x128xf32, #tpu.memory_space<vmem>>) dst(%dma_wait3A_82 : memref<112x128xf32, #tpu.memory_space<hbm>>)
      tpu.yield
    }) : () -> ()
    %mul3A_60 = arith.constant 632 : i32
    %mul3A_61 = arith.muli %arg1, %mul3A_60 : i32
    %add3A_62 = arith.constant 560 : i32
    %add3A_63 = arith.addi %mul3A_61, %add3A_62 : i32
    "tpu.region"() ({
      %run_scoped3A = tpu.sem_alloc : memref<!tpu.dma_semaphore, #tpu.memory_space<semaphore_mem>>
      %dma_start3A = arith.constant 0 : i32
      %dma_start3A_64 = arith.constant 0 : i32
      %dma_start3A_65 = tpu.memref_slice %arg8[%dma_start3A, %dma_start3A_64] : memref<112x128xf32, #tpu.memory_space<vmem>> -> memref<72x128xf32, #tpu.memory_space<vmem>>
      %dma_start3A_66 = arith.constant 0 : i32
      %dma_start3A_67 = tpu.memref_slice %arg10[%add3A_63, %dma_start3A_66] : memref<10112x128xf32, #tpu.memory_space<vmem_shared>> -> memref<72x128xf32, #tpu.memory_space<vmem_shared>>
      %dma_start3A_68 = arith.constant 0 : i32
      %dma_start3A_69 = arith.constant 0 : i32
      %dma_start3A_70 = tpu.memref_slice %arg8[%dma_start3A_68, %dma_start3A_69] : memref<112x128xf32, #tpu.memory_space<vmem>> -> memref<72x128xf32, #tpu.memory_space<vmem>>
      %dma_start3A_71 = arith.constant 0 : i32
      %dma_start3A_72 = tpu.memref_slice %arg10[%add3A_63, %dma_start3A_71] : memref<10112x128xf32, #tpu.memory_space<vmem_shared>> -> memref<72x128xf32, #tpu.memory_space<vmem_shared>>
      tpu.enqueue_dma source(%dma_start3A_72 : memref<72x128xf32, #tpu.memory_space<vmem_shared>>) target(%dma_start3A_70 : memref<72x128xf32, #tpu.memory_space<vmem>>) target_semaphore(%run_scoped3A : memref<!tpu.dma_semaphore, #tpu.memory_space<semaphore_mem>>)
      %dma_wait3A = arith.constant 0 : i32
      %dma_wait3A_73 = arith.constant 0 : i32
      %dma_wait3A_74 = tpu.memref_slice %arg8[%dma_wait3A, %dma_wait3A_73] : memref<112x128xf32, #tpu.memory_space<vmem>> -> memref<72x128xf32, #tpu.memory_space<vmem>>
      %dma_wait3A_75 = arith.constant 0 : i32
      %dma_wait3A_76 = tpu.memref_slice %arg10[%add3A_63, %dma_wait3A_75] : memref<10112x128xf32, #tpu.memory_space<vmem_shared>> -> memref<72x128xf32, #tpu.memory_space<vmem_shared>>
      %dma_wait3A_77 = arith.constant 0 : i32
      %dma_wait3A_78 = arith.constant 0 : i32
      %dma_wait3A_79 = tpu.memref_slice %arg8[%dma_wait3A_77, %dma_wait3A_78] : memref<112x128xf32, #tpu.memory_space<vmem>> -> memref<72x128xf32, #tpu.memory_space<vmem>>
      %dma_wait3A_80 = arith.constant 0 : i32
      %dma_wait3A_81 = tpu.memref_slice %arg10[%add3A_63, %dma_wait3A_80] : memref<10112x128xf32, #tpu.memory_space<vmem_shared>> -> memref<72x128xf32, #tpu.memory_space<vmem_shared>>
      tpu.wait_dma2 semaphore(%run_scoped3A : memref<!tpu.dma_semaphore, #tpu.memory_space<semaphore_mem>>) src(%dma_wait3A_81 : memref<72x128xf32, #tpu.memory_space<vmem_shared>>) dst(%dma_wait3A_79 : memref<72x128xf32, #tpu.memory_space<vmem>>)
      tpu.yield
    }) : () -> ()
    "tpu.region"() ({
      %run_scoped3A = tpu.sem_alloc : memref<!tpu.dma_semaphore, #tpu.memory_space<semaphore_mem>>
      %dma_start3A = arith.constant 0 : i32
      %dma_start3A_64 = arith.constant 0 : i32
      %dma_start3A_65 = tpu.memref_slice %arg8[%dma_start3A, %dma_start3A_64] : memref<112x128xf32, #tpu.memory_space<vmem>> -> memref<72x128xf32, #tpu.memory_space<vmem>>
      %dma_start3A_66 = arith.constant 0 : i32
      %dma_start3A_67 = tpu.memref_slice %arg5[%arg0, %add3A_63, %dma_start3A_66] : memref<2x10112x128xf32, #tpu.memory_space<hbm>> -> memref<1x72x128xf32, #tpu.memory_space<hbm>>
      %dma_start3A_68 = tpu.memref_squeeze %dma_start3A_67 : memref<1x72x128xf32, #tpu.memory_space<hbm>> -> memref<72x128xf32, #tpu.memory_space<hbm>>
      %dma_start3A_69 = arith.constant 0 : i32
      %dma_start3A_70 = tpu.memref_slice %arg5[%arg0, %add3A_63, %dma_start3A_69] : memref<2x10112x128xf32, #tpu.memory_space<hbm>> -> memref<1x72x128xf32, #tpu.memory_space<hbm>>
      %dma_start3A_71 = tpu.memref_squeeze %dma_start3A_70 : memref<1x72x128xf32, #tpu.memory_space<hbm>> -> memref<72x128xf32, #tpu.memory_space<hbm>>
      %dma_start3A_72 = arith.constant 0 : i32
      %dma_start3A_73 = arith.constant 0 : i32
      %dma_start3A_74 = tpu.memref_slice %arg8[%dma_start3A_72, %dma_start3A_73] : memref<112x128xf32, #tpu.memory_space<vmem>> -> memref<72x128xf32, #tpu.memory_space<vmem>>
      tpu.enqueue_dma source(%dma_start3A_74 : memref<72x128xf32, #tpu.memory_space<vmem>>) target(%dma_start3A_71 : memref<72x128xf32, #tpu.memory_space<hbm>>) target_semaphore(%run_scoped3A : memref<!tpu.dma_semaphore, #tpu.memory_space<semaphore_mem>>)
      %dma_wait3A = arith.constant 0 : i32
      %dma_wait3A_75 = arith.constant 0 : i32
      %dma_wait3A_76 = tpu.memref_slice %arg8[%dma_wait3A, %dma_wait3A_75] : memref<112x128xf32, #tpu.memory_space<vmem>> -> memref<72x128xf32, #tpu.memory_space<vmem>>
      %dma_wait3A_77 = arith.constant 0 : i32
      %dma_wait3A_78 = tpu.memref_slice %arg5[%arg0, %add3A_63, %dma_wait3A_77] : memref<2x10112x128xf32, #tpu.memory_space<hbm>> -> memref<1x72x128xf32, #tpu.memory_space<hbm>>
      %dma_wait3A_79 = tpu.memref_squeeze %dma_wait3A_78 : memref<1x72x128xf32, #tpu.memory_space<hbm>> -> memref<72x128xf32, #tpu.memory_space<hbm>>
      %dma_wait3A_80 = arith.constant 0 : i32
      %dma_wait3A_81 = tpu.memref_slice %arg5[%arg0, %add3A_63, %dma_wait3A_80] : memref<2x10112x128xf32, #tpu.memory_space<hbm>> -> memref<1x72x128xf32, #tpu.memory_space<hbm>>
      %dma_wait3A_82 = tpu.memref_squeeze %dma_wait3A_81 : memref<1x72x128xf32, #tpu.memory_space<hbm>> -> memref<72x128xf32, #tpu.memory_space<hbm>>
      %dma_wait3A_83 = arith.constant 0 : i32
      %dma_wait3A_84 = arith.constant 0 : i32
      %dma_wait3A_85 = tpu.memref_slice %arg8[%dma_wait3A_83, %dma_wait3A_84] : memref<112x128xf32, #tpu.memory_space<vmem>> -> memref<72x128xf32, #tpu.memory_space<vmem>>
      tpu.wait_dma2 semaphore(%run_scoped3A : memref<!tpu.dma_semaphore, #tpu.memory_space<semaphore_mem>>) src(%dma_wait3A_85 : memref<72x128xf32, #tpu.memory_space<vmem>>) dst(%dma_wait3A_82 : memref<72x128xf32, #tpu.memory_space<hbm>>)
      tpu.yield
    }) : () -> ()
    return
  }
}

#map = affine_map<(d0, d1) -> (0, 0)>
#map1 = affine_map<(d0, d1) -> (0, 0, 0)>
module attributes {stable_mosaic.version = 14 : i64} {
  func.func @_sc_agg(%arg0: i32, %arg1: i32, %arg2: memref<10000x128xf32, #tpu.memory_space<hbm>>, %arg3: memref<32x90x112xi32, #tpu.memory_space<hbm>>, %arg4: memref<32x90x112xi32, #tpu.memory_space<hbm>>, %arg5: memref<2x10112x128xf32, #tpu.memory_space<hbm>>, %arg6: memref<90x112xi32, #tpu.memory_space<vmem>>, %arg7: memref<90x112xi32, #tpu.memory_space<vmem>>, %arg8: memref<112x128xf32, #tpu.memory_space<vmem>>, %arg9: memref<!tpu.dma_semaphore, #tpu.memory_space<semaphore_mem>>, %arg10: memref<10112x128xf32, #tpu.memory_space<vmem_shared>>) attributes {dimension_semantics = [#tpu.dimension_semantics<core_parallel>, #tpu.dimension_semantics<subcore_parallel>], iteration_bounds = array<i64: 2, 16>, scalar_prefetch = 0 : i64, scratch_operands = 5 : i64, tpu.core_type = #tpu.core_type<sc_vector_subcore>, window_params = [{transform_indices = #map}, {transform_indices = #map1}, {transform_indices = #map1}, {transform_indices = #map1}]} {
    %mul3A = arith.constant 2 : i32
    %mul3A_0 = arith.muli %arg1, %mul3A : i32
    %add3A = arith.addi %mul3A_0, %arg0 : i32
    %broadcast_in_dim3A = arith.constant 0.000000e+00 : f32
    %broadcast_in_dim3A_1 = vector.broadcast %broadcast_in_dim3A : f32 to vector<16xf32>
    %scan3A = arith.constant 0 : i32
    %scan3A_2 = arith.constant 0 : i32
    %scan3A_3 = arith.constant 112 : i32
    %scan3A_4 = arith.addi %scan3A_2, %scan3A_3 : i32
    %scan3A_5 = arith.constant 1 : i32
    %scan3A_6 = scf.for %scan3A_64 = %scan3A_2 to %scan3A_4 step %scan3A_5 iter_args(%scan3A_65 = %scan3A) -> (i32)  : i32 {
      %swap3A = arith.index_cast %scan3A_64 : i32 to index
      %swap3A_66 = arith.constant 0 : index
      %swap3A_67 = tpu.vector_load %arg8[%swap3A, %swap3A_66] {strides = array<i32>} : memref<112x128xf32, #tpu.memory_space<vmem>>, vector<1x16xf32>,
      %swap3A_68 = vector.shape_cast %swap3A_67 : vector<1x16xf32> to vector<16xf32>
      %swap3A_69 = vector.shape_cast %broadcast_in_dim3A_1 : vector<16xf32> to vector<1x16xf32>
      tpu.vector_store %arg8[%swap3A, %swap3A_66], %swap3A_69 {strides = array<i32>} : memref<112x128xf32, #tpu.memory_space<vmem>>, vector<1x16xf32>,
      %swap3A_70 = arith.index_cast %scan3A_64 : i32 to index
      %swap3A_71 = arith.constant 16 : index
      %swap3A_72 = tpu.vector_load %arg8[%swap3A_70, %swap3A_71] {strides = array<i32>} : memref<112x128xf32, #tpu.memory_space<vmem>>, vector<1x16xf32>,
      %swap3A_73 = vector.shape_cast %swap3A_72 : vector<1x16xf32> to vector<16xf32>
      %swap3A_74 = vector.shape_cast %broadcast_in_dim3A_1 : vector<16xf32> to vector<1x16xf32>
      tpu.vector_store %arg8[%swap3A_70, %swap3A_71], %swap3A_74 {strides = array<i32>} : memref<112x128xf32, #tpu.memory_space<vmem>>, vector<1x16xf32>,
      %swap3A_75 = arith.index_cast %scan3A_64 : i32 to index
      %swap3A_76 = arith.constant 32 : index
      %swap3A_77 = tpu.vector_load %arg8[%swap3A_75, %swap3A_76] {strides = array<i32>} : memref<112x128xf32, #tpu.memory_space<vmem>>, vector<1x16xf32>,
      %swap3A_78 = vector.shape_cast %swap3A_77 : vector<1x16xf32> to vector<16xf32>
      %swap3A_79 = vector.shape_cast %broadcast_in_dim3A_1 : vector<16xf32> to vector<1x16xf32>
      tpu.vector_store %arg8[%swap3A_75, %swap3A_76], %swap3A_79 {strides = array<i32>} : memref<112x128xf32, #tpu.memory_space<vmem>>, vector<1x16xf32>,
      %swap3A_80 = arith.index_cast %scan3A_64 : i32 to index
      %swap3A_81 = arith.constant 48 : index
      %swap3A_82 = tpu.vector_load %arg8[%swap3A_80, %swap3A_81] {strides = array<i32>} : memref<112x128xf32, #tpu.memory_space<vmem>>, vector<1x16xf32>,
      %swap3A_83 = vector.shape_cast %swap3A_82 : vector<1x16xf32> to vector<16xf32>
      %swap3A_84 = vector.shape_cast %broadcast_in_dim3A_1 : vector<16xf32> to vector<1x16xf32>
      tpu.vector_store %arg8[%swap3A_80, %swap3A_81], %swap3A_84 {strides = array<i32>} : memref<112x128xf32, #tpu.memory_space<vmem>>, vector<1x16xf32>,
      %swap3A_85 = arith.index_cast %scan3A_64 : i32 to index
      %swap3A_86 = arith.constant 64 : index
      %swap3A_87 = tpu.vector_load %arg8[%swap3A_85, %swap3A_86] {strides = array<i32>} : memref<112x128xf32, #tpu.memory_space<vmem>>, vector<1x16xf32>,
      %swap3A_88 = vector.shape_cast %swap3A_87 : vector<1x16xf32> to vector<16xf32>
      %swap3A_89 = vector.shape_cast %broadcast_in_dim3A_1 : vector<16xf32> to vector<1x16xf32>
      tpu.vector_store %arg8[%swap3A_85, %swap3A_86], %swap3A_89 {strides = array<i32>} : memref<112x128xf32, #tpu.memory_space<vmem>>, vector<1x16xf32>,
      %swap3A_90 = arith.index_cast %scan3A_64 : i32 to index
      %swap3A_91 = arith.constant 80 : index
      %swap3A_92 = tpu.vector_load %arg8[%swap3A_90, %swap3A_91] {strides = array<i32>} : memref<112x128xf32, #tpu.memory_space<vmem>>, vector<1x16xf32>,
      %swap3A_93 = vector.shape_cast %swap3A_92 : vector<1x16xf32> to vector<16xf32>
      %swap3A_94 = vector.shape_cast %broadcast_in_dim3A_1 : vector<16xf32> to vector<1x16xf32>
      tpu.vector_store %arg8[%swap3A_90, %swap3A_91], %swap3A_94 {strides = array<i32>} : memref<112x128xf32, #tpu.memory_space<vmem>>, vector<1x16xf32>,
      %swap3A_95 = arith.index_cast %scan3A_64 : i32 to index
      %swap3A_96 = arith.constant 96 : index
      %swap3A_97 = tpu.vector_load %arg8[%swap3A_95, %swap3A_96] {strides = array<i32>} : memref<112x128xf32, #tpu.memory_space<vmem>>, vector<1x16xf32>,
      %swap3A_98 = vector.shape_cast %swap3A_97 : vector<1x16xf32> to vector<16xf32>
      %swap3A_99 = vector.shape_cast %broadcast_in_dim3A_1 : vector<16xf32> to vector<1x16xf32>
      tpu.vector_store %arg8[%swap3A_95, %swap3A_96], %swap3A_99 {strides = array<i32>} : memref<112x128xf32, #tpu.memory_space<vmem>>, vector<1x16xf32>,
      %swap3A_100 = arith.index_cast %scan3A_64 : i32 to index
      %swap3A_101 = arith.constant 112 : index
      %swap3A_102 = tpu.vector_load %arg8[%swap3A_100, %swap3A_101] {strides = array<i32>} : memref<112x128xf32, #tpu.memory_space<vmem>>, vector<1x16xf32>,
      %swap3A_103 = vector.shape_cast %swap3A_102 : vector<1x16xf32> to vector<16xf32>
      %swap3A_104 = vector.shape_cast %broadcast_in_dim3A_1 : vector<16xf32> to vector<1x16xf32>
      tpu.vector_store %arg8[%swap3A_100, %swap3A_101], %swap3A_104 {strides = array<i32>} : memref<112x128xf32, #tpu.memory_space<vmem>>, vector<1x16xf32>,
      %scan3A_105 = arith.constant 0 : i32
      scf.yield %scan3A_105 : i32
    }
    %scan3A_7 = arith.constant 112 : i32
    %mul3A_8 = arith.constant 632 : i32
    %mul3A_9 = arith.muli %arg1, %mul3A_8 : i32
    %add3A_10 = arith.constant 0 : i32
    %add3A_11 = arith.addi %mul3A_9, %add3A_10 : i32
    "tpu.region"() ({
      %run_scoped3A = tpu.sem_alloc : memref<!tpu.dma_semaphore, #tpu.memory_space<semaphore_mem>>
      %dma_start3A = arith.constant 0 : i32
      %dma_start3A_64 = arith.constant 0 : i32
      %dma_start3A_65 = tpu.memref_slice %arg8[%dma_start3A, %dma_start3A_64] : memref<112x128xf32, #tpu.memory_space<vmem>> -> memref<112x128xf32, #tpu.memory_space<vmem>>
      %dma_start3A_66 = arith.constant 0 : i32
      %dma_start3A_67 = tpu.memref_slice %arg10[%add3A_11, %dma_start3A_66] : memref<10112x128xf32, #tpu.memory_space<vmem_shared>> -> memref<112x128xf32, #tpu.memory_space<vmem_shared>>
      %dma_start3A_68 = arith.constant 0 : i32
      %dma_start3A_69 = tpu.memref_slice %arg10[%add3A_11, %dma_start3A_68] : memref<10112x128xf32, #tpu.memory_space<vmem_shared>> -> memref<112x128xf32, #tpu.memory_space<vmem_shared>>
      %dma_start3A_70 = arith.constant 0 : i32
      %dma_start3A_71 = arith.constant 0 : i32
      %dma_start3A_72 = tpu.memref_slice %arg8[%dma_start3A_70, %dma_start3A_71] : memref<112x128xf32, #tpu.memory_space<vmem>> -> memref<112x128xf32, #tpu.memory_space<vmem>>
      tpu.enqueue_dma source(%dma_start3A_72 : memref<112x128xf32, #tpu.memory_space<vmem>>) target(%dma_start3A_69 : memref<112x128xf32, #tpu.memory_space<vmem_shared>>) target_semaphore(%run_scoped3A : memref<!tpu.dma_semaphore, #tpu.memory_space<semaphore_mem>>)
      %dma_wait3A = arith.constant 0 : i32
      %dma_wait3A_73 = arith.constant 0 : i32
      %dma_wait3A_74 = tpu.memref_slice %arg8[%dma_wait3A, %dma_wait3A_73] : memref<112x128xf32, #tpu.memory_space<vmem>> -> memref<112x128xf32, #tpu.memory_space<vmem>>
      %dma_wait3A_75 = arith.constant 0 : i32
      %dma_wait3A_76 = tpu.memref_slice %arg10[%add3A_11, %dma_wait3A_75] : memref<10112x128xf32, #tpu.memory_space<vmem_shared>> -> memref<112x128xf32, #tpu.memory_space<vmem_shared>>
      %dma_wait3A_77 = arith.constant 0 : i32
      %dma_wait3A_78 = tpu.memref_slice %arg10[%add3A_11, %dma_wait3A_77] : memref<10112x128xf32, #tpu.memory_space<vmem_shared>> -> memref<112x128xf32, #tpu.memory_space<vmem_shared>>
      %dma_wait3A_79 = arith.constant 0 : i32
      %dma_wait3A_80 = arith.constant 0 : i32
      %dma_wait3A_81 = tpu.memref_slice %arg8[%dma_wait3A_79, %dma_wait3A_80] : memref<112x128xf32, #tpu.memory_space<vmem>> -> memref<112x128xf32, #tpu.memory_space<vmem>>
      tpu.wait_dma2 semaphore(%run_scoped3A : memref<!tpu.dma_semaphore, #tpu.memory_space<semaphore_mem>>) src(%dma_wait3A_81 : memref<112x128xf32, #tpu.memory_space<vmem>>) dst(%dma_wait3A_78 : memref<112x128xf32, #tpu.memory_space<vmem_shared>>)
      tpu.yield
    }) : () -> ()
    %mul3A_12 = arith.constant 632 : i32
    %mul3A_13 = arith.muli %arg1, %mul3A_12 : i32
    %add3A_14 = arith.constant 112 : i32
    %add3A_15 = arith.addi %mul3A_13, %add3A_14 : i32
    "tpu.region"() ({
      %run_scoped3A = tpu.sem_alloc : memref<!tpu.dma_semaphore, #tpu.memory_space<semaphore_mem>>
      %dma_start3A = arith.constant 0 : i32
      %dma_start3A_64 = arith.constant 0 : i32
      %dma_start3A_65 = tpu.memref_slice %arg8[%dma_start3A, %dma_start3A_64] : memref<112x128xf32, #tpu.memory_space<vmem>> -> memref<112x128xf32, #tpu.memory_space<vmem>>
      %dma_start3A_66 = arith.constant 0 : i32
      %dma_start3A_67 = tpu.memref_slice %arg10[%add3A_15, %dma_start3A_66] : memref<10112x128xf32, #tpu.memory_space<vmem_shared>> -> memref<112x128xf32, #tpu.memory_space<vmem_shared>>
      %dma_start3A_68 = arith.constant 0 : i32
      %dma_start3A_69 = tpu.memref_slice %arg10[%add3A_15, %dma_start3A_68] : memref<10112x128xf32, #tpu.memory_space<vmem_shared>> -> memref<112x128xf32, #tpu.memory_space<vmem_shared>>
      %dma_start3A_70 = arith.constant 0 : i32
      %dma_start3A_71 = arith.constant 0 : i32
      %dma_start3A_72 = tpu.memref_slice %arg8[%dma_start3A_70, %dma_start3A_71] : memref<112x128xf32, #tpu.memory_space<vmem>> -> memref<112x128xf32, #tpu.memory_space<vmem>>
      tpu.enqueue_dma source(%dma_start3A_72 : memref<112x128xf32, #tpu.memory_space<vmem>>) target(%dma_start3A_69 : memref<112x128xf32, #tpu.memory_space<vmem_shared>>) target_semaphore(%run_scoped3A : memref<!tpu.dma_semaphore, #tpu.memory_space<semaphore_mem>>)
      %dma_wait3A = arith.constant 0 : i32
      %dma_wait3A_73 = arith.constant 0 : i32
      %dma_wait3A_74 = tpu.memref_slice %arg8[%dma_wait3A, %dma_wait3A_73] : memref<112x128xf32, #tpu.memory_space<vmem>> -> memref<112x128xf32, #tpu.memory_space<vmem>>
      %dma_wait3A_75 = arith.constant 0 : i32
      %dma_wait3A_76 = tpu.memref_slice %arg10[%add3A_15, %dma_wait3A_75] : memref<10112x128xf32, #tpu.memory_space<vmem_shared>> -> memref<112x128xf32, #tpu.memory_space<vmem_shared>>
      %dma_wait3A_77 = arith.constant 0 : i32
      %dma_wait3A_78 = tpu.memref_slice %arg10[%add3A_15, %dma_wait3A_77] : memref<10112x128xf32, #tpu.memory_space<vmem_shared>> -> memref<112x128xf32, #tpu.memory_space<vmem_shared>>
      %dma_wait3A_79 = arith.constant 0 : i32
      %dma_wait3A_80 = arith.constant 0 : i32
      %dma_wait3A_81 = tpu.memref_slice %arg8[%dma_wait3A_79, %dma_wait3A_80] : memref<112x128xf32, #tpu.memory_space<vmem>> -> memref<112x128xf32, #tpu.memory_space<vmem>>
      tpu.wait_dma2 semaphore(%run_scoped3A : memref<!tpu.dma_semaphore, #tpu.memory_space<semaphore_mem>>) src(%dma_wait3A_81 : memref<112x128xf32, #tpu.memory_space<vmem>>) dst(%dma_wait3A_78 : memref<112x128xf32, #tpu.memory_space<vmem_shared>>)
      tpu.yield
    }) : () -> ()
    %mul3A_16 = arith.constant 632 : i32
    %mul3A_17 = arith.muli %arg1, %mul3A_16 : i32
    %add3A_18 = arith.constant 224 : i32
    %add3A_19 = arith.addi %mul3A_17, %add3A_18 : i32
    "tpu.region"() ({
      %run_scoped3A = tpu.sem_alloc : memref<!tpu.dma_semaphore, #tpu.memory_space<semaphore_mem>>
      %dma_start3A = arith.constant 0 : i32
      %dma_start3A_64 = arith.constant 0 : i32
      %dma_start3A_65 = tpu.memref_slice %arg8[%dma_start3A, %dma_start3A_64] : memref<112x128xf32, #tpu.memory_space<vmem>> -> memref<112x128xf32, #tpu.memory_space<vmem>>
      %dma_start3A_66 = arith.constant 0 : i32
      %dma_start3A_67 = tpu.memref_slice %arg10[%add3A_19, %dma_start3A_66] : memref<10112x128xf32, #tpu.memory_space<vmem_shared>> -> memref<112x128xf32, #tpu.memory_space<vmem_shared>>
      %dma_start3A_68 = arith.constant 0 : i32
      %dma_start3A_69 = tpu.memref_slice %arg10[%add3A_19, %dma_start3A_68] : memref<10112x128xf32, #tpu.memory_space<vmem_shared>> -> memref<112x128xf32, #tpu.memory_space<vmem_shared>>
      %dma_start3A_70 = arith.constant 0 : i32
      %dma_start3A_71 = arith.constant 0 : i32
      %dma_start3A_72 = tpu.memref_slice %arg8[%dma_start3A_70, %dma_start3A_71] : memref<112x128xf32, #tpu.memory_space<vmem>> -> memref<112x128xf32, #tpu.memory_space<vmem>>
      tpu.enqueue_dma source(%dma_start3A_72 : memref<112x128xf32, #tpu.memory_space<vmem>>) target(%dma_start3A_69 : memref<112x128xf32, #tpu.memory_space<vmem_shared>>) target_semaphore(%run_scoped3A : memref<!tpu.dma_semaphore, #tpu.memory_space<semaphore_mem>>)
      %dma_wait3A = arith.constant 0 : i32
      %dma_wait3A_73 = arith.constant 0 : i32
      %dma_wait3A_74 = tpu.memref_slice %arg8[%dma_wait3A, %dma_wait3A_73] : memref<112x128xf32, #tpu.memory_space<vmem>> -> memref<112x128xf32, #tpu.memory_space<vmem>>
      %dma_wait3A_75 = arith.constant 0 : i32
      %dma_wait3A_76 = tpu.memref_slice %arg10[%add3A_19, %dma_wait3A_75] : memref<10112x128xf32, #tpu.memory_space<vmem_shared>> -> memref<112x128xf32, #tpu.memory_space<vmem_shared>>
      %dma_wait3A_77 = arith.constant 0 : i32
      %dma_wait3A_78 = tpu.memref_slice %arg10[%add3A_19, %dma_wait3A_77] : memref<10112x128xf32, #tpu.memory_space<vmem_shared>> -> memref<112x128xf32, #tpu.memory_space<vmem_shared>>
      %dma_wait3A_79 = arith.constant 0 : i32
      %dma_wait3A_80 = arith.constant 0 : i32
      %dma_wait3A_81 = tpu.memref_slice %arg8[%dma_wait3A_79, %dma_wait3A_80] : memref<112x128xf32, #tpu.memory_space<vmem>> -> memref<112x128xf32, #tpu.memory_space<vmem>>
      tpu.wait_dma2 semaphore(%run_scoped3A : memref<!tpu.dma_semaphore, #tpu.memory_space<semaphore_mem>>) src(%dma_wait3A_81 : memref<112x128xf32, #tpu.memory_space<vmem>>) dst(%dma_wait3A_78 : memref<112x128xf32, #tpu.memory_space<vmem_shared>>)
      tpu.yield
    }) : () -> ()
    %mul3A_20 = arith.constant 632 : i32
    %mul3A_21 = arith.muli %arg1, %mul3A_20 : i32
    %add3A_22 = arith.constant 336 : i32
    %add3A_23 = arith.addi %mul3A_21, %add3A_22 : i32
    "tpu.region"() ({
      %run_scoped3A = tpu.sem_alloc : memref<!tpu.dma_semaphore, #tpu.memory_space<semaphore_mem>>
      %dma_start3A = arith.constant 0 : i32
      %dma_start3A_64 = arith.constant 0 : i32
      %dma_start3A_65 = tpu.memref_slice %arg8[%dma_start3A, %dma_start3A_64] : memref<112x128xf32, #tpu.memory_space<vmem>> -> memref<112x128xf32, #tpu.memory_space<vmem>>
      %dma_start3A_66 = arith.constant 0 : i32
      %dma_start3A_67 = tpu.memref_slice %arg10[%add3A_23, %dma_start3A_66] : memref<10112x128xf32, #tpu.memory_space<vmem_shared>> -> memref<112x128xf32, #tpu.memory_space<vmem_shared>>
      %dma_start3A_68 = arith.constant 0 : i32
      %dma_start3A_69 = tpu.memref_slice %arg10[%add3A_23, %dma_start3A_68] : memref<10112x128xf32, #tpu.memory_space<vmem_shared>> -> memref<112x128xf32, #tpu.memory_space<vmem_shared>>
      %dma_start3A_70 = arith.constant 0 : i32
      %dma_start3A_71 = arith.constant 0 : i32
      %dma_start3A_72 = tpu.memref_slice %arg8[%dma_start3A_70, %dma_start3A_71] : memref<112x128xf32, #tpu.memory_space<vmem>> -> memref<112x128xf32, #tpu.memory_space<vmem>>
      tpu.enqueue_dma source(%dma_start3A_72 : memref<112x128xf32, #tpu.memory_space<vmem>>) target(%dma_start3A_69 : memref<112x128xf32, #tpu.memory_space<vmem_shared>>) target_semaphore(%run_scoped3A : memref<!tpu.dma_semaphore, #tpu.memory_space<semaphore_mem>>)
      %dma_wait3A = arith.constant 0 : i32
      %dma_wait3A_73 = arith.constant 0 : i32
      %dma_wait3A_74 = tpu.memref_slice %arg8[%dma_wait3A, %dma_wait3A_73] : memref<112x128xf32, #tpu.memory_space<vmem>> -> memref<112x128xf32, #tpu.memory_space<vmem>>
      %dma_wait3A_75 = arith.constant 0 : i32
      %dma_wait3A_76 = tpu.memref_slice %arg10[%add3A_23, %dma_wait3A_75] : memref<10112x128xf32, #tpu.memory_space<vmem_shared>> -> memref<112x128xf32, #tpu.memory_space<vmem_shared>>
      %dma_wait3A_77 = arith.constant 0 : i32
      %dma_wait3A_78 = tpu.memref_slice %arg10[%add3A_23, %dma_wait3A_77] : memref<10112x128xf32, #tpu.memory_space<vmem_shared>> -> memref<112x128xf32, #tpu.memory_space<vmem_shared>>
      %dma_wait3A_79 = arith.constant 0 : i32
      %dma_wait3A_80 = arith.constant 0 : i32
      %dma_wait3A_81 = tpu.memref_slice %arg8[%dma_wait3A_79, %dma_wait3A_80] : memref<112x128xf32, #tpu.memory_space<vmem>> -> memref<112x128xf32, #tpu.memory_space<vmem>>
      tpu.wait_dma2 semaphore(%run_scoped3A : memref<!tpu.dma_semaphore, #tpu.memory_space<semaphore_mem>>) src(%dma_wait3A_81 : memref<112x128xf32, #tpu.memory_space<vmem>>) dst(%dma_wait3A_78 : memref<112x128xf32, #tpu.memory_space<vmem_shared>>)
      tpu.yield
    }) : () -> ()
    %mul3A_24 = arith.constant 632 : i32
    %mul3A_25 = arith.muli %arg1, %mul3A_24 : i32
    %add3A_26 = arith.constant 448 : i32
    %add3A_27 = arith.addi %mul3A_25, %add3A_26 : i32
    "tpu.region"() ({
      %run_scoped3A = tpu.sem_alloc : memref<!tpu.dma_semaphore, #tpu.memory_space<semaphore_mem>>
      %dma_start3A = arith.constant 0 : i32
      %dma_start3A_64 = arith.constant 0 : i32
      %dma_start3A_65 = tpu.memref_slice %arg8[%dma_start3A, %dma_start3A_64] : memref<112x128xf32, #tpu.memory_space<vmem>> -> memref<112x128xf32, #tpu.memory_space<vmem>>
      %dma_start3A_66 = arith.constant 0 : i32
      %dma_start3A_67 = tpu.memref_slice %arg10[%add3A_27, %dma_start3A_66] : memref<10112x128xf32, #tpu.memory_space<vmem_shared>> -> memref<112x128xf32, #tpu.memory_space<vmem_shared>>
      %dma_start3A_68 = arith.constant 0 : i32
      %dma_start3A_69 = tpu.memref_slice %arg10[%add3A_27, %dma_start3A_68] : memref<10112x128xf32, #tpu.memory_space<vmem_shared>> -> memref<112x128xf32, #tpu.memory_space<vmem_shared>>
      %dma_start3A_70 = arith.constant 0 : i32
      %dma_start3A_71 = arith.constant 0 : i32
      %dma_start3A_72 = tpu.memref_slice %arg8[%dma_start3A_70, %dma_start3A_71] : memref<112x128xf32, #tpu.memory_space<vmem>> -> memref<112x128xf32, #tpu.memory_space<vmem>>
      tpu.enqueue_dma source(%dma_start3A_72 : memref<112x128xf32, #tpu.memory_space<vmem>>) target(%dma_start3A_69 : memref<112x128xf32, #tpu.memory_space<vmem_shared>>) target_semaphore(%run_scoped3A : memref<!tpu.dma_semaphore, #tpu.memory_space<semaphore_mem>>)
      %dma_wait3A = arith.constant 0 : i32
      %dma_wait3A_73 = arith.constant 0 : i32
      %dma_wait3A_74 = tpu.memref_slice %arg8[%dma_wait3A, %dma_wait3A_73] : memref<112x128xf32, #tpu.memory_space<vmem>> -> memref<112x128xf32, #tpu.memory_space<vmem>>
      %dma_wait3A_75 = arith.constant 0 : i32
      %dma_wait3A_76 = tpu.memref_slice %arg10[%add3A_27, %dma_wait3A_75] : memref<10112x128xf32, #tpu.memory_space<vmem_shared>> -> memref<112x128xf32, #tpu.memory_space<vmem_shared>>
      %dma_wait3A_77 = arith.constant 0 : i32
      %dma_wait3A_78 = tpu.memref_slice %arg10[%add3A_27, %dma_wait3A_77] : memref<10112x128xf32, #tpu.memory_space<vmem_shared>> -> memref<112x128xf32, #tpu.memory_space<vmem_shared>>
      %dma_wait3A_79 = arith.constant 0 : i32
      %dma_wait3A_80 = arith.constant 0 : i32
      %dma_wait3A_81 = tpu.memref_slice %arg8[%dma_wait3A_79, %dma_wait3A_80] : memref<112x128xf32, #tpu.memory_space<vmem>> -> memref<112x128xf32, #tpu.memory_space<vmem>>
      tpu.wait_dma2 semaphore(%run_scoped3A : memref<!tpu.dma_semaphore, #tpu.memory_space<semaphore_mem>>) src(%dma_wait3A_81 : memref<112x128xf32, #tpu.memory_space<vmem>>) dst(%dma_wait3A_78 : memref<112x128xf32, #tpu.memory_space<vmem_shared>>)
      tpu.yield
    }) : () -> ()
    %mul3A_28 = arith.constant 632 : i32
    %mul3A_29 = arith.muli %arg1, %mul3A_28 : i32
    %add3A_30 = arith.constant 560 : i32
    %add3A_31 = arith.addi %mul3A_29, %add3A_30 : i32
    "tpu.region"() ({
      %run_scoped3A = tpu.sem_alloc : memref<!tpu.dma_semaphore, #tpu.memory_space<semaphore_mem>>
      %dma_start3A = arith.constant 0 : i32
      %dma_start3A_64 = arith.constant 0 : i32
      %dma_start3A_65 = tpu.memref_slice %arg8[%dma_start3A, %dma_start3A_64] : memref<112x128xf32, #tpu.memory_space<vmem>> -> memref<72x128xf32, #tpu.memory_space<vmem>>
      %dma_start3A_66 = arith.constant 0 : i32
      %dma_start3A_67 = tpu.memref_slice %arg10[%add3A_31, %dma_start3A_66] : memref<10112x128xf32, #tpu.memory_space<vmem_shared>> -> memref<72x128xf32, #tpu.memory_space<vmem_shared>>
      %dma_start3A_68 = arith.constant 0 : i32
      %dma_start3A_69 = tpu.memref_slice %arg10[%add3A_31, %dma_start3A_68] : memref<10112x128xf32, #tpu.memory_space<vmem_shared>> -> memref<72x128xf32, #tpu.memory_space<vmem_shared>>
      %dma_start3A_70 = arith.constant 0 : i32
      %dma_start3A_71 = arith.constant 0 : i32
      %dma_start3A_72 = tpu.memref_slice %arg8[%dma_start3A_70, %dma_start3A_71] : memref<112x128xf32, #tpu.memory_space<vmem>> -> memref<72x128xf32, #tpu.memory_space<vmem>>
      tpu.enqueue_dma source(%dma_start3A_72 : memref<72x128xf32, #tpu.memory_space<vmem>>) target(%dma_start3A_69 : memref<72x128xf32, #tpu.memory_space<vmem_shared>>) target_semaphore(%run_scoped3A : memref<!tpu.dma_semaphore, #tpu.memory_space<semaphore_mem>>)
      %dma_wait3A = arith.constant 0 : i32
      %dma_wait3A_73 = arith.constant 0 : i32
      %dma_wait3A_74 = tpu.memref_slice %arg8[%dma_wait3A, %dma_wait3A_73] : memref<112x128xf32, #tpu.memory_space<vmem>> -> memref<72x128xf32, #tpu.memory_space<vmem>>
      %dma_wait3A_75 = arith.constant 0 : i32
      %dma_wait3A_76 = tpu.memref_slice %arg10[%add3A_31, %dma_wait3A_75] : memref<10112x128xf32, #tpu.memory_space<vmem_shared>> -> memref<72x128xf32, #tpu.memory_space<vmem_shared>>
      %dma_wait3A_77 = arith.constant 0 : i32
      %dma_wait3A_78 = tpu.memref_slice %arg10[%add3A_31, %dma_wait3A_77] : memref<10112x128xf32, #tpu.memory_space<vmem_shared>> -> memref<72x128xf32, #tpu.memory_space<vmem_shared>>
      %dma_wait3A_79 = arith.constant 0 : i32
      %dma_wait3A_80 = arith.constant 0 : i32
      %dma_wait3A_81 = tpu.memref_slice %arg8[%dma_wait3A_79, %dma_wait3A_80] : memref<112x128xf32, #tpu.memory_space<vmem>> -> memref<72x128xf32, #tpu.memory_space<vmem>>
      tpu.wait_dma2 semaphore(%run_scoped3A : memref<!tpu.dma_semaphore, #tpu.memory_space<semaphore_mem>>) src(%dma_wait3A_81 : memref<72x128xf32, #tpu.memory_space<vmem>>) dst(%dma_wait3A_78 : memref<72x128xf32, #tpu.memory_space<vmem_shared>>)
      tpu.yield
    }) : () -> ()
    "tpu.region"() ({
      %run_scoped3A = tpu.sem_alloc : memref<!tpu.dma_semaphore, #tpu.memory_space<semaphore_mem>>
      %dma_start3A = arith.constant 0 : i32
      %dma_start3A_64 = arith.constant 0 : i32
      %dma_start3A_65 = tpu.memref_slice %arg3[%add3A, %dma_start3A, %dma_start3A_64] : memref<32x90x112xi32, #tpu.memory_space<hbm>> -> memref<1x90x112xi32, #tpu.memory_space<hbm>>
      %dma_start3A_66 = tpu.memref_squeeze %dma_start3A_65 : memref<1x90x112xi32, #tpu.memory_space<hbm>> -> memref<90x112xi32, #tpu.memory_space<hbm>>
      %dma_start3A_67 = arith.constant 0 : i32
      %dma_start3A_68 = arith.constant 0 : i32
      %dma_start3A_69 = tpu.memref_slice %arg3[%add3A, %dma_start3A_67, %dma_start3A_68] : memref<32x90x112xi32, #tpu.memory_space<hbm>> -> memref<1x90x112xi32, #tpu.memory_space<hbm>>
      %dma_start3A_70 = tpu.memref_squeeze %dma_start3A_69 : memref<1x90x112xi32, #tpu.memory_space<hbm>> -> memref<90x112xi32, #tpu.memory_space<hbm>>
      tpu.enqueue_dma source(%dma_start3A_70 : memref<90x112xi32, #tpu.memory_space<hbm>>) target(%arg6 : memref<90x112xi32, #tpu.memory_space<vmem>>) target_semaphore(%run_scoped3A : memref<!tpu.dma_semaphore, #tpu.memory_space<semaphore_mem>>)
      %dma_wait3A = arith.constant 0 : i32
      %dma_wait3A_71 = arith.constant 0 : i32
      %dma_wait3A_72 = tpu.memref_slice %arg3[%add3A, %dma_wait3A, %dma_wait3A_71] : memref<32x90x112xi32, #tpu.memory_space<hbm>> -> memref<1x90x112xi32, #tpu.memory_space<hbm>>
      %dma_wait3A_73 = tpu.memref_squeeze %dma_wait3A_72 : memref<1x90x112xi32, #tpu.memory_space<hbm>> -> memref<90x112xi32, #tpu.memory_space<hbm>>
      %dma_wait3A_74 = arith.constant 0 : i32
      %dma_wait3A_75 = arith.constant 0 : i32
      %dma_wait3A_76 = tpu.memref_slice %arg3[%add3A, %dma_wait3A_74, %dma_wait3A_75] : memref<32x90x112xi32, #tpu.memory_space<hbm>> -> memref<1x90x112xi32, #tpu.memory_space<hbm>>
      %dma_wait3A_77 = tpu.memref_squeeze %dma_wait3A_76 : memref<1x90x112xi32, #tpu.memory_space<hbm>> -> memref<90x112xi32, #tpu.memory_space<hbm>>
      tpu.wait_dma2 semaphore(%run_scoped3A : memref<!tpu.dma_semaphore, #tpu.memory_space<semaphore_mem>>) src(%dma_wait3A_77 : memref<90x112xi32, #tpu.memory_space<hbm>>) dst(%arg6 : memref<90x112xi32, #tpu.memory_space<vmem>>)
      tpu.yield
    }) : () -> ()
    "tpu.region"() ({
      %run_scoped3A = tpu.sem_alloc : memref<!tpu.dma_semaphore, #tpu.memory_space<semaphore_mem>>
      %dma_start3A = arith.constant 0 : i32
      %dma_start3A_64 = arith.constant 0 : i32
      %dma_start3A_65 = tpu.memref_slice %arg4[%add3A, %dma_start3A, %dma_start3A_64] : memref<32x90x112xi32, #tpu.memory_space<hbm>> -> memref<1x90x112xi32, #tpu.memory_space<hbm>>
      %dma_start3A_66 = tpu.memref_squeeze %dma_start3A_65 : memref<1x90x112xi32, #tpu.memory_space<hbm>> -> memref<90x112xi32, #tpu.memory_space<hbm>>
      %dma_start3A_67 = arith.constant 0 : i32
      %dma_start3A_68 = arith.constant 0 : i32
      %dma_start3A_69 = tpu.memref_slice %arg4[%add3A, %dma_start3A_67, %dma_start3A_68] : memref<32x90x112xi32, #tpu.memory_space<hbm>> -> memref<1x90x112xi32, #tpu.memory_space<hbm>>
      %dma_start3A_70 = tpu.memref_squeeze %dma_start3A_69 : memref<1x90x112xi32, #tpu.memory_space<hbm>> -> memref<90x112xi32, #tpu.memory_space<hbm>>
      tpu.enqueue_dma source(%dma_start3A_70 : memref<90x112xi32, #tpu.memory_space<hbm>>) target(%arg7 : memref<90x112xi32, #tpu.memory_space<vmem>>) target_semaphore(%run_scoped3A : memref<!tpu.dma_semaphore, #tpu.memory_space<semaphore_mem>>)
      %dma_wait3A = arith.constant 0 : i32
      %dma_wait3A_71 = arith.constant 0 : i32
      %dma_wait3A_72 = tpu.memref_slice %arg4[%add3A, %dma_wait3A, %dma_wait3A_71] : memref<32x90x112xi32, #tpu.memory_space<hbm>> -> memref<1x90x112xi32, #tpu.memory_space<hbm>>
      %dma_wait3A_73 = tpu.memref_squeeze %dma_wait3A_72 : memref<1x90x112xi32, #tpu.memory_space<hbm>> -> memref<90x112xi32, #tpu.memory_space<hbm>>
      %dma_wait3A_74 = arith.constant 0 : i32
      %dma_wait3A_75 = arith.constant 0 : i32
      %dma_wait3A_76 = tpu.memref_slice %arg4[%add3A, %dma_wait3A_74, %dma_wait3A_75] : memref<32x90x112xi32, #tpu.memory_space<hbm>> -> memref<1x90x112xi32, #tpu.memory_space<hbm>>
      %dma_wait3A_77 = tpu.memref_squeeze %dma_wait3A_76 : memref<1x90x112xi32, #tpu.memory_space<hbm>> -> memref<90x112xi32, #tpu.memory_space<hbm>>
      tpu.wait_dma2 semaphore(%run_scoped3A : memref<!tpu.dma_semaphore, #tpu.memory_space<semaphore_mem>>) src(%dma_wait3A_77 : memref<90x112xi32, #tpu.memory_space<hbm>>) dst(%arg7 : memref<90x112xi32, #tpu.memory_space<vmem>>)
      tpu.yield
    }) : () -> ()
    %barrier3A = arith.constant 0 : index
    tpu.barrier barrier_id(%barrier3A)
    %scan3A_32 = arith.constant 0 : i32
    %scan3A_33 = arith.constant 0 : i32
    %scan3A_34 = arith.constant 90 : i32
    %scan3A_35 = arith.addi %scan3A_33, %scan3A_34 : i32
    %scan3A_36 = arith.constant 1 : i32
    %scan3A_37 = scf.for %scan3A_64 = %scan3A_33 to %scan3A_35 step %scan3A_36 iter_args(%scan3A_65 = %scan3A_32) -> (i32)  : i32 {
      %dma_start3A = arith.constant 0 : i32
      %dma_start3A_66 = tpu.memref_slice %arg6[%scan3A_64, %dma_start3A] : memref<90x112xi32, #tpu.memory_space<vmem>> -> memref<1x112xi32, #tpu.memory_space<vmem>>
      %dma_start3A_67 = tpu.memref_squeeze %dma_start3A_66 : memref<1x112xi32, #tpu.memory_space<vmem>> -> memref<112xi32, #tpu.memory_space<vmem>>
      %dma_start3A_68 = arith.constant 0 : i32
      %dma_start3A_69 = arith.constant 0 : i32
      %dma_start3A_70 = tpu.memref_slice %arg2[%dma_start3A_68, %dma_start3A_69] : memref<10000x128xf32, #tpu.memory_space<hbm>> -> memref<10000x128xf32, #tpu.memory_space<hbm>>
      tpu.enqueue_indirect_dma source(%dma_start3A_70 : memref<10000x128xf32, #tpu.memory_space<hbm>>) target(%arg8 : memref<112x128xf32, #tpu.memory_space<vmem>>) offsets(%dma_start3A_67 : memref<112xi32, #tpu.memory_space<vmem>>) semaphore(%arg9 : memref<!tpu.dma_semaphore, #tpu.memory_space<semaphore_mem>>)
      %dma_wait3A = arith.constant 0 : i32
      %dma_wait3A_71 = tpu.memref_slice %arg6[%scan3A_64, %dma_wait3A] : memref<90x112xi32, #tpu.memory_space<vmem>> -> memref<1x112xi32, #tpu.memory_space<vmem>>
      %dma_wait3A_72 = tpu.memref_squeeze %dma_wait3A_71 : memref<1x112xi32, #tpu.memory_space<vmem>> -> memref<112xi32, #tpu.memory_space<vmem>>
      %dma_wait3A_73 = arith.constant 0 : i32
      %dma_wait3A_74 = arith.constant 0 : i32
      %dma_wait3A_75 = tpu.memref_slice %arg2[%dma_wait3A_73, %dma_wait3A_74] : memref<10000x128xf32, #tpu.memory_space<hbm>> -> memref<10000x128xf32, #tpu.memory_space<hbm>>
      tpu.wait_indirect_dma semaphore(%arg9 : memref<!tpu.dma_semaphore, #tpu.memory_space<semaphore_mem>>) src(%dma_wait3A_75 : memref<10000x128xf32, #tpu.memory_space<hbm>>) dst(%arg8 : memref<112x128xf32, #tpu.memory_space<vmem>>)
      "tpu.region"() ({
        %run_scoped3A = tpu.sem_alloc : memref<!tpu.dma_semaphore, #tpu.memory_space<semaphore_mem>>
        %dma_start3A_77 = arith.constant 0 : i32
        %dma_start3A_78 = tpu.memref_slice %arg7[%scan3A_64, %dma_start3A_77] : memref<90x112xi32, #tpu.memory_space<vmem>> -> memref<1x112xi32, #tpu.memory_space<vmem>>
        %dma_start3A_79 = tpu.memref_squeeze %dma_start3A_78 : memref<1x112xi32, #tpu.memory_space<vmem>> -> memref<112xi32, #tpu.memory_space<vmem>>
        %dma_start3A_80 = arith.constant 0 : i32
        %dma_start3A_81 = arith.constant 0 : i32
        %dma_start3A_82 = tpu.memref_slice %arg10[%dma_start3A_80, %dma_start3A_81] : memref<10112x128xf32, #tpu.memory_space<vmem_shared>> -> memref<10112x128xf32, #tpu.memory_space<vmem_shared>>
        tpu.enqueue_indirect_dma source(%arg8 : memref<112x128xf32, #tpu.memory_space<vmem>>) target(%dma_start3A_82 : memref<10112x128xf32, #tpu.memory_space<vmem_shared>>) offsets(%dma_start3A_79 : memref<112xi32, #tpu.memory_space<vmem>>) semaphore(%run_scoped3A : memref<!tpu.dma_semaphore, #tpu.memory_space<semaphore_mem>>) {add = true}
        %dma_wait3A_83 = arith.constant 0 : i32
        %dma_wait3A_84 = tpu.memref_slice %arg7[%scan3A_64, %dma_wait3A_83] : memref<90x112xi32, #tpu.memory_space<vmem>> -> memref<1x112xi32, #tpu.memory_space<vmem>>
        %dma_wait3A_85 = tpu.memref_squeeze %dma_wait3A_84 : memref<1x112xi32, #tpu.memory_space<vmem>> -> memref<112xi32, #tpu.memory_space<vmem>>
        %dma_wait3A_86 = arith.constant 0 : i32
        %dma_wait3A_87 = arith.constant 0 : i32
        %dma_wait3A_88 = tpu.memref_slice %arg10[%dma_wait3A_86, %dma_wait3A_87] : memref<10112x128xf32, #tpu.memory_space<vmem_shared>> -> memref<10112x128xf32, #tpu.memory_space<vmem_shared>>
        tpu.wait_indirect_dma semaphore(%run_scoped3A : memref<!tpu.dma_semaphore, #tpu.memory_space<semaphore_mem>>) src(%arg8 : memref<112x128xf32, #tpu.memory_space<vmem>>) dst(%dma_wait3A_88 : memref<10112x128xf32, #tpu.memory_space<vmem_shared>>)
        tpu.yield
      }) : () -> ()
      %scan3A_76 = arith.constant 0 : i32
      scf.yield %scan3A_76 : i32
    }
    %scan3A_38 = arith.constant 90 : i32
    %barrier3A_39 = arith.constant 0 : index
    tpu.barrier barrier_id(%barrier3A_39)
    %mul3A_40 = arith.constant 632 : i32
    %mul3A_41 = arith.muli %arg1, %mul3A_40 : i32
    %add3A_42 = arith.constant 0 : i32
    %add3A_43 = arith.addi %mul3A_41, %add3A_42 : i32
    "tpu.region"() ({
      %run_scoped3A = tpu.sem_alloc : memref<!tpu.dma_semaphore, #tpu.memory_space<semaphore_mem>>
      %dma_start3A = arith.constant 0 : i32
      %dma_start3A_64 = arith.constant 0 : i32
      %dma_start3A_65 = tpu.memref_slice %arg8[%dma_start3A, %dma_start3A_64] : memref<112x128xf32, #tpu.memory_space<vmem>> -> memref<112x128xf32, #tpu.memory_space<vmem>>
      %dma_start3A_66 = arith.constant 0 : i32
      %dma_start3A_67 = tpu.memref_slice %arg10[%add3A_43, %dma_start3A_66] : memref<10112x128xf32, #tpu.memory_space<vmem_shared>> -> memref<112x128xf32, #tpu.memory_space<vmem_shared>>
      %dma_start3A_68 = arith.constant 0 : i32
      %dma_start3A_69 = arith.constant 0 : i32
      %dma_start3A_70 = tpu.memref_slice %arg8[%dma_start3A_68, %dma_start3A_69] : memref<112x128xf32, #tpu.memory_space<vmem>> -> memref<112x128xf32, #tpu.memory_space<vmem>>
      %dma_start3A_71 = arith.constant 0 : i32
      %dma_start3A_72 = tpu.memref_slice %arg10[%add3A_43, %dma_start3A_71] : memref<10112x128xf32, #tpu.memory_space<vmem_shared>> -> memref<112x128xf32, #tpu.memory_space<vmem_shared>>
      tpu.enqueue_dma source(%dma_start3A_72 : memref<112x128xf32, #tpu.memory_space<vmem_shared>>) target(%dma_start3A_70 : memref<112x128xf32, #tpu.memory_space<vmem>>) target_semaphore(%run_scoped3A : memref<!tpu.dma_semaphore, #tpu.memory_space<semaphore_mem>>)
      %dma_wait3A = arith.constant 0 : i32
      %dma_wait3A_73 = arith.constant 0 : i32
      %dma_wait3A_74 = tpu.memref_slice %arg8[%dma_wait3A, %dma_wait3A_73] : memref<112x128xf32, #tpu.memory_space<vmem>> -> memref<112x128xf32, #tpu.memory_space<vmem>>
      %dma_wait3A_75 = arith.constant 0 : i32
      %dma_wait3A_76 = tpu.memref_slice %arg10[%add3A_43, %dma_wait3A_75] : memref<10112x128xf32, #tpu.memory_space<vmem_shared>> -> memref<112x128xf32, #tpu.memory_space<vmem_shared>>
      %dma_wait3A_77 = arith.constant 0 : i32
      %dma_wait3A_78 = arith.constant 0 : i32
      %dma_wait3A_79 = tpu.memref_slice %arg8[%dma_wait3A_77, %dma_wait3A_78] : memref<112x128xf32, #tpu.memory_space<vmem>> -> memref<112x128xf32, #tpu.memory_space<vmem>>
      %dma_wait3A_80 = arith.constant 0 : i32
      %dma_wait3A_81 = tpu.memref_slice %arg10[%add3A_43, %dma_wait3A_80] : memref<10112x128xf32, #tpu.memory_space<vmem_shared>> -> memref<112x128xf32, #tpu.memory_space<vmem_shared>>
      tpu.wait_dma2 semaphore(%run_scoped3A : memref<!tpu.dma_semaphore, #tpu.memory_space<semaphore_mem>>) src(%dma_wait3A_81 : memref<112x128xf32, #tpu.memory_space<vmem_shared>>) dst(%dma_wait3A_79 : memref<112x128xf32, #tpu.memory_space<vmem>>)
      tpu.yield
    }) : () -> ()
    "tpu.region"() ({
      %run_scoped3A = tpu.sem_alloc : memref<!tpu.dma_semaphore, #tpu.memory_space<semaphore_mem>>
      %dma_start3A = arith.constant 0 : i32
      %dma_start3A_64 = arith.constant 0 : i32
      %dma_start3A_65 = tpu.memref_slice %arg8[%dma_start3A, %dma_start3A_64] : memref<112x128xf32, #tpu.memory_space<vmem>> -> memref<112x128xf32, #tpu.memory_space<vmem>>
      %dma_start3A_66 = arith.constant 0 : i32
      %dma_start3A_67 = tpu.memref_slice %arg5[%arg0, %add3A_43, %dma_start3A_66] : memref<2x10112x128xf32, #tpu.memory_space<hbm>> -> memref<1x112x128xf32, #tpu.memory_space<hbm>>
      %dma_start3A_68 = tpu.memref_squeeze %dma_start3A_67 : memref<1x112x128xf32, #tpu.memory_space<hbm>> -> memref<112x128xf32, #tpu.memory_space<hbm>>
      %dma_start3A_69 = arith.constant 0 : i32
      %dma_start3A_70 = tpu.memref_slice %arg5[%arg0, %add3A_43, %dma_start3A_69] : memref<2x10112x128xf32, #tpu.memory_space<hbm>> -> memref<1x112x128xf32, #tpu.memory_space<hbm>>
      %dma_start3A_71 = tpu.memref_squeeze %dma_start3A_70 : memref<1x112x128xf32, #tpu.memory_space<hbm>> -> memref<112x128xf32, #tpu.memory_space<hbm>>
      %dma_start3A_72 = arith.constant 0 : i32
      %dma_start3A_73 = arith.constant 0 : i32
      %dma_start3A_74 = tpu.memref_slice %arg8[%dma_start3A_72, %dma_start3A_73] : memref<112x128xf32, #tpu.memory_space<vmem>> -> memref<112x128xf32, #tpu.memory_space<vmem>>
      tpu.enqueue_dma source(%dma_start3A_74 : memref<112x128xf32, #tpu.memory_space<vmem>>) target(%dma_start3A_71 : memref<112x128xf32, #tpu.memory_space<hbm>>) target_semaphore(%run_scoped3A : memref<!tpu.dma_semaphore, #tpu.memory_space<semaphore_mem>>)
      %dma_wait3A = arith.constant 0 : i32
      %dma_wait3A_75 = arith.constant 0 : i32
      %dma_wait3A_76 = tpu.memref_slice %arg8[%dma_wait3A, %dma_wait3A_75] : memref<112x128xf32, #tpu.memory_space<vmem>> -> memref<112x128xf32, #tpu.memory_space<vmem>>
      %dma_wait3A_77 = arith.constant 0 : i32
      %dma_wait3A_78 = tpu.memref_slice %arg5[%arg0, %add3A_43, %dma_wait3A_77] : memref<2x10112x128xf32, #tpu.memory_space<hbm>> -> memref<1x112x128xf32, #tpu.memory_space<hbm>>
      %dma_wait3A_79 = tpu.memref_squeeze %dma_wait3A_78 : memref<1x112x128xf32, #tpu.memory_space<hbm>> -> memref<112x128xf32, #tpu.memory_space<hbm>>
      %dma_wait3A_80 = arith.constant 0 : i32
      %dma_wait3A_81 = tpu.memref_slice %arg5[%arg0, %add3A_43, %dma_wait3A_80] : memref<2x10112x128xf32, #tpu.memory_space<hbm>> -> memref<1x112x128xf32, #tpu.memory_space<hbm>>
      %dma_wait3A_82 = tpu.memref_squeeze %dma_wait3A_81 : memref<1x112x128xf32, #tpu.memory_space<hbm>> -> memref<112x128xf32, #tpu.memory_space<hbm>>
      %dma_wait3A_83 = arith.constant 0 : i32
      %dma_wait3A_84 = arith.constant 0 : i32
      %dma_wait3A_85 = tpu.memref_slice %arg8[%dma_wait3A_83, %dma_wait3A_84] : memref<112x128xf32, #tpu.memory_space<vmem>> -> memref<112x128xf32, #tpu.memory_space<vmem>>
      tpu.wait_dma2 semaphore(%run_scoped3A : memref<!tpu.dma_semaphore, #tpu.memory_space<semaphore_mem>>) src(%dma_wait3A_85 : memref<112x128xf32, #tpu.memory_space<vmem>>) dst(%dma_wait3A_82 : memref<112x128xf32, #tpu.memory_space<hbm>>)
      tpu.yield
    }) : () -> ()
    %mul3A_44 = arith.constant 632 : i32
    %mul3A_45 = arith.muli %arg1, %mul3A_44 : i32
    %add3A_46 = arith.constant 112 : i32
    %add3A_47 = arith.addi %mul3A_45, %add3A_46 : i32
    "tpu.region"() ({
      %run_scoped3A = tpu.sem_alloc : memref<!tpu.dma_semaphore, #tpu.memory_space<semaphore_mem>>
      %dma_start3A = arith.constant 0 : i32
      %dma_start3A_64 = arith.constant 0 : i32
      %dma_start3A_65 = tpu.memref_slice %arg8[%dma_start3A, %dma_start3A_64] : memref<112x128xf32, #tpu.memory_space<vmem>> -> memref<112x128xf32, #tpu.memory_space<vmem>>
      %dma_start3A_66 = arith.constant 0 : i32
      %dma_start3A_67 = tpu.memref_slice %arg10[%add3A_47, %dma_start3A_66] : memref<10112x128xf32, #tpu.memory_space<vmem_shared>> -> memref<112x128xf32, #tpu.memory_space<vmem_shared>>
      %dma_start3A_68 = arith.constant 0 : i32
      %dma_start3A_69 = arith.constant 0 : i32
      %dma_start3A_70 = tpu.memref_slice %arg8[%dma_start3A_68, %dma_start3A_69] : memref<112x128xf32, #tpu.memory_space<vmem>> -> memref<112x128xf32, #tpu.memory_space<vmem>>
      %dma_start3A_71 = arith.constant 0 : i32
      %dma_start3A_72 = tpu.memref_slice %arg10[%add3A_47, %dma_start3A_71] : memref<10112x128xf32, #tpu.memory_space<vmem_shared>> -> memref<112x128xf32, #tpu.memory_space<vmem_shared>>
      tpu.enqueue_dma source(%dma_start3A_72 : memref<112x128xf32, #tpu.memory_space<vmem_shared>>) target(%dma_start3A_70 : memref<112x128xf32, #tpu.memory_space<vmem>>) target_semaphore(%run_scoped3A : memref<!tpu.dma_semaphore, #tpu.memory_space<semaphore_mem>>)
      %dma_wait3A = arith.constant 0 : i32
      %dma_wait3A_73 = arith.constant 0 : i32
      %dma_wait3A_74 = tpu.memref_slice %arg8[%dma_wait3A, %dma_wait3A_73] : memref<112x128xf32, #tpu.memory_space<vmem>> -> memref<112x128xf32, #tpu.memory_space<vmem>>
      %dma_wait3A_75 = arith.constant 0 : i32
      %dma_wait3A_76 = tpu.memref_slice %arg10[%add3A_47, %dma_wait3A_75] : memref<10112x128xf32, #tpu.memory_space<vmem_shared>> -> memref<112x128xf32, #tpu.memory_space<vmem_shared>>
      %dma_wait3A_77 = arith.constant 0 : i32
      %dma_wait3A_78 = arith.constant 0 : i32
      %dma_wait3A_79 = tpu.memref_slice %arg8[%dma_wait3A_77, %dma_wait3A_78] : memref<112x128xf32, #tpu.memory_space<vmem>> -> memref<112x128xf32, #tpu.memory_space<vmem>>
      %dma_wait3A_80 = arith.constant 0 : i32
      %dma_wait3A_81 = tpu.memref_slice %arg10[%add3A_47, %dma_wait3A_80] : memref<10112x128xf32, #tpu.memory_space<vmem_shared>> -> memref<112x128xf32, #tpu.memory_space<vmem_shared>>
      tpu.wait_dma2 semaphore(%run_scoped3A : memref<!tpu.dma_semaphore, #tpu.memory_space<semaphore_mem>>) src(%dma_wait3A_81 : memref<112x128xf32, #tpu.memory_space<vmem_shared>>) dst(%dma_wait3A_79 : memref<112x128xf32, #tpu.memory_space<vmem>>)
      tpu.yield
    }) : () -> ()
    "tpu.region"() ({
      %run_scoped3A = tpu.sem_alloc : memref<!tpu.dma_semaphore, #tpu.memory_space<semaphore_mem>>
      %dma_start3A = arith.constant 0 : i32
      %dma_start3A_64 = arith.constant 0 : i32
      %dma_start3A_65 = tpu.memref_slice %arg8[%dma_start3A, %dma_start3A_64] : memref<112x128xf32, #tpu.memory_space<vmem>> -> memref<112x128xf32, #tpu.memory_space<vmem>>
      %dma_start3A_66 = arith.constant 0 : i32
      %dma_start3A_67 = tpu.memref_slice %arg5[%arg0, %add3A_47, %dma_start3A_66] : memref<2x10112x128xf32, #tpu.memory_space<hbm>> -> memref<1x112x128xf32, #tpu.memory_space<hbm>>
      %dma_start3A_68 = tpu.memref_squeeze %dma_start3A_67 : memref<1x112x128xf32, #tpu.memory_space<hbm>> -> memref<112x128xf32, #tpu.memory_space<hbm>>
      %dma_start3A_69 = arith.constant 0 : i32
      %dma_start3A_70 = tpu.memref_slice %arg5[%arg0, %add3A_47, %dma_start3A_69] : memref<2x10112x128xf32, #tpu.memory_space<hbm>> -> memref<1x112x128xf32, #tpu.memory_space<hbm>>
      %dma_start3A_71 = tpu.memref_squeeze %dma_start3A_70 : memref<1x112x128xf32, #tpu.memory_space<hbm>> -> memref<112x128xf32, #tpu.memory_space<hbm>>
      %dma_start3A_72 = arith.constant 0 : i32
      %dma_start3A_73 = arith.constant 0 : i32
      %dma_start3A_74 = tpu.memref_slice %arg8[%dma_start3A_72, %dma_start3A_73] : memref<112x128xf32, #tpu.memory_space<vmem>> -> memref<112x128xf32, #tpu.memory_space<vmem>>
      tpu.enqueue_dma source(%dma_start3A_74 : memref<112x128xf32, #tpu.memory_space<vmem>>) target(%dma_start3A_71 : memref<112x128xf32, #tpu.memory_space<hbm>>) target_semaphore(%run_scoped3A : memref<!tpu.dma_semaphore, #tpu.memory_space<semaphore_mem>>)
      %dma_wait3A = arith.constant 0 : i32
      %dma_wait3A_75 = arith.constant 0 : i32
      %dma_wait3A_76 = tpu.memref_slice %arg8[%dma_wait3A, %dma_wait3A_75] : memref<112x128xf32, #tpu.memory_space<vmem>> -> memref<112x128xf32, #tpu.memory_space<vmem>>
      %dma_wait3A_77 = arith.constant 0 : i32
      %dma_wait3A_78 = tpu.memref_slice %arg5[%arg0, %add3A_47, %dma_wait3A_77] : memref<2x10112x128xf32, #tpu.memory_space<hbm>> -> memref<1x112x128xf32, #tpu.memory_space<hbm>>
      %dma_wait3A_79 = tpu.memref_squeeze %dma_wait3A_78 : memref<1x112x128xf32, #tpu.memory_space<hbm>> -> memref<112x128xf32, #tpu.memory_space<hbm>>
      %dma_wait3A_80 = arith.constant 0 : i32
      %dma_wait3A_81 = tpu.memref_slice %arg5[%arg0, %add3A_47, %dma_wait3A_80] : memref<2x10112x128xf32, #tpu.memory_space<hbm>> -> memref<1x112x128xf32, #tpu.memory_space<hbm>>
      %dma_wait3A_82 = tpu.memref_squeeze %dma_wait3A_81 : memref<1x112x128xf32, #tpu.memory_space<hbm>> -> memref<112x128xf32, #tpu.memory_space<hbm>>
      %dma_wait3A_83 = arith.constant 0 : i32
      %dma_wait3A_84 = arith.constant 0 : i32
      %dma_wait3A_85 = tpu.memref_slice %arg8[%dma_wait3A_83, %dma_wait3A_84] : memref<112x128xf32, #tpu.memory_space<vmem>> -> memref<112x128xf32, #tpu.memory_space<vmem>>
      tpu.wait_dma2 semaphore(%run_scoped3A : memref<!tpu.dma_semaphore, #tpu.memory_space<semaphore_mem>>) src(%dma_wait3A_85 : memref<112x128xf32, #tpu.memory_space<vmem>>) dst(%dma_wait3A_82 : memref<112x128xf32, #tpu.memory_space<hbm>>)
      tpu.yield
    }) : () -> ()
    %mul3A_48 = arith.constant 632 : i32
    %mul3A_49 = arith.muli %arg1, %mul3A_48 : i32
    %add3A_50 = arith.constant 224 : i32
    %add3A_51 = arith.addi %mul3A_49, %add3A_50 : i32
    "tpu.region"() ({
      %run_scoped3A = tpu.sem_alloc : memref<!tpu.dma_semaphore, #tpu.memory_space<semaphore_mem>>
      %dma_start3A = arith.constant 0 : i32
      %dma_start3A_64 = arith.constant 0 : i32
      %dma_start3A_65 = tpu.memref_slice %arg8[%dma_start3A, %dma_start3A_64] : memref<112x128xf32, #tpu.memory_space<vmem>> -> memref<112x128xf32, #tpu.memory_space<vmem>>
      %dma_start3A_66 = arith.constant 0 : i32
      %dma_start3A_67 = tpu.memref_slice %arg10[%add3A_51, %dma_start3A_66] : memref<10112x128xf32, #tpu.memory_space<vmem_shared>> -> memref<112x128xf32, #tpu.memory_space<vmem_shared>>
      %dma_start3A_68 = arith.constant 0 : i32
      %dma_start3A_69 = arith.constant 0 : i32
      %dma_start3A_70 = tpu.memref_slice %arg8[%dma_start3A_68, %dma_start3A_69] : memref<112x128xf32, #tpu.memory_space<vmem>> -> memref<112x128xf32, #tpu.memory_space<vmem>>
      %dma_start3A_71 = arith.constant 0 : i32
      %dma_start3A_72 = tpu.memref_slice %arg10[%add3A_51, %dma_start3A_71] : memref<10112x128xf32, #tpu.memory_space<vmem_shared>> -> memref<112x128xf32, #tpu.memory_space<vmem_shared>>
      tpu.enqueue_dma source(%dma_start3A_72 : memref<112x128xf32, #tpu.memory_space<vmem_shared>>) target(%dma_start3A_70 : memref<112x128xf32, #tpu.memory_space<vmem>>) target_semaphore(%run_scoped3A : memref<!tpu.dma_semaphore, #tpu.memory_space<semaphore_mem>>)
      %dma_wait3A = arith.constant 0 : i32
      %dma_wait3A_73 = arith.constant 0 : i32
      %dma_wait3A_74 = tpu.memref_slice %arg8[%dma_wait3A, %dma_wait3A_73] : memref<112x128xf32, #tpu.memory_space<vmem>> -> memref<112x128xf32, #tpu.memory_space<vmem>>
      %dma_wait3A_75 = arith.constant 0 : i32
      %dma_wait3A_76 = tpu.memref_slice %arg10[%add3A_51, %dma_wait3A_75] : memref<10112x128xf32, #tpu.memory_space<vmem_shared>> -> memref<112x128xf32, #tpu.memory_space<vmem_shared>>
      %dma_wait3A_77 = arith.constant 0 : i32
      %dma_wait3A_78 = arith.constant 0 : i32
      %dma_wait3A_79 = tpu.memref_slice %arg8[%dma_wait3A_77, %dma_wait3A_78] : memref<112x128xf32, #tpu.memory_space<vmem>> -> memref<112x128xf32, #tpu.memory_space<vmem>>
      %dma_wait3A_80 = arith.constant 0 : i32
      %dma_wait3A_81 = tpu.memref_slice %arg10[%add3A_51, %dma_wait3A_80] : memref<10112x128xf32, #tpu.memory_space<vmem_shared>> -> memref<112x128xf32, #tpu.memory_space<vmem_shared>>
      tpu.wait_dma2 semaphore(%run_scoped3A : memref<!tpu.dma_semaphore, #tpu.memory_space<semaphore_mem>>) src(%dma_wait3A_81 : memref<112x128xf32, #tpu.memory_space<vmem_shared>>) dst(%dma_wait3A_79 : memref<112x128xf32, #tpu.memory_space<vmem>>)
      tpu.yield
    }) : () -> ()
    "tpu.region"() ({
      %run_scoped3A = tpu.sem_alloc : memref<!tpu.dma_semaphore, #tpu.memory_space<semaphore_mem>>
      %dma_start3A = arith.constant 0 : i32
      %dma_start3A_64 = arith.constant 0 : i32
      %dma_start3A_65 = tpu.memref_slice %arg8[%dma_start3A, %dma_start3A_64] : memref<112x128xf32, #tpu.memory_space<vmem>> -> memref<112x128xf32, #tpu.memory_space<vmem>>
      %dma_start3A_66 = arith.constant 0 : i32
      %dma_start3A_67 = tpu.memref_slice %arg5[%arg0, %add3A_51, %dma_start3A_66] : memref<2x10112x128xf32, #tpu.memory_space<hbm>> -> memref<1x112x128xf32, #tpu.memory_space<hbm>>
      %dma_start3A_68 = tpu.memref_squeeze %dma_start3A_67 : memref<1x112x128xf32, #tpu.memory_space<hbm>> -> memref<112x128xf32, #tpu.memory_space<hbm>>
      %dma_start3A_69 = arith.constant 0 : i32
      %dma_start3A_70 = tpu.memref_slice %arg5[%arg0, %add3A_51, %dma_start3A_69] : memref<2x10112x128xf32, #tpu.memory_space<hbm>> -> memref<1x112x128xf32, #tpu.memory_space<hbm>>
      %dma_start3A_71 = tpu.memref_squeeze %dma_start3A_70 : memref<1x112x128xf32, #tpu.memory_space<hbm>> -> memref<112x128xf32, #tpu.memory_space<hbm>>
      %dma_start3A_72 = arith.constant 0 : i32
      %dma_start3A_73 = arith.constant 0 : i32
      %dma_start3A_74 = tpu.memref_slice %arg8[%dma_start3A_72, %dma_start3A_73] : memref<112x128xf32, #tpu.memory_space<vmem>> -> memref<112x128xf32, #tpu.memory_space<vmem>>
      tpu.enqueue_dma source(%dma_start3A_74 : memref<112x128xf32, #tpu.memory_space<vmem>>) target(%dma_start3A_71 : memref<112x128xf32, #tpu.memory_space<hbm>>) target_semaphore(%run_scoped3A : memref<!tpu.dma_semaphore, #tpu.memory_space<semaphore_mem>>)
      %dma_wait3A = arith.constant 0 : i32
      %dma_wait3A_75 = arith.constant 0 : i32
      %dma_wait3A_76 = tpu.memref_slice %arg8[%dma_wait3A, %dma_wait3A_75] : memref<112x128xf32, #tpu.memory_space<vmem>> -> memref<112x128xf32, #tpu.memory_space<vmem>>
      %dma_wait3A_77 = arith.constant 0 : i32
      %dma_wait3A_78 = tpu.memref_slice %arg5[%arg0, %add3A_51, %dma_wait3A_77] : memref<2x10112x128xf32, #tpu.memory_space<hbm>> -> memref<1x112x128xf32, #tpu.memory_space<hbm>>
      %dma_wait3A_79 = tpu.memref_squeeze %dma_wait3A_78 : memref<1x112x128xf32, #tpu.memory_space<hbm>> -> memref<112x128xf32, #tpu.memory_space<hbm>>
      %dma_wait3A_80 = arith.constant 0 : i32
      %dma_wait3A_81 = tpu.memref_slice %arg5[%arg0, %add3A_51, %dma_wait3A_80] : memref<2x10112x128xf32, #tpu.memory_space<hbm>> -> memref<1x112x128xf32, #tpu.memory_space<hbm>>
      %dma_wait3A_82 = tpu.memref_squeeze %dma_wait3A_81 : memref<1x112x128xf32, #tpu.memory_space<hbm>> -> memref<112x128xf32, #tpu.memory_space<hbm>>
      %dma_wait3A_83 = arith.constant 0 : i32
      %dma_wait3A_84 = arith.constant 0 : i32
      %dma_wait3A_85 = tpu.memref_slice %arg8[%dma_wait3A_83, %dma_wait3A_84] : memref<112x128xf32, #tpu.memory_space<vmem>> -> memref<112x128xf32, #tpu.memory_space<vmem>>
      tpu.wait_dma2 semaphore(%run_scoped3A : memref<!tpu.dma_semaphore, #tpu.memory_space<semaphore_mem>>) src(%dma_wait3A_85 : memref<112x128xf32, #tpu.memory_space<vmem>>) dst(%dma_wait3A_82 : memref<112x128xf32, #tpu.memory_space<hbm>>)
      tpu.yield
    }) : () -> ()
    %mul3A_52 = arith.constant 632 : i32
    %mul3A_53 = arith.muli %arg1, %mul3A_52 : i32
    %add3A_54 = arith.constant 336 : i32
    %add3A_55 = arith.addi %mul3A_53, %add3A_54 : i32
    "tpu.region"() ({
      %run_scoped3A = tpu.sem_alloc : memref<!tpu.dma_semaphore, #tpu.memory_space<semaphore_mem>>
      %dma_start3A = arith.constant 0 : i32
      %dma_start3A_64 = arith.constant 0 : i32
      %dma_start3A_65 = tpu.memref_slice %arg8[%dma_start3A, %dma_start3A_64] : memref<112x128xf32, #tpu.memory_space<vmem>> -> memref<112x128xf32, #tpu.memory_space<vmem>>
      %dma_start3A_66 = arith.constant 0 : i32
      %dma_start3A_67 = tpu.memref_slice %arg10[%add3A_55, %dma_start3A_66] : memref<10112x128xf32, #tpu.memory_space<vmem_shared>> -> memref<112x128xf32, #tpu.memory_space<vmem_shared>>
      %dma_start3A_68 = arith.constant 0 : i32
      %dma_start3A_69 = arith.constant 0 : i32
      %dma_start3A_70 = tpu.memref_slice %arg8[%dma_start3A_68, %dma_start3A_69] : memref<112x128xf32, #tpu.memory_space<vmem>> -> memref<112x128xf32, #tpu.memory_space<vmem>>
      %dma_start3A_71 = arith.constant 0 : i32
      %dma_start3A_72 = tpu.memref_slice %arg10[%add3A_55, %dma_start3A_71] : memref<10112x128xf32, #tpu.memory_space<vmem_shared>> -> memref<112x128xf32, #tpu.memory_space<vmem_shared>>
      tpu.enqueue_dma source(%dma_start3A_72 : memref<112x128xf32, #tpu.memory_space<vmem_shared>>) target(%dma_start3A_70 : memref<112x128xf32, #tpu.memory_space<vmem>>) target_semaphore(%run_scoped3A : memref<!tpu.dma_semaphore, #tpu.memory_space<semaphore_mem>>)
      %dma_wait3A = arith.constant 0 : i32
      %dma_wait3A_73 = arith.constant 0 : i32
      %dma_wait3A_74 = tpu.memref_slice %arg8[%dma_wait3A, %dma_wait3A_73] : memref<112x128xf32, #tpu.memory_space<vmem>> -> memref<112x128xf32, #tpu.memory_space<vmem>>
      %dma_wait3A_75 = arith.constant 0 : i32
      %dma_wait3A_76 = tpu.memref_slice %arg10[%add3A_55, %dma_wait3A_75] : memref<10112x128xf32, #tpu.memory_space<vmem_shared>> -> memref<112x128xf32, #tpu.memory_space<vmem_shared>>
      %dma_wait3A_77 = arith.constant 0 : i32
      %dma_wait3A_78 = arith.constant 0 : i32
      %dma_wait3A_79 = tpu.memref_slice %arg8[%dma_wait3A_77, %dma_wait3A_78] : memref<112x128xf32, #tpu.memory_space<vmem>> -> memref<112x128xf32, #tpu.memory_space<vmem>>
      %dma_wait3A_80 = arith.constant 0 : i32
      %dma_wait3A_81 = tpu.memref_slice %arg10[%add3A_55, %dma_wait3A_80] : memref<10112x128xf32, #tpu.memory_space<vmem_shared>> -> memref<112x128xf32, #tpu.memory_space<vmem_shared>>
      tpu.wait_dma2 semaphore(%run_scoped3A : memref<!tpu.dma_semaphore, #tpu.memory_space<semaphore_mem>>) src(%dma_wait3A_81 : memref<112x128xf32, #tpu.memory_space<vmem_shared>>) dst(%dma_wait3A_79 : memref<112x128xf32, #tpu.memory_space<vmem>>)
      tpu.yield
    }) : () -> ()
    "tpu.region"() ({
      %run_scoped3A = tpu.sem_alloc : memref<!tpu.dma_semaphore, #tpu.memory_space<semaphore_mem>>
      %dma_start3A = arith.constant 0 : i32
      %dma_start3A_64 = arith.constant 0 : i32
      %dma_start3A_65 = tpu.memref_slice %arg8[%dma_start3A, %dma_start3A_64] : memref<112x128xf32, #tpu.memory_space<vmem>> -> memref<112x128xf32, #tpu.memory_space<vmem>>
      %dma_start3A_66 = arith.constant 0 : i32
      %dma_start3A_67 = tpu.memref_slice %arg5[%arg0, %add3A_55, %dma_start3A_66] : memref<2x10112x128xf32, #tpu.memory_space<hbm>> -> memref<1x112x128xf32, #tpu.memory_space<hbm>>
      %dma_start3A_68 = tpu.memref_squeeze %dma_start3A_67 : memref<1x112x128xf32, #tpu.memory_space<hbm>> -> memref<112x128xf32, #tpu.memory_space<hbm>>
      %dma_start3A_69 = arith.constant 0 : i32
      %dma_start3A_70 = tpu.memref_slice %arg5[%arg0, %add3A_55, %dma_start3A_69] : memref<2x10112x128xf32, #tpu.memory_space<hbm>> -> memref<1x112x128xf32, #tpu.memory_space<hbm>>
      %dma_start3A_71 = tpu.memref_squeeze %dma_start3A_70 : memref<1x112x128xf32, #tpu.memory_space<hbm>> -> memref<112x128xf32, #tpu.memory_space<hbm>>
      %dma_start3A_72 = arith.constant 0 : i32
      %dma_start3A_73 = arith.constant 0 : i32
      %dma_start3A_74 = tpu.memref_slice %arg8[%dma_start3A_72, %dma_start3A_73] : memref<112x128xf32, #tpu.memory_space<vmem>> -> memref<112x128xf32, #tpu.memory_space<vmem>>
      tpu.enqueue_dma source(%dma_start3A_74 : memref<112x128xf32, #tpu.memory_space<vmem>>) target(%dma_start3A_71 : memref<112x128xf32, #tpu.memory_space<hbm>>) target_semaphore(%run_scoped3A : memref<!tpu.dma_semaphore, #tpu.memory_space<semaphore_mem>>)
      %dma_wait3A = arith.constant 0 : i32
      %dma_wait3A_75 = arith.constant 0 : i32
      %dma_wait3A_76 = tpu.memref_slice %arg8[%dma_wait3A, %dma_wait3A_75] : memref<112x128xf32, #tpu.memory_space<vmem>> -> memref<112x128xf32, #tpu.memory_space<vmem>>
      %dma_wait3A_77 = arith.constant 0 : i32
      %dma_wait3A_78 = tpu.memref_slice %arg5[%arg0, %add3A_55, %dma_wait3A_77] : memref<2x10112x128xf32, #tpu.memory_space<hbm>> -> memref<1x112x128xf32, #tpu.memory_space<hbm>>
      %dma_wait3A_79 = tpu.memref_squeeze %dma_wait3A_78 : memref<1x112x128xf32, #tpu.memory_space<hbm>> -> memref<112x128xf32, #tpu.memory_space<hbm>>
      %dma_wait3A_80 = arith.constant 0 : i32
      %dma_wait3A_81 = tpu.memref_slice %arg5[%arg0, %add3A_55, %dma_wait3A_80] : memref<2x10112x128xf32, #tpu.memory_space<hbm>> -> memref<1x112x128xf32, #tpu.memory_space<hbm>>
      %dma_wait3A_82 = tpu.memref_squeeze %dma_wait3A_81 : memref<1x112x128xf32, #tpu.memory_space<hbm>> -> memref<112x128xf32, #tpu.memory_space<hbm>>
      %dma_wait3A_83 = arith.constant 0 : i32
      %dma_wait3A_84 = arith.constant 0 : i32
      %dma_wait3A_85 = tpu.memref_slice %arg8[%dma_wait3A_83, %dma_wait3A_84] : memref<112x128xf32, #tpu.memory_space<vmem>> -> memref<112x128xf32, #tpu.memory_space<vmem>>
      tpu.wait_dma2 semaphore(%run_scoped3A : memref<!tpu.dma_semaphore, #tpu.memory_space<semaphore_mem>>) src(%dma_wait3A_85 : memref<112x128xf32, #tpu.memory_space<vmem>>) dst(%dma_wait3A_82 : memref<112x128xf32, #tpu.memory_space<hbm>>)
      tpu.yield
    }) : () -> ()
    %mul3A_56 = arith.constant 632 : i32
    %mul3A_57 = arith.muli %arg1, %mul3A_56 : i32
    %add3A_58 = arith.constant 448 : i32
    %add3A_59 = arith.addi %mul3A_57, %add3A_58 : i32
    "tpu.region"() ({
      %run_scoped3A = tpu.sem_alloc : memref<!tpu.dma_semaphore, #tpu.memory_space<semaphore_mem>>
      %dma_start3A = arith.constant 0 : i32
      %dma_start3A_64 = arith.constant 0 : i32
      %dma_start3A_65 = tpu.memref_slice %arg8[%dma_start3A, %dma_start3A_64] : memref<112x128xf32, #tpu.memory_space<vmem>> -> memref<112x128xf32, #tpu.memory_space<vmem>>
      %dma_start3A_66 = arith.constant 0 : i32
      %dma_start3A_67 = tpu.memref_slice %arg10[%add3A_59, %dma_start3A_66] : memref<10112x128xf32, #tpu.memory_space<vmem_shared>> -> memref<112x128xf32, #tpu.memory_space<vmem_shared>>
      %dma_start3A_68 = arith.constant 0 : i32
      %dma_start3A_69 = arith.constant 0 : i32
      %dma_start3A_70 = tpu.memref_slice %arg8[%dma_start3A_68, %dma_start3A_69] : memref<112x128xf32, #tpu.memory_space<vmem>> -> memref<112x128xf32, #tpu.memory_space<vmem>>
      %dma_start3A_71 = arith.constant 0 : i32
      %dma_start3A_72 = tpu.memref_slice %arg10[%add3A_59, %dma_start3A_71] : memref<10112x128xf32, #tpu.memory_space<vmem_shared>> -> memref<112x128xf32, #tpu.memory_space<vmem_shared>>
      tpu.enqueue_dma source(%dma_start3A_72 : memref<112x128xf32, #tpu.memory_space<vmem_shared>>) target(%dma_start3A_70 : memref<112x128xf32, #tpu.memory_space<vmem>>) target_semaphore(%run_scoped3A : memref<!tpu.dma_semaphore, #tpu.memory_space<semaphore_mem>>)
      %dma_wait3A = arith.constant 0 : i32
      %dma_wait3A_73 = arith.constant 0 : i32
      %dma_wait3A_74 = tpu.memref_slice %arg8[%dma_wait3A, %dma_wait3A_73] : memref<112x128xf32, #tpu.memory_space<vmem>> -> memref<112x128xf32, #tpu.memory_space<vmem>>
      %dma_wait3A_75 = arith.constant 0 : i32
      %dma_wait3A_76 = tpu.memref_slice %arg10[%add3A_59, %dma_wait3A_75] : memref<10112x128xf32, #tpu.memory_space<vmem_shared>> -> memref<112x128xf32, #tpu.memory_space<vmem_shared>>
      %dma_wait3A_77 = arith.constant 0 : i32
      %dma_wait3A_78 = arith.constant 0 : i32
      %dma_wait3A_79 = tpu.memref_slice %arg8[%dma_wait3A_77, %dma_wait3A_78] : memref<112x128xf32, #tpu.memory_space<vmem>> -> memref<112x128xf32, #tpu.memory_space<vmem>>
      %dma_wait3A_80 = arith.constant 0 : i32
      %dma_wait3A_81 = tpu.memref_slice %arg10[%add3A_59, %dma_wait3A_80] : memref<10112x128xf32, #tpu.memory_space<vmem_shared>> -> memref<112x128xf32, #tpu.memory_space<vmem_shared>>
      tpu.wait_dma2 semaphore(%run_scoped3A : memref<!tpu.dma_semaphore, #tpu.memory_space<semaphore_mem>>) src(%dma_wait3A_81 : memref<112x128xf32, #tpu.memory_space<vmem_shared>>) dst(%dma_wait3A_79 : memref<112x128xf32, #tpu.memory_space<vmem>>)
      tpu.yield
    }) : () -> ()
    "tpu.region"() ({
      %run_scoped3A = tpu.sem_alloc : memref<!tpu.dma_semaphore, #tpu.memory_space<semaphore_mem>>
      %dma_start3A = arith.constant 0 : i32
      %dma_start3A_64 = arith.constant 0 : i32
      %dma_start3A_65 = tpu.memref_slice %arg8[%dma_start3A, %dma_start3A_64] : memref<112x128xf32, #tpu.memory_space<vmem>> -> memref<112x128xf32, #tpu.memory_space<vmem>>
      %dma_start3A_66 = arith.constant 0 : i32
      %dma_start3A_67 = tpu.memref_slice %arg5[%arg0, %add3A_59, %dma_start3A_66] : memref<2x10112x128xf32, #tpu.memory_space<hbm>> -> memref<1x112x128xf32, #tpu.memory_space<hbm>>
      %dma_start3A_68 = tpu.memref_squeeze %dma_start3A_67 : memref<1x112x128xf32, #tpu.memory_space<hbm>> -> memref<112x128xf32, #tpu.memory_space<hbm>>
      %dma_start3A_69 = arith.constant 0 : i32
      %dma_start3A_70 = tpu.memref_slice %arg5[%arg0, %add3A_59, %dma_start3A_69] : memref<2x10112x128xf32, #tpu.memory_space<hbm>> -> memref<1x112x128xf32, #tpu.memory_space<hbm>>
      %dma_start3A_71 = tpu.memref_squeeze %dma_start3A_70 : memref<1x112x128xf32, #tpu.memory_space<hbm>> -> memref<112x128xf32, #tpu.memory_space<hbm>>
      %dma_start3A_72 = arith.constant 0 : i32
      %dma_start3A_73 = arith.constant 0 : i32
      %dma_start3A_74 = tpu.memref_slice %arg8[%dma_start3A_72, %dma_start3A_73] : memref<112x128xf32, #tpu.memory_space<vmem>> -> memref<112x128xf32, #tpu.memory_space<vmem>>
      tpu.enqueue_dma source(%dma_start3A_74 : memref<112x128xf32, #tpu.memory_space<vmem>>) target(%dma_start3A_71 : memref<112x128xf32, #tpu.memory_space<hbm>>) target_semaphore(%run_scoped3A : memref<!tpu.dma_semaphore, #tpu.memory_space<semaphore_mem>>)
      %dma_wait3A = arith.constant 0 : i32
      %dma_wait3A_75 = arith.constant 0 : i32
      %dma_wait3A_76 = tpu.memref_slice %arg8[%dma_wait3A, %dma_wait3A_75] : memref<112x128xf32, #tpu.memory_space<vmem>> -> memref<112x128xf32, #tpu.memory_space<vmem>>
      %dma_wait3A_77 = arith.constant 0 : i32
      %dma_wait3A_78 = tpu.memref_slice %arg5[%arg0, %add3A_59, %dma_wait3A_77] : memref<2x10112x128xf32, #tpu.memory_space<hbm>> -> memref<1x112x128xf32, #tpu.memory_space<hbm>>
      %dma_wait3A_79 = tpu.memref_squeeze %dma_wait3A_78 : memref<1x112x128xf32, #tpu.memory_space<hbm>> -> memref<112x128xf32, #tpu.memory_space<hbm>>
      %dma_wait3A_80 = arith.constant 0 : i32
      %dma_wait3A_81 = tpu.memref_slice %arg5[%arg0, %add3A_59, %dma_wait3A_80] : memref<2x10112x128xf32, #tpu.memory_space<hbm>> -> memref<1x112x128xf32, #tpu.memory_space<hbm>>
      %dma_wait3A_82 = tpu.memref_squeeze %dma_wait3A_81 : memref<1x112x128xf32, #tpu.memory_space<hbm>> -> memref<112x128xf32, #tpu.memory_space<hbm>>
      %dma_wait3A_83 = arith.constant 0 : i32
      %dma_wait3A_84 = arith.constant 0 : i32
      %dma_wait3A_85 = tpu.memref_slice %arg8[%dma_wait3A_83, %dma_wait3A_84] : memref<112x128xf32, #tpu.memory_space<vmem>> -> memref<112x128xf32, #tpu.memory_space<vmem>>
      tpu.wait_dma2 semaphore(%run_scoped3A : memref<!tpu.dma_semaphore, #tpu.memory_space<semaphore_mem>>) src(%dma_wait3A_85 : memref<112x128xf32, #tpu.memory_space<vmem>>) dst(%dma_wait3A_82 : memref<112x128xf32, #tpu.memory_space<hbm>>)
      tpu.yield
    }) : () -> ()
    %mul3A_60 = arith.constant 632 : i32
    %mul3A_61 = arith.muli %arg1, %mul3A_60 : i32
    %add3A_62 = arith.constant 560 : i32
    %add3A_63 = arith.addi %mul3A_61, %add3A_62 : i32
    "tpu.region"() ({
      %run_scoped3A = tpu.sem_alloc : memref<!tpu.dma_semaphore, #tpu.memory_space<semaphore_mem>>
      %dma_start3A = arith.constant 0 : i32
      %dma_start3A_64 = arith.constant 0 : i32
      %dma_start3A_65 = tpu.memref_slice %arg8[%dma_start3A, %dma_start3A_64] : memref<112x128xf32, #tpu.memory_space<vmem>> -> memref<72x128xf32, #tpu.memory_space<vmem>>
      %dma_start3A_66 = arith.constant 0 : i32
      %dma_start3A_67 = tpu.memref_slice %arg10[%add3A_63, %dma_start3A_66] : memref<10112x128xf32, #tpu.memory_space<vmem_shared>> -> memref<72x128xf32, #tpu.memory_space<vmem_shared>>
      %dma_start3A_68 = arith.constant 0 : i32
      %dma_start3A_69 = arith.constant 0 : i32
      %dma_start3A_70 = tpu.memref_slice %arg8[%dma_start3A_68, %dma_start3A_69] : memref<112x128xf32, #tpu.memory_space<vmem>> -> memref<72x128xf32, #tpu.memory_space<vmem>>
      %dma_start3A_71 = arith.constant 0 : i32
      %dma_start3A_72 = tpu.memref_slice %arg10[%add3A_63, %dma_start3A_71] : memref<10112x128xf32, #tpu.memory_space<vmem_shared>> -> memref<72x128xf32, #tpu.memory_space<vmem_shared>>
      tpu.enqueue_dma source(%dma_start3A_72 : memref<72x128xf32, #tpu.memory_space<vmem_shared>>) target(%dma_start3A_70 : memref<72x128xf32, #tpu.memory_space<vmem>>) target_semaphore(%run_scoped3A : memref<!tpu.dma_semaphore, #tpu.memory_space<semaphore_mem>>)
      %dma_wait3A = arith.constant 0 : i32
      %dma_wait3A_73 = arith.constant 0 : i32
      %dma_wait3A_74 = tpu.memref_slice %arg8[%dma_wait3A, %dma_wait3A_73] : memref<112x128xf32, #tpu.memory_space<vmem>> -> memref<72x128xf32, #tpu.memory_space<vmem>>
      %dma_wait3A_75 = arith.constant 0 : i32
      %dma_wait3A_76 = tpu.memref_slice %arg10[%add3A_63, %dma_wait3A_75] : memref<10112x128xf32, #tpu.memory_space<vmem_shared>> -> memref<72x128xf32, #tpu.memory_space<vmem_shared>>
      %dma_wait3A_77 = arith.constant 0 : i32
      %dma_wait3A_78 = arith.constant 0 : i32
      %dma_wait3A_79 = tpu.memref_slice %arg8[%dma_wait3A_77, %dma_wait3A_78] : memref<112x128xf32, #tpu.memory_space<vmem>> -> memref<72x128xf32, #tpu.memory_space<vmem>>
      %dma_wait3A_80 = arith.constant 0 : i32
      %dma_wait3A_81 = tpu.memref_slice %arg10[%add3A_63, %dma_wait3A_80] : memref<10112x128xf32, #tpu.memory_space<vmem_shared>> -> memref<72x128xf32, #tpu.memory_space<vmem_shared>>
      tpu.wait_dma2 semaphore(%run_scoped3A : memref<!tpu.dma_semaphore, #tpu.memory_space<semaphore_mem>>) src(%dma_wait3A_81 : memref<72x128xf32, #tpu.memory_space<vmem_shared>>) dst(%dma_wait3A_79 : memref<72x128xf32, #tpu.memory_space<vmem>>)
      tpu.yield
    }) : () -> ()
    "tpu.region"() ({
      %run_scoped3A = tpu.sem_alloc : memref<!tpu.dma_semaphore, #tpu.memory_space<semaphore_mem>>
      %dma_start3A = arith.constant 0 : i32
      %dma_start3A_64 = arith.constant 0 : i32
      %dma_start3A_65 = tpu.memref_slice %arg8[%dma_start3A, %dma_start3A_64] : memref<112x128xf32, #tpu.memory_space<vmem>> -> memref<72x128xf32, #tpu.memory_space<vmem>>
      %dma_start3A_66 = arith.constant 0 : i32
      %dma_start3A_67 = tpu.memref_slice %arg5[%arg0, %add3A_63, %dma_start3A_66] : memref<2x10112x128xf32, #tpu.memory_space<hbm>> -> memref<1x72x128xf32, #tpu.memory_space<hbm>>
      %dma_start3A_68 = tpu.memref_squeeze %dma_start3A_67 : memref<1x72x128xf32, #tpu.memory_space<hbm>> -> memref<72x128xf32, #tpu.memory_space<hbm>>
      %dma_start3A_69 = arith.constant 0 : i32
      %dma_start3A_70 = tpu.memref_slice %arg5[%arg0, %add3A_63, %dma_start3A_69] : memref<2x10112x128xf32, #tpu.memory_space<hbm>> -> memref<1x72x128xf32, #tpu.memory_space<hbm>>
      %dma_start3A_71 = tpu.memref_squeeze %dma_start3A_70 : memref<1x72x128xf32, #tpu.memory_space<hbm>> -> memref<72x128xf32, #tpu.memory_space<hbm>>
      %dma_start3A_72 = arith.constant 0 : i32
      %dma_start3A_73 = arith.constant 0 : i32
      %dma_start3A_74 = tpu.memref_slice %arg8[%dma_start3A_72, %dma_start3A_73] : memref<112x128xf32, #tpu.memory_space<vmem>> -> memref<72x128xf32, #tpu.memory_space<vmem>>
      tpu.enqueue_dma source(%dma_start3A_74 : memref<72x128xf32, #tpu.memory_space<vmem>>) target(%dma_start3A_71 : memref<72x128xf32, #tpu.memory_space<hbm>>) target_semaphore(%run_scoped3A : memref<!tpu.dma_semaphore, #tpu.memory_space<semaphore_mem>>)
      %dma_wait3A = arith.constant 0 : i32
      %dma_wait3A_75 = arith.constant 0 : i32
      %dma_wait3A_76 = tpu.memref_slice %arg8[%dma_wait3A, %dma_wait3A_75] : memref<112x128xf32, #tpu.memory_space<vmem>> -> memref<72x128xf32, #tpu.memory_space<vmem>>
      %dma_wait3A_77 = arith.constant 0 : i32
      %dma_wait3A_78 = tpu.memref_slice %arg5[%arg0, %add3A_63, %dma_wait3A_77] : memref<2x10112x128xf32, #tpu.memory_space<hbm>> -> memref<1x72x128xf32, #tpu.memory_space<hbm>>
      %dma_wait3A_79 = tpu.memref_squeeze %dma_wait3A_78 : memref<1x72x128xf32, #tpu.memory_space<hbm>> -> memref<72x128xf32, #tpu.memory_space<hbm>>
      %dma_wait3A_80 = arith.constant 0 : i32
      %dma_wait3A_81 = tpu.memref_slice %arg5[%arg0, %add3A_63, %dma_wait3A_80] : memref<2x10112x128xf32, #tpu.memory_space<hbm>> -> memref<1x72x128xf32, #tpu.memory_space<hbm>>
      %dma_wait3A_82 = tpu.memref_squeeze %dma_wait3A_81 : memref<1x72x128xf32, #tpu.memory_space<hbm>> -> memref<72x128xf32, #tpu.memory_space<hbm>>
      %dma_wait3A_83 = arith.constant 0 : i32
      %dma_wait3A_84 = arith.constant 0 : i32
      %dma_wait3A_85 = tpu.memref_slice %arg8[%dma_wait3A_83, %dma_wait3A_84] : memref<112x128xf32, #tpu.memory_space<vmem>> -> memref<72x128xf32, #tpu.memory_space<vmem>>
      tpu.wait_dma2 semaphore(%run_scoped3A : memref<!tpu.dma_semaphore, #tpu.memory_space<semaphore_mem>>) src(%dma_wait3A_85 : memref<72x128xf32, #tpu.memory_space<vmem>>) dst(%dma_wait3A_82 : memref<72x128xf32, #tpu.memory_space<hbm>>)
      tpu.yield
    }) : () -> ()
    return
  }
}

#map = affine_map<(d0, d1) -> (0, 0, 0)>
module attributes {stable_mosaic.version = 14 : i64} {
  func.func @_sc_deg(%arg0: i32, %arg1: i32, %arg2: memref<32x90x112xi32, #tpu.memory_space<hbm>>, %arg3: memref<2x10112x128xf32, #tpu.memory_space<hbm>>, %arg4: memref<90x112xi32, #tpu.memory_space<vmem>>, %arg5: memref<112x128xf32, #tpu.memory_space<vmem>>, %arg6: memref<10112x128xf32, #tpu.memory_space<vmem_shared>>) attributes {dimension_semantics = [#tpu.dimension_semantics<core_parallel>, #tpu.dimension_semantics<subcore_parallel>], iteration_bounds = array<i64: 2, 16>, scalar_prefetch = 0 : i64, scratch_operands = 3 : i64, tpu.core_type = #tpu.core_type<sc_vector_subcore>, window_params = [{transform_indices = #map}, {transform_indices = #map}]} {
    %mul3A = arith.constant 2 : i32
    %mul3A_0 = arith.muli %arg1, %mul3A : i32
    %add3A = arith.addi %mul3A_0, %arg0 : i32
    %broadcast_in_dim3A = arith.constant 0.000000e+00 : f32
    %broadcast_in_dim3A_1 = vector.broadcast %broadcast_in_dim3A : f32 to vector<16xf32>
    %scan3A = arith.constant 0 : i32
    %scan3A_2 = arith.constant 0 : i32
    %scan3A_3 = arith.constant 112 : i32
    %scan3A_4 = arith.addi %scan3A_2, %scan3A_3 : i32
    %scan3A_5 = arith.constant 1 : i32
    %scan3A_6 = scf.for %scan3A_73 = %scan3A_2 to %scan3A_4 step %scan3A_5 iter_args(%scan3A_74 = %scan3A) -> (i32)  : i32 {
      %swap3A = arith.index_cast %scan3A_73 : i32 to index
      %swap3A_75 = arith.constant 0 : index
      %swap3A_76 = tpu.vector_load %arg5[%swap3A, %swap3A_75] {strides = array<i32>} : memref<112x128xf32, #tpu.memory_space<vmem>>, vector<1x16xf32>,
      %swap3A_77 = vector.shape_cast %swap3A_76 : vector<1x16xf32> to vector<16xf32>
      %swap3A_78 = vector.shape_cast %broadcast_in_dim3A_1 : vector<16xf32> to vector<1x16xf32>
      tpu.vector_store %arg5[%swap3A, %swap3A_75], %swap3A_78 {strides = array<i32>} : memref<112x128xf32, #tpu.memory_space<vmem>>, vector<1x16xf32>,
      %swap3A_79 = arith.index_cast %scan3A_73 : i32 to index
      %swap3A_80 = arith.constant 16 : index
      %swap3A_81 = tpu.vector_load %arg5[%swap3A_79, %swap3A_80] {strides = array<i32>} : memref<112x128xf32, #tpu.memory_space<vmem>>, vector<1x16xf32>,
      %swap3A_82 = vector.shape_cast %swap3A_81 : vector<1x16xf32> to vector<16xf32>
      %swap3A_83 = vector.shape_cast %broadcast_in_dim3A_1 : vector<16xf32> to vector<1x16xf32>
      tpu.vector_store %arg5[%swap3A_79, %swap3A_80], %swap3A_83 {strides = array<i32>} : memref<112x128xf32, #tpu.memory_space<vmem>>, vector<1x16xf32>,
      %swap3A_84 = arith.index_cast %scan3A_73 : i32 to index
      %swap3A_85 = arith.constant 32 : index
      %swap3A_86 = tpu.vector_load %arg5[%swap3A_84, %swap3A_85] {strides = array<i32>} : memref<112x128xf32, #tpu.memory_space<vmem>>, vector<1x16xf32>,
      %swap3A_87 = vector.shape_cast %swap3A_86 : vector<1x16xf32> to vector<16xf32>
      %swap3A_88 = vector.shape_cast %broadcast_in_dim3A_1 : vector<16xf32> to vector<1x16xf32>
      tpu.vector_store %arg5[%swap3A_84, %swap3A_85], %swap3A_88 {strides = array<i32>} : memref<112x128xf32, #tpu.memory_space<vmem>>, vector<1x16xf32>,
      %swap3A_89 = arith.index_cast %scan3A_73 : i32 to index
      %swap3A_90 = arith.constant 48 : index
      %swap3A_91 = tpu.vector_load %arg5[%swap3A_89, %swap3A_90] {strides = array<i32>} : memref<112x128xf32, #tpu.memory_space<vmem>>, vector<1x16xf32>,
      %swap3A_92 = vector.shape_cast %swap3A_91 : vector<1x16xf32> to vector<16xf32>
      %swap3A_93 = vector.shape_cast %broadcast_in_dim3A_1 : vector<16xf32> to vector<1x16xf32>
      tpu.vector_store %arg5[%swap3A_89, %swap3A_90], %swap3A_93 {strides = array<i32>} : memref<112x128xf32, #tpu.memory_space<vmem>>, vector<1x16xf32>,
      %swap3A_94 = arith.index_cast %scan3A_73 : i32 to index
      %swap3A_95 = arith.constant 64 : index
      %swap3A_96 = tpu.vector_load %arg5[%swap3A_94, %swap3A_95] {strides = array<i32>} : memref<112x128xf32, #tpu.memory_space<vmem>>, vector<1x16xf32>,
      %swap3A_97 = vector.shape_cast %swap3A_96 : vector<1x16xf32> to vector<16xf32>
      %swap3A_98 = vector.shape_cast %broadcast_in_dim3A_1 : vector<16xf32> to vector<1x16xf32>
      tpu.vector_store %arg5[%swap3A_94, %swap3A_95], %swap3A_98 {strides = array<i32>} : memref<112x128xf32, #tpu.memory_space<vmem>>, vector<1x16xf32>,
      %swap3A_99 = arith.index_cast %scan3A_73 : i32 to index
      %swap3A_100 = arith.constant 80 : index
      %swap3A_101 = tpu.vector_load %arg5[%swap3A_99, %swap3A_100] {strides = array<i32>} : memref<112x128xf32, #tpu.memory_space<vmem>>, vector<1x16xf32>,
      %swap3A_102 = vector.shape_cast %swap3A_101 : vector<1x16xf32> to vector<16xf32>
      %swap3A_103 = vector.shape_cast %broadcast_in_dim3A_1 : vector<16xf32> to vector<1x16xf32>
      tpu.vector_store %arg5[%swap3A_99, %swap3A_100], %swap3A_103 {strides = array<i32>} : memref<112x128xf32, #tpu.memory_space<vmem>>, vector<1x16xf32>,
      %swap3A_104 = arith.index_cast %scan3A_73 : i32 to index
      %swap3A_105 = arith.constant 96 : index
      %swap3A_106 = tpu.vector_load %arg5[%swap3A_104, %swap3A_105] {strides = array<i32>} : memref<112x128xf32, #tpu.memory_space<vmem>>, vector<1x16xf32>,
      %swap3A_107 = vector.shape_cast %swap3A_106 : vector<1x16xf32> to vector<16xf32>
      %swap3A_108 = vector.shape_cast %broadcast_in_dim3A_1 : vector<16xf32> to vector<1x16xf32>
      tpu.vector_store %arg5[%swap3A_104, %swap3A_105], %swap3A_108 {strides = array<i32>} : memref<112x128xf32, #tpu.memory_space<vmem>>, vector<1x16xf32>,
      %swap3A_109 = arith.index_cast %scan3A_73 : i32 to index
      %swap3A_110 = arith.constant 112 : index
      %swap3A_111 = tpu.vector_load %arg5[%swap3A_109, %swap3A_110] {strides = array<i32>} : memref<112x128xf32, #tpu.memory_space<vmem>>, vector<1x16xf32>,
      %swap3A_112 = vector.shape_cast %swap3A_111 : vector<1x16xf32> to vector<16xf32>
      %swap3A_113 = vector.shape_cast %broadcast_in_dim3A_1 : vector<16xf32> to vector<1x16xf32>
      tpu.vector_store %arg5[%swap3A_109, %swap3A_110], %swap3A_113 {strides = array<i32>} : memref<112x128xf32, #tpu.memory_space<vmem>>, vector<1x16xf32>,
      %scan3A_114 = arith.constant 0 : i32
      scf.yield %scan3A_114 : i32
    }
    %scan3A_7 = arith.constant 112 : i32
    %mul3A_8 = arith.constant 632 : i32
    %mul3A_9 = arith.muli %arg1, %mul3A_8 : i32
    %add3A_10 = arith.constant 0 : i32
    %add3A_11 = arith.addi %mul3A_9, %add3A_10 : i32
    "tpu.region"() ({
      %run_scoped3A = tpu.sem_alloc : memref<!tpu.dma_semaphore, #tpu.memory_space<semaphore_mem>>
      %dma_start3A = arith.constant 0 : i32
      %dma_start3A_73 = arith.constant 0 : i32
      %dma_start3A_74 = tpu.memref_slice %arg5[%dma_start3A, %dma_start3A_73] : memref<112x128xf32, #tpu.memory_space<vmem>> -> memref<112x128xf32, #tpu.memory_space<vmem>>
      %dma_start3A_75 = arith.constant 0 : i32
      %dma_start3A_76 = tpu.memref_slice %arg6[%add3A_11, %dma_start3A_75] : memref<10112x128xf32, #tpu.memory_space<vmem_shared>> -> memref<112x128xf32, #tpu.memory_space<vmem_shared>>
      %dma_start3A_77 = arith.constant 0 : i32
      %dma_start3A_78 = tpu.memref_slice %arg6[%add3A_11, %dma_start3A_77] : memref<10112x128xf32, #tpu.memory_space<vmem_shared>> -> memref<112x128xf32, #tpu.memory_space<vmem_shared>>
      %dma_start3A_79 = arith.constant 0 : i32
      %dma_start3A_80 = arith.constant 0 : i32
      %dma_start3A_81 = tpu.memref_slice %arg5[%dma_start3A_79, %dma_start3A_80] : memref<112x128xf32, #tpu.memory_space<vmem>> -> memref<112x128xf32, #tpu.memory_space<vmem>>
      tpu.enqueue_dma source(%dma_start3A_81 : memref<112x128xf32, #tpu.memory_space<vmem>>) target(%dma_start3A_78 : memref<112x128xf32, #tpu.memory_space<vmem_shared>>) target_semaphore(%run_scoped3A : memref<!tpu.dma_semaphore, #tpu.memory_space<semaphore_mem>>)
      %dma_wait3A = arith.constant 0 : i32
      %dma_wait3A_82 = arith.constant 0 : i32
      %dma_wait3A_83 = tpu.memref_slice %arg5[%dma_wait3A, %dma_wait3A_82] : memref<112x128xf32, #tpu.memory_space<vmem>> -> memref<112x128xf32, #tpu.memory_space<vmem>>
      %dma_wait3A_84 = arith.constant 0 : i32
      %dma_wait3A_85 = tpu.memref_slice %arg6[%add3A_11, %dma_wait3A_84] : memref<10112x128xf32, #tpu.memory_space<vmem_shared>> -> memref<112x128xf32, #tpu.memory_space<vmem_shared>>
      %dma_wait3A_86 = arith.constant 0 : i32
      %dma_wait3A_87 = tpu.memref_slice %arg6[%add3A_11, %dma_wait3A_86] : memref<10112x128xf32, #tpu.memory_space<vmem_shared>> -> memref<112x128xf32, #tpu.memory_space<vmem_shared>>
      %dma_wait3A_88 = arith.constant 0 : i32
      %dma_wait3A_89 = arith.constant 0 : i32
      %dma_wait3A_90 = tpu.memref_slice %arg5[%dma_wait3A_88, %dma_wait3A_89] : memref<112x128xf32, #tpu.memory_space<vmem>> -> memref<112x128xf32, #tpu.memory_space<vmem>>
      tpu.wait_dma2 semaphore(%run_scoped3A : memref<!tpu.dma_semaphore, #tpu.memory_space<semaphore_mem>>) src(%dma_wait3A_90 : memref<112x128xf32, #tpu.memory_space<vmem>>) dst(%dma_wait3A_87 : memref<112x128xf32, #tpu.memory_space<vmem_shared>>)
      tpu.yield
    }) : () -> ()
    %mul3A_12 = arith.constant 632 : i32
    %mul3A_13 = arith.muli %arg1, %mul3A_12 : i32
    %add3A_14 = arith.constant 112 : i32
    %add3A_15 = arith.addi %mul3A_13, %add3A_14 : i32
    "tpu.region"() ({
      %run_scoped3A = tpu.sem_alloc : memref<!tpu.dma_semaphore, #tpu.memory_space<semaphore_mem>>
      %dma_start3A = arith.constant 0 : i32
      %dma_start3A_73 = arith.constant 0 : i32
      %dma_start3A_74 = tpu.memref_slice %arg5[%dma_start3A, %dma_start3A_73] : memref<112x128xf32, #tpu.memory_space<vmem>> -> memref<112x128xf32, #tpu.memory_space<vmem>>
      %dma_start3A_75 = arith.constant 0 : i32
      %dma_start3A_76 = tpu.memref_slice %arg6[%add3A_15, %dma_start3A_75] : memref<10112x128xf32, #tpu.memory_space<vmem_shared>> -> memref<112x128xf32, #tpu.memory_space<vmem_shared>>
      %dma_start3A_77 = arith.constant 0 : i32
      %dma_start3A_78 = tpu.memref_slice %arg6[%add3A_15, %dma_start3A_77] : memref<10112x128xf32, #tpu.memory_space<vmem_shared>> -> memref<112x128xf32, #tpu.memory_space<vmem_shared>>
      %dma_start3A_79 = arith.constant 0 : i32
      %dma_start3A_80 = arith.constant 0 : i32
      %dma_start3A_81 = tpu.memref_slice %arg5[%dma_start3A_79, %dma_start3A_80] : memref<112x128xf32, #tpu.memory_space<vmem>> -> memref<112x128xf32, #tpu.memory_space<vmem>>
      tpu.enqueue_dma source(%dma_start3A_81 : memref<112x128xf32, #tpu.memory_space<vmem>>) target(%dma_start3A_78 : memref<112x128xf32, #tpu.memory_space<vmem_shared>>) target_semaphore(%run_scoped3A : memref<!tpu.dma_semaphore, #tpu.memory_space<semaphore_mem>>)
      %dma_wait3A = arith.constant 0 : i32
      %dma_wait3A_82 = arith.constant 0 : i32
      %dma_wait3A_83 = tpu.memref_slice %arg5[%dma_wait3A, %dma_wait3A_82] : memref<112x128xf32, #tpu.memory_space<vmem>> -> memref<112x128xf32, #tpu.memory_space<vmem>>
      %dma_wait3A_84 = arith.constant 0 : i32
      %dma_wait3A_85 = tpu.memref_slice %arg6[%add3A_15, %dma_wait3A_84] : memref<10112x128xf32, #tpu.memory_space<vmem_shared>> -> memref<112x128xf32, #tpu.memory_space<vmem_shared>>
      %dma_wait3A_86 = arith.constant 0 : i32
      %dma_wait3A_87 = tpu.memref_slice %arg6[%add3A_15, %dma_wait3A_86] : memref<10112x128xf32, #tpu.memory_space<vmem_shared>> -> memref<112x128xf32, #tpu.memory_space<vmem_shared>>
      %dma_wait3A_88 = arith.constant 0 : i32
      %dma_wait3A_89 = arith.constant 0 : i32
      %dma_wait3A_90 = tpu.memref_slice %arg5[%dma_wait3A_88, %dma_wait3A_89] : memref<112x128xf32, #tpu.memory_space<vmem>> -> memref<112x128xf32, #tpu.memory_space<vmem>>
      tpu.wait_dma2 semaphore(%run_scoped3A : memref<!tpu.dma_semaphore, #tpu.memory_space<semaphore_mem>>) src(%dma_wait3A_90 : memref<112x128xf32, #tpu.memory_space<vmem>>) dst(%dma_wait3A_87 : memref<112x128xf32, #tpu.memory_space<vmem_shared>>)
      tpu.yield
    }) : () -> ()
    %mul3A_16 = arith.constant 632 : i32
    %mul3A_17 = arith.muli %arg1, %mul3A_16 : i32
    %add3A_18 = arith.constant 224 : i32
    %add3A_19 = arith.addi %mul3A_17, %add3A_18 : i32
    "tpu.region"() ({
      %run_scoped3A = tpu.sem_alloc : memref<!tpu.dma_semaphore, #tpu.memory_space<semaphore_mem>>
      %dma_start3A = arith.constant 0 : i32
      %dma_start3A_73 = arith.constant 0 : i32
      %dma_start3A_74 = tpu.memref_slice %arg5[%dma_start3A, %dma_start3A_73] : memref<112x128xf32, #tpu.memory_space<vmem>> -> memref<112x128xf32, #tpu.memory_space<vmem>>
      %dma_start3A_75 = arith.constant 0 : i32
      %dma_start3A_76 = tpu.memref_slice %arg6[%add3A_19, %dma_start3A_75] : memref<10112x128xf32, #tpu.memory_space<vmem_shared>> -> memref<112x128xf32, #tpu.memory_space<vmem_shared>>
      %dma_start3A_77 = arith.constant 0 : i32
      %dma_start3A_78 = tpu.memref_slice %arg6[%add3A_19, %dma_start3A_77] : memref<10112x128xf32, #tpu.memory_space<vmem_shared>> -> memref<112x128xf32, #tpu.memory_space<vmem_shared>>
      %dma_start3A_79 = arith.constant 0 : i32
      %dma_start3A_80 = arith.constant 0 : i32
      %dma_start3A_81 = tpu.memref_slice %arg5[%dma_start3A_79, %dma_start3A_80] : memref<112x128xf32, #tpu.memory_space<vmem>> -> memref<112x128xf32, #tpu.memory_space<vmem>>
      tpu.enqueue_dma source(%dma_start3A_81 : memref<112x128xf32, #tpu.memory_space<vmem>>) target(%dma_start3A_78 : memref<112x128xf32, #tpu.memory_space<vmem_shared>>) target_semaphore(%run_scoped3A : memref<!tpu.dma_semaphore, #tpu.memory_space<semaphore_mem>>)
      %dma_wait3A = arith.constant 0 : i32
      %dma_wait3A_82 = arith.constant 0 : i32
      %dma_wait3A_83 = tpu.memref_slice %arg5[%dma_wait3A, %dma_wait3A_82] : memref<112x128xf32, #tpu.memory_space<vmem>> -> memref<112x128xf32, #tpu.memory_space<vmem>>
      %dma_wait3A_84 = arith.constant 0 : i32
      %dma_wait3A_85 = tpu.memref_slice %arg6[%add3A_19, %dma_wait3A_84] : memref<10112x128xf32, #tpu.memory_space<vmem_shared>> -> memref<112x128xf32, #tpu.memory_space<vmem_shared>>
      %dma_wait3A_86 = arith.constant 0 : i32
      %dma_wait3A_87 = tpu.memref_slice %arg6[%add3A_19, %dma_wait3A_86] : memref<10112x128xf32, #tpu.memory_space<vmem_shared>> -> memref<112x128xf32, #tpu.memory_space<vmem_shared>>
      %dma_wait3A_88 = arith.constant 0 : i32
      %dma_wait3A_89 = arith.constant 0 : i32
      %dma_wait3A_90 = tpu.memref_slice %arg5[%dma_wait3A_88, %dma_wait3A_89] : memref<112x128xf32, #tpu.memory_space<vmem>> -> memref<112x128xf32, #tpu.memory_space<vmem>>
      tpu.wait_dma2 semaphore(%run_scoped3A : memref<!tpu.dma_semaphore, #tpu.memory_space<semaphore_mem>>) src(%dma_wait3A_90 : memref<112x128xf32, #tpu.memory_space<vmem>>) dst(%dma_wait3A_87 : memref<112x128xf32, #tpu.memory_space<vmem_shared>>)
      tpu.yield
    }) : () -> ()
    %mul3A_20 = arith.constant 632 : i32
    %mul3A_21 = arith.muli %arg1, %mul3A_20 : i32
    %add3A_22 = arith.constant 336 : i32
    %add3A_23 = arith.addi %mul3A_21, %add3A_22 : i32
    "tpu.region"() ({
      %run_scoped3A = tpu.sem_alloc : memref<!tpu.dma_semaphore, #tpu.memory_space<semaphore_mem>>
      %dma_start3A = arith.constant 0 : i32
      %dma_start3A_73 = arith.constant 0 : i32
      %dma_start3A_74 = tpu.memref_slice %arg5[%dma_start3A, %dma_start3A_73] : memref<112x128xf32, #tpu.memory_space<vmem>> -> memref<112x128xf32, #tpu.memory_space<vmem>>
      %dma_start3A_75 = arith.constant 0 : i32
      %dma_start3A_76 = tpu.memref_slice %arg6[%add3A_23, %dma_start3A_75] : memref<10112x128xf32, #tpu.memory_space<vmem_shared>> -> memref<112x128xf32, #tpu.memory_space<vmem_shared>>
      %dma_start3A_77 = arith.constant 0 : i32
      %dma_start3A_78 = tpu.memref_slice %arg6[%add3A_23, %dma_start3A_77] : memref<10112x128xf32, #tpu.memory_space<vmem_shared>> -> memref<112x128xf32, #tpu.memory_space<vmem_shared>>
      %dma_start3A_79 = arith.constant 0 : i32
      %dma_start3A_80 = arith.constant 0 : i32
      %dma_start3A_81 = tpu.memref_slice %arg5[%dma_start3A_79, %dma_start3A_80] : memref<112x128xf32, #tpu.memory_space<vmem>> -> memref<112x128xf32, #tpu.memory_space<vmem>>
      tpu.enqueue_dma source(%dma_start3A_81 : memref<112x128xf32, #tpu.memory_space<vmem>>) target(%dma_start3A_78 : memref<112x128xf32, #tpu.memory_space<vmem_shared>>) target_semaphore(%run_scoped3A : memref<!tpu.dma_semaphore, #tpu.memory_space<semaphore_mem>>)
      %dma_wait3A = arith.constant 0 : i32
      %dma_wait3A_82 = arith.constant 0 : i32
      %dma_wait3A_83 = tpu.memref_slice %arg5[%dma_wait3A, %dma_wait3A_82] : memref<112x128xf32, #tpu.memory_space<vmem>> -> memref<112x128xf32, #tpu.memory_space<vmem>>
      %dma_wait3A_84 = arith.constant 0 : i32
      %dma_wait3A_85 = tpu.memref_slice %arg6[%add3A_23, %dma_wait3A_84] : memref<10112x128xf32, #tpu.memory_space<vmem_shared>> -> memref<112x128xf32, #tpu.memory_space<vmem_shared>>
      %dma_wait3A_86 = arith.constant 0 : i32
      %dma_wait3A_87 = tpu.memref_slice %arg6[%add3A_23, %dma_wait3A_86] : memref<10112x128xf32, #tpu.memory_space<vmem_shared>> -> memref<112x128xf32, #tpu.memory_space<vmem_shared>>
      %dma_wait3A_88 = arith.constant 0 : i32
      %dma_wait3A_89 = arith.constant 0 : i32
      %dma_wait3A_90 = tpu.memref_slice %arg5[%dma_wait3A_88, %dma_wait3A_89] : memref<112x128xf32, #tpu.memory_space<vmem>> -> memref<112x128xf32, #tpu.memory_space<vmem>>
      tpu.wait_dma2 semaphore(%run_scoped3A : memref<!tpu.dma_semaphore, #tpu.memory_space<semaphore_mem>>) src(%dma_wait3A_90 : memref<112x128xf32, #tpu.memory_space<vmem>>) dst(%dma_wait3A_87 : memref<112x128xf32, #tpu.memory_space<vmem_shared>>)
      tpu.yield
    }) : () -> ()
    %mul3A_24 = arith.constant 632 : i32
    %mul3A_25 = arith.muli %arg1, %mul3A_24 : i32
    %add3A_26 = arith.constant 448 : i32
    %add3A_27 = arith.addi %mul3A_25, %add3A_26 : i32
    "tpu.region"() ({
      %run_scoped3A = tpu.sem_alloc : memref<!tpu.dma_semaphore, #tpu.memory_space<semaphore_mem>>
      %dma_start3A = arith.constant 0 : i32
      %dma_start3A_73 = arith.constant 0 : i32
      %dma_start3A_74 = tpu.memref_slice %arg5[%dma_start3A, %dma_start3A_73] : memref<112x128xf32, #tpu.memory_space<vmem>> -> memref<112x128xf32, #tpu.memory_space<vmem>>
      %dma_start3A_75 = arith.constant 0 : i32
      %dma_start3A_76 = tpu.memref_slice %arg6[%add3A_27, %dma_start3A_75] : memref<10112x128xf32, #tpu.memory_space<vmem_shared>> -> memref<112x128xf32, #tpu.memory_space<vmem_shared>>
      %dma_start3A_77 = arith.constant 0 : i32
      %dma_start3A_78 = tpu.memref_slice %arg6[%add3A_27, %dma_start3A_77] : memref<10112x128xf32, #tpu.memory_space<vmem_shared>> -> memref<112x128xf32, #tpu.memory_space<vmem_shared>>
      %dma_start3A_79 = arith.constant 0 : i32
      %dma_start3A_80 = arith.constant 0 : i32
      %dma_start3A_81 = tpu.memref_slice %arg5[%dma_start3A_79, %dma_start3A_80] : memref<112x128xf32, #tpu.memory_space<vmem>> -> memref<112x128xf32, #tpu.memory_space<vmem>>
      tpu.enqueue_dma source(%dma_start3A_81 : memref<112x128xf32, #tpu.memory_space<vmem>>) target(%dma_start3A_78 : memref<112x128xf32, #tpu.memory_space<vmem_shared>>) target_semaphore(%run_scoped3A : memref<!tpu.dma_semaphore, #tpu.memory_space<semaphore_mem>>)
      %dma_wait3A = arith.constant 0 : i32
      %dma_wait3A_82 = arith.constant 0 : i32
      %dma_wait3A_83 = tpu.memref_slice %arg5[%dma_wait3A, %dma_wait3A_82] : memref<112x128xf32, #tpu.memory_space<vmem>> -> memref<112x128xf32, #tpu.memory_space<vmem>>
      %dma_wait3A_84 = arith.constant 0 : i32
      %dma_wait3A_85 = tpu.memref_slice %arg6[%add3A_27, %dma_wait3A_84] : memref<10112x128xf32, #tpu.memory_space<vmem_shared>> -> memref<112x128xf32, #tpu.memory_space<vmem_shared>>
      %dma_wait3A_86 = arith.constant 0 : i32
      %dma_wait3A_87 = tpu.memref_slice %arg6[%add3A_27, %dma_wait3A_86] : memref<10112x128xf32, #tpu.memory_space<vmem_shared>> -> memref<112x128xf32, #tpu.memory_space<vmem_shared>>
      %dma_wait3A_88 = arith.constant 0 : i32
      %dma_wait3A_89 = arith.constant 0 : i32
      %dma_wait3A_90 = tpu.memref_slice %arg5[%dma_wait3A_88, %dma_wait3A_89] : memref<112x128xf32, #tpu.memory_space<vmem>> -> memref<112x128xf32, #tpu.memory_space<vmem>>
      tpu.wait_dma2 semaphore(%run_scoped3A : memref<!tpu.dma_semaphore, #tpu.memory_space<semaphore_mem>>) src(%dma_wait3A_90 : memref<112x128xf32, #tpu.memory_space<vmem>>) dst(%dma_wait3A_87 : memref<112x128xf32, #tpu.memory_space<vmem_shared>>)
      tpu.yield
    }) : () -> ()
    %mul3A_28 = arith.constant 632 : i32
    %mul3A_29 = arith.muli %arg1, %mul3A_28 : i32
    %add3A_30 = arith.constant 560 : i32
    %add3A_31 = arith.addi %mul3A_29, %add3A_30 : i32
    "tpu.region"() ({
      %run_scoped3A = tpu.sem_alloc : memref<!tpu.dma_semaphore, #tpu.memory_space<semaphore_mem>>
      %dma_start3A = arith.constant 0 : i32
      %dma_start3A_73 = arith.constant 0 : i32
      %dma_start3A_74 = tpu.memref_slice %arg5[%dma_start3A, %dma_start3A_73] : memref<112x128xf32, #tpu.memory_space<vmem>> -> memref<72x128xf32, #tpu.memory_space<vmem>>
      %dma_start3A_75 = arith.constant 0 : i32
      %dma_start3A_76 = tpu.memref_slice %arg6[%add3A_31, %dma_start3A_75] : memref<10112x128xf32, #tpu.memory_space<vmem_shared>> -> memref<72x128xf32, #tpu.memory_space<vmem_shared>>
      %dma_start3A_77 = arith.constant 0 : i32
      %dma_start3A_78 = tpu.memref_slice %arg6[%add3A_31, %dma_start3A_77] : memref<10112x128xf32, #tpu.memory_space<vmem_shared>> -> memref<72x128xf32, #tpu.memory_space<vmem_shared>>
      %dma_start3A_79 = arith.constant 0 : i32
      %dma_start3A_80 = arith.constant 0 : i32
      %dma_start3A_81 = tpu.memref_slice %arg5[%dma_start3A_79, %dma_start3A_80] : memref<112x128xf32, #tpu.memory_space<vmem>> -> memref<72x128xf32, #tpu.memory_space<vmem>>
      tpu.enqueue_dma source(%dma_start3A_81 : memref<72x128xf32, #tpu.memory_space<vmem>>) target(%dma_start3A_78 : memref<72x128xf32, #tpu.memory_space<vmem_shared>>) target_semaphore(%run_scoped3A : memref<!tpu.dma_semaphore, #tpu.memory_space<semaphore_mem>>)
      %dma_wait3A = arith.constant 0 : i32
      %dma_wait3A_82 = arith.constant 0 : i32
      %dma_wait3A_83 = tpu.memref_slice %arg5[%dma_wait3A, %dma_wait3A_82] : memref<112x128xf32, #tpu.memory_space<vmem>> -> memref<72x128xf32, #tpu.memory_space<vmem>>
      %dma_wait3A_84 = arith.constant 0 : i32
      %dma_wait3A_85 = tpu.memref_slice %arg6[%add3A_31, %dma_wait3A_84] : memref<10112x128xf32, #tpu.memory_space<vmem_shared>> -> memref<72x128xf32, #tpu.memory_space<vmem_shared>>
      %dma_wait3A_86 = arith.constant 0 : i32
      %dma_wait3A_87 = tpu.memref_slice %arg6[%add3A_31, %dma_wait3A_86] : memref<10112x128xf32, #tpu.memory_space<vmem_shared>> -> memref<72x128xf32, #tpu.memory_space<vmem_shared>>
      %dma_wait3A_88 = arith.constant 0 : i32
      %dma_wait3A_89 = arith.constant 0 : i32
      %dma_wait3A_90 = tpu.memref_slice %arg5[%dma_wait3A_88, %dma_wait3A_89] : memref<112x128xf32, #tpu.memory_space<vmem>> -> memref<72x128xf32, #tpu.memory_space<vmem>>
      tpu.wait_dma2 semaphore(%run_scoped3A : memref<!tpu.dma_semaphore, #tpu.memory_space<semaphore_mem>>) src(%dma_wait3A_90 : memref<72x128xf32, #tpu.memory_space<vmem>>) dst(%dma_wait3A_87 : memref<72x128xf32, #tpu.memory_space<vmem_shared>>)
      tpu.yield
    }) : () -> ()
    "tpu.region"() ({
      %run_scoped3A = tpu.sem_alloc : memref<!tpu.dma_semaphore, #tpu.memory_space<semaphore_mem>>
      %dma_start3A = arith.constant 0 : i32
      %dma_start3A_73 = arith.constant 0 : i32
      %dma_start3A_74 = tpu.memref_slice %arg2[%add3A, %dma_start3A, %dma_start3A_73] : memref<32x90x112xi32, #tpu.memory_space<hbm>> -> memref<1x90x112xi32, #tpu.memory_space<hbm>>
      %dma_start3A_75 = tpu.memref_squeeze %dma_start3A_74 : memref<1x90x112xi32, #tpu.memory_space<hbm>> -> memref<90x112xi32, #tpu.memory_space<hbm>>
      %dma_start3A_76 = arith.constant 0 : i32
      %dma_start3A_77 = arith.constant 0 : i32
      %dma_start3A_78 = tpu.memref_slice %arg2[%add3A, %dma_start3A_76, %dma_start3A_77] : memref<32x90x112xi32, #tpu.memory_space<hbm>> -> memref<1x90x112xi32, #tpu.memory_space<hbm>>
      %dma_start3A_79 = tpu.memref_squeeze %dma_start3A_78 : memref<1x90x112xi32, #tpu.memory_space<hbm>> -> memref<90x112xi32, #tpu.memory_space<hbm>>
      tpu.enqueue_dma source(%dma_start3A_79 : memref<90x112xi32, #tpu.memory_space<hbm>>) target(%arg4 : memref<90x112xi32, #tpu.memory_space<vmem>>) target_semaphore(%run_scoped3A : memref<!tpu.dma_semaphore, #tpu.memory_space<semaphore_mem>>)
      %dma_wait3A = arith.constant 0 : i32
      %dma_wait3A_80 = arith.constant 0 : i32
      %dma_wait3A_81 = tpu.memref_slice %arg2[%add3A, %dma_wait3A, %dma_wait3A_80] : memref<32x90x112xi32, #tpu.memory_space<hbm>> -> memref<1x90x112xi32, #tpu.memory_space<hbm>>
      %dma_wait3A_82 = tpu.memref_squeeze %dma_wait3A_81 : memref<1x90x112xi32, #tpu.memory_space<hbm>> -> memref<90x112xi32, #tpu.memory_space<hbm>>
      %dma_wait3A_83 = arith.constant 0 : i32
      %dma_wait3A_84 = arith.constant 0 : i32
      %dma_wait3A_85 = tpu.memref_slice %arg2[%add3A, %dma_wait3A_83, %dma_wait3A_84] : memref<32x90x112xi32, #tpu.memory_space<hbm>> -> memref<1x90x112xi32, #tpu.memory_space<hbm>>
      %dma_wait3A_86 = tpu.memref_squeeze %dma_wait3A_85 : memref<1x90x112xi32, #tpu.memory_space<hbm>> -> memref<90x112xi32, #tpu.memory_space<hbm>>
      tpu.wait_dma2 semaphore(%run_scoped3A : memref<!tpu.dma_semaphore, #tpu.memory_space<semaphore_mem>>) src(%dma_wait3A_86 : memref<90x112xi32, #tpu.memory_space<hbm>>) dst(%arg4 : memref<90x112xi32, #tpu.memory_space<vmem>>)
      tpu.yield
    }) : () -> ()
    %barrier3A = arith.constant 0 : index
    tpu.barrier barrier_id(%barrier3A)
    %broadcast_in_dim3A_32 = arith.constant 1.000000e+00 : f32
    %broadcast_in_dim3A_33 = vector.broadcast %broadcast_in_dim3A_32 : f32 to vector<16xf32>
    %scan3A_34 = arith.constant 0 : i32
    %scan3A_35 = arith.constant 0 : i32
    %scan3A_36 = arith.constant 112 : i32
    %scan3A_37 = arith.addi %scan3A_35, %scan3A_36 : i32
    %scan3A_38 = arith.constant 1 : i32
    %scan3A_39 = scf.for %scan3A_73 = %scan3A_35 to %scan3A_37 step %scan3A_38 iter_args(%scan3A_74 = %scan3A_34) -> (i32)  : i32 {
      %swap3A = arith.index_cast %scan3A_73 : i32 to index
      %swap3A_75 = arith.constant 0 : index
      %swap3A_76 = tpu.vector_load %arg5[%swap3A, %swap3A_75] {strides = array<i32>} : memref<112x128xf32, #tpu.memory_space<vmem>>, vector<1x16xf32>,
      %swap3A_77 = vector.shape_cast %swap3A_76 : vector<1x16xf32> to vector<16xf32>
      %swap3A_78 = vector.shape_cast %broadcast_in_dim3A_33 : vector<16xf32> to vector<1x16xf32>
      tpu.vector_store %arg5[%swap3A, %swap3A_75], %swap3A_78 {strides = array<i32>} : memref<112x128xf32, #tpu.memory_space<vmem>>, vector<1x16xf32>,
      %swap3A_79 = arith.index_cast %scan3A_73 : i32 to index
      %swap3A_80 = arith.constant 16 : index
      %swap3A_81 = tpu.vector_load %arg5[%swap3A_79, %swap3A_80] {strides = array<i32>} : memref<112x128xf32, #tpu.memory_space<vmem>>, vector<1x16xf32>,
      %swap3A_82 = vector.shape_cast %swap3A_81 : vector<1x16xf32> to vector<16xf32>
      %swap3A_83 = vector.shape_cast %broadcast_in_dim3A_33 : vector<16xf32> to vector<1x16xf32>
      tpu.vector_store %arg5[%swap3A_79, %swap3A_80], %swap3A_83 {strides = array<i32>} : memref<112x128xf32, #tpu.memory_space<vmem>>, vector<1x16xf32>,
      %swap3A_84 = arith.index_cast %scan3A_73 : i32 to index
      %swap3A_85 = arith.constant 32 : index
      %swap3A_86 = tpu.vector_load %arg5[%swap3A_84, %swap3A_85] {strides = array<i32>} : memref<112x128xf32, #tpu.memory_space<vmem>>, vector<1x16xf32>,
      %swap3A_87 = vector.shape_cast %swap3A_86 : vector<1x16xf32> to vector<16xf32>
      %swap3A_88 = vector.shape_cast %broadcast_in_dim3A_33 : vector<16xf32> to vector<1x16xf32>
      tpu.vector_store %arg5[%swap3A_84, %swap3A_85], %swap3A_88 {strides = array<i32>} : memref<112x128xf32, #tpu.memory_space<vmem>>, vector<1x16xf32>,
      %swap3A_89 = arith.index_cast %scan3A_73 : i32 to index
      %swap3A_90 = arith.constant 48 : index
      %swap3A_91 = tpu.vector_load %arg5[%swap3A_89, %swap3A_90] {strides = array<i32>} : memref<112x128xf32, #tpu.memory_space<vmem>>, vector<1x16xf32>,
      %swap3A_92 = vector.shape_cast %swap3A_91 : vector<1x16xf32> to vector<16xf32>
      %swap3A_93 = vector.shape_cast %broadcast_in_dim3A_33 : vector<16xf32> to vector<1x16xf32>
      tpu.vector_store %arg5[%swap3A_89, %swap3A_90], %swap3A_93 {strides = array<i32>} : memref<112x128xf32, #tpu.memory_space<vmem>>, vector<1x16xf32>,
      %swap3A_94 = arith.index_cast %scan3A_73 : i32 to index
      %swap3A_95 = arith.constant 64 : index
      %swap3A_96 = tpu.vector_load %arg5[%swap3A_94, %swap3A_95] {strides = array<i32>} : memref<112x128xf32, #tpu.memory_space<vmem>>, vector<1x16xf32>,
      %swap3A_97 = vector.shape_cast %swap3A_96 : vector<1x16xf32> to vector<16xf32>
      %swap3A_98 = vector.shape_cast %broadcast_in_dim3A_33 : vector<16xf32> to vector<1x16xf32>
      tpu.vector_store %arg5[%swap3A_94, %swap3A_95], %swap3A_98 {strides = array<i32>} : memref<112x128xf32, #tpu.memory_space<vmem>>, vector<1x16xf32>,
      %swap3A_99 = arith.index_cast %scan3A_73 : i32 to index
      %swap3A_100 = arith.constant 80 : index
      %swap3A_101 = tpu.vector_load %arg5[%swap3A_99, %swap3A_100] {strides = array<i32>} : memref<112x128xf32, #tpu.memory_space<vmem>>, vector<1x16xf32>,
      %swap3A_102 = vector.shape_cast %swap3A_101 : vector<1x16xf32> to vector<16xf32>
      %swap3A_103 = vector.shape_cast %broadcast_in_dim3A_33 : vector<16xf32> to vector<1x16xf32>
      tpu.vector_store %arg5[%swap3A_99, %swap3A_100], %swap3A_103 {strides = array<i32>} : memref<112x128xf32, #tpu.memory_space<vmem>>, vector<1x16xf32>,
      %swap3A_104 = arith.index_cast %scan3A_73 : i32 to index
      %swap3A_105 = arith.constant 96 : index
      %swap3A_106 = tpu.vector_load %arg5[%swap3A_104, %swap3A_105] {strides = array<i32>} : memref<112x128xf32, #tpu.memory_space<vmem>>, vector<1x16xf32>,
      %swap3A_107 = vector.shape_cast %swap3A_106 : vector<1x16xf32> to vector<16xf32>
      %swap3A_108 = vector.shape_cast %broadcast_in_dim3A_33 : vector<16xf32> to vector<1x16xf32>
      tpu.vector_store %arg5[%swap3A_104, %swap3A_105], %swap3A_108 {strides = array<i32>} : memref<112x128xf32, #tpu.memory_space<vmem>>, vector<1x16xf32>,
      %swap3A_109 = arith.index_cast %scan3A_73 : i32 to index
      %swap3A_110 = arith.constant 112 : index
      %swap3A_111 = tpu.vector_load %arg5[%swap3A_109, %swap3A_110] {strides = array<i32>} : memref<112x128xf32, #tpu.memory_space<vmem>>, vector<1x16xf32>,
      %swap3A_112 = vector.shape_cast %swap3A_111 : vector<1x16xf32> to vector<16xf32>
      %swap3A_113 = vector.shape_cast %broadcast_in_dim3A_33 : vector<16xf32> to vector<1x16xf32>
      tpu.vector_store %arg5[%swap3A_109, %swap3A_110], %swap3A_113 {strides = array<i32>} : memref<112x128xf32, #tpu.memory_space<vmem>>, vector<1x16xf32>,
      %scan3A_114 = arith.constant 0 : i32
      scf.yield %scan3A_114 : i32
    }
    %scan3A_40 = arith.constant 112 : i32
    %scan3A_41 = arith.constant 0 : i32
    %scan3A_42 = arith.constant 0 : i32
    %scan3A_43 = arith.constant 90 : i32
    %scan3A_44 = arith.addi %scan3A_42, %scan3A_43 : i32
    %scan3A_45 = arith.constant 1 : i32
    %scan3A_46 = scf.for %scan3A_73 = %scan3A_42 to %scan3A_44 step %scan3A_45 iter_args(%scan3A_74 = %scan3A_41) -> (i32)  : i32 {
      "tpu.region"() ({
        %run_scoped3A = tpu.sem_alloc : memref<!tpu.dma_semaphore, #tpu.memory_space<semaphore_mem>>
        %dma_start3A = arith.constant 0 : i32
        %dma_start3A_76 = tpu.memref_slice %arg4[%scan3A_73, %dma_start3A] : memref<90x112xi32, #tpu.memory_space<vmem>> -> memref<1x112xi32, #tpu.memory_space<vmem>>
        %dma_start3A_77 = tpu.memref_squeeze %dma_start3A_76 : memref<1x112xi32, #tpu.memory_space<vmem>> -> memref<112xi32, #tpu.memory_space<vmem>>
        %dma_start3A_78 = arith.constant 0 : i32
        %dma_start3A_79 = arith.constant 0 : i32
        %dma_start3A_80 = tpu.memref_slice %arg6[%dma_start3A_78, %dma_start3A_79] : memref<10112x128xf32, #tpu.memory_space<vmem_shared>> -> memref<10112x128xf32, #tpu.memory_space<vmem_shared>>
        tpu.enqueue_indirect_dma source(%arg5 : memref<112x128xf32, #tpu.memory_space<vmem>>) target(%dma_start3A_80 : memref<10112x128xf32, #tpu.memory_space<vmem_shared>>) offsets(%dma_start3A_77 : memref<112xi32, #tpu.memory_space<vmem>>) semaphore(%run_scoped3A : memref<!tpu.dma_semaphore, #tpu.memory_space<semaphore_mem>>) {add = true}
        %dma_wait3A = arith.constant 0 : i32
        %dma_wait3A_81 = tpu.memref_slice %arg4[%scan3A_73, %dma_wait3A] : memref<90x112xi32, #tpu.memory_space<vmem>> -> memref<1x112xi32, #tpu.memory_space<vmem>>
        %dma_wait3A_82 = tpu.memref_squeeze %dma_wait3A_81 : memref<1x112xi32, #tpu.memory_space<vmem>> -> memref<112xi32, #tpu.memory_space<vmem>>
        %dma_wait3A_83 = arith.constant 0 : i32
        %dma_wait3A_84 = arith.constant 0 : i32
        %dma_wait3A_85 = tpu.memref_slice %arg6[%dma_wait3A_83, %dma_wait3A_84] : memref<10112x128xf32, #tpu.memory_space<vmem_shared>> -> memref<10112x128xf32, #tpu.memory_space<vmem_shared>>
        tpu.wait_indirect_dma semaphore(%run_scoped3A : memref<!tpu.dma_semaphore, #tpu.memory_space<semaphore_mem>>) src(%arg5 : memref<112x128xf32, #tpu.memory_space<vmem>>) dst(%dma_wait3A_85 : memref<10112x128xf32, #tpu.memory_space<vmem_shared>>)
        tpu.yield
      }) : () -> ()
      %scan3A_75 = arith.constant 0 : i32
      scf.yield %scan3A_75 : i32
    }
    %scan3A_47 = arith.constant 90 : i32
    %barrier3A_48 = arith.constant 0 : index
    tpu.barrier barrier_id(%barrier3A_48)
    %mul3A_49 = arith.constant 632 : i32
    %mul3A_50 = arith.muli %arg1, %mul3A_49 : i32
    %add3A_51 = arith.constant 0 : i32
    %add3A_52 = arith.addi %mul3A_50, %add3A_51 : i32
    "tpu.region"() ({
      %run_scoped3A = tpu.sem_alloc : memref<!tpu.dma_semaphore, #tpu.memory_space<semaphore_mem>>
      %dma_start3A = arith.constant 0 : i32
      %dma_start3A_73 = arith.constant 0 : i32
      %dma_start3A_74 = tpu.memref_slice %arg5[%dma_start3A, %dma_start3A_73] : memref<112x128xf32, #tpu.memory_space<vmem>> -> memref<112x128xf32, #tpu.memory_space<vmem>>
      %dma_start3A_75 = arith.constant 0 : i32
      %dma_start3A_76 = tpu.memref_slice %arg6[%add3A_52, %dma_start3A_75] : memref<10112x128xf32, #tpu.memory_space<vmem_shared>> -> memref<112x128xf32, #tpu.memory_space<vmem_shared>>
      %dma_start3A_77 = arith.constant 0 : i32
      %dma_start3A_78 = arith.constant 0 : i32
      %dma_start3A_79 = tpu.memref_slice %arg5[%dma_start3A_77, %dma_start3A_78] : memref<112x128xf32, #tpu.memory_space<vmem>> -> memref<112x128xf32, #tpu.memory_space<vmem>>
      %dma_start3A_80 = arith.constant 0 : i32
      %dma_start3A_81 = tpu.memref_slice %arg6[%add3A_52, %dma_start3A_80] : memref<10112x128xf32, #tpu.memory_space<vmem_shared>> -> memref<112x128xf32, #tpu.memory_space<vmem_shared>>
      tpu.enqueue_dma source(%dma_start3A_81 : memref<112x128xf32, #tpu.memory_space<vmem_shared>>) target(%dma_start3A_79 : memref<112x128xf32, #tpu.memory_space<vmem>>) target_semaphore(%run_scoped3A : memref<!tpu.dma_semaphore, #tpu.memory_space<semaphore_mem>>)
      %dma_wait3A = arith.constant 0 : i32
      %dma_wait3A_82 = arith.constant 0 : i32
      %dma_wait3A_83 = tpu.memref_slice %arg5[%dma_wait3A, %dma_wait3A_82] : memref<112x128xf32, #tpu.memory_space<vmem>> -> memref<112x128xf32, #tpu.memory_space<vmem>>
      %dma_wait3A_84 = arith.constant 0 : i32
      %dma_wait3A_85 = tpu.memref_slice %arg6[%add3A_52, %dma_wait3A_84] : memref<10112x128xf32, #tpu.memory_space<vmem_shared>> -> memref<112x128xf32, #tpu.memory_space<vmem_shared>>
      %dma_wait3A_86 = arith.constant 0 : i32
      %dma_wait3A_87 = arith.constant 0 : i32
      %dma_wait3A_88 = tpu.memref_slice %arg5[%dma_wait3A_86, %dma_wait3A_87] : memref<112x128xf32, #tpu.memory_space<vmem>> -> memref<112x128xf32, #tpu.memory_space<vmem>>
      %dma_wait3A_89 = arith.constant 0 : i32
      %dma_wait3A_90 = tpu.memref_slice %arg6[%add3A_52, %dma_wait3A_89] : memref<10112x128xf32, #tpu.memory_space<vmem_shared>> -> memref<112x128xf32, #tpu.memory_space<vmem_shared>>
      tpu.wait_dma2 semaphore(%run_scoped3A : memref<!tpu.dma_semaphore, #tpu.memory_space<semaphore_mem>>) src(%dma_wait3A_90 : memref<112x128xf32, #tpu.memory_space<vmem_shared>>) dst(%dma_wait3A_88 : memref<112x128xf32, #tpu.memory_space<vmem>>)
      tpu.yield
    }) : () -> ()
    "tpu.region"() ({
      %run_scoped3A = tpu.sem_alloc : memref<!tpu.dma_semaphore, #tpu.memory_space<semaphore_mem>>
      %dma_start3A = arith.constant 0 : i32
      %dma_start3A_73 = arith.constant 0 : i32
      %dma_start3A_74 = tpu.memref_slice %arg5[%dma_start3A, %dma_start3A_73] : memref<112x128xf32, #tpu.memory_space<vmem>> -> memref<112x128xf32, #tpu.memory_space<vmem>>
      %dma_start3A_75 = arith.constant 0 : i32
      %dma_start3A_76 = tpu.memref_slice %arg3[%arg0, %add3A_52, %dma_start3A_75] : memref<2x10112x128xf32, #tpu.memory_space<hbm>> -> memref<1x112x128xf32, #tpu.memory_space<hbm>>
      %dma_start3A_77 = tpu.memref_squeeze %dma_start3A_76 : memref<1x112x128xf32, #tpu.memory_space<hbm>> -> memref<112x128xf32, #tpu.memory_space<hbm>>
      %dma_start3A_78 = arith.constant 0 : i32
      %dma_start3A_79 = tpu.memref_slice %arg3[%arg0, %add3A_52, %dma_start3A_78] : memref<2x10112x128xf32, #tpu.memory_space<hbm>> -> memref<1x112x128xf32, #tpu.memory_space<hbm>>
      %dma_start3A_80 = tpu.memref_squeeze %dma_start3A_79 : memref<1x112x128xf32, #tpu.memory_space<hbm>> -> memref<112x128xf32, #tpu.memory_space<hbm>>
      %dma_start3A_81 = arith.constant 0 : i32
      %dma_start3A_82 = arith.constant 0 : i32
      %dma_start3A_83 = tpu.memref_slice %arg5[%dma_start3A_81, %dma_start3A_82] : memref<112x128xf32, #tpu.memory_space<vmem>> -> memref<112x128xf32, #tpu.memory_space<vmem>>
      tpu.enqueue_dma source(%dma_start3A_83 : memref<112x128xf32, #tpu.memory_space<vmem>>) target(%dma_start3A_80 : memref<112x128xf32, #tpu.memory_space<hbm>>) target_semaphore(%run_scoped3A : memref<!tpu.dma_semaphore, #tpu.memory_space<semaphore_mem>>)
      %dma_wait3A = arith.constant 0 : i32
      %dma_wait3A_84 = arith.constant 0 : i32
      %dma_wait3A_85 = tpu.memref_slice %arg5[%dma_wait3A, %dma_wait3A_84] : memref<112x128xf32, #tpu.memory_space<vmem>> -> memref<112x128xf32, #tpu.memory_space<vmem>>
      %dma_wait3A_86 = arith.constant 0 : i32
      %dma_wait3A_87 = tpu.memref_slice %arg3[%arg0, %add3A_52, %dma_wait3A_86] : memref<2x10112x128xf32, #tpu.memory_space<hbm>> -> memref<1x112x128xf32, #tpu.memory_space<hbm>>
      %dma_wait3A_88 = tpu.memref_squeeze %dma_wait3A_87 : memref<1x112x128xf32, #tpu.memory_space<hbm>> -> memref<112x128xf32, #tpu.memory_space<hbm>>
      %dma_wait3A_89 = arith.constant 0 : i32
      %dma_wait3A_90 = tpu.memref_slice %arg3[%arg0, %add3A_52, %dma_wait3A_89] : memref<2x10112x128xf32, #tpu.memory_space<hbm>> -> memref<1x112x128xf32, #tpu.memory_space<hbm>>
      %dma_wait3A_91 = tpu.memref_squeeze %dma_wait3A_90 : memref<1x112x128xf32, #tpu.memory_space<hbm>> -> memref<112x128xf32, #tpu.memory_space<hbm>>
      %dma_wait3A_92 = arith.constant 0 : i32
      %dma_wait3A_93 = arith.constant 0 : i32
      %dma_wait3A_94 = tpu.memref_slice %arg5[%dma_wait3A_92, %dma_wait3A_93] : memref<112x128xf32, #tpu.memory_space<vmem>> -> memref<112x128xf32, #tpu.memory_space<vmem>>
      tpu.wait_dma2 semaphore(%run_scoped3A : memref<!tpu.dma_semaphore, #tpu.memory_space<semaphore_mem>>) src(%dma_wait3A_94 : memref<112x128xf32, #tpu.memory_space<vmem>>) dst(%dma_wait3A_91 : memref<112x128xf32, #tpu.memory_space<hbm>>)
      tpu.yield
    }) : () -> ()
    %mul3A_53 = arith.constant 632 : i32
    %mul3A_54 = arith.muli %arg1, %mul3A_53 : i32
    %add3A_55 = arith.constant 112 : i32
    %add3A_56 = arith.addi %mul3A_54, %add3A_55 : i32
    "tpu.region"() ({
      %run_scoped3A = tpu.sem_alloc : memref<!tpu.dma_semaphore, #tpu.memory_space<semaphore_mem>>
      %dma_start3A = arith.constant 0 : i32
      %dma_start3A_73 = arith.constant 0 : i32
      %dma_start3A_74 = tpu.memref_slice %arg5[%dma_start3A, %dma_start3A_73] : memref<112x128xf32, #tpu.memory_space<vmem>> -> memref<112x128xf32, #tpu.memory_space<vmem>>
      %dma_start3A_75 = arith.constant 0 : i32
      %dma_start3A_76 = tpu.memref_slice %arg6[%add3A_56, %dma_start3A_75] : memref<10112x128xf32, #tpu.memory_space<vmem_shared>> -> memref<112x128xf32, #tpu.memory_space<vmem_shared>>
      %dma_start3A_77 = arith.constant 0 : i32
      %dma_start3A_78 = arith.constant 0 : i32
      %dma_start3A_79 = tpu.memref_slice %arg5[%dma_start3A_77, %dma_start3A_78] : memref<112x128xf32, #tpu.memory_space<vmem>> -> memref<112x128xf32, #tpu.memory_space<vmem>>
      %dma_start3A_80 = arith.constant 0 : i32
      %dma_start3A_81 = tpu.memref_slice %arg6[%add3A_56, %dma_start3A_80] : memref<10112x128xf32, #tpu.memory_space<vmem_shared>> -> memref<112x128xf32, #tpu.memory_space<vmem_shared>>
      tpu.enqueue_dma source(%dma_start3A_81 : memref<112x128xf32, #tpu.memory_space<vmem_shared>>) target(%dma_start3A_79 : memref<112x128xf32, #tpu.memory_space<vmem>>) target_semaphore(%run_scoped3A : memref<!tpu.dma_semaphore, #tpu.memory_space<semaphore_mem>>)
      %dma_wait3A = arith.constant 0 : i32
      %dma_wait3A_82 = arith.constant 0 : i32
      %dma_wait3A_83 = tpu.memref_slice %arg5[%dma_wait3A, %dma_wait3A_82] : memref<112x128xf32, #tpu.memory_space<vmem>> -> memref<112x128xf32, #tpu.memory_space<vmem>>
      %dma_wait3A_84 = arith.constant 0 : i32
      %dma_wait3A_85 = tpu.memref_slice %arg6[%add3A_56, %dma_wait3A_84] : memref<10112x128xf32, #tpu.memory_space<vmem_shared>> -> memref<112x128xf32, #tpu.memory_space<vmem_shared>>
      %dma_wait3A_86 = arith.constant 0 : i32
      %dma_wait3A_87 = arith.constant 0 : i32
      %dma_wait3A_88 = tpu.memref_slice %arg5[%dma_wait3A_86, %dma_wait3A_87] : memref<112x128xf32, #tpu.memory_space<vmem>> -> memref<112x128xf32, #tpu.memory_space<vmem>>
      %dma_wait3A_89 = arith.constant 0 : i32
      %dma_wait3A_90 = tpu.memref_slice %arg6[%add3A_56, %dma_wait3A_89] : memref<10112x128xf32, #tpu.memory_space<vmem_shared>> -> memref<112x128xf32, #tpu.memory_space<vmem_shared>>
      tpu.wait_dma2 semaphore(%run_scoped3A : memref<!tpu.dma_semaphore, #tpu.memory_space<semaphore_mem>>) src(%dma_wait3A_90 : memref<112x128xf32, #tpu.memory_space<vmem_shared>>) dst(%dma_wait3A_88 : memref<112x128xf32, #tpu.memory_space<vmem>>)
      tpu.yield
    }) : () -> ()
    "tpu.region"() ({
      %run_scoped3A = tpu.sem_alloc : memref<!tpu.dma_semaphore, #tpu.memory_space<semaphore_mem>>
      %dma_start3A = arith.constant 0 : i32
      %dma_start3A_73 = arith.constant 0 : i32
      %dma_start3A_74 = tpu.memref_slice %arg5[%dma_start3A, %dma_start3A_73] : memref<112x128xf32, #tpu.memory_space<vmem>> -> memref<112x128xf32, #tpu.memory_space<vmem>>
      %dma_start3A_75 = arith.constant 0 : i32
      %dma_start3A_76 = tpu.memref_slice %arg3[%arg0, %add3A_56, %dma_start3A_75] : memref<2x10112x128xf32, #tpu.memory_space<hbm>> -> memref<1x112x128xf32, #tpu.memory_space<hbm>>
      %dma_start3A_77 = tpu.memref_squeeze %dma_start3A_76 : memref<1x112x128xf32, #tpu.memory_space<hbm>> -> memref<112x128xf32, #tpu.memory_space<hbm>>
      %dma_start3A_78 = arith.constant 0 : i32
      %dma_start3A_79 = tpu.memref_slice %arg3[%arg0, %add3A_56, %dma_start3A_78] : memref<2x10112x128xf32, #tpu.memory_space<hbm>> -> memref<1x112x128xf32, #tpu.memory_space<hbm>>
      %dma_start3A_80 = tpu.memref_squeeze %dma_start3A_79 : memref<1x112x128xf32, #tpu.memory_space<hbm>> -> memref<112x128xf32, #tpu.memory_space<hbm>>
      %dma_start3A_81 = arith.constant 0 : i32
      %dma_start3A_82 = arith.constant 0 : i32
      %dma_start3A_83 = tpu.memref_slice %arg5[%dma_start3A_81, %dma_start3A_82] : memref<112x128xf32, #tpu.memory_space<vmem>> -> memref<112x128xf32, #tpu.memory_space<vmem>>
      tpu.enqueue_dma source(%dma_start3A_83 : memref<112x128xf32, #tpu.memory_space<vmem>>) target(%dma_start3A_80 : memref<112x128xf32, #tpu.memory_space<hbm>>) target_semaphore(%run_scoped3A : memref<!tpu.dma_semaphore, #tpu.memory_space<semaphore_mem>>)
      %dma_wait3A = arith.constant 0 : i32
      %dma_wait3A_84 = arith.constant 0 : i32
      %dma_wait3A_85 = tpu.memref_slice %arg5[%dma_wait3A, %dma_wait3A_84] : memref<112x128xf32, #tpu.memory_space<vmem>> -> memref<112x128xf32, #tpu.memory_space<vmem>>
      %dma_wait3A_86 = arith.constant 0 : i32
      %dma_wait3A_87 = tpu.memref_slice %arg3[%arg0, %add3A_56, %dma_wait3A_86] : memref<2x10112x128xf32, #tpu.memory_space<hbm>> -> memref<1x112x128xf32, #tpu.memory_space<hbm>>
      %dma_wait3A_88 = tpu.memref_squeeze %dma_wait3A_87 : memref<1x112x128xf32, #tpu.memory_space<hbm>> -> memref<112x128xf32, #tpu.memory_space<hbm>>
      %dma_wait3A_89 = arith.constant 0 : i32
      %dma_wait3A_90 = tpu.memref_slice %arg3[%arg0, %add3A_56, %dma_wait3A_89] : memref<2x10112x128xf32, #tpu.memory_space<hbm>> -> memref<1x112x128xf32, #tpu.memory_space<hbm>>
      %dma_wait3A_91 = tpu.memref_squeeze %dma_wait3A_90 : memref<1x112x128xf32, #tpu.memory_space<hbm>> -> memref<112x128xf32, #tpu.memory_space<hbm>>
      %dma_wait3A_92 = arith.constant 0 : i32
      %dma_wait3A_93 = arith.constant 0 : i32
      %dma_wait3A_94 = tpu.memref_slice %arg5[%dma_wait3A_92, %dma_wait3A_93] : memref<112x128xf32, #tpu.memory_space<vmem>> -> memref<112x128xf32, #tpu.memory_space<vmem>>
      tpu.wait_dma2 semaphore(%run_scoped3A : memref<!tpu.dma_semaphore, #tpu.memory_space<semaphore_mem>>) src(%dma_wait3A_94 : memref<112x128xf32, #tpu.memory_space<vmem>>) dst(%dma_wait3A_91 : memref<112x128xf32, #tpu.memory_space<hbm>>)
      tpu.yield
    }) : () -> ()
    %mul3A_57 = arith.constant 632 : i32
    %mul3A_58 = arith.muli %arg1, %mul3A_57 : i32
    %add3A_59 = arith.constant 224 : i32
    %add3A_60 = arith.addi %mul3A_58, %add3A_59 : i32
    "tpu.region"() ({
      %run_scoped3A = tpu.sem_alloc : memref<!tpu.dma_semaphore, #tpu.memory_space<semaphore_mem>>
      %dma_start3A = arith.constant 0 : i32
      %dma_start3A_73 = arith.constant 0 : i32
      %dma_start3A_74 = tpu.memref_slice %arg5[%dma_start3A, %dma_start3A_73] : memref<112x128xf32, #tpu.memory_space<vmem>> -> memref<112x128xf32, #tpu.memory_space<vmem>>
      %dma_start3A_75 = arith.constant 0 : i32
      %dma_start3A_76 = tpu.memref_slice %arg6[%add3A_60, %dma_start3A_75] : memref<10112x128xf32, #tpu.memory_space<vmem_shared>> -> memref<112x128xf32, #tpu.memory_space<vmem_shared>>
      %dma_start3A_77 = arith.constant 0 : i32
      %dma_start3A_78 = arith.constant 0 : i32
      %dma_start3A_79 = tpu.memref_slice %arg5[%dma_start3A_77, %dma_start3A_78] : memref<112x128xf32, #tpu.memory_space<vmem>> -> memref<112x128xf32, #tpu.memory_space<vmem>>
      %dma_start3A_80 = arith.constant 0 : i32
      %dma_start3A_81 = tpu.memref_slice %arg6[%add3A_60, %dma_start3A_80] : memref<10112x128xf32, #tpu.memory_space<vmem_shared>> -> memref<112x128xf32, #tpu.memory_space<vmem_shared>>
      tpu.enqueue_dma source(%dma_start3A_81 : memref<112x128xf32, #tpu.memory_space<vmem_shared>>) target(%dma_start3A_79 : memref<112x128xf32, #tpu.memory_space<vmem>>) target_semaphore(%run_scoped3A : memref<!tpu.dma_semaphore, #tpu.memory_space<semaphore_mem>>)
      %dma_wait3A = arith.constant 0 : i32
      %dma_wait3A_82 = arith.constant 0 : i32
      %dma_wait3A_83 = tpu.memref_slice %arg5[%dma_wait3A, %dma_wait3A_82] : memref<112x128xf32, #tpu.memory_space<vmem>> -> memref<112x128xf32, #tpu.memory_space<vmem>>
      %dma_wait3A_84 = arith.constant 0 : i32
      %dma_wait3A_85 = tpu.memref_slice %arg6[%add3A_60, %dma_wait3A_84] : memref<10112x128xf32, #tpu.memory_space<vmem_shared>> -> memref<112x128xf32, #tpu.memory_space<vmem_shared>>
      %dma_wait3A_86 = arith.constant 0 : i32
      %dma_wait3A_87 = arith.constant 0 : i32
      %dma_wait3A_88 = tpu.memref_slice %arg5[%dma_wait3A_86, %dma_wait3A_87] : memref<112x128xf32, #tpu.memory_space<vmem>> -> memref<112x128xf32, #tpu.memory_space<vmem>>
      %dma_wait3A_89 = arith.constant 0 : i32
      %dma_wait3A_90 = tpu.memref_slice %arg6[%add3A_60, %dma_wait3A_89] : memref<10112x128xf32, #tpu.memory_space<vmem_shared>> -> memref<112x128xf32, #tpu.memory_space<vmem_shared>>
      tpu.wait_dma2 semaphore(%run_scoped3A : memref<!tpu.dma_semaphore, #tpu.memory_space<semaphore_mem>>) src(%dma_wait3A_90 : memref<112x128xf32, #tpu.memory_space<vmem_shared>>) dst(%dma_wait3A_88 : memref<112x128xf32, #tpu.memory_space<vmem>>)
      tpu.yield
    }) : () -> ()
    "tpu.region"() ({
      %run_scoped3A = tpu.sem_alloc : memref<!tpu.dma_semaphore, #tpu.memory_space<semaphore_mem>>
      %dma_start3A = arith.constant 0 : i32
      %dma_start3A_73 = arith.constant 0 : i32
      %dma_start3A_74 = tpu.memref_slice %arg5[%dma_start3A, %dma_start3A_73] : memref<112x128xf32, #tpu.memory_space<vmem>> -> memref<112x128xf32, #tpu.memory_space<vmem>>
      %dma_start3A_75 = arith.constant 0 : i32
      %dma_start3A_76 = tpu.memref_slice %arg3[%arg0, %add3A_60, %dma_start3A_75] : memref<2x10112x128xf32, #tpu.memory_space<hbm>> -> memref<1x112x128xf32, #tpu.memory_space<hbm>>
      %dma_start3A_77 = tpu.memref_squeeze %dma_start3A_76 : memref<1x112x128xf32, #tpu.memory_space<hbm>> -> memref<112x128xf32, #tpu.memory_space<hbm>>
      %dma_start3A_78 = arith.constant 0 : i32
      %dma_start3A_79 = tpu.memref_slice %arg3[%arg0, %add3A_60, %dma_start3A_78] : memref<2x10112x128xf32, #tpu.memory_space<hbm>> -> memref<1x112x128xf32, #tpu.memory_space<hbm>>
      %dma_start3A_80 = tpu.memref_squeeze %dma_start3A_79 : memref<1x112x128xf32, #tpu.memory_space<hbm>> -> memref<112x128xf32, #tpu.memory_space<hbm>>
      %dma_start3A_81 = arith.constant 0 : i32
      %dma_start3A_82 = arith.constant 0 : i32
      %dma_start3A_83 = tpu.memref_slice %arg5[%dma_start3A_81, %dma_start3A_82] : memref<112x128xf32, #tpu.memory_space<vmem>> -> memref<112x128xf32, #tpu.memory_space<vmem>>
      tpu.enqueue_dma source(%dma_start3A_83 : memref<112x128xf32, #tpu.memory_space<vmem>>) target(%dma_start3A_80 : memref<112x128xf32, #tpu.memory_space<hbm>>) target_semaphore(%run_scoped3A : memref<!tpu.dma_semaphore, #tpu.memory_space<semaphore_mem>>)
      %dma_wait3A = arith.constant 0 : i32
      %dma_wait3A_84 = arith.constant 0 : i32
      %dma_wait3A_85 = tpu.memref_slice %arg5[%dma_wait3A, %dma_wait3A_84] : memref<112x128xf32, #tpu.memory_space<vmem>> -> memref<112x128xf32, #tpu.memory_space<vmem>>
      %dma_wait3A_86 = arith.constant 0 : i32
      %dma_wait3A_87 = tpu.memref_slice %arg3[%arg0, %add3A_60, %dma_wait3A_86] : memref<2x10112x128xf32, #tpu.memory_space<hbm>> -> memref<1x112x128xf32, #tpu.memory_space<hbm>>
      %dma_wait3A_88 = tpu.memref_squeeze %dma_wait3A_87 : memref<1x112x128xf32, #tpu.memory_space<hbm>> -> memref<112x128xf32, #tpu.memory_space<hbm>>
      %dma_wait3A_89 = arith.constant 0 : i32
      %dma_wait3A_90 = tpu.memref_slice %arg3[%arg0, %add3A_60, %dma_wait3A_89] : memref<2x10112x128xf32, #tpu.memory_space<hbm>> -> memref<1x112x128xf32, #tpu.memory_space<hbm>>
      %dma_wait3A_91 = tpu.memref_squeeze %dma_wait3A_90 : memref<1x112x128xf32, #tpu.memory_space<hbm>> -> memref<112x128xf32, #tpu.memory_space<hbm>>
      %dma_wait3A_92 = arith.constant 0 : i32
      %dma_wait3A_93 = arith.constant 0 : i32
      %dma_wait3A_94 = tpu.memref_slice %arg5[%dma_wait3A_92, %dma_wait3A_93] : memref<112x128xf32, #tpu.memory_space<vmem>> -> memref<112x128xf32, #tpu.memory_space<vmem>>
      tpu.wait_dma2 semaphore(%run_scoped3A : memref<!tpu.dma_semaphore, #tpu.memory_space<semaphore_mem>>) src(%dma_wait3A_94 : memref<112x128xf32, #tpu.memory_space<vmem>>) dst(%dma_wait3A_91 : memref<112x128xf32, #tpu.memory_space<hbm>>)
      tpu.yield
    }) : () -> ()
    %mul3A_61 = arith.constant 632 : i32
    %mul3A_62 = arith.muli %arg1, %mul3A_61 : i32
    %add3A_63 = arith.constant 336 : i32
    %add3A_64 = arith.addi %mul3A_62, %add3A_63 : i32
    "tpu.region"() ({
      %run_scoped3A = tpu.sem_alloc : memref<!tpu.dma_semaphore, #tpu.memory_space<semaphore_mem>>
      %dma_start3A = arith.constant 0 : i32
      %dma_start3A_73 = arith.constant 0 : i32
      %dma_start3A_74 = tpu.memref_slice %arg5[%dma_start3A, %dma_start3A_73] : memref<112x128xf32, #tpu.memory_space<vmem>> -> memref<112x128xf32, #tpu.memory_space<vmem>>
      %dma_start3A_75 = arith.constant 0 : i32
      %dma_start3A_76 = tpu.memref_slice %arg6[%add3A_64, %dma_start3A_75] : memref<10112x128xf32, #tpu.memory_space<vmem_shared>> -> memref<112x128xf32, #tpu.memory_space<vmem_shared>>
      %dma_start3A_77 = arith.constant 0 : i32
      %dma_start3A_78 = arith.constant 0 : i32
      %dma_start3A_79 = tpu.memref_slice %arg5[%dma_start3A_77, %dma_start3A_78] : memref<112x128xf32, #tpu.memory_space<vmem>> -> memref<112x128xf32, #tpu.memory_space<vmem>>
      %dma_start3A_80 = arith.constant 0 : i32
      %dma_start3A_81 = tpu.memref_slice %arg6[%add3A_64, %dma_start3A_80] : memref<10112x128xf32, #tpu.memory_space<vmem_shared>> -> memref<112x128xf32, #tpu.memory_space<vmem_shared>>
      tpu.enqueue_dma source(%dma_start3A_81 : memref<112x128xf32, #tpu.memory_space<vmem_shared>>) target(%dma_start3A_79 : memref<112x128xf32, #tpu.memory_space<vmem>>) target_semaphore(%run_scoped3A : memref<!tpu.dma_semaphore, #tpu.memory_space<semaphore_mem>>)
      %dma_wait3A = arith.constant 0 : i32
      %dma_wait3A_82 = arith.constant 0 : i32
      %dma_wait3A_83 = tpu.memref_slice %arg5[%dma_wait3A, %dma_wait3A_82] : memref<112x128xf32, #tpu.memory_space<vmem>> -> memref<112x128xf32, #tpu.memory_space<vmem>>
      %dma_wait3A_84 = arith.constant 0 : i32
      %dma_wait3A_85 = tpu.memref_slice %arg6[%add3A_64, %dma_wait3A_84] : memref<10112x128xf32, #tpu.memory_space<vmem_shared>> -> memref<112x128xf32, #tpu.memory_space<vmem_shared>>
      %dma_wait3A_86 = arith.constant 0 : i32
      %dma_wait3A_87 = arith.constant 0 : i32
      %dma_wait3A_88 = tpu.memref_slice %arg5[%dma_wait3A_86, %dma_wait3A_87] : memref<112x128xf32, #tpu.memory_space<vmem>> -> memref<112x128xf32, #tpu.memory_space<vmem>>
      %dma_wait3A_89 = arith.constant 0 : i32
      %dma_wait3A_90 = tpu.memref_slice %arg6[%add3A_64, %dma_wait3A_89] : memref<10112x128xf32, #tpu.memory_space<vmem_shared>> -> memref<112x128xf32, #tpu.memory_space<vmem_shared>>
      tpu.wait_dma2 semaphore(%run_scoped3A : memref<!tpu.dma_semaphore, #tpu.memory_space<semaphore_mem>>) src(%dma_wait3A_90 : memref<112x128xf32, #tpu.memory_space<vmem_shared>>) dst(%dma_wait3A_88 : memref<112x128xf32, #tpu.memory_space<vmem>>)
      tpu.yield
    }) : () -> ()
    "tpu.region"() ({
      %run_scoped3A = tpu.sem_alloc : memref<!tpu.dma_semaphore, #tpu.memory_space<semaphore_mem>>
      %dma_start3A = arith.constant 0 : i32
      %dma_start3A_73 = arith.constant 0 : i32
      %dma_start3A_74 = tpu.memref_slice %arg5[%dma_start3A, %dma_start3A_73] : memref<112x128xf32, #tpu.memory_space<vmem>> -> memref<112x128xf32, #tpu.memory_space<vmem>>
      %dma_start3A_75 = arith.constant 0 : i32
      %dma_start3A_76 = tpu.memref_slice %arg3[%arg0, %add3A_64, %dma_start3A_75] : memref<2x10112x128xf32, #tpu.memory_space<hbm>> -> memref<1x112x128xf32, #tpu.memory_space<hbm>>
      %dma_start3A_77 = tpu.memref_squeeze %dma_start3A_76 : memref<1x112x128xf32, #tpu.memory_space<hbm>> -> memref<112x128xf32, #tpu.memory_space<hbm>>
      %dma_start3A_78 = arith.constant 0 : i32
      %dma_start3A_79 = tpu.memref_slice %arg3[%arg0, %add3A_64, %dma_start3A_78] : memref<2x10112x128xf32, #tpu.memory_space<hbm>> -> memref<1x112x128xf32, #tpu.memory_space<hbm>>
      %dma_start3A_80 = tpu.memref_squeeze %dma_start3A_79 : memref<1x112x128xf32, #tpu.memory_space<hbm>> -> memref<112x128xf32, #tpu.memory_space<hbm>>
      %dma_start3A_81 = arith.constant 0 : i32
      %dma_start3A_82 = arith.constant 0 : i32
      %dma_start3A_83 = tpu.memref_slice %arg5[%dma_start3A_81, %dma_start3A_82] : memref<112x128xf32, #tpu.memory_space<vmem>> -> memref<112x128xf32, #tpu.memory_space<vmem>>
      tpu.enqueue_dma source(%dma_start3A_83 : memref<112x128xf32, #tpu.memory_space<vmem>>) target(%dma_start3A_80 : memref<112x128xf32, #tpu.memory_space<hbm>>) target_semaphore(%run_scoped3A : memref<!tpu.dma_semaphore, #tpu.memory_space<semaphore_mem>>)
      %dma_wait3A = arith.constant 0 : i32
      %dma_wait3A_84 = arith.constant 0 : i32
      %dma_wait3A_85 = tpu.memref_slice %arg5[%dma_wait3A, %dma_wait3A_84] : memref<112x128xf32, #tpu.memory_space<vmem>> -> memref<112x128xf32, #tpu.memory_space<vmem>>
      %dma_wait3A_86 = arith.constant 0 : i32
      %dma_wait3A_87 = tpu.memref_slice %arg3[%arg0, %add3A_64, %dma_wait3A_86] : memref<2x10112x128xf32, #tpu.memory_space<hbm>> -> memref<1x112x128xf32, #tpu.memory_space<hbm>>
      %dma_wait3A_88 = tpu.memref_squeeze %dma_wait3A_87 : memref<1x112x128xf32, #tpu.memory_space<hbm>> -> memref<112x128xf32, #tpu.memory_space<hbm>>
      %dma_wait3A_89 = arith.constant 0 : i32
      %dma_wait3A_90 = tpu.memref_slice %arg3[%arg0, %add3A_64, %dma_wait3A_89] : memref<2x10112x128xf32, #tpu.memory_space<hbm>> -> memref<1x112x128xf32, #tpu.memory_space<hbm>>
      %dma_wait3A_91 = tpu.memref_squeeze %dma_wait3A_90 : memref<1x112x128xf32, #tpu.memory_space<hbm>> -> memref<112x128xf32, #tpu.memory_space<hbm>>
      %dma_wait3A_92 = arith.constant 0 : i32
      %dma_wait3A_93 = arith.constant 0 : i32
      %dma_wait3A_94 = tpu.memref_slice %arg5[%dma_wait3A_92, %dma_wait3A_93] : memref<112x128xf32, #tpu.memory_space<vmem>> -> memref<112x128xf32, #tpu.memory_space<vmem>>
      tpu.wait_dma2 semaphore(%run_scoped3A : memref<!tpu.dma_semaphore, #tpu.memory_space<semaphore_mem>>) src(%dma_wait3A_94 : memref<112x128xf32, #tpu.memory_space<vmem>>) dst(%dma_wait3A_91 : memref<112x128xf32, #tpu.memory_space<hbm>>)
      tpu.yield
    }) : () -> ()
    %mul3A_65 = arith.constant 632 : i32
    %mul3A_66 = arith.muli %arg1, %mul3A_65 : i32
    %add3A_67 = arith.constant 448 : i32
    %add3A_68 = arith.addi %mul3A_66, %add3A_67 : i32
    "tpu.region"() ({
      %run_scoped3A = tpu.sem_alloc : memref<!tpu.dma_semaphore, #tpu.memory_space<semaphore_mem>>
      %dma_start3A = arith.constant 0 : i32
      %dma_start3A_73 = arith.constant 0 : i32
      %dma_start3A_74 = tpu.memref_slice %arg5[%dma_start3A, %dma_start3A_73] : memref<112x128xf32, #tpu.memory_space<vmem>> -> memref<112x128xf32, #tpu.memory_space<vmem>>
      %dma_start3A_75 = arith.constant 0 : i32
      %dma_start3A_76 = tpu.memref_slice %arg6[%add3A_68, %dma_start3A_75] : memref<10112x128xf32, #tpu.memory_space<vmem_shared>> -> memref<112x128xf32, #tpu.memory_space<vmem_shared>>
      %dma_start3A_77 = arith.constant 0 : i32
      %dma_start3A_78 = arith.constant 0 : i32
      %dma_start3A_79 = tpu.memref_slice %arg5[%dma_start3A_77, %dma_start3A_78] : memref<112x128xf32, #tpu.memory_space<vmem>> -> memref<112x128xf32, #tpu.memory_space<vmem>>
      %dma_start3A_80 = arith.constant 0 : i32
      %dma_start3A_81 = tpu.memref_slice %arg6[%add3A_68, %dma_start3A_80] : memref<10112x128xf32, #tpu.memory_space<vmem_shared>> -> memref<112x128xf32, #tpu.memory_space<vmem_shared>>
      tpu.enqueue_dma source(%dma_start3A_81 : memref<112x128xf32, #tpu.memory_space<vmem_shared>>) target(%dma_start3A_79 : memref<112x128xf32, #tpu.memory_space<vmem>>) target_semaphore(%run_scoped3A : memref<!tpu.dma_semaphore, #tpu.memory_space<semaphore_mem>>)
      %dma_wait3A = arith.constant 0 : i32
      %dma_wait3A_82 = arith.constant 0 : i32
      %dma_wait3A_83 = tpu.memref_slice %arg5[%dma_wait3A, %dma_wait3A_82] : memref<112x128xf32, #tpu.memory_space<vmem>> -> memref<112x128xf32, #tpu.memory_space<vmem>>
      %dma_wait3A_84 = arith.constant 0 : i32
      %dma_wait3A_85 = tpu.memref_slice %arg6[%add3A_68, %dma_wait3A_84] : memref<10112x128xf32, #tpu.memory_space<vmem_shared>> -> memref<112x128xf32, #tpu.memory_space<vmem_shared>>
      %dma_wait3A_86 = arith.constant 0 : i32
      %dma_wait3A_87 = arith.constant 0 : i32
      %dma_wait3A_88 = tpu.memref_slice %arg5[%dma_wait3A_86, %dma_wait3A_87] : memref<112x128xf32, #tpu.memory_space<vmem>> -> memref<112x128xf32, #tpu.memory_space<vmem>>
      %dma_wait3A_89 = arith.constant 0 : i32
      %dma_wait3A_90 = tpu.memref_slice %arg6[%add3A_68, %dma_wait3A_89] : memref<10112x128xf32, #tpu.memory_space<vmem_shared>> -> memref<112x128xf32, #tpu.memory_space<vmem_shared>>
      tpu.wait_dma2 semaphore(%run_scoped3A : memref<!tpu.dma_semaphore, #tpu.memory_space<semaphore_mem>>) src(%dma_wait3A_90 : memref<112x128xf32, #tpu.memory_space<vmem_shared>>) dst(%dma_wait3A_88 : memref<112x128xf32, #tpu.memory_space<vmem>>)
      tpu.yield
    }) : () -> ()
    "tpu.region"() ({
      %run_scoped3A = tpu.sem_alloc : memref<!tpu.dma_semaphore, #tpu.memory_space<semaphore_mem>>
      %dma_start3A = arith.constant 0 : i32
      %dma_start3A_73 = arith.constant 0 : i32
      %dma_start3A_74 = tpu.memref_slice %arg5[%dma_start3A, %dma_start3A_73] : memref<112x128xf32, #tpu.memory_space<vmem>> -> memref<112x128xf32, #tpu.memory_space<vmem>>
      %dma_start3A_75 = arith.constant 0 : i32
      %dma_start3A_76 = tpu.memref_slice %arg3[%arg0, %add3A_68, %dma_start3A_75] : memref<2x10112x128xf32, #tpu.memory_space<hbm>> -> memref<1x112x128xf32, #tpu.memory_space<hbm>>
      %dma_start3A_77 = tpu.memref_squeeze %dma_start3A_76 : memref<1x112x128xf32, #tpu.memory_space<hbm>> -> memref<112x128xf32, #tpu.memory_space<hbm>>
      %dma_start3A_78 = arith.constant 0 : i32
      %dma_start3A_79 = tpu.memref_slice %arg3[%arg0, %add3A_68, %dma_start3A_78] : memref<2x10112x128xf32, #tpu.memory_space<hbm>> -> memref<1x112x128xf32, #tpu.memory_space<hbm>>
      %dma_start3A_80 = tpu.memref_squeeze %dma_start3A_79 : memref<1x112x128xf32, #tpu.memory_space<hbm>> -> memref<112x128xf32, #tpu.memory_space<hbm>>
      %dma_start3A_81 = arith.constant 0 : i32
      %dma_start3A_82 = arith.constant 0 : i32
      %dma_start3A_83 = tpu.memref_slice %arg5[%dma_start3A_81, %dma_start3A_82] : memref<112x128xf32, #tpu.memory_space<vmem>> -> memref<112x128xf32, #tpu.memory_space<vmem>>
      tpu.enqueue_dma source(%dma_start3A_83 : memref<112x128xf32, #tpu.memory_space<vmem>>) target(%dma_start3A_80 : memref<112x128xf32, #tpu.memory_space<hbm>>) target_semaphore(%run_scoped3A : memref<!tpu.dma_semaphore, #tpu.memory_space<semaphore_mem>>)
      %dma_wait3A = arith.constant 0 : i32
      %dma_wait3A_84 = arith.constant 0 : i32
      %dma_wait3A_85 = tpu.memref_slice %arg5[%dma_wait3A, %dma_wait3A_84] : memref<112x128xf32, #tpu.memory_space<vmem>> -> memref<112x128xf32, #tpu.memory_space<vmem>>
      %dma_wait3A_86 = arith.constant 0 : i32
      %dma_wait3A_87 = tpu.memref_slice %arg3[%arg0, %add3A_68, %dma_wait3A_86] : memref<2x10112x128xf32, #tpu.memory_space<hbm>> -> memref<1x112x128xf32, #tpu.memory_space<hbm>>
      %dma_wait3A_88 = tpu.memref_squeeze %dma_wait3A_87 : memref<1x112x128xf32, #tpu.memory_space<hbm>> -> memref<112x128xf32, #tpu.memory_space<hbm>>
      %dma_wait3A_89 = arith.constant 0 : i32
      %dma_wait3A_90 = tpu.memref_slice %arg3[%arg0, %add3A_68, %dma_wait3A_89] : memref<2x10112x128xf32, #tpu.memory_space<hbm>> -> memref<1x112x128xf32, #tpu.memory_space<hbm>>
      %dma_wait3A_91 = tpu.memref_squeeze %dma_wait3A_90 : memref<1x112x128xf32, #tpu.memory_space<hbm>> -> memref<112x128xf32, #tpu.memory_space<hbm>>
      %dma_wait3A_92 = arith.constant 0 : i32
      %dma_wait3A_93 = arith.constant 0 : i32
      %dma_wait3A_94 = tpu.memref_slice %arg5[%dma_wait3A_92, %dma_wait3A_93] : memref<112x128xf32, #tpu.memory_space<vmem>> -> memref<112x128xf32, #tpu.memory_space<vmem>>
      tpu.wait_dma2 semaphore(%run_scoped3A : memref<!tpu.dma_semaphore, #tpu.memory_space<semaphore_mem>>) src(%dma_wait3A_94 : memref<112x128xf32, #tpu.memory_space<vmem>>) dst(%dma_wait3A_91 : memref<112x128xf32, #tpu.memory_space<hbm>>)
      tpu.yield
    }) : () -> ()
    %mul3A_69 = arith.constant 632 : i32
    %mul3A_70 = arith.muli %arg1, %mul3A_69 : i32
    %add3A_71 = arith.constant 560 : i32
    %add3A_72 = arith.addi %mul3A_70, %add3A_71 : i32
    "tpu.region"() ({
      %run_scoped3A = tpu.sem_alloc : memref<!tpu.dma_semaphore, #tpu.memory_space<semaphore_mem>>
      %dma_start3A = arith.constant 0 : i32
      %dma_start3A_73 = arith.constant 0 : i32
      %dma_start3A_74 = tpu.memref_slice %arg5[%dma_start3A, %dma_start3A_73] : memref<112x128xf32, #tpu.memory_space<vmem>> -> memref<72x128xf32, #tpu.memory_space<vmem>>
      %dma_start3A_75 = arith.constant 0 : i32
      %dma_start3A_76 = tpu.memref_slice %arg6[%add3A_72, %dma_start3A_75] : memref<10112x128xf32, #tpu.memory_space<vmem_shared>> -> memref<72x128xf32, #tpu.memory_space<vmem_shared>>
      %dma_start3A_77 = arith.constant 0 : i32
      %dma_start3A_78 = arith.constant 0 : i32
      %dma_start3A_79 = tpu.memref_slice %arg5[%dma_start3A_77, %dma_start3A_78] : memref<112x128xf32, #tpu.memory_space<vmem>> -> memref<72x128xf32, #tpu.memory_space<vmem>>
      %dma_start3A_80 = arith.constant 0 : i32
      %dma_start3A_81 = tpu.memref_slice %arg6[%add3A_72, %dma_start3A_80] : memref<10112x128xf32, #tpu.memory_space<vmem_shared>> -> memref<72x128xf32, #tpu.memory_space<vmem_shared>>
      tpu.enqueue_dma source(%dma_start3A_81 : memref<72x128xf32, #tpu.memory_space<vmem_shared>>) target(%dma_start3A_79 : memref<72x128xf32, #tpu.memory_space<vmem>>) target_semaphore(%run_scoped3A : memref<!tpu.dma_semaphore, #tpu.memory_space<semaphore_mem>>)
      %dma_wait3A = arith.constant 0 : i32
      %dma_wait3A_82 = arith.constant 0 : i32
      %dma_wait3A_83 = tpu.memref_slice %arg5[%dma_wait3A, %dma_wait3A_82] : memref<112x128xf32, #tpu.memory_space<vmem>> -> memref<72x128xf32, #tpu.memory_space<vmem>>
      %dma_wait3A_84 = arith.constant 0 : i32
      %dma_wait3A_85 = tpu.memref_slice %arg6[%add3A_72, %dma_wait3A_84] : memref<10112x128xf32, #tpu.memory_space<vmem_shared>> -> memref<72x128xf32, #tpu.memory_space<vmem_shared>>
      %dma_wait3A_86 = arith.constant 0 : i32
      %dma_wait3A_87 = arith.constant 0 : i32
      %dma_wait3A_88 = tpu.memref_slice %arg5[%dma_wait3A_86, %dma_wait3A_87] : memref<112x128xf32, #tpu.memory_space<vmem>> -> memref<72x128xf32, #tpu.memory_space<vmem>>
      %dma_wait3A_89 = arith.constant 0 : i32
      %dma_wait3A_90 = tpu.memref_slice %arg6[%add3A_72, %dma_wait3A_89] : memref<10112x128xf32, #tpu.memory_space<vmem_shared>> -> memref<72x128xf32, #tpu.memory_space<vmem_shared>>
      tpu.wait_dma2 semaphore(%run_scoped3A : memref<!tpu.dma_semaphore, #tpu.memory_space<semaphore_mem>>) src(%dma_wait3A_90 : memref<72x128xf32, #tpu.memory_space<vmem_shared>>) dst(%dma_wait3A_88 : memref<72x128xf32, #tpu.memory_space<vmem>>)
      tpu.yield
    }) : () -> ()
    "tpu.region"() ({
      %run_scoped3A = tpu.sem_alloc : memref<!tpu.dma_semaphore, #tpu.memory_space<semaphore_mem>>
      %dma_start3A = arith.constant 0 : i32
      %dma_start3A_73 = arith.constant 0 : i32
      %dma_start3A_74 = tpu.memref_slice %arg5[%dma_start3A, %dma_start3A_73] : memref<112x128xf32, #tpu.memory_space<vmem>> -> memref<72x128xf32, #tpu.memory_space<vmem>>
      %dma_start3A_75 = arith.constant 0 : i32
      %dma_start3A_76 = tpu.memref_slice %arg3[%arg0, %add3A_72, %dma_start3A_75] : memref<2x10112x128xf32, #tpu.memory_space<hbm>> -> memref<1x72x128xf32, #tpu.memory_space<hbm>>
      %dma_start3A_77 = tpu.memref_squeeze %dma_start3A_76 : memref<1x72x128xf32, #tpu.memory_space<hbm>> -> memref<72x128xf32, #tpu.memory_space<hbm>>
      %dma_start3A_78 = arith.constant 0 : i32
      %dma_start3A_79 = tpu.memref_slice %arg3[%arg0, %add3A_72, %dma_start3A_78] : memref<2x10112x128xf32, #tpu.memory_space<hbm>> -> memref<1x72x128xf32, #tpu.memory_space<hbm>>
      %dma_start3A_80 = tpu.memref_squeeze %dma_start3A_79 : memref<1x72x128xf32, #tpu.memory_space<hbm>> -> memref<72x128xf32, #tpu.memory_space<hbm>>
      %dma_start3A_81 = arith.constant 0 : i32
      %dma_start3A_82 = arith.constant 0 : i32
      %dma_start3A_83 = tpu.memref_slice %arg5[%dma_start3A_81, %dma_start3A_82] : memref<112x128xf32, #tpu.memory_space<vmem>> -> memref<72x128xf32, #tpu.memory_space<vmem>>
      tpu.enqueue_dma source(%dma_start3A_83 : memref<72x128xf32, #tpu.memory_space<vmem>>) target(%dma_start3A_80 : memref<72x128xf32, #tpu.memory_space<hbm>>) target_semaphore(%run_scoped3A : memref<!tpu.dma_semaphore, #tpu.memory_space<semaphore_mem>>)
      %dma_wait3A = arith.constant 0 : i32
      %dma_wait3A_84 = arith.constant 0 : i32
      %dma_wait3A_85 = tpu.memref_slice %arg5[%dma_wait3A, %dma_wait3A_84] : memref<112x128xf32, #tpu.memory_space<vmem>> -> memref<72x128xf32, #tpu.memory_space<vmem>>
      %dma_wait3A_86 = arith.constant 0 : i32
      %dma_wait3A_87 = tpu.memref_slice %arg3[%arg0, %add3A_72, %dma_wait3A_86] : memref<2x10112x128xf32, #tpu.memory_space<hbm>> -> memref<1x72x128xf32, #tpu.memory_space<hbm>>
      %dma_wait3A_88 = tpu.memref_squeeze %dma_wait3A_87 : memref<1x72x128xf32, #tpu.memory_space<hbm>> -> memref<72x128xf32, #tpu.memory_space<hbm>>
      %dma_wait3A_89 = arith.constant 0 : i32
      %dma_wait3A_90 = tpu.memref_slice %arg3[%arg0, %add3A_72, %dma_wait3A_89] : memref<2x10112x128xf32, #tpu.memory_space<hbm>> -> memref<1x72x128xf32, #tpu.memory_space<hbm>>
      %dma_wait3A_91 = tpu.memref_squeeze %dma_wait3A_90 : memref<1x72x128xf32, #tpu.memory_space<hbm>> -> memref<72x128xf32, #tpu.memory_space<hbm>>
      %dma_wait3A_92 = arith.constant 0 : i32
      %dma_wait3A_93 = arith.constant 0 : i32
      %dma_wait3A_94 = tpu.memref_slice %arg5[%dma_wait3A_92, %dma_wait3A_93] : memref<112x128xf32, #tpu.memory_space<vmem>> -> memref<72x128xf32, #tpu.memory_space<vmem>>
      tpu.wait_dma2 semaphore(%run_scoped3A : memref<!tpu.dma_semaphore, #tpu.memory_space<semaphore_mem>>) src(%dma_wait3A_94 : memref<72x128xf32, #tpu.memory_space<vmem>>) dst(%dma_wait3A_91 : memref<72x128xf32, #tpu.memory_space<hbm>>)
      tpu.yield
    }) : () -> ()
    return
  }
}

#map = affine_map<(d0, d1) -> (0, 0)>
#map1 = affine_map<(d0, d1) -> (0, 0, 0)>
module attributes {stable_mosaic.version = 14 : i64} {
  func.func @_sc_agg(%arg0: i32, %arg1: i32, %arg2: memref<10000x128xf32, #tpu.memory_space<hbm>>, %arg3: memref<32x90x112xi32, #tpu.memory_space<hbm>>, %arg4: memref<32x90x112xi32, #tpu.memory_space<hbm>>, %arg5: memref<2x10112x128xf32, #tpu.memory_space<hbm>>, %arg6: memref<90x112xi32, #tpu.memory_space<vmem>>, %arg7: memref<90x112xi32, #tpu.memory_space<vmem>>, %arg8: memref<112x128xf32, #tpu.memory_space<vmem>>, %arg9: memref<!tpu.dma_semaphore, #tpu.memory_space<semaphore_mem>>, %arg10: memref<10112x128xf32, #tpu.memory_space<vmem_shared>>) attributes {dimension_semantics = [#tpu.dimension_semantics<core_parallel>, #tpu.dimension_semantics<subcore_parallel>], iteration_bounds = array<i64: 2, 16>, scalar_prefetch = 0 : i64, scratch_operands = 5 : i64, tpu.core_type = #tpu.core_type<sc_vector_subcore>, window_params = [{transform_indices = #map}, {transform_indices = #map1}, {transform_indices = #map1}, {transform_indices = #map1}]} {
    %mul3A = arith.constant 2 : i32
    %mul3A_0 = arith.muli %arg1, %mul3A : i32
    %add3A = arith.addi %mul3A_0, %arg0 : i32
    %broadcast_in_dim3A = arith.constant 0.000000e+00 : f32
    %broadcast_in_dim3A_1 = vector.broadcast %broadcast_in_dim3A : f32 to vector<16xf32>
    %scan3A = arith.constant 0 : i32
    %scan3A_2 = arith.constant 0 : i32
    %scan3A_3 = arith.constant 112 : i32
    %scan3A_4 = arith.addi %scan3A_2, %scan3A_3 : i32
    %scan3A_5 = arith.constant 1 : i32
    %scan3A_6 = scf.for %scan3A_64 = %scan3A_2 to %scan3A_4 step %scan3A_5 iter_args(%scan3A_65 = %scan3A) -> (i32)  : i32 {
      %swap3A = arith.index_cast %scan3A_64 : i32 to index
      %swap3A_66 = arith.constant 0 : index
      %swap3A_67 = tpu.vector_load %arg8[%swap3A, %swap3A_66] {strides = array<i32>} : memref<112x128xf32, #tpu.memory_space<vmem>>, vector<1x16xf32>,
      %swap3A_68 = vector.shape_cast %swap3A_67 : vector<1x16xf32> to vector<16xf32>
      %swap3A_69 = vector.shape_cast %broadcast_in_dim3A_1 : vector<16xf32> to vector<1x16xf32>
      tpu.vector_store %arg8[%swap3A, %swap3A_66], %swap3A_69 {strides = array<i32>} : memref<112x128xf32, #tpu.memory_space<vmem>>, vector<1x16xf32>,
      %swap3A_70 = arith.index_cast %scan3A_64 : i32 to index
      %swap3A_71 = arith.constant 16 : index
      %swap3A_72 = tpu.vector_load %arg8[%swap3A_70, %swap3A_71] {strides = array<i32>} : memref<112x128xf32, #tpu.memory_space<vmem>>, vector<1x16xf32>,
      %swap3A_73 = vector.shape_cast %swap3A_72 : vector<1x16xf32> to vector<16xf32>
      %swap3A_74 = vector.shape_cast %broadcast_in_dim3A_1 : vector<16xf32> to vector<1x16xf32>
      tpu.vector_store %arg8[%swap3A_70, %swap3A_71], %swap3A_74 {strides = array<i32>} : memref<112x128xf32, #tpu.memory_space<vmem>>, vector<1x16xf32>,
      %swap3A_75 = arith.index_cast %scan3A_64 : i32 to index
      %swap3A_76 = arith.constant 32 : index
      %swap3A_77 = tpu.vector_load %arg8[%swap3A_75, %swap3A_76] {strides = array<i32>} : memref<112x128xf32, #tpu.memory_space<vmem>>, vector<1x16xf32>,
      %swap3A_78 = vector.shape_cast %swap3A_77 : vector<1x16xf32> to vector<16xf32>
      %swap3A_79 = vector.shape_cast %broadcast_in_dim3A_1 : vector<16xf32> to vector<1x16xf32>
      tpu.vector_store %arg8[%swap3A_75, %swap3A_76], %swap3A_79 {strides = array<i32>} : memref<112x128xf32, #tpu.memory_space<vmem>>, vector<1x16xf32>,
      %swap3A_80 = arith.index_cast %scan3A_64 : i32 to index
      %swap3A_81 = arith.constant 48 : index
      %swap3A_82 = tpu.vector_load %arg8[%swap3A_80, %swap3A_81] {strides = array<i32>} : memref<112x128xf32, #tpu.memory_space<vmem>>, vector<1x16xf32>,
      %swap3A_83 = vector.shape_cast %swap3A_82 : vector<1x16xf32> to vector<16xf32>
      %swap3A_84 = vector.shape_cast %broadcast_in_dim3A_1 : vector<16xf32> to vector<1x16xf32>
      tpu.vector_store %arg8[%swap3A_80, %swap3A_81], %swap3A_84 {strides = array<i32>} : memref<112x128xf32, #tpu.memory_space<vmem>>, vector<1x16xf32>,
      %swap3A_85 = arith.index_cast %scan3A_64 : i32 to index
      %swap3A_86 = arith.constant 64 : index
      %swap3A_87 = tpu.vector_load %arg8[%swap3A_85, %swap3A_86] {strides = array<i32>} : memref<112x128xf32, #tpu.memory_space<vmem>>, vector<1x16xf32>,
      %swap3A_88 = vector.shape_cast %swap3A_87 : vector<1x16xf32> to vector<16xf32>
      %swap3A_89 = vector.shape_cast %broadcast_in_dim3A_1 : vector<16xf32> to vector<1x16xf32>
      tpu.vector_store %arg8[%swap3A_85, %swap3A_86], %swap3A_89 {strides = array<i32>} : memref<112x128xf32, #tpu.memory_space<vmem>>, vector<1x16xf32>,
      %swap3A_90 = arith.index_cast %scan3A_64 : i32 to index
      %swap3A_91 = arith.constant 80 : index
      %swap3A_92 = tpu.vector_load %arg8[%swap3A_90, %swap3A_91] {strides = array<i32>} : memref<112x128xf32, #tpu.memory_space<vmem>>, vector<1x16xf32>,
      %swap3A_93 = vector.shape_cast %swap3A_92 : vector<1x16xf32> to vector<16xf32>
      %swap3A_94 = vector.shape_cast %broadcast_in_dim3A_1 : vector<16xf32> to vector<1x16xf32>
      tpu.vector_store %arg8[%swap3A_90, %swap3A_91], %swap3A_94 {strides = array<i32>} : memref<112x128xf32, #tpu.memory_space<vmem>>, vector<1x16xf32>,
      %swap3A_95 = arith.index_cast %scan3A_64 : i32 to index
      %swap3A_96 = arith.constant 96 : index
      %swap3A_97 = tpu.vector_load %arg8[%swap3A_95, %swap3A_96] {strides = array<i32>} : memref<112x128xf32, #tpu.memory_space<vmem>>, vector<1x16xf32>,
      %swap3A_98 = vector.shape_cast %swap3A_97 : vector<1x16xf32> to vector<16xf32>
      %swap3A_99 = vector.shape_cast %broadcast_in_dim3A_1 : vector<16xf32> to vector<1x16xf32>
      tpu.vector_store %arg8[%swap3A_95, %swap3A_96], %swap3A_99 {strides = array<i32>} : memref<112x128xf32, #tpu.memory_space<vmem>>, vector<1x16xf32>,
      %swap3A_100 = arith.index_cast %scan3A_64 : i32 to index
      %swap3A_101 = arith.constant 112 : index
      %swap3A_102 = tpu.vector_load %arg8[%swap3A_100, %swap3A_101] {strides = array<i32>} : memref<112x128xf32, #tpu.memory_space<vmem>>, vector<1x16xf32>,
      %swap3A_103 = vector.shape_cast %swap3A_102 : vector<1x16xf32> to vector<16xf32>
      %swap3A_104 = vector.shape_cast %broadcast_in_dim3A_1 : vector<16xf32> to vector<1x16xf32>
      tpu.vector_store %arg8[%swap3A_100, %swap3A_101], %swap3A_104 {strides = array<i32>} : memref<112x128xf32, #tpu.memory_space<vmem>>, vector<1x16xf32>,
      %scan3A_105 = arith.constant 0 : i32
      scf.yield %scan3A_105 : i32
    }
    %scan3A_7 = arith.constant 112 : i32
    %mul3A_8 = arith.constant 632 : i32
    %mul3A_9 = arith.muli %arg1, %mul3A_8 : i32
    %add3A_10 = arith.constant 0 : i32
    %add3A_11 = arith.addi %mul3A_9, %add3A_10 : i32
    "tpu.region"() ({
      %run_scoped3A = tpu.sem_alloc : memref<!tpu.dma_semaphore, #tpu.memory_space<semaphore_mem>>
      %dma_start3A = arith.constant 0 : i32
      %dma_start3A_64 = arith.constant 0 : i32
      %dma_start3A_65 = tpu.memref_slice %arg8[%dma_start3A, %dma_start3A_64] : memref<112x128xf32, #tpu.memory_space<vmem>> -> memref<112x128xf32, #tpu.memory_space<vmem>>
      %dma_start3A_66 = arith.constant 0 : i32
      %dma_start3A_67 = tpu.memref_slice %arg10[%add3A_11, %dma_start3A_66] : memref<10112x128xf32, #tpu.memory_space<vmem_shared>> -> memref<112x128xf32, #tpu.memory_space<vmem_shared>>
      %dma_start3A_68 = arith.constant 0 : i32
      %dma_start3A_69 = tpu.memref_slice %arg10[%add3A_11, %dma_start3A_68] : memref<10112x128xf32, #tpu.memory_space<vmem_shared>> -> memref<112x128xf32, #tpu.memory_space<vmem_shared>>
      %dma_start3A_70 = arith.constant 0 : i32
      %dma_start3A_71 = arith.constant 0 : i32
      %dma_start3A_72 = tpu.memref_slice %arg8[%dma_start3A_70, %dma_start3A_71] : memref<112x128xf32, #tpu.memory_space<vmem>> -> memref<112x128xf32, #tpu.memory_space<vmem>>
      tpu.enqueue_dma source(%dma_start3A_72 : memref<112x128xf32, #tpu.memory_space<vmem>>) target(%dma_start3A_69 : memref<112x128xf32, #tpu.memory_space<vmem_shared>>) target_semaphore(%run_scoped3A : memref<!tpu.dma_semaphore, #tpu.memory_space<semaphore_mem>>)
      %dma_wait3A = arith.constant 0 : i32
      %dma_wait3A_73 = arith.constant 0 : i32
      %dma_wait3A_74 = tpu.memref_slice %arg8[%dma_wait3A, %dma_wait3A_73] : memref<112x128xf32, #tpu.memory_space<vmem>> -> memref<112x128xf32, #tpu.memory_space<vmem>>
      %dma_wait3A_75 = arith.constant 0 : i32
      %dma_wait3A_76 = tpu.memref_slice %arg10[%add3A_11, %dma_wait3A_75] : memref<10112x128xf32, #tpu.memory_space<vmem_shared>> -> memref<112x128xf32, #tpu.memory_space<vmem_shared>>
      %dma_wait3A_77 = arith.constant 0 : i32
      %dma_wait3A_78 = tpu.memref_slice %arg10[%add3A_11, %dma_wait3A_77] : memref<10112x128xf32, #tpu.memory_space<vmem_shared>> -> memref<112x128xf32, #tpu.memory_space<vmem_shared>>
      %dma_wait3A_79 = arith.constant 0 : i32
      %dma_wait3A_80 = arith.constant 0 : i32
      %dma_wait3A_81 = tpu.memref_slice %arg8[%dma_wait3A_79, %dma_wait3A_80] : memref<112x128xf32, #tpu.memory_space<vmem>> -> memref<112x128xf32, #tpu.memory_space<vmem>>
      tpu.wait_dma2 semaphore(%run_scoped3A : memref<!tpu.dma_semaphore, #tpu.memory_space<semaphore_mem>>) src(%dma_wait3A_81 : memref<112x128xf32, #tpu.memory_space<vmem>>) dst(%dma_wait3A_78 : memref<112x128xf32, #tpu.memory_space<vmem_shared>>)
      tpu.yield
    }) : () -> ()
    %mul3A_12 = arith.constant 632 : i32
    %mul3A_13 = arith.muli %arg1, %mul3A_12 : i32
    %add3A_14 = arith.constant 112 : i32
    %add3A_15 = arith.addi %mul3A_13, %add3A_14 : i32
    "tpu.region"() ({
      %run_scoped3A = tpu.sem_alloc : memref<!tpu.dma_semaphore, #tpu.memory_space<semaphore_mem>>
      %dma_start3A = arith.constant 0 : i32
      %dma_start3A_64 = arith.constant 0 : i32
      %dma_start3A_65 = tpu.memref_slice %arg8[%dma_start3A, %dma_start3A_64] : memref<112x128xf32, #tpu.memory_space<vmem>> -> memref<112x128xf32, #tpu.memory_space<vmem>>
      %dma_start3A_66 = arith.constant 0 : i32
      %dma_start3A_67 = tpu.memref_slice %arg10[%add3A_15, %dma_start3A_66] : memref<10112x128xf32, #tpu.memory_space<vmem_shared>> -> memref<112x128xf32, #tpu.memory_space<vmem_shared>>
      %dma_start3A_68 = arith.constant 0 : i32
      %dma_start3A_69 = tpu.memref_slice %arg10[%add3A_15, %dma_start3A_68] : memref<10112x128xf32, #tpu.memory_space<vmem_shared>> -> memref<112x128xf32, #tpu.memory_space<vmem_shared>>
      %dma_start3A_70 = arith.constant 0 : i32
      %dma_start3A_71 = arith.constant 0 : i32
      %dma_start3A_72 = tpu.memref_slice %arg8[%dma_start3A_70, %dma_start3A_71] : memref<112x128xf32, #tpu.memory_space<vmem>> -> memref<112x128xf32, #tpu.memory_space<vmem>>
      tpu.enqueue_dma source(%dma_start3A_72 : memref<112x128xf32, #tpu.memory_space<vmem>>) target(%dma_start3A_69 : memref<112x128xf32, #tpu.memory_space<vmem_shared>>) target_semaphore(%run_scoped3A : memref<!tpu.dma_semaphore, #tpu.memory_space<semaphore_mem>>)
      %dma_wait3A = arith.constant 0 : i32
      %dma_wait3A_73 = arith.constant 0 : i32
      %dma_wait3A_74 = tpu.memref_slice %arg8[%dma_wait3A, %dma_wait3A_73] : memref<112x128xf32, #tpu.memory_space<vmem>> -> memref<112x128xf32, #tpu.memory_space<vmem>>
      %dma_wait3A_75 = arith.constant 0 : i32
      %dma_wait3A_76 = tpu.memref_slice %arg10[%add3A_15, %dma_wait3A_75] : memref<10112x128xf32, #tpu.memory_space<vmem_shared>> -> memref<112x128xf32, #tpu.memory_space<vmem_shared>>
      %dma_wait3A_77 = arith.constant 0 : i32
      %dma_wait3A_78 = tpu.memref_slice %arg10[%add3A_15, %dma_wait3A_77] : memref<10112x128xf32, #tpu.memory_space<vmem_shared>> -> memref<112x128xf32, #tpu.memory_space<vmem_shared>>
      %dma_wait3A_79 = arith.constant 0 : i32
      %dma_wait3A_80 = arith.constant 0 : i32
      %dma_wait3A_81 = tpu.memref_slice %arg8[%dma_wait3A_79, %dma_wait3A_80] : memref<112x128xf32, #tpu.memory_space<vmem>> -> memref<112x128xf32, #tpu.memory_space<vmem>>
      tpu.wait_dma2 semaphore(%run_scoped3A : memref<!tpu.dma_semaphore, #tpu.memory_space<semaphore_mem>>) src(%dma_wait3A_81 : memref<112x128xf32, #tpu.memory_space<vmem>>) dst(%dma_wait3A_78 : memref<112x128xf32, #tpu.memory_space<vmem_shared>>)
      tpu.yield
    }) : () -> ()
    %mul3A_16 = arith.constant 632 : i32
    %mul3A_17 = arith.muli %arg1, %mul3A_16 : i32
    %add3A_18 = arith.constant 224 : i32
    %add3A_19 = arith.addi %mul3A_17, %add3A_18 : i32
    "tpu.region"() ({
      %run_scoped3A = tpu.sem_alloc : memref<!tpu.dma_semaphore, #tpu.memory_space<semaphore_mem>>
      %dma_start3A = arith.constant 0 : i32
      %dma_start3A_64 = arith.constant 0 : i32
      %dma_start3A_65 = tpu.memref_slice %arg8[%dma_start3A, %dma_start3A_64] : memref<112x128xf32, #tpu.memory_space<vmem>> -> memref<112x128xf32, #tpu.memory_space<vmem>>
      %dma_start3A_66 = arith.constant 0 : i32
      %dma_start3A_67 = tpu.memref_slice %arg10[%add3A_19, %dma_start3A_66] : memref<10112x128xf32, #tpu.memory_space<vmem_shared>> -> memref<112x128xf32, #tpu.memory_space<vmem_shared>>
      %dma_start3A_68 = arith.constant 0 : i32
      %dma_start3A_69 = tpu.memref_slice %arg10[%add3A_19, %dma_start3A_68] : memref<10112x128xf32, #tpu.memory_space<vmem_shared>> -> memref<112x128xf32, #tpu.memory_space<vmem_shared>>
      %dma_start3A_70 = arith.constant 0 : i32
      %dma_start3A_71 = arith.constant 0 : i32
      %dma_start3A_72 = tpu.memref_slice %arg8[%dma_start3A_70, %dma_start3A_71] : memref<112x128xf32, #tpu.memory_space<vmem>> -> memref<112x128xf32, #tpu.memory_space<vmem>>
      tpu.enqueue_dma source(%dma_start3A_72 : memref<112x128xf32, #tpu.memory_space<vmem>>) target(%dma_start3A_69 : memref<112x128xf32, #tpu.memory_space<vmem_shared>>) target_semaphore(%run_scoped3A : memref<!tpu.dma_semaphore, #tpu.memory_space<semaphore_mem>>)
      %dma_wait3A = arith.constant 0 : i32
      %dma_wait3A_73 = arith.constant 0 : i32
      %dma_wait3A_74 = tpu.memref_slice %arg8[%dma_wait3A, %dma_wait3A_73] : memref<112x128xf32, #tpu.memory_space<vmem>> -> memref<112x128xf32, #tpu.memory_space<vmem>>
      %dma_wait3A_75 = arith.constant 0 : i32
      %dma_wait3A_76 = tpu.memref_slice %arg10[%add3A_19, %dma_wait3A_75] : memref<10112x128xf32, #tpu.memory_space<vmem_shared>> -> memref<112x128xf32, #tpu.memory_space<vmem_shared>>
      %dma_wait3A_77 = arith.constant 0 : i32
      %dma_wait3A_78 = tpu.memref_slice %arg10[%add3A_19, %dma_wait3A_77] : memref<10112x128xf32, #tpu.memory_space<vmem_shared>> -> memref<112x128xf32, #tpu.memory_space<vmem_shared>>
      %dma_wait3A_79 = arith.constant 0 : i32
      %dma_wait3A_80 = arith.constant 0 : i32
      %dma_wait3A_81 = tpu.memref_slice %arg8[%dma_wait3A_79, %dma_wait3A_80] : memref<112x128xf32, #tpu.memory_space<vmem>> -> memref<112x128xf32, #tpu.memory_space<vmem>>
      tpu.wait_dma2 semaphore(%run_scoped3A : memref<!tpu.dma_semaphore, #tpu.memory_space<semaphore_mem>>) src(%dma_wait3A_81 : memref<112x128xf32, #tpu.memory_space<vmem>>) dst(%dma_wait3A_78 : memref<112x128xf32, #tpu.memory_space<vmem_shared>>)
      tpu.yield
    }) : () -> ()
    %mul3A_20 = arith.constant 632 : i32
    %mul3A_21 = arith.muli %arg1, %mul3A_20 : i32
    %add3A_22 = arith.constant 336 : i32
    %add3A_23 = arith.addi %mul3A_21, %add3A_22 : i32
    "tpu.region"() ({
      %run_scoped3A = tpu.sem_alloc : memref<!tpu.dma_semaphore, #tpu.memory_space<semaphore_mem>>
      %dma_start3A = arith.constant 0 : i32
      %dma_start3A_64 = arith.constant 0 : i32
      %dma_start3A_65 = tpu.memref_slice %arg8[%dma_start3A, %dma_start3A_64] : memref<112x128xf32, #tpu.memory_space<vmem>> -> memref<112x128xf32, #tpu.memory_space<vmem>>
      %dma_start3A_66 = arith.constant 0 : i32
      %dma_start3A_67 = tpu.memref_slice %arg10[%add3A_23, %dma_start3A_66] : memref<10112x128xf32, #tpu.memory_space<vmem_shared>> -> memref<112x128xf32, #tpu.memory_space<vmem_shared>>
      %dma_start3A_68 = arith.constant 0 : i32
      %dma_start3A_69 = tpu.memref_slice %arg10[%add3A_23, %dma_start3A_68] : memref<10112x128xf32, #tpu.memory_space<vmem_shared>> -> memref<112x128xf32, #tpu.memory_space<vmem_shared>>
      %dma_start3A_70 = arith.constant 0 : i32
      %dma_start3A_71 = arith.constant 0 : i32
      %dma_start3A_72 = tpu.memref_slice %arg8[%dma_start3A_70, %dma_start3A_71] : memref<112x128xf32, #tpu.memory_space<vmem>> -> memref<112x128xf32, #tpu.memory_space<vmem>>
      tpu.enqueue_dma source(%dma_start3A_72 : memref<112x128xf32, #tpu.memory_space<vmem>>) target(%dma_start3A_69 : memref<112x128xf32, #tpu.memory_space<vmem_shared>>) target_semaphore(%run_scoped3A : memref<!tpu.dma_semaphore, #tpu.memory_space<semaphore_mem>>)
      %dma_wait3A = arith.constant 0 : i32
      %dma_wait3A_73 = arith.constant 0 : i32
      %dma_wait3A_74 = tpu.memref_slice %arg8[%dma_wait3A, %dma_wait3A_73] : memref<112x128xf32, #tpu.memory_space<vmem>> -> memref<112x128xf32, #tpu.memory_space<vmem>>
      %dma_wait3A_75 = arith.constant 0 : i32
      %dma_wait3A_76 = tpu.memref_slice %arg10[%add3A_23, %dma_wait3A_75] : memref<10112x128xf32, #tpu.memory_space<vmem_shared>> -> memref<112x128xf32, #tpu.memory_space<vmem_shared>>
      %dma_wait3A_77 = arith.constant 0 : i32
      %dma_wait3A_78 = tpu.memref_slice %arg10[%add3A_23, %dma_wait3A_77] : memref<10112x128xf32, #tpu.memory_space<vmem_shared>> -> memref<112x128xf32, #tpu.memory_space<vmem_shared>>
      %dma_wait3A_79 = arith.constant 0 : i32
      %dma_wait3A_80 = arith.constant 0 : i32
      %dma_wait3A_81 = tpu.memref_slice %arg8[%dma_wait3A_79, %dma_wait3A_80] : memref<112x128xf32, #tpu.memory_space<vmem>> -> memref<112x128xf32, #tpu.memory_space<vmem>>
      tpu.wait_dma2 semaphore(%run_scoped3A : memref<!tpu.dma_semaphore, #tpu.memory_space<semaphore_mem>>) src(%dma_wait3A_81 : memref<112x128xf32, #tpu.memory_space<vmem>>) dst(%dma_wait3A_78 : memref<112x128xf32, #tpu.memory_space<vmem_shared>>)
      tpu.yield
    }) : () -> ()
    %mul3A_24 = arith.constant 632 : i32
    %mul3A_25 = arith.muli %arg1, %mul3A_24 : i32
    %add3A_26 = arith.constant 448 : i32
    %add3A_27 = arith.addi %mul3A_25, %add3A_26 : i32
    "tpu.region"() ({
      %run_scoped3A = tpu.sem_alloc : memref<!tpu.dma_semaphore, #tpu.memory_space<semaphore_mem>>
      %dma_start3A = arith.constant 0 : i32
      %dma_start3A_64 = arith.constant 0 : i32
      %dma_start3A_65 = tpu.memref_slice %arg8[%dma_start3A, %dma_start3A_64] : memref<112x128xf32, #tpu.memory_space<vmem>> -> memref<112x128xf32, #tpu.memory_space<vmem>>
      %dma_start3A_66 = arith.constant 0 : i32
      %dma_start3A_67 = tpu.memref_slice %arg10[%add3A_27, %dma_start3A_66] : memref<10112x128xf32, #tpu.memory_space<vmem_shared>> -> memref<112x128xf32, #tpu.memory_space<vmem_shared>>
      %dma_start3A_68 = arith.constant 0 : i32
      %dma_start3A_69 = tpu.memref_slice %arg10[%add3A_27, %dma_start3A_68] : memref<10112x128xf32, #tpu.memory_space<vmem_shared>> -> memref<112x128xf32, #tpu.memory_space<vmem_shared>>
      %dma_start3A_70 = arith.constant 0 : i32
      %dma_start3A_71 = arith.constant 0 : i32
      %dma_start3A_72 = tpu.memref_slice %arg8[%dma_start3A_70, %dma_start3A_71] : memref<112x128xf32, #tpu.memory_space<vmem>> -> memref<112x128xf32, #tpu.memory_space<vmem>>
      tpu.enqueue_dma source(%dma_start3A_72 : memref<112x128xf32, #tpu.memory_space<vmem>>) target(%dma_start3A_69 : memref<112x128xf32, #tpu.memory_space<vmem_shared>>) target_semaphore(%run_scoped3A : memref<!tpu.dma_semaphore, #tpu.memory_space<semaphore_mem>>)
      %dma_wait3A = arith.constant 0 : i32
      %dma_wait3A_73 = arith.constant 0 : i32
      %dma_wait3A_74 = tpu.memref_slice %arg8[%dma_wait3A, %dma_wait3A_73] : memref<112x128xf32, #tpu.memory_space<vmem>> -> memref<112x128xf32, #tpu.memory_space<vmem>>
      %dma_wait3A_75 = arith.constant 0 : i32
      %dma_wait3A_76 = tpu.memref_slice %arg10[%add3A_27, %dma_wait3A_75] : memref<10112x128xf32, #tpu.memory_space<vmem_shared>> -> memref<112x128xf32, #tpu.memory_space<vmem_shared>>
      %dma_wait3A_77 = arith.constant 0 : i32
      %dma_wait3A_78 = tpu.memref_slice %arg10[%add3A_27, %dma_wait3A_77] : memref<10112x128xf32, #tpu.memory_space<vmem_shared>> -> memref<112x128xf32, #tpu.memory_space<vmem_shared>>
      %dma_wait3A_79 = arith.constant 0 : i32
      %dma_wait3A_80 = arith.constant 0 : i32
      %dma_wait3A_81 = tpu.memref_slice %arg8[%dma_wait3A_79, %dma_wait3A_80] : memref<112x128xf32, #tpu.memory_space<vmem>> -> memref<112x128xf32, #tpu.memory_space<vmem>>
      tpu.wait_dma2 semaphore(%run_scoped3A : memref<!tpu.dma_semaphore, #tpu.memory_space<semaphore_mem>>) src(%dma_wait3A_81 : memref<112x128xf32, #tpu.memory_space<vmem>>) dst(%dma_wait3A_78 : memref<112x128xf32, #tpu.memory_space<vmem_shared>>)
      tpu.yield
    }) : () -> ()
    %mul3A_28 = arith.constant 632 : i32
    %mul3A_29 = arith.muli %arg1, %mul3A_28 : i32
    %add3A_30 = arith.constant 560 : i32
    %add3A_31 = arith.addi %mul3A_29, %add3A_30 : i32
    "tpu.region"() ({
      %run_scoped3A = tpu.sem_alloc : memref<!tpu.dma_semaphore, #tpu.memory_space<semaphore_mem>>
      %dma_start3A = arith.constant 0 : i32
      %dma_start3A_64 = arith.constant 0 : i32
      %dma_start3A_65 = tpu.memref_slice %arg8[%dma_start3A, %dma_start3A_64] : memref<112x128xf32, #tpu.memory_space<vmem>> -> memref<72x128xf32, #tpu.memory_space<vmem>>
      %dma_start3A_66 = arith.constant 0 : i32
      %dma_start3A_67 = tpu.memref_slice %arg10[%add3A_31, %dma_start3A_66] : memref<10112x128xf32, #tpu.memory_space<vmem_shared>> -> memref<72x128xf32, #tpu.memory_space<vmem_shared>>
      %dma_start3A_68 = arith.constant 0 : i32
      %dma_start3A_69 = tpu.memref_slice %arg10[%add3A_31, %dma_start3A_68] : memref<10112x128xf32, #tpu.memory_space<vmem_shared>> -> memref<72x128xf32, #tpu.memory_space<vmem_shared>>
      %dma_start3A_70 = arith.constant 0 : i32
      %dma_start3A_71 = arith.constant 0 : i32
      %dma_start3A_72 = tpu.memref_slice %arg8[%dma_start3A_70, %dma_start3A_71] : memref<112x128xf32, #tpu.memory_space<vmem>> -> memref<72x128xf32, #tpu.memory_space<vmem>>
      tpu.enqueue_dma source(%dma_start3A_72 : memref<72x128xf32, #tpu.memory_space<vmem>>) target(%dma_start3A_69 : memref<72x128xf32, #tpu.memory_space<vmem_shared>>) target_semaphore(%run_scoped3A : memref<!tpu.dma_semaphore, #tpu.memory_space<semaphore_mem>>)
      %dma_wait3A = arith.constant 0 : i32
      %dma_wait3A_73 = arith.constant 0 : i32
      %dma_wait3A_74 = tpu.memref_slice %arg8[%dma_wait3A, %dma_wait3A_73] : memref<112x128xf32, #tpu.memory_space<vmem>> -> memref<72x128xf32, #tpu.memory_space<vmem>>
      %dma_wait3A_75 = arith.constant 0 : i32
      %dma_wait3A_76 = tpu.memref_slice %arg10[%add3A_31, %dma_wait3A_75] : memref<10112x128xf32, #tpu.memory_space<vmem_shared>> -> memref<72x128xf32, #tpu.memory_space<vmem_shared>>
      %dma_wait3A_77 = arith.constant 0 : i32
      %dma_wait3A_78 = tpu.memref_slice %arg10[%add3A_31, %dma_wait3A_77] : memref<10112x128xf32, #tpu.memory_space<vmem_shared>> -> memref<72x128xf32, #tpu.memory_space<vmem_shared>>
      %dma_wait3A_79 = arith.constant 0 : i32
      %dma_wait3A_80 = arith.constant 0 : i32
      %dma_wait3A_81 = tpu.memref_slice %arg8[%dma_wait3A_79, %dma_wait3A_80] : memref<112x128xf32, #tpu.memory_space<vmem>> -> memref<72x128xf32, #tpu.memory_space<vmem>>
      tpu.wait_dma2 semaphore(%run_scoped3A : memref<!tpu.dma_semaphore, #tpu.memory_space<semaphore_mem>>) src(%dma_wait3A_81 : memref<72x128xf32, #tpu.memory_space<vmem>>) dst(%dma_wait3A_78 : memref<72x128xf32, #tpu.memory_space<vmem_shared>>)
      tpu.yield
    }) : () -> ()
    "tpu.region"() ({
      %run_scoped3A = tpu.sem_alloc : memref<!tpu.dma_semaphore, #tpu.memory_space<semaphore_mem>>
      %dma_start3A = arith.constant 0 : i32
      %dma_start3A_64 = arith.constant 0 : i32
      %dma_start3A_65 = tpu.memref_slice %arg3[%add3A, %dma_start3A, %dma_start3A_64] : memref<32x90x112xi32, #tpu.memory_space<hbm>> -> memref<1x90x112xi32, #tpu.memory_space<hbm>>
      %dma_start3A_66 = tpu.memref_squeeze %dma_start3A_65 : memref<1x90x112xi32, #tpu.memory_space<hbm>> -> memref<90x112xi32, #tpu.memory_space<hbm>>
      %dma_start3A_67 = arith.constant 0 : i32
      %dma_start3A_68 = arith.constant 0 : i32
      %dma_start3A_69 = tpu.memref_slice %arg3[%add3A, %dma_start3A_67, %dma_start3A_68] : memref<32x90x112xi32, #tpu.memory_space<hbm>> -> memref<1x90x112xi32, #tpu.memory_space<hbm>>
      %dma_start3A_70 = tpu.memref_squeeze %dma_start3A_69 : memref<1x90x112xi32, #tpu.memory_space<hbm>> -> memref<90x112xi32, #tpu.memory_space<hbm>>
      tpu.enqueue_dma source(%dma_start3A_70 : memref<90x112xi32, #tpu.memory_space<hbm>>) target(%arg6 : memref<90x112xi32, #tpu.memory_space<vmem>>) target_semaphore(%run_scoped3A : memref<!tpu.dma_semaphore, #tpu.memory_space<semaphore_mem>>)
      %dma_wait3A = arith.constant 0 : i32
      %dma_wait3A_71 = arith.constant 0 : i32
      %dma_wait3A_72 = tpu.memref_slice %arg3[%add3A, %dma_wait3A, %dma_wait3A_71] : memref<32x90x112xi32, #tpu.memory_space<hbm>> -> memref<1x90x112xi32, #tpu.memory_space<hbm>>
      %dma_wait3A_73 = tpu.memref_squeeze %dma_wait3A_72 : memref<1x90x112xi32, #tpu.memory_space<hbm>> -> memref<90x112xi32, #tpu.memory_space<hbm>>
      %dma_wait3A_74 = arith.constant 0 : i32
      %dma_wait3A_75 = arith.constant 0 : i32
      %dma_wait3A_76 = tpu.memref_slice %arg3[%add3A, %dma_wait3A_74, %dma_wait3A_75] : memref<32x90x112xi32, #tpu.memory_space<hbm>> -> memref<1x90x112xi32, #tpu.memory_space<hbm>>
      %dma_wait3A_77 = tpu.memref_squeeze %dma_wait3A_76 : memref<1x90x112xi32, #tpu.memory_space<hbm>> -> memref<90x112xi32, #tpu.memory_space<hbm>>
      tpu.wait_dma2 semaphore(%run_scoped3A : memref<!tpu.dma_semaphore, #tpu.memory_space<semaphore_mem>>) src(%dma_wait3A_77 : memref<90x112xi32, #tpu.memory_space<hbm>>) dst(%arg6 : memref<90x112xi32, #tpu.memory_space<vmem>>)
      tpu.yield
    }) : () -> ()
    "tpu.region"() ({
      %run_scoped3A = tpu.sem_alloc : memref<!tpu.dma_semaphore, #tpu.memory_space<semaphore_mem>>
      %dma_start3A = arith.constant 0 : i32
      %dma_start3A_64 = arith.constant 0 : i32
      %dma_start3A_65 = tpu.memref_slice %arg4[%add3A, %dma_start3A, %dma_start3A_64] : memref<32x90x112xi32, #tpu.memory_space<hbm>> -> memref<1x90x112xi32, #tpu.memory_space<hbm>>
      %dma_start3A_66 = tpu.memref_squeeze %dma_start3A_65 : memref<1x90x112xi32, #tpu.memory_space<hbm>> -> memref<90x112xi32, #tpu.memory_space<hbm>>
      %dma_start3A_67 = arith.constant 0 : i32
      %dma_start3A_68 = arith.constant 0 : i32
      %dma_start3A_69 = tpu.memref_slice %arg4[%add3A, %dma_start3A_67, %dma_start3A_68] : memref<32x90x112xi32, #tpu.memory_space<hbm>> -> memref<1x90x112xi32, #tpu.memory_space<hbm>>
      %dma_start3A_70 = tpu.memref_squeeze %dma_start3A_69 : memref<1x90x112xi32, #tpu.memory_space<hbm>> -> memref<90x112xi32, #tpu.memory_space<hbm>>
      tpu.enqueue_dma source(%dma_start3A_70 : memref<90x112xi32, #tpu.memory_space<hbm>>) target(%arg7 : memref<90x112xi32, #tpu.memory_space<vmem>>) target_semaphore(%run_scoped3A : memref<!tpu.dma_semaphore, #tpu.memory_space<semaphore_mem>>)
      %dma_wait3A = arith.constant 0 : i32
      %dma_wait3A_71 = arith.constant 0 : i32
      %dma_wait3A_72 = tpu.memref_slice %arg4[%add3A, %dma_wait3A, %dma_wait3A_71] : memref<32x90x112xi32, #tpu.memory_space<hbm>> -> memref<1x90x112xi32, #tpu.memory_space<hbm>>
      %dma_wait3A_73 = tpu.memref_squeeze %dma_wait3A_72 : memref<1x90x112xi32, #tpu.memory_space<hbm>> -> memref<90x112xi32, #tpu.memory_space<hbm>>
      %dma_wait3A_74 = arith.constant 0 : i32
      %dma_wait3A_75 = arith.constant 0 : i32
      %dma_wait3A_76 = tpu.memref_slice %arg4[%add3A, %dma_wait3A_74, %dma_wait3A_75] : memref<32x90x112xi32, #tpu.memory_space<hbm>> -> memref<1x90x112xi32, #tpu.memory_space<hbm>>
      %dma_wait3A_77 = tpu.memref_squeeze %dma_wait3A_76 : memref<1x90x112xi32, #tpu.memory_space<hbm>> -> memref<90x112xi32, #tpu.memory_space<hbm>>
      tpu.wait_dma2 semaphore(%run_scoped3A : memref<!tpu.dma_semaphore, #tpu.memory_space<semaphore_mem>>) src(%dma_wait3A_77 : memref<90x112xi32, #tpu.memory_space<hbm>>) dst(%arg7 : memref<90x112xi32, #tpu.memory_space<vmem>>)
      tpu.yield
    }) : () -> ()
    %barrier3A = arith.constant 0 : index
    tpu.barrier barrier_id(%barrier3A)
    %scan3A_32 = arith.constant 0 : i32
    %scan3A_33 = arith.constant 0 : i32
    %scan3A_34 = arith.constant 90 : i32
    %scan3A_35 = arith.addi %scan3A_33, %scan3A_34 : i32
    %scan3A_36 = arith.constant 1 : i32
    %scan3A_37 = scf.for %scan3A_64 = %scan3A_33 to %scan3A_35 step %scan3A_36 iter_args(%scan3A_65 = %scan3A_32) -> (i32)  : i32 {
      %dma_start3A = arith.constant 0 : i32
      %dma_start3A_66 = tpu.memref_slice %arg6[%scan3A_64, %dma_start3A] : memref<90x112xi32, #tpu.memory_space<vmem>> -> memref<1x112xi32, #tpu.memory_space<vmem>>
      %dma_start3A_67 = tpu.memref_squeeze %dma_start3A_66 : memref<1x112xi32, #tpu.memory_space<vmem>> -> memref<112xi32, #tpu.memory_space<vmem>>
      %dma_start3A_68 = arith.constant 0 : i32
      %dma_start3A_69 = arith.constant 0 : i32
      %dma_start3A_70 = tpu.memref_slice %arg2[%dma_start3A_68, %dma_start3A_69] : memref<10000x128xf32, #tpu.memory_space<hbm>> -> memref<10000x128xf32, #tpu.memory_space<hbm>>
      tpu.enqueue_indirect_dma source(%dma_start3A_70 : memref<10000x128xf32, #tpu.memory_space<hbm>>) target(%arg8 : memref<112x128xf32, #tpu.memory_space<vmem>>) offsets(%dma_start3A_67 : memref<112xi32, #tpu.memory_space<vmem>>) semaphore(%arg9 : memref<!tpu.dma_semaphore, #tpu.memory_space<semaphore_mem>>)
      %dma_wait3A = arith.constant 0 : i32
      %dma_wait3A_71 = tpu.memref_slice %arg6[%scan3A_64, %dma_wait3A] : memref<90x112xi32, #tpu.memory_space<vmem>> -> memref<1x112xi32, #tpu.memory_space<vmem>>
      %dma_wait3A_72 = tpu.memref_squeeze %dma_wait3A_71 : memref<1x112xi32, #tpu.memory_space<vmem>> -> memref<112xi32, #tpu.memory_space<vmem>>
      %dma_wait3A_73 = arith.constant 0 : i32
      %dma_wait3A_74 = arith.constant 0 : i32
      %dma_wait3A_75 = tpu.memref_slice %arg2[%dma_wait3A_73, %dma_wait3A_74] : memref<10000x128xf32, #tpu.memory_space<hbm>> -> memref<10000x128xf32, #tpu.memory_space<hbm>>
      tpu.wait_indirect_dma semaphore(%arg9 : memref<!tpu.dma_semaphore, #tpu.memory_space<semaphore_mem>>) src(%dma_wait3A_75 : memref<10000x128xf32, #tpu.memory_space<hbm>>) dst(%arg8 : memref<112x128xf32, #tpu.memory_space<vmem>>)
      "tpu.region"() ({
        %run_scoped3A = tpu.sem_alloc : memref<!tpu.dma_semaphore, #tpu.memory_space<semaphore_mem>>
        %dma_start3A_77 = arith.constant 0 : i32
        %dma_start3A_78 = tpu.memref_slice %arg7[%scan3A_64, %dma_start3A_77] : memref<90x112xi32, #tpu.memory_space<vmem>> -> memref<1x112xi32, #tpu.memory_space<vmem>>
        %dma_start3A_79 = tpu.memref_squeeze %dma_start3A_78 : memref<1x112xi32, #tpu.memory_space<vmem>> -> memref<112xi32, #tpu.memory_space<vmem>>
        %dma_start3A_80 = arith.constant 0 : i32
        %dma_start3A_81 = arith.constant 0 : i32
        %dma_start3A_82 = tpu.memref_slice %arg10[%dma_start3A_80, %dma_start3A_81] : memref<10112x128xf32, #tpu.memory_space<vmem_shared>> -> memref<10112x128xf32, #tpu.memory_space<vmem_shared>>
        tpu.enqueue_indirect_dma source(%arg8 : memref<112x128xf32, #tpu.memory_space<vmem>>) target(%dma_start3A_82 : memref<10112x128xf32, #tpu.memory_space<vmem_shared>>) offsets(%dma_start3A_79 : memref<112xi32, #tpu.memory_space<vmem>>) semaphore(%run_scoped3A : memref<!tpu.dma_semaphore, #tpu.memory_space<semaphore_mem>>) {add = true}
        %dma_wait3A_83 = arith.constant 0 : i32
        %dma_wait3A_84 = tpu.memref_slice %arg7[%scan3A_64, %dma_wait3A_83] : memref<90x112xi32, #tpu.memory_space<vmem>> -> memref<1x112xi32, #tpu.memory_space<vmem>>
        %dma_wait3A_85 = tpu.memref_squeeze %dma_wait3A_84 : memref<1x112xi32, #tpu.memory_space<vmem>> -> memref<112xi32, #tpu.memory_space<vmem>>
        %dma_wait3A_86 = arith.constant 0 : i32
        %dma_wait3A_87 = arith.constant 0 : i32
        %dma_wait3A_88 = tpu.memref_slice %arg10[%dma_wait3A_86, %dma_wait3A_87] : memref<10112x128xf32, #tpu.memory_space<vmem_shared>> -> memref<10112x128xf32, #tpu.memory_space<vmem_shared>>
        tpu.wait_indirect_dma semaphore(%run_scoped3A : memref<!tpu.dma_semaphore, #tpu.memory_space<semaphore_mem>>) src(%arg8 : memref<112x128xf32, #tpu.memory_space<vmem>>) dst(%dma_wait3A_88 : memref<10112x128xf32, #tpu.memory_space<vmem_shared>>)
        tpu.yield
      }) : () -> ()
      %scan3A_76 = arith.constant 0 : i32
      scf.yield %scan3A_76 : i32
    }
    %scan3A_38 = arith.constant 90 : i32
    %barrier3A_39 = arith.constant 0 : index
    tpu.barrier barrier_id(%barrier3A_39)
    %mul3A_40 = arith.constant 632 : i32
    %mul3A_41 = arith.muli %arg1, %mul3A_40 : i32
    %add3A_42 = arith.constant 0 : i32
    %add3A_43 = arith.addi %mul3A_41, %add3A_42 : i32
    "tpu.region"() ({
      %run_scoped3A = tpu.sem_alloc : memref<!tpu.dma_semaphore, #tpu.memory_space<semaphore_mem>>
      %dma_start3A = arith.constant 0 : i32
      %dma_start3A_64 = arith.constant 0 : i32
      %dma_start3A_65 = tpu.memref_slice %arg8[%dma_start3A, %dma_start3A_64] : memref<112x128xf32, #tpu.memory_space<vmem>> -> memref<112x128xf32, #tpu.memory_space<vmem>>
      %dma_start3A_66 = arith.constant 0 : i32
      %dma_start3A_67 = tpu.memref_slice %arg10[%add3A_43, %dma_start3A_66] : memref<10112x128xf32, #tpu.memory_space<vmem_shared>> -> memref<112x128xf32, #tpu.memory_space<vmem_shared>>
      %dma_start3A_68 = arith.constant 0 : i32
      %dma_start3A_69 = arith.constant 0 : i32
      %dma_start3A_70 = tpu.memref_slice %arg8[%dma_start3A_68, %dma_start3A_69] : memref<112x128xf32, #tpu.memory_space<vmem>> -> memref<112x128xf32, #tpu.memory_space<vmem>>
      %dma_start3A_71 = arith.constant 0 : i32
      %dma_start3A_72 = tpu.memref_slice %arg10[%add3A_43, %dma_start3A_71] : memref<10112x128xf32, #tpu.memory_space<vmem_shared>> -> memref<112x128xf32, #tpu.memory_space<vmem_shared>>
      tpu.enqueue_dma source(%dma_start3A_72 : memref<112x128xf32, #tpu.memory_space<vmem_shared>>) target(%dma_start3A_70 : memref<112x128xf32, #tpu.memory_space<vmem>>) target_semaphore(%run_scoped3A : memref<!tpu.dma_semaphore, #tpu.memory_space<semaphore_mem>>)
      %dma_wait3A = arith.constant 0 : i32
      %dma_wait3A_73 = arith.constant 0 : i32
      %dma_wait3A_74 = tpu.memref_slice %arg8[%dma_wait3A, %dma_wait3A_73] : memref<112x128xf32, #tpu.memory_space<vmem>> -> memref<112x128xf32, #tpu.memory_space<vmem>>
      %dma_wait3A_75 = arith.constant 0 : i32
      %dma_wait3A_76 = tpu.memref_slice %arg10[%add3A_43, %dma_wait3A_75] : memref<10112x128xf32, #tpu.memory_space<vmem_shared>> -> memref<112x128xf32, #tpu.memory_space<vmem_shared>>
      %dma_wait3A_77 = arith.constant 0 : i32
      %dma_wait3A_78 = arith.constant 0 : i32
      %dma_wait3A_79 = tpu.memref_slice %arg8[%dma_wait3A_77, %dma_wait3A_78] : memref<112x128xf32, #tpu.memory_space<vmem>> -> memref<112x128xf32, #tpu.memory_space<vmem>>
      %dma_wait3A_80 = arith.constant 0 : i32
      %dma_wait3A_81 = tpu.memref_slice %arg10[%add3A_43, %dma_wait3A_80] : memref<10112x128xf32, #tpu.memory_space<vmem_shared>> -> memref<112x128xf32, #tpu.memory_space<vmem_shared>>
      tpu.wait_dma2 semaphore(%run_scoped3A : memref<!tpu.dma_semaphore, #tpu.memory_space<semaphore_mem>>) src(%dma_wait3A_81 : memref<112x128xf32, #tpu.memory_space<vmem_shared>>) dst(%dma_wait3A_79 : memref<112x128xf32, #tpu.memory_space<vmem>>)
      tpu.yield
    }) : () -> ()
    "tpu.region"() ({
      %run_scoped3A = tpu.sem_alloc : memref<!tpu.dma_semaphore, #tpu.memory_space<semaphore_mem>>
      %dma_start3A = arith.constant 0 : i32
      %dma_start3A_64 = arith.constant 0 : i32
      %dma_start3A_65 = tpu.memref_slice %arg8[%dma_start3A, %dma_start3A_64] : memref<112x128xf32, #tpu.memory_space<vmem>> -> memref<112x128xf32, #tpu.memory_space<vmem>>
      %dma_start3A_66 = arith.constant 0 : i32
      %dma_start3A_67 = tpu.memref_slice %arg5[%arg0, %add3A_43, %dma_start3A_66] : memref<2x10112x128xf32, #tpu.memory_space<hbm>> -> memref<1x112x128xf32, #tpu.memory_space<hbm>>
      %dma_start3A_68 = tpu.memref_squeeze %dma_start3A_67 : memref<1x112x128xf32, #tpu.memory_space<hbm>> -> memref<112x128xf32, #tpu.memory_space<hbm>>
      %dma_start3A_69 = arith.constant 0 : i32
      %dma_start3A_70 = tpu.memref_slice %arg5[%arg0, %add3A_43, %dma_start3A_69] : memref<2x10112x128xf32, #tpu.memory_space<hbm>> -> memref<1x112x128xf32, #tpu.memory_space<hbm>>
      %dma_start3A_71 = tpu.memref_squeeze %dma_start3A_70 : memref<1x112x128xf32, #tpu.memory_space<hbm>> -> memref<112x128xf32, #tpu.memory_space<hbm>>
      %dma_start3A_72 = arith.constant 0 : i32
      %dma_start3A_73 = arith.constant 0 : i32
      %dma_start3A_74 = tpu.memref_slice %arg8[%dma_start3A_72, %dma_start3A_73] : memref<112x128xf32, #tpu.memory_space<vmem>> -> memref<112x128xf32, #tpu.memory_space<vmem>>
      tpu.enqueue_dma source(%dma_start3A_74 : memref<112x128xf32, #tpu.memory_space<vmem>>) target(%dma_start3A_71 : memref<112x128xf32, #tpu.memory_space<hbm>>) target_semaphore(%run_scoped3A : memref<!tpu.dma_semaphore, #tpu.memory_space<semaphore_mem>>)
      %dma_wait3A = arith.constant 0 : i32
      %dma_wait3A_75 = arith.constant 0 : i32
      %dma_wait3A_76 = tpu.memref_slice %arg8[%dma_wait3A, %dma_wait3A_75] : memref<112x128xf32, #tpu.memory_space<vmem>> -> memref<112x128xf32, #tpu.memory_space<vmem>>
      %dma_wait3A_77 = arith.constant 0 : i32
      %dma_wait3A_78 = tpu.memref_slice %arg5[%arg0, %add3A_43, %dma_wait3A_77] : memref<2x10112x128xf32, #tpu.memory_space<hbm>> -> memref<1x112x128xf32, #tpu.memory_space<hbm>>
      %dma_wait3A_79 = tpu.memref_squeeze %dma_wait3A_78 : memref<1x112x128xf32, #tpu.memory_space<hbm>> -> memref<112x128xf32, #tpu.memory_space<hbm>>
      %dma_wait3A_80 = arith.constant 0 : i32
      %dma_wait3A_81 = tpu.memref_slice %arg5[%arg0, %add3A_43, %dma_wait3A_80] : memref<2x10112x128xf32, #tpu.memory_space<hbm>> -> memref<1x112x128xf32, #tpu.memory_space<hbm>>
      %dma_wait3A_82 = tpu.memref_squeeze %dma_wait3A_81 : memref<1x112x128xf32, #tpu.memory_space<hbm>> -> memref<112x128xf32, #tpu.memory_space<hbm>>
      %dma_wait3A_83 = arith.constant 0 : i32
      %dma_wait3A_84 = arith.constant 0 : i32
      %dma_wait3A_85 = tpu.memref_slice %arg8[%dma_wait3A_83, %dma_wait3A_84] : memref<112x128xf32, #tpu.memory_space<vmem>> -> memref<112x128xf32, #tpu.memory_space<vmem>>
      tpu.wait_dma2 semaphore(%run_scoped3A : memref<!tpu.dma_semaphore, #tpu.memory_space<semaphore_mem>>) src(%dma_wait3A_85 : memref<112x128xf32, #tpu.memory_space<vmem>>) dst(%dma_wait3A_82 : memref<112x128xf32, #tpu.memory_space<hbm>>)
      tpu.yield
    }) : () -> ()
    %mul3A_44 = arith.constant 632 : i32
    %mul3A_45 = arith.muli %arg1, %mul3A_44 : i32
    %add3A_46 = arith.constant 112 : i32
    %add3A_47 = arith.addi %mul3A_45, %add3A_46 : i32
    "tpu.region"() ({
      %run_scoped3A = tpu.sem_alloc : memref<!tpu.dma_semaphore, #tpu.memory_space<semaphore_mem>>
      %dma_start3A = arith.constant 0 : i32
      %dma_start3A_64 = arith.constant 0 : i32
      %dma_start3A_65 = tpu.memref_slice %arg8[%dma_start3A, %dma_start3A_64] : memref<112x128xf32, #tpu.memory_space<vmem>> -> memref<112x128xf32, #tpu.memory_space<vmem>>
      %dma_start3A_66 = arith.constant 0 : i32
      %dma_start3A_67 = tpu.memref_slice %arg10[%add3A_47, %dma_start3A_66] : memref<10112x128xf32, #tpu.memory_space<vmem_shared>> -> memref<112x128xf32, #tpu.memory_space<vmem_shared>>
      %dma_start3A_68 = arith.constant 0 : i32
      %dma_start3A_69 = arith.constant 0 : i32
      %dma_start3A_70 = tpu.memref_slice %arg8[%dma_start3A_68, %dma_start3A_69] : memref<112x128xf32, #tpu.memory_space<vmem>> -> memref<112x128xf32, #tpu.memory_space<vmem>>
      %dma_start3A_71 = arith.constant 0 : i32
      %dma_start3A_72 = tpu.memref_slice %arg10[%add3A_47, %dma_start3A_71] : memref<10112x128xf32, #tpu.memory_space<vmem_shared>> -> memref<112x128xf32, #tpu.memory_space<vmem_shared>>
      tpu.enqueue_dma source(%dma_start3A_72 : memref<112x128xf32, #tpu.memory_space<vmem_shared>>) target(%dma_start3A_70 : memref<112x128xf32, #tpu.memory_space<vmem>>) target_semaphore(%run_scoped3A : memref<!tpu.dma_semaphore, #tpu.memory_space<semaphore_mem>>)
      %dma_wait3A = arith.constant 0 : i32
      %dma_wait3A_73 = arith.constant 0 : i32
      %dma_wait3A_74 = tpu.memref_slice %arg8[%dma_wait3A, %dma_wait3A_73] : memref<112x128xf32, #tpu.memory_space<vmem>> -> memref<112x128xf32, #tpu.memory_space<vmem>>
      %dma_wait3A_75 = arith.constant 0 : i32
      %dma_wait3A_76 = tpu.memref_slice %arg10[%add3A_47, %dma_wait3A_75] : memref<10112x128xf32, #tpu.memory_space<vmem_shared>> -> memref<112x128xf32, #tpu.memory_space<vmem_shared>>
      %dma_wait3A_77 = arith.constant 0 : i32
      %dma_wait3A_78 = arith.constant 0 : i32
      %dma_wait3A_79 = tpu.memref_slice %arg8[%dma_wait3A_77, %dma_wait3A_78] : memref<112x128xf32, #tpu.memory_space<vmem>> -> memref<112x128xf32, #tpu.memory_space<vmem>>
      %dma_wait3A_80 = arith.constant 0 : i32
      %dma_wait3A_81 = tpu.memref_slice %arg10[%add3A_47, %dma_wait3A_80] : memref<10112x128xf32, #tpu.memory_space<vmem_shared>> -> memref<112x128xf32, #tpu.memory_space<vmem_shared>>
      tpu.wait_dma2 semaphore(%run_scoped3A : memref<!tpu.dma_semaphore, #tpu.memory_space<semaphore_mem>>) src(%dma_wait3A_81 : memref<112x128xf32, #tpu.memory_space<vmem_shared>>) dst(%dma_wait3A_79 : memref<112x128xf32, #tpu.memory_space<vmem>>)
      tpu.yield
    }) : () -> ()
    "tpu.region"() ({
      %run_scoped3A = tpu.sem_alloc : memref<!tpu.dma_semaphore, #tpu.memory_space<semaphore_mem>>
      %dma_start3A = arith.constant 0 : i32
      %dma_start3A_64 = arith.constant 0 : i32
      %dma_start3A_65 = tpu.memref_slice %arg8[%dma_start3A, %dma_start3A_64] : memref<112x128xf32, #tpu.memory_space<vmem>> -> memref<112x128xf32, #tpu.memory_space<vmem>>
      %dma_start3A_66 = arith.constant 0 : i32
      %dma_start3A_67 = tpu.memref_slice %arg5[%arg0, %add3A_47, %dma_start3A_66] : memref<2x10112x128xf32, #tpu.memory_space<hbm>> -> memref<1x112x128xf32, #tpu.memory_space<hbm>>
      %dma_start3A_68 = tpu.memref_squeeze %dma_start3A_67 : memref<1x112x128xf32, #tpu.memory_space<hbm>> -> memref<112x128xf32, #tpu.memory_space<hbm>>
      %dma_start3A_69 = arith.constant 0 : i32
      %dma_start3A_70 = tpu.memref_slice %arg5[%arg0, %add3A_47, %dma_start3A_69] : memref<2x10112x128xf32, #tpu.memory_space<hbm>> -> memref<1x112x128xf32, #tpu.memory_space<hbm>>
      %dma_start3A_71 = tpu.memref_squeeze %dma_start3A_70 : memref<1x112x128xf32, #tpu.memory_space<hbm>> -> memref<112x128xf32, #tpu.memory_space<hbm>>
      %dma_start3A_72 = arith.constant 0 : i32
      %dma_start3A_73 = arith.constant 0 : i32
      %dma_start3A_74 = tpu.memref_slice %arg8[%dma_start3A_72, %dma_start3A_73] : memref<112x128xf32, #tpu.memory_space<vmem>> -> memref<112x128xf32, #tpu.memory_space<vmem>>
      tpu.enqueue_dma source(%dma_start3A_74 : memref<112x128xf32, #tpu.memory_space<vmem>>) target(%dma_start3A_71 : memref<112x128xf32, #tpu.memory_space<hbm>>) target_semaphore(%run_scoped3A : memref<!tpu.dma_semaphore, #tpu.memory_space<semaphore_mem>>)
      %dma_wait3A = arith.constant 0 : i32
      %dma_wait3A_75 = arith.constant 0 : i32
      %dma_wait3A_76 = tpu.memref_slice %arg8[%dma_wait3A, %dma_wait3A_75] : memref<112x128xf32, #tpu.memory_space<vmem>> -> memref<112x128xf32, #tpu.memory_space<vmem>>
      %dma_wait3A_77 = arith.constant 0 : i32
      %dma_wait3A_78 = tpu.memref_slice %arg5[%arg0, %add3A_47, %dma_wait3A_77] : memref<2x10112x128xf32, #tpu.memory_space<hbm>> -> memref<1x112x128xf32, #tpu.memory_space<hbm>>
      %dma_wait3A_79 = tpu.memref_squeeze %dma_wait3A_78 : memref<1x112x128xf32, #tpu.memory_space<hbm>> -> memref<112x128xf32, #tpu.memory_space<hbm>>
      %dma_wait3A_80 = arith.constant 0 : i32
      %dma_wait3A_81 = tpu.memref_slice %arg5[%arg0, %add3A_47, %dma_wait3A_80] : memref<2x10112x128xf32, #tpu.memory_space<hbm>> -> memref<1x112x128xf32, #tpu.memory_space<hbm>>
      %dma_wait3A_82 = tpu.memref_squeeze %dma_wait3A_81 : memref<1x112x128xf32, #tpu.memory_space<hbm>> -> memref<112x128xf32, #tpu.memory_space<hbm>>
      %dma_wait3A_83 = arith.constant 0 : i32
      %dma_wait3A_84 = arith.constant 0 : i32
      %dma_wait3A_85 = tpu.memref_slice %arg8[%dma_wait3A_83, %dma_wait3A_84] : memref<112x128xf32, #tpu.memory_space<vmem>> -> memref<112x128xf32, #tpu.memory_space<vmem>>
      tpu.wait_dma2 semaphore(%run_scoped3A : memref<!tpu.dma_semaphore, #tpu.memory_space<semaphore_mem>>) src(%dma_wait3A_85 : memref<112x128xf32, #tpu.memory_space<vmem>>) dst(%dma_wait3A_82 : memref<112x128xf32, #tpu.memory_space<hbm>>)
      tpu.yield
    }) : () -> ()
    %mul3A_48 = arith.constant 632 : i32
    %mul3A_49 = arith.muli %arg1, %mul3A_48 : i32
    %add3A_50 = arith.constant 224 : i32
    %add3A_51 = arith.addi %mul3A_49, %add3A_50 : i32
    "tpu.region"() ({
      %run_scoped3A = tpu.sem_alloc : memref<!tpu.dma_semaphore, #tpu.memory_space<semaphore_mem>>
      %dma_start3A = arith.constant 0 : i32
      %dma_start3A_64 = arith.constant 0 : i32
      %dma_start3A_65 = tpu.memref_slice %arg8[%dma_start3A, %dma_start3A_64] : memref<112x128xf32, #tpu.memory_space<vmem>> -> memref<112x128xf32, #tpu.memory_space<vmem>>
      %dma_start3A_66 = arith.constant 0 : i32
      %dma_start3A_67 = tpu.memref_slice %arg10[%add3A_51, %dma_start3A_66] : memref<10112x128xf32, #tpu.memory_space<vmem_shared>> -> memref<112x128xf32, #tpu.memory_space<vmem_shared>>
      %dma_start3A_68 = arith.constant 0 : i32
      %dma_start3A_69 = arith.constant 0 : i32
      %dma_start3A_70 = tpu.memref_slice %arg8[%dma_start3A_68, %dma_start3A_69] : memref<112x128xf32, #tpu.memory_space<vmem>> -> memref<112x128xf32, #tpu.memory_space<vmem>>
      %dma_start3A_71 = arith.constant 0 : i32
      %dma_start3A_72 = tpu.memref_slice %arg10[%add3A_51, %dma_start3A_71] : memref<10112x128xf32, #tpu.memory_space<vmem_shared>> -> memref<112x128xf32, #tpu.memory_space<vmem_shared>>
      tpu.enqueue_dma source(%dma_start3A_72 : memref<112x128xf32, #tpu.memory_space<vmem_shared>>) target(%dma_start3A_70 : memref<112x128xf32, #tpu.memory_space<vmem>>) target_semaphore(%run_scoped3A : memref<!tpu.dma_semaphore, #tpu.memory_space<semaphore_mem>>)
      %dma_wait3A = arith.constant 0 : i32
      %dma_wait3A_73 = arith.constant 0 : i32
      %dma_wait3A_74 = tpu.memref_slice %arg8[%dma_wait3A, %dma_wait3A_73] : memref<112x128xf32, #tpu.memory_space<vmem>> -> memref<112x128xf32, #tpu.memory_space<vmem>>
      %dma_wait3A_75 = arith.constant 0 : i32
      %dma_wait3A_76 = tpu.memref_slice %arg10[%add3A_51, %dma_wait3A_75] : memref<10112x128xf32, #tpu.memory_space<vmem_shared>> -> memref<112x128xf32, #tpu.memory_space<vmem_shared>>
      %dma_wait3A_77 = arith.constant 0 : i32
      %dma_wait3A_78 = arith.constant 0 : i32
      %dma_wait3A_79 = tpu.memref_slice %arg8[%dma_wait3A_77, %dma_wait3A_78] : memref<112x128xf32, #tpu.memory_space<vmem>> -> memref<112x128xf32, #tpu.memory_space<vmem>>
      %dma_wait3A_80 = arith.constant 0 : i32
      %dma_wait3A_81 = tpu.memref_slice %arg10[%add3A_51, %dma_wait3A_80] : memref<10112x128xf32, #tpu.memory_space<vmem_shared>> -> memref<112x128xf32, #tpu.memory_space<vmem_shared>>
      tpu.wait_dma2 semaphore(%run_scoped3A : memref<!tpu.dma_semaphore, #tpu.memory_space<semaphore_mem>>) src(%dma_wait3A_81 : memref<112x128xf32, #tpu.memory_space<vmem_shared>>) dst(%dma_wait3A_79 : memref<112x128xf32, #tpu.memory_space<vmem>>)
      tpu.yield
    }) : () -> ()
    "tpu.region"() ({
      %run_scoped3A = tpu.sem_alloc : memref<!tpu.dma_semaphore, #tpu.memory_space<semaphore_mem>>
      %dma_start3A = arith.constant 0 : i32
      %dma_start3A_64 = arith.constant 0 : i32
      %dma_start3A_65 = tpu.memref_slice %arg8[%dma_start3A, %dma_start3A_64] : memref<112x128xf32, #tpu.memory_space<vmem>> -> memref<112x128xf32, #tpu.memory_space<vmem>>
      %dma_start3A_66 = arith.constant 0 : i32
      %dma_start3A_67 = tpu.memref_slice %arg5[%arg0, %add3A_51, %dma_start3A_66] : memref<2x10112x128xf32, #tpu.memory_space<hbm>> -> memref<1x112x128xf32, #tpu.memory_space<hbm>>
      %dma_start3A_68 = tpu.memref_squeeze %dma_start3A_67 : memref<1x112x128xf32, #tpu.memory_space<hbm>> -> memref<112x128xf32, #tpu.memory_space<hbm>>
      %dma_start3A_69 = arith.constant 0 : i32
      %dma_start3A_70 = tpu.memref_slice %arg5[%arg0, %add3A_51, %dma_start3A_69] : memref<2x10112x128xf32, #tpu.memory_space<hbm>> -> memref<1x112x128xf32, #tpu.memory_space<hbm>>
      %dma_start3A_71 = tpu.memref_squeeze %dma_start3A_70 : memref<1x112x128xf32, #tpu.memory_space<hbm>> -> memref<112x128xf32, #tpu.memory_space<hbm>>
      %dma_start3A_72 = arith.constant 0 : i32
      %dma_start3A_73 = arith.constant 0 : i32
      %dma_start3A_74 = tpu.memref_slice %arg8[%dma_start3A_72, %dma_start3A_73] : memref<112x128xf32, #tpu.memory_space<vmem>> -> memref<112x128xf32, #tpu.memory_space<vmem>>
      tpu.enqueue_dma source(%dma_start3A_74 : memref<112x128xf32, #tpu.memory_space<vmem>>) target(%dma_start3A_71 : memref<112x128xf32, #tpu.memory_space<hbm>>) target_semaphore(%run_scoped3A : memref<!tpu.dma_semaphore, #tpu.memory_space<semaphore_mem>>)
      %dma_wait3A = arith.constant 0 : i32
      %dma_wait3A_75 = arith.constant 0 : i32
      %dma_wait3A_76 = tpu.memref_slice %arg8[%dma_wait3A, %dma_wait3A_75] : memref<112x128xf32, #tpu.memory_space<vmem>> -> memref<112x128xf32, #tpu.memory_space<vmem>>
      %dma_wait3A_77 = arith.constant 0 : i32
      %dma_wait3A_78 = tpu.memref_slice %arg5[%arg0, %add3A_51, %dma_wait3A_77] : memref<2x10112x128xf32, #tpu.memory_space<hbm>> -> memref<1x112x128xf32, #tpu.memory_space<hbm>>
      %dma_wait3A_79 = tpu.memref_squeeze %dma_wait3A_78 : memref<1x112x128xf32, #tpu.memory_space<hbm>> -> memref<112x128xf32, #tpu.memory_space<hbm>>
      %dma_wait3A_80 = arith.constant 0 : i32
      %dma_wait3A_81 = tpu.memref_slice %arg5[%arg0, %add3A_51, %dma_wait3A_80] : memref<2x10112x128xf32, #tpu.memory_space<hbm>> -> memref<1x112x128xf32, #tpu.memory_space<hbm>>
      %dma_wait3A_82 = tpu.memref_squeeze %dma_wait3A_81 : memref<1x112x128xf32, #tpu.memory_space<hbm>> -> memref<112x128xf32, #tpu.memory_space<hbm>>
      %dma_wait3A_83 = arith.constant 0 : i32
      %dma_wait3A_84 = arith.constant 0 : i32
      %dma_wait3A_85 = tpu.memref_slice %arg8[%dma_wait3A_83, %dma_wait3A_84] : memref<112x128xf32, #tpu.memory_space<vmem>> -> memref<112x128xf32, #tpu.memory_space<vmem>>
      tpu.wait_dma2 semaphore(%run_scoped3A : memref<!tpu.dma_semaphore, #tpu.memory_space<semaphore_mem>>) src(%dma_wait3A_85 : memref<112x128xf32, #tpu.memory_space<vmem>>) dst(%dma_wait3A_82 : memref<112x128xf32, #tpu.memory_space<hbm>>)
      tpu.yield
    }) : () -> ()
    %mul3A_52 = arith.constant 632 : i32
    %mul3A_53 = arith.muli %arg1, %mul3A_52 : i32
    %add3A_54 = arith.constant 336 : i32
    %add3A_55 = arith.addi %mul3A_53, %add3A_54 : i32
    "tpu.region"() ({
      %run_scoped3A = tpu.sem_alloc : memref<!tpu.dma_semaphore, #tpu.memory_space<semaphore_mem>>
      %dma_start3A = arith.constant 0 : i32
      %dma_start3A_64 = arith.constant 0 : i32
      %dma_start3A_65 = tpu.memref_slice %arg8[%dma_start3A, %dma_start3A_64] : memref<112x128xf32, #tpu.memory_space<vmem>> -> memref<112x128xf32, #tpu.memory_space<vmem>>
      %dma_start3A_66 = arith.constant 0 : i32
      %dma_start3A_67 = tpu.memref_slice %arg10[%add3A_55, %dma_start3A_66] : memref<10112x128xf32, #tpu.memory_space<vmem_shared>> -> memref<112x128xf32, #tpu.memory_space<vmem_shared>>
      %dma_start3A_68 = arith.constant 0 : i32
      %dma_start3A_69 = arith.constant 0 : i32
      %dma_start3A_70 = tpu.memref_slice %arg8[%dma_start3A_68, %dma_start3A_69] : memref<112x128xf32, #tpu.memory_space<vmem>> -> memref<112x128xf32, #tpu.memory_space<vmem>>
      %dma_start3A_71 = arith.constant 0 : i32
      %dma_start3A_72 = tpu.memref_slice %arg10[%add3A_55, %dma_start3A_71] : memref<10112x128xf32, #tpu.memory_space<vmem_shared>> -> memref<112x128xf32, #tpu.memory_space<vmem_shared>>
      tpu.enqueue_dma source(%dma_start3A_72 : memref<112x128xf32, #tpu.memory_space<vmem_shared>>) target(%dma_start3A_70 : memref<112x128xf32, #tpu.memory_space<vmem>>) target_semaphore(%run_scoped3A : memref<!tpu.dma_semaphore, #tpu.memory_space<semaphore_mem>>)
      %dma_wait3A = arith.constant 0 : i32
      %dma_wait3A_73 = arith.constant 0 : i32
      %dma_wait3A_74 = tpu.memref_slice %arg8[%dma_wait3A, %dma_wait3A_73] : memref<112x128xf32, #tpu.memory_space<vmem>> -> memref<112x128xf32, #tpu.memory_space<vmem>>
      %dma_wait3A_75 = arith.constant 0 : i32
      %dma_wait3A_76 = tpu.memref_slice %arg10[%add3A_55, %dma_wait3A_75] : memref<10112x128xf32, #tpu.memory_space<vmem_shared>> -> memref<112x128xf32, #tpu.memory_space<vmem_shared>>
      %dma_wait3A_77 = arith.constant 0 : i32
      %dma_wait3A_78 = arith.constant 0 : i32
      %dma_wait3A_79 = tpu.memref_slice %arg8[%dma_wait3A_77, %dma_wait3A_78] : memref<112x128xf32, #tpu.memory_space<vmem>> -> memref<112x128xf32, #tpu.memory_space<vmem>>
      %dma_wait3A_80 = arith.constant 0 : i32
      %dma_wait3A_81 = tpu.memref_slice %arg10[%add3A_55, %dma_wait3A_80] : memref<10112x128xf32, #tpu.memory_space<vmem_shared>> -> memref<112x128xf32, #tpu.memory_space<vmem_shared>>
      tpu.wait_dma2 semaphore(%run_scoped3A : memref<!tpu.dma_semaphore, #tpu.memory_space<semaphore_mem>>) src(%dma_wait3A_81 : memref<112x128xf32, #tpu.memory_space<vmem_shared>>) dst(%dma_wait3A_79 : memref<112x128xf32, #tpu.memory_space<vmem>>)
      tpu.yield
    }) : () -> ()
    "tpu.region"() ({
      %run_scoped3A = tpu.sem_alloc : memref<!tpu.dma_semaphore, #tpu.memory_space<semaphore_mem>>
      %dma_start3A = arith.constant 0 : i32
      %dma_start3A_64 = arith.constant 0 : i32
      %dma_start3A_65 = tpu.memref_slice %arg8[%dma_start3A, %dma_start3A_64] : memref<112x128xf32, #tpu.memory_space<vmem>> -> memref<112x128xf32, #tpu.memory_space<vmem>>
      %dma_start3A_66 = arith.constant 0 : i32
      %dma_start3A_67 = tpu.memref_slice %arg5[%arg0, %add3A_55, %dma_start3A_66] : memref<2x10112x128xf32, #tpu.memory_space<hbm>> -> memref<1x112x128xf32, #tpu.memory_space<hbm>>
      %dma_start3A_68 = tpu.memref_squeeze %dma_start3A_67 : memref<1x112x128xf32, #tpu.memory_space<hbm>> -> memref<112x128xf32, #tpu.memory_space<hbm>>
      %dma_start3A_69 = arith.constant 0 : i32
      %dma_start3A_70 = tpu.memref_slice %arg5[%arg0, %add3A_55, %dma_start3A_69] : memref<2x10112x128xf32, #tpu.memory_space<hbm>> -> memref<1x112x128xf32, #tpu.memory_space<hbm>>
      %dma_start3A_71 = tpu.memref_squeeze %dma_start3A_70 : memref<1x112x128xf32, #tpu.memory_space<hbm>> -> memref<112x128xf32, #tpu.memory_space<hbm>>
      %dma_start3A_72 = arith.constant 0 : i32
      %dma_start3A_73 = arith.constant 0 : i32
      %dma_start3A_74 = tpu.memref_slice %arg8[%dma_start3A_72, %dma_start3A_73] : memref<112x128xf32, #tpu.memory_space<vmem>> -> memref<112x128xf32, #tpu.memory_space<vmem>>
      tpu.enqueue_dma source(%dma_start3A_74 : memref<112x128xf32, #tpu.memory_space<vmem>>) target(%dma_start3A_71 : memref<112x128xf32, #tpu.memory_space<hbm>>) target_semaphore(%run_scoped3A : memref<!tpu.dma_semaphore, #tpu.memory_space<semaphore_mem>>)
      %dma_wait3A = arith.constant 0 : i32
      %dma_wait3A_75 = arith.constant 0 : i32
      %dma_wait3A_76 = tpu.memref_slice %arg8[%dma_wait3A, %dma_wait3A_75] : memref<112x128xf32, #tpu.memory_space<vmem>> -> memref<112x128xf32, #tpu.memory_space<vmem>>
      %dma_wait3A_77 = arith.constant 0 : i32
      %dma_wait3A_78 = tpu.memref_slice %arg5[%arg0, %add3A_55, %dma_wait3A_77] : memref<2x10112x128xf32, #tpu.memory_space<hbm>> -> memref<1x112x128xf32, #tpu.memory_space<hbm>>
      %dma_wait3A_79 = tpu.memref_squeeze %dma_wait3A_78 : memref<1x112x128xf32, #tpu.memory_space<hbm>> -> memref<112x128xf32, #tpu.memory_space<hbm>>
      %dma_wait3A_80 = arith.constant 0 : i32
      %dma_wait3A_81 = tpu.memref_slice %arg5[%arg0, %add3A_55, %dma_wait3A_80] : memref<2x10112x128xf32, #tpu.memory_space<hbm>> -> memref<1x112x128xf32, #tpu.memory_space<hbm>>
      %dma_wait3A_82 = tpu.memref_squeeze %dma_wait3A_81 : memref<1x112x128xf32, #tpu.memory_space<hbm>> -> memref<112x128xf32, #tpu.memory_space<hbm>>
      %dma_wait3A_83 = arith.constant 0 : i32
      %dma_wait3A_84 = arith.constant 0 : i32
      %dma_wait3A_85 = tpu.memref_slice %arg8[%dma_wait3A_83, %dma_wait3A_84] : memref<112x128xf32, #tpu.memory_space<vmem>> -> memref<112x128xf32, #tpu.memory_space<vmem>>
      tpu.wait_dma2 semaphore(%run_scoped3A : memref<!tpu.dma_semaphore, #tpu.memory_space<semaphore_mem>>) src(%dma_wait3A_85 : memref<112x128xf32, #tpu.memory_space<vmem>>) dst(%dma_wait3A_82 : memref<112x128xf32, #tpu.memory_space<hbm>>)
      tpu.yield
    }) : () -> ()
    %mul3A_56 = arith.constant 632 : i32
    %mul3A_57 = arith.muli %arg1, %mul3A_56 : i32
    %add3A_58 = arith.constant 448 : i32
    %add3A_59 = arith.addi %mul3A_57, %add3A_58 : i32
    "tpu.region"() ({
      %run_scoped3A = tpu.sem_alloc : memref<!tpu.dma_semaphore, #tpu.memory_space<semaphore_mem>>
      %dma_start3A = arith.constant 0 : i32
      %dma_start3A_64 = arith.constant 0 : i32
      %dma_start3A_65 = tpu.memref_slice %arg8[%dma_start3A, %dma_start3A_64] : memref<112x128xf32, #tpu.memory_space<vmem>> -> memref<112x128xf32, #tpu.memory_space<vmem>>
      %dma_start3A_66 = arith.constant 0 : i32
      %dma_start3A_67 = tpu.memref_slice %arg10[%add3A_59, %dma_start3A_66] : memref<10112x128xf32, #tpu.memory_space<vmem_shared>> -> memref<112x128xf32, #tpu.memory_space<vmem_shared>>
      %dma_start3A_68 = arith.constant 0 : i32
      %dma_start3A_69 = arith.constant 0 : i32
      %dma_start3A_70 = tpu.memref_slice %arg8[%dma_start3A_68, %dma_start3A_69] : memref<112x128xf32, #tpu.memory_space<vmem>> -> memref<112x128xf32, #tpu.memory_space<vmem>>
      %dma_start3A_71 = arith.constant 0 : i32
      %dma_start3A_72 = tpu.memref_slice %arg10[%add3A_59, %dma_start3A_71] : memref<10112x128xf32, #tpu.memory_space<vmem_shared>> -> memref<112x128xf32, #tpu.memory_space<vmem_shared>>
      tpu.enqueue_dma source(%dma_start3A_72 : memref<112x128xf32, #tpu.memory_space<vmem_shared>>) target(%dma_start3A_70 : memref<112x128xf32, #tpu.memory_space<vmem>>) target_semaphore(%run_scoped3A : memref<!tpu.dma_semaphore, #tpu.memory_space<semaphore_mem>>)
      %dma_wait3A = arith.constant 0 : i32
      %dma_wait3A_73 = arith.constant 0 : i32
      %dma_wait3A_74 = tpu.memref_slice %arg8[%dma_wait3A, %dma_wait3A_73] : memref<112x128xf32, #tpu.memory_space<vmem>> -> memref<112x128xf32, #tpu.memory_space<vmem>>
      %dma_wait3A_75 = arith.constant 0 : i32
      %dma_wait3A_76 = tpu.memref_slice %arg10[%add3A_59, %dma_wait3A_75] : memref<10112x128xf32, #tpu.memory_space<vmem_shared>> -> memref<112x128xf32, #tpu.memory_space<vmem_shared>>
      %dma_wait3A_77 = arith.constant 0 : i32
      %dma_wait3A_78 = arith.constant 0 : i32
      %dma_wait3A_79 = tpu.memref_slice %arg8[%dma_wait3A_77, %dma_wait3A_78] : memref<112x128xf32, #tpu.memory_space<vmem>> -> memref<112x128xf32, #tpu.memory_space<vmem>>
      %dma_wait3A_80 = arith.constant 0 : i32
      %dma_wait3A_81 = tpu.memref_slice %arg10[%add3A_59, %dma_wait3A_80] : memref<10112x128xf32, #tpu.memory_space<vmem_shared>> -> memref<112x128xf32, #tpu.memory_space<vmem_shared>>
      tpu.wait_dma2 semaphore(%run_scoped3A : memref<!tpu.dma_semaphore, #tpu.memory_space<semaphore_mem>>) src(%dma_wait3A_81 : memref<112x128xf32, #tpu.memory_space<vmem_shared>>) dst(%dma_wait3A_79 : memref<112x128xf32, #tpu.memory_space<vmem>>)
      tpu.yield
    }) : () -> ()
    "tpu.region"() ({
      %run_scoped3A = tpu.sem_alloc : memref<!tpu.dma_semaphore, #tpu.memory_space<semaphore_mem>>
      %dma_start3A = arith.constant 0 : i32
      %dma_start3A_64 = arith.constant 0 : i32
      %dma_start3A_65 = tpu.memref_slice %arg8[%dma_start3A, %dma_start3A_64] : memref<112x128xf32, #tpu.memory_space<vmem>> -> memref<112x128xf32, #tpu.memory_space<vmem>>
      %dma_start3A_66 = arith.constant 0 : i32
      %dma_start3A_67 = tpu.memref_slice %arg5[%arg0, %add3A_59, %dma_start3A_66] : memref<2x10112x128xf32, #tpu.memory_space<hbm>> -> memref<1x112x128xf32, #tpu.memory_space<hbm>>
      %dma_start3A_68 = tpu.memref_squeeze %dma_start3A_67 : memref<1x112x128xf32, #tpu.memory_space<hbm>> -> memref<112x128xf32, #tpu.memory_space<hbm>>
      %dma_start3A_69 = arith.constant 0 : i32
      %dma_start3A_70 = tpu.memref_slice %arg5[%arg0, %add3A_59, %dma_start3A_69] : memref<2x10112x128xf32, #tpu.memory_space<hbm>> -> memref<1x112x128xf32, #tpu.memory_space<hbm>>
      %dma_start3A_71 = tpu.memref_squeeze %dma_start3A_70 : memref<1x112x128xf32, #tpu.memory_space<hbm>> -> memref<112x128xf32, #tpu.memory_space<hbm>>
      %dma_start3A_72 = arith.constant 0 : i32
      %dma_start3A_73 = arith.constant 0 : i32
      %dma_start3A_74 = tpu.memref_slice %arg8[%dma_start3A_72, %dma_start3A_73] : memref<112x128xf32, #tpu.memory_space<vmem>> -> memref<112x128xf32, #tpu.memory_space<vmem>>
      tpu.enqueue_dma source(%dma_start3A_74 : memref<112x128xf32, #tpu.memory_space<vmem>>) target(%dma_start3A_71 : memref<112x128xf32, #tpu.memory_space<hbm>>) target_semaphore(%run_scoped3A : memref<!tpu.dma_semaphore, #tpu.memory_space<semaphore_mem>>)
      %dma_wait3A = arith.constant 0 : i32
      %dma_wait3A_75 = arith.constant 0 : i32
      %dma_wait3A_76 = tpu.memref_slice %arg8[%dma_wait3A, %dma_wait3A_75] : memref<112x128xf32, #tpu.memory_space<vmem>> -> memref<112x128xf32, #tpu.memory_space<vmem>>
      %dma_wait3A_77 = arith.constant 0 : i32
      %dma_wait3A_78 = tpu.memref_slice %arg5[%arg0, %add3A_59, %dma_wait3A_77] : memref<2x10112x128xf32, #tpu.memory_space<hbm>> -> memref<1x112x128xf32, #tpu.memory_space<hbm>>
      %dma_wait3A_79 = tpu.memref_squeeze %dma_wait3A_78 : memref<1x112x128xf32, #tpu.memory_space<hbm>> -> memref<112x128xf32, #tpu.memory_space<hbm>>
      %dma_wait3A_80 = arith.constant 0 : i32
      %dma_wait3A_81 = tpu.memref_slice %arg5[%arg0, %add3A_59, %dma_wait3A_80] : memref<2x10112x128xf32, #tpu.memory_space<hbm>> -> memref<1x112x128xf32, #tpu.memory_space<hbm>>
      %dma_wait3A_82 = tpu.memref_squeeze %dma_wait3A_81 : memref<1x112x128xf32, #tpu.memory_space<hbm>> -> memref<112x128xf32, #tpu.memory_space<hbm>>
      %dma_wait3A_83 = arith.constant 0 : i32
      %dma_wait3A_84 = arith.constant 0 : i32
      %dma_wait3A_85 = tpu.memref_slice %arg8[%dma_wait3A_83, %dma_wait3A_84] : memref<112x128xf32, #tpu.memory_space<vmem>> -> memref<112x128xf32, #tpu.memory_space<vmem>>
      tpu.wait_dma2 semaphore(%run_scoped3A : memref<!tpu.dma_semaphore, #tpu.memory_space<semaphore_mem>>) src(%dma_wait3A_85 : memref<112x128xf32, #tpu.memory_space<vmem>>) dst(%dma_wait3A_82 : memref<112x128xf32, #tpu.memory_space<hbm>>)
      tpu.yield
    }) : () -> ()
    %mul3A_60 = arith.constant 632 : i32
    %mul3A_61 = arith.muli %arg1, %mul3A_60 : i32
    %add3A_62 = arith.constant 560 : i32
    %add3A_63 = arith.addi %mul3A_61, %add3A_62 : i32
    "tpu.region"() ({
      %run_scoped3A = tpu.sem_alloc : memref<!tpu.dma_semaphore, #tpu.memory_space<semaphore_mem>>
      %dma_start3A = arith.constant 0 : i32
      %dma_start3A_64 = arith.constant 0 : i32
      %dma_start3A_65 = tpu.memref_slice %arg8[%dma_start3A, %dma_start3A_64] : memref<112x128xf32, #tpu.memory_space<vmem>> -> memref<72x128xf32, #tpu.memory_space<vmem>>
      %dma_start3A_66 = arith.constant 0 : i32
      %dma_start3A_67 = tpu.memref_slice %arg10[%add3A_63, %dma_start3A_66] : memref<10112x128xf32, #tpu.memory_space<vmem_shared>> -> memref<72x128xf32, #tpu.memory_space<vmem_shared>>
      %dma_start3A_68 = arith.constant 0 : i32
      %dma_start3A_69 = arith.constant 0 : i32
      %dma_start3A_70 = tpu.memref_slice %arg8[%dma_start3A_68, %dma_start3A_69] : memref<112x128xf32, #tpu.memory_space<vmem>> -> memref<72x128xf32, #tpu.memory_space<vmem>>
      %dma_start3A_71 = arith.constant 0 : i32
      %dma_start3A_72 = tpu.memref_slice %arg10[%add3A_63, %dma_start3A_71] : memref<10112x128xf32, #tpu.memory_space<vmem_shared>> -> memref<72x128xf32, #tpu.memory_space<vmem_shared>>
      tpu.enqueue_dma source(%dma_start3A_72 : memref<72x128xf32, #tpu.memory_space<vmem_shared>>) target(%dma_start3A_70 : memref<72x128xf32, #tpu.memory_space<vmem>>) target_semaphore(%run_scoped3A : memref<!tpu.dma_semaphore, #tpu.memory_space<semaphore_mem>>)
      %dma_wait3A = arith.constant 0 : i32
      %dma_wait3A_73 = arith.constant 0 : i32
      %dma_wait3A_74 = tpu.memref_slice %arg8[%dma_wait3A, %dma_wait3A_73] : memref<112x128xf32, #tpu.memory_space<vmem>> -> memref<72x128xf32, #tpu.memory_space<vmem>>
      %dma_wait3A_75 = arith.constant 0 : i32
      %dma_wait3A_76 = tpu.memref_slice %arg10[%add3A_63, %dma_wait3A_75] : memref<10112x128xf32, #tpu.memory_space<vmem_shared>> -> memref<72x128xf32, #tpu.memory_space<vmem_shared>>
      %dma_wait3A_77 = arith.constant 0 : i32
      %dma_wait3A_78 = arith.constant 0 : i32
      %dma_wait3A_79 = tpu.memref_slice %arg8[%dma_wait3A_77, %dma_wait3A_78] : memref<112x128xf32, #tpu.memory_space<vmem>> -> memref<72x128xf32, #tpu.memory_space<vmem>>
      %dma_wait3A_80 = arith.constant 0 : i32
      %dma_wait3A_81 = tpu.memref_slice %arg10[%add3A_63, %dma_wait3A_80] : memref<10112x128xf32, #tpu.memory_space<vmem_shared>> -> memref<72x128xf32, #tpu.memory_space<vmem_shared>>
      tpu.wait_dma2 semaphore(%run_scoped3A : memref<!tpu.dma_semaphore, #tpu.memory_space<semaphore_mem>>) src(%dma_wait3A_81 : memref<72x128xf32, #tpu.memory_space<vmem_shared>>) dst(%dma_wait3A_79 : memref<72x128xf32, #tpu.memory_space<vmem>>)
      tpu.yield
    }) : () -> ()
    "tpu.region"() ({
      %run_scoped3A = tpu.sem_alloc : memref<!tpu.dma_semaphore, #tpu.memory_space<semaphore_mem>>
      %dma_start3A = arith.constant 0 : i32
      %dma_start3A_64 = arith.constant 0 : i32
      %dma_start3A_65 = tpu.memref_slice %arg8[%dma_start3A, %dma_start3A_64] : memref<112x128xf32, #tpu.memory_space<vmem>> -> memref<72x128xf32, #tpu.memory_space<vmem>>
      %dma_start3A_66 = arith.constant 0 : i32
      %dma_start3A_67 = tpu.memref_slice %arg5[%arg0, %add3A_63, %dma_start3A_66] : memref<2x10112x128xf32, #tpu.memory_space<hbm>> -> memref<1x72x128xf32, #tpu.memory_space<hbm>>
      %dma_start3A_68 = tpu.memref_squeeze %dma_start3A_67 : memref<1x72x128xf32, #tpu.memory_space<hbm>> -> memref<72x128xf32, #tpu.memory_space<hbm>>
      %dma_start3A_69 = arith.constant 0 : i32
      %dma_start3A_70 = tpu.memref_slice %arg5[%arg0, %add3A_63, %dma_start3A_69] : memref<2x10112x128xf32, #tpu.memory_space<hbm>> -> memref<1x72x128xf32, #tpu.memory_space<hbm>>
      %dma_start3A_71 = tpu.memref_squeeze %dma_start3A_70 : memref<1x72x128xf32, #tpu.memory_space<hbm>> -> memref<72x128xf32, #tpu.memory_space<hbm>>
      %dma_start3A_72 = arith.constant 0 : i32
      %dma_start3A_73 = arith.constant 0 : i32
      %dma_start3A_74 = tpu.memref_slice %arg8[%dma_start3A_72, %dma_start3A_73] : memref<112x128xf32, #tpu.memory_space<vmem>> -> memref<72x128xf32, #tpu.memory_space<vmem>>
      tpu.enqueue_dma source(%dma_start3A_74 : memref<72x128xf32, #tpu.memory_space<vmem>>) target(%dma_start3A_71 : memref<72x128xf32, #tpu.memory_space<hbm>>) target_semaphore(%run_scoped3A : memref<!tpu.dma_semaphore, #tpu.memory_space<semaphore_mem>>)
      %dma_wait3A = arith.constant 0 : i32
      %dma_wait3A_75 = arith.constant 0 : i32
      %dma_wait3A_76 = tpu.memref_slice %arg8[%dma_wait3A, %dma_wait3A_75] : memref<112x128xf32, #tpu.memory_space<vmem>> -> memref<72x128xf32, #tpu.memory_space<vmem>>
      %dma_wait3A_77 = arith.constant 0 : i32
      %dma_wait3A_78 = tpu.memref_slice %arg5[%arg0, %add3A_63, %dma_wait3A_77] : memref<2x10112x128xf32, #tpu.memory_space<hbm>> -> memref<1x72x128xf32, #tpu.memory_space<hbm>>
      %dma_wait3A_79 = tpu.memref_squeeze %dma_wait3A_78 : memref<1x72x128xf32, #tpu.memory_space<hbm>> -> memref<72x128xf32, #tpu.memory_space<hbm>>
      %dma_wait3A_80 = arith.constant 0 : i32
      %dma_wait3A_81 = tpu.memref_slice %arg5[%arg0, %add3A_63, %dma_wait3A_80] : memref<2x10112x128xf32, #tpu.memory_space<hbm>> -> memref<1x72x128xf32, #tpu.memory_space<hbm>>
      %dma_wait3A_82 = tpu.memref_squeeze %dma_wait3A_81 : memref<1x72x128xf32, #tpu.memory_space<hbm>> -> memref<72x128xf32, #tpu.memory_space<hbm>>
      %dma_wait3A_83 = arith.constant 0 : i32
      %dma_wait3A_84 = arith.constant 0 : i32
      %dma_wait3A_85 = tpu.memref_slice %arg8[%dma_wait3A_83, %dma_wait3A_84] : memref<112x128xf32, #tpu.memory_space<vmem>> -> memref<72x128xf32, #tpu.memory_space<vmem>>
      tpu.wait_dma2 semaphore(%run_scoped3A : memref<!tpu.dma_semaphore, #tpu.memory_space<semaphore_mem>>) src(%dma_wait3A_85 : memref<72x128xf32, #tpu.memory_space<vmem>>) dst(%dma_wait3A_82 : memref<72x128xf32, #tpu.memory_space<hbm>>)
      tpu.yield
    }) : () -> ()
    return
  }
}

#map = affine_map<(d0, d1) -> (0, 0)>
#map1 = affine_map<(d0, d1) -> (0, 0, 0)>
module attributes {stable_mosaic.version = 14 : i64} {
  func.func @_sc_pair(%arg0: i32, %arg1: i32, %arg2: memref<10000x128xf32, #tpu.memory_space<hbm>>, %arg3: memref<10000x128xf32, #tpu.memory_space<hbm>>, %arg4: memref<32x90x112xi32, #tpu.memory_space<hbm>>, %arg5: memref<32x90x112xi32, #tpu.memory_space<hbm>>, %arg6: memref<322560x128xf32, #tpu.memory_space<hbm>>, %arg7: memref<90x112xi32, #tpu.memory_space<vmem>>, %arg8: memref<90x112xi32, #tpu.memory_space<vmem>>, %arg9: memref<112x128xf32, #tpu.memory_space<vmem>>, %arg10: memref<112x128xf32, #tpu.memory_space<vmem>>, %arg11: memref<!tpu.dma_semaphore, #tpu.memory_space<semaphore_mem>>, %arg12: memref<!tpu.dma_semaphore, #tpu.memory_space<semaphore_mem>>) attributes {dimension_semantics = [#tpu.dimension_semantics<core_parallel>, #tpu.dimension_semantics<subcore_parallel>], iteration_bounds = array<i64: 2, 16>, scalar_prefetch = 0 : i64, scratch_operands = 6 : i64, tpu.core_type = #tpu.core_type<sc_vector_subcore>, window_params = [{transform_indices = #map}, {transform_indices = #map}, {transform_indices = #map1}, {transform_indices = #map1}, {transform_indices = #map}]} {
    %mul3A = arith.constant 2 : i32
    %mul3A_0 = arith.muli %arg1, %mul3A : i32
    %add3A = arith.addi %mul3A_0, %arg0 : i32
    "tpu.region"() ({
      %run_scoped3A = tpu.sem_alloc : memref<!tpu.dma_semaphore, #tpu.memory_space<semaphore_mem>>
      %dma_start3A = arith.constant 0 : i32
      %dma_start3A_7 = arith.constant 0 : i32
      %dma_start3A_8 = tpu.memref_slice %arg4[%add3A, %dma_start3A, %dma_start3A_7] : memref<32x90x112xi32, #tpu.memory_space<hbm>> -> memref<1x90x112xi32, #tpu.memory_space<hbm>>
      %dma_start3A_9 = tpu.memref_squeeze %dma_start3A_8 : memref<1x90x112xi32, #tpu.memory_space<hbm>> -> memref<90x112xi32, #tpu.memory_space<hbm>>
      %dma_start3A_10 = arith.constant 0 : i32
      %dma_start3A_11 = arith.constant 0 : i32
      %dma_start3A_12 = tpu.memref_slice %arg4[%add3A, %dma_start3A_10, %dma_start3A_11] : memref<32x90x112xi32, #tpu.memory_space<hbm>> -> memref<1x90x112xi32, #tpu.memory_space<hbm>>
      %dma_start3A_13 = tpu.memref_squeeze %dma_start3A_12 : memref<1x90x112xi32, #tpu.memory_space<hbm>> -> memref<90x112xi32, #tpu.memory_space<hbm>>
      tpu.enqueue_dma source(%dma_start3A_13 : memref<90x112xi32, #tpu.memory_space<hbm>>) target(%arg7 : memref<90x112xi32, #tpu.memory_space<vmem>>) target_semaphore(%run_scoped3A : memref<!tpu.dma_semaphore, #tpu.memory_space<semaphore_mem>>)
      %dma_wait3A = arith.constant 0 : i32
      %dma_wait3A_14 = arith.constant 0 : i32
      %dma_wait3A_15 = tpu.memref_slice %arg4[%add3A, %dma_wait3A, %dma_wait3A_14] : memref<32x90x112xi32, #tpu.memory_space<hbm>> -> memref<1x90x112xi32, #tpu.memory_space<hbm>>
      %dma_wait3A_16 = tpu.memref_squeeze %dma_wait3A_15 : memref<1x90x112xi32, #tpu.memory_space<hbm>> -> memref<90x112xi32, #tpu.memory_space<hbm>>
      %dma_wait3A_17 = arith.constant 0 : i32
      %dma_wait3A_18 = arith.constant 0 : i32
      %dma_wait3A_19 = tpu.memref_slice %arg4[%add3A, %dma_wait3A_17, %dma_wait3A_18] : memref<32x90x112xi32, #tpu.memory_space<hbm>> -> memref<1x90x112xi32, #tpu.memory_space<hbm>>
      %dma_wait3A_20 = tpu.memref_squeeze %dma_wait3A_19 : memref<1x90x112xi32, #tpu.memory_space<hbm>> -> memref<90x112xi32, #tpu.memory_space<hbm>>
      tpu.wait_dma2 semaphore(%run_scoped3A : memref<!tpu.dma_semaphore, #tpu.memory_space<semaphore_mem>>) src(%dma_wait3A_20 : memref<90x112xi32, #tpu.memory_space<hbm>>) dst(%arg7 : memref<90x112xi32, #tpu.memory_space<vmem>>)
      tpu.yield
    }) : () -> ()
    "tpu.region"() ({
      %run_scoped3A = tpu.sem_alloc : memref<!tpu.dma_semaphore, #tpu.memory_space<semaphore_mem>>
      %dma_start3A = arith.constant 0 : i32
      %dma_start3A_7 = arith.constant 0 : i32
      %dma_start3A_8 = tpu.memref_slice %arg5[%add3A, %dma_start3A, %dma_start3A_7] : memref<32x90x112xi32, #tpu.memory_space<hbm>> -> memref<1x90x112xi32, #tpu.memory_space<hbm>>
      %dma_start3A_9 = tpu.memref_squeeze %dma_start3A_8 : memref<1x90x112xi32, #tpu.memory_space<hbm>> -> memref<90x112xi32, #tpu.memory_space<hbm>>
      %dma_start3A_10 = arith.constant 0 : i32
      %dma_start3A_11 = arith.constant 0 : i32
      %dma_start3A_12 = tpu.memref_slice %arg5[%add3A, %dma_start3A_10, %dma_start3A_11] : memref<32x90x112xi32, #tpu.memory_space<hbm>> -> memref<1x90x112xi32, #tpu.memory_space<hbm>>
      %dma_start3A_13 = tpu.memref_squeeze %dma_start3A_12 : memref<1x90x112xi32, #tpu.memory_space<hbm>> -> memref<90x112xi32, #tpu.memory_space<hbm>>
      tpu.enqueue_dma source(%dma_start3A_13 : memref<90x112xi32, #tpu.memory_space<hbm>>) target(%arg8 : memref<90x112xi32, #tpu.memory_space<vmem>>) target_semaphore(%run_scoped3A : memref<!tpu.dma_semaphore, #tpu.memory_space<semaphore_mem>>)
      %dma_wait3A = arith.constant 0 : i32
      %dma_wait3A_14 = arith.constant 0 : i32
      %dma_wait3A_15 = tpu.memref_slice %arg5[%add3A, %dma_wait3A, %dma_wait3A_14] : memref<32x90x112xi32, #tpu.memory_space<hbm>> -> memref<1x90x112xi32, #tpu.memory_space<hbm>>
      %dma_wait3A_16 = tpu.memref_squeeze %dma_wait3A_15 : memref<1x90x112xi32, #tpu.memory_space<hbm>> -> memref<90x112xi32, #tpu.memory_space<hbm>>
      %dma_wait3A_17 = arith.constant 0 : i32
      %dma_wait3A_18 = arith.constant 0 : i32
      %dma_wait3A_19 = tpu.memref_slice %arg5[%add3A, %dma_wait3A_17, %dma_wait3A_18] : memref<32x90x112xi32, #tpu.memory_space<hbm>> -> memref<1x90x112xi32, #tpu.memory_space<hbm>>
      %dma_wait3A_20 = tpu.memref_squeeze %dma_wait3A_19 : memref<1x90x112xi32, #tpu.memory_space<hbm>> -> memref<90x112xi32, #tpu.memory_space<hbm>>
      tpu.wait_dma2 semaphore(%run_scoped3A : memref<!tpu.dma_semaphore, #tpu.memory_space<semaphore_mem>>) src(%dma_wait3A_20 : memref<90x112xi32, #tpu.memory_space<hbm>>) dst(%arg8 : memref<90x112xi32, #tpu.memory_space<vmem>>)
      tpu.yield
    }) : () -> ()
    %scan3A = arith.constant 0 : i32
    %scan3A_1 = arith.constant 0 : i32
    %scan3A_2 = arith.constant 90 : i32
    %scan3A_3 = arith.addi %scan3A_1, %scan3A_2 : i32
    %scan3A_4 = arith.constant 1 : i32
    %scan3A_5 = scf.for %scan3A_7 = %scan3A_1 to %scan3A_3 step %scan3A_4 iter_args(%scan3A_8 = %scan3A) -> (i32)  : i32 {
      %dma_start3A = arith.constant 0 : i32
      %dma_start3A_9 = tpu.memref_slice %arg7[%scan3A_7, %dma_start3A] : memref<90x112xi32, #tpu.memory_space<vmem>> -> memref<1x112xi32, #tpu.memory_space<vmem>>
      %dma_start3A_10 = tpu.memref_squeeze %dma_start3A_9 : memref<1x112xi32, #tpu.memory_space<vmem>> -> memref<112xi32, #tpu.memory_space<vmem>>
      %dma_start3A_11 = arith.constant 0 : i32
      %dma_start3A_12 = arith.constant 0 : i32
      %dma_start3A_13 = tpu.memref_slice %arg2[%dma_start3A_11, %dma_start3A_12] : memref<10000x128xf32, #tpu.memory_space<hbm>> -> memref<10000x128xf32, #tpu.memory_space<hbm>>
      tpu.enqueue_indirect_dma source(%dma_start3A_13 : memref<10000x128xf32, #tpu.memory_space<hbm>>) target(%arg9 : memref<112x128xf32, #tpu.memory_space<vmem>>) offsets(%dma_start3A_10 : memref<112xi32, #tpu.memory_space<vmem>>) semaphore(%arg11 : memref<!tpu.dma_semaphore, #tpu.memory_space<semaphore_mem>>)
      %dma_start3A_14 = arith.constant 0 : i32
      %dma_start3A_15 = tpu.memref_slice %arg8[%scan3A_7, %dma_start3A_14] : memref<90x112xi32, #tpu.memory_space<vmem>> -> memref<1x112xi32, #tpu.memory_space<vmem>>
      %dma_start3A_16 = tpu.memref_squeeze %dma_start3A_15 : memref<1x112xi32, #tpu.memory_space<vmem>> -> memref<112xi32, #tpu.memory_space<vmem>>
      %dma_start3A_17 = arith.constant 0 : i32
      %dma_start3A_18 = arith.constant 0 : i32
      %dma_start3A_19 = tpu.memref_slice %arg3[%dma_start3A_17, %dma_start3A_18] : memref<10000x128xf32, #tpu.memory_space<hbm>> -> memref<10000x128xf32, #tpu.memory_space<hbm>>
      tpu.enqueue_indirect_dma source(%dma_start3A_19 : memref<10000x128xf32, #tpu.memory_space<hbm>>) target(%arg10 : memref<112x128xf32, #tpu.memory_space<vmem>>) offsets(%dma_start3A_16 : memref<112xi32, #tpu.memory_space<vmem>>) semaphore(%arg12 : memref<!tpu.dma_semaphore, #tpu.memory_space<semaphore_mem>>)
      %dma_wait3A = arith.constant 0 : i32
      %dma_wait3A_20 = tpu.memref_slice %arg7[%scan3A_7, %dma_wait3A] : memref<90x112xi32, #tpu.memory_space<vmem>> -> memref<1x112xi32, #tpu.memory_space<vmem>>
      %dma_wait3A_21 = tpu.memref_squeeze %dma_wait3A_20 : memref<1x112xi32, #tpu.memory_space<vmem>> -> memref<112xi32, #tpu.memory_space<vmem>>
      %dma_wait3A_22 = arith.constant 0 : i32
      %dma_wait3A_23 = arith.constant 0 : i32
      %dma_wait3A_24 = tpu.memref_slice %arg2[%dma_wait3A_22, %dma_wait3A_23] : memref<10000x128xf32, #tpu.memory_space<hbm>> -> memref<10000x128xf32, #tpu.memory_space<hbm>>
      tpu.wait_indirect_dma semaphore(%arg11 : memref<!tpu.dma_semaphore, #tpu.memory_space<semaphore_mem>>) src(%dma_wait3A_24 : memref<10000x128xf32, #tpu.memory_space<hbm>>) dst(%arg9 : memref<112x128xf32, #tpu.memory_space<vmem>>)
      %dma_wait3A_25 = arith.constant 0 : i32
      %dma_wait3A_26 = tpu.memref_slice %arg8[%scan3A_7, %dma_wait3A_25] : memref<90x112xi32, #tpu.memory_space<vmem>> -> memref<1x112xi32, #tpu.memory_space<vmem>>
      %dma_wait3A_27 = tpu.memref_squeeze %dma_wait3A_26 : memref<1x112xi32, #tpu.memory_space<vmem>> -> memref<112xi32, #tpu.memory_space<vmem>>
      %dma_wait3A_28 = arith.constant 0 : i32
      %dma_wait3A_29 = arith.constant 0 : i32
      %dma_wait3A_30 = tpu.memref_slice %arg3[%dma_wait3A_28, %dma_wait3A_29] : memref<10000x128xf32, #tpu.memory_space<hbm>> -> memref<10000x128xf32, #tpu.memory_space<hbm>>
      tpu.wait_indirect_dma semaphore(%arg12 : memref<!tpu.dma_semaphore, #tpu.memory_space<semaphore_mem>>) src(%dma_wait3A_30 : memref<10000x128xf32, #tpu.memory_space<hbm>>) dst(%arg10 : memref<112x128xf32, #tpu.memory_space<vmem>>)
      %scan3A_31 = arith.constant 0 : i32
      %scan3A_32 = arith.constant 0 : i32
      %scan3A_33 = arith.constant 112 : i32
      %scan3A_34 = arith.addi %scan3A_32, %scan3A_33 : i32
      %scan3A_35 = arith.constant 1 : i32
      %scan3A_36 = scf.for %scan3A_44 = %scan3A_32 to %scan3A_34 step %scan3A_35 iter_args(%scan3A_45 = %scan3A_31) -> (i32)  : i32 {
        %get3A = arith.index_cast %scan3A_44 : i32 to index
        %get3A_46 = arith.constant 0 : index
        %get3A_47 = tpu.vector_load %arg9[%get3A, %get3A_46] {strides = array<i32>} : memref<112x128xf32, #tpu.memory_space<vmem>>, vector<1x16xf32>,
        %get3A_48 = vector.shape_cast %get3A_47 : vector<1x16xf32> to vector<16xf32>
        %get3A_49 = arith.index_cast %scan3A_44 : i32 to index
        %get3A_50 = arith.constant 0 : index
        %get3A_51 = tpu.vector_load %arg10[%get3A_49, %get3A_50] {strides = array<i32>} : memref<112x128xf32, #tpu.memory_space<vmem>>, vector<1x16xf32>,
        %get3A_52 = vector.shape_cast %get3A_51 : vector<1x16xf32> to vector<16xf32>
        %add3A_53 = arith.addf %get3A_48, %get3A_52 : vector<16xf32>
        %swap3A = arith.index_cast %scan3A_44 : i32 to index
        %swap3A_54 = arith.constant 0 : index
        %swap3A_55 = tpu.vector_load %arg9[%swap3A, %swap3A_54] {strides = array<i32>} : memref<112x128xf32, #tpu.memory_space<vmem>>, vector<1x16xf32>,
        %swap3A_56 = vector.shape_cast %swap3A_55 : vector<1x16xf32> to vector<16xf32>
        %swap3A_57 = vector.shape_cast %add3A_53 : vector<16xf32> to vector<1x16xf32>
        tpu.vector_store %arg9[%swap3A, %swap3A_54], %swap3A_57 {strides = array<i32>} : memref<112x128xf32, #tpu.memory_space<vmem>>, vector<1x16xf32>,
        %get3A_58 = arith.index_cast %scan3A_44 : i32 to index
        %get3A_59 = arith.constant 16 : index
        %get3A_60 = tpu.vector_load %arg9[%get3A_58, %get3A_59] {strides = array<i32>} : memref<112x128xf32, #tpu.memory_space<vmem>>, vector<1x16xf32>,
        %get3A_61 = vector.shape_cast %get3A_60 : vector<1x16xf32> to vector<16xf32>
        %get3A_62 = arith.index_cast %scan3A_44 : i32 to index
        %get3A_63 = arith.constant 16 : index
        %get3A_64 = tpu.vector_load %arg10[%get3A_62, %get3A_63] {strides = array<i32>} : memref<112x128xf32, #tpu.memory_space<vmem>>, vector<1x16xf32>,
        %get3A_65 = vector.shape_cast %get3A_64 : vector<1x16xf32> to vector<16xf32>
        %add3A_66 = arith.addf %get3A_61, %get3A_65 : vector<16xf32>
        %swap3A_67 = arith.index_cast %scan3A_44 : i32 to index
        %swap3A_68 = arith.constant 16 : index
        %swap3A_69 = tpu.vector_load %arg9[%swap3A_67, %swap3A_68] {strides = array<i32>} : memref<112x128xf32, #tpu.memory_space<vmem>>, vector<1x16xf32>,
        %swap3A_70 = vector.shape_cast %swap3A_69 : vector<1x16xf32> to vector<16xf32>
        %swap3A_71 = vector.shape_cast %add3A_66 : vector<16xf32> to vector<1x16xf32>
        tpu.vector_store %arg9[%swap3A_67, %swap3A_68], %swap3A_71 {strides = array<i32>} : memref<112x128xf32, #tpu.memory_space<vmem>>, vector<1x16xf32>,
        %get3A_72 = arith.index_cast %scan3A_44 : i32 to index
        %get3A_73 = arith.constant 32 : index
        %get3A_74 = tpu.vector_load %arg9[%get3A_72, %get3A_73] {strides = array<i32>} : memref<112x128xf32, #tpu.memory_space<vmem>>, vector<1x16xf32>,
        %get3A_75 = vector.shape_cast %get3A_74 : vector<1x16xf32> to vector<16xf32>
        %get3A_76 = arith.index_cast %scan3A_44 : i32 to index
        %get3A_77 = arith.constant 32 : index
        %get3A_78 = tpu.vector_load %arg10[%get3A_76, %get3A_77] {strides = array<i32>} : memref<112x128xf32, #tpu.memory_space<vmem>>, vector<1x16xf32>,
        %get3A_79 = vector.shape_cast %get3A_78 : vector<1x16xf32> to vector<16xf32>
        %add3A_80 = arith.addf %get3A_75, %get3A_79 : vector<16xf32>
        %swap3A_81 = arith.index_cast %scan3A_44 : i32 to index
        %swap3A_82 = arith.constant 32 : index
        %swap3A_83 = tpu.vector_load %arg9[%swap3A_81, %swap3A_82] {strides = array<i32>} : memref<112x128xf32, #tpu.memory_space<vmem>>, vector<1x16xf32>,
        %swap3A_84 = vector.shape_cast %swap3A_83 : vector<1x16xf32> to vector<16xf32>
        %swap3A_85 = vector.shape_cast %add3A_80 : vector<16xf32> to vector<1x16xf32>
        tpu.vector_store %arg9[%swap3A_81, %swap3A_82], %swap3A_85 {strides = array<i32>} : memref<112x128xf32, #tpu.memory_space<vmem>>, vector<1x16xf32>,
        %get3A_86 = arith.index_cast %scan3A_44 : i32 to index
        %get3A_87 = arith.constant 48 : index
        %get3A_88 = tpu.vector_load %arg9[%get3A_86, %get3A_87] {strides = array<i32>} : memref<112x128xf32, #tpu.memory_space<vmem>>, vector<1x16xf32>,
        %get3A_89 = vector.shape_cast %get3A_88 : vector<1x16xf32> to vector<16xf32>
        %get3A_90 = arith.index_cast %scan3A_44 : i32 to index
        %get3A_91 = arith.constant 48 : index
        %get3A_92 = tpu.vector_load %arg10[%get3A_90, %get3A_91] {strides = array<i32>} : memref<112x128xf32, #tpu.memory_space<vmem>>, vector<1x16xf32>,
        %get3A_93 = vector.shape_cast %get3A_92 : vector<1x16xf32> to vector<16xf32>
        %add3A_94 = arith.addf %get3A_89, %get3A_93 : vector<16xf32>
        %swap3A_95 = arith.index_cast %scan3A_44 : i32 to index
        %swap3A_96 = arith.constant 48 : index
        %swap3A_97 = tpu.vector_load %arg9[%swap3A_95, %swap3A_96] {strides = array<i32>} : memref<112x128xf32, #tpu.memory_space<vmem>>, vector<1x16xf32>,
        %swap3A_98 = vector.shape_cast %swap3A_97 : vector<1x16xf32> to vector<16xf32>
        %swap3A_99 = vector.shape_cast %add3A_94 : vector<16xf32> to vector<1x16xf32>
        tpu.vector_store %arg9[%swap3A_95, %swap3A_96], %swap3A_99 {strides = array<i32>} : memref<112x128xf32, #tpu.memory_space<vmem>>, vector<1x16xf32>,
        %get3A_100 = arith.index_cast %scan3A_44 : i32 to index
        %get3A_101 = arith.constant 64 : index
        %get3A_102 = tpu.vector_load %arg9[%get3A_100, %get3A_101] {strides = array<i32>} : memref<112x128xf32, #tpu.memory_space<vmem>>, vector<1x16xf32>,
        %get3A_103 = vector.shape_cast %get3A_102 : vector<1x16xf32> to vector<16xf32>
        %get3A_104 = arith.index_cast %scan3A_44 : i32 to index
        %get3A_105 = arith.constant 64 : index
        %get3A_106 = tpu.vector_load %arg10[%get3A_104, %get3A_105] {strides = array<i32>} : memref<112x128xf32, #tpu.memory_space<vmem>>, vector<1x16xf32>,
        %get3A_107 = vector.shape_cast %get3A_106 : vector<1x16xf32> to vector<16xf32>
        %add3A_108 = arith.addf %get3A_103, %get3A_107 : vector<16xf32>
        %swap3A_109 = arith.index_cast %scan3A_44 : i32 to index
        %swap3A_110 = arith.constant 64 : index
        %swap3A_111 = tpu.vector_load %arg9[%swap3A_109, %swap3A_110] {strides = array<i32>} : memref<112x128xf32, #tpu.memory_space<vmem>>, vector<1x16xf32>,
        %swap3A_112 = vector.shape_cast %swap3A_111 : vector<1x16xf32> to vector<16xf32>
        %swap3A_113 = vector.shape_cast %add3A_108 : vector<16xf32> to vector<1x16xf32>
        tpu.vector_store %arg9[%swap3A_109, %swap3A_110], %swap3A_113 {strides = array<i32>} : memref<112x128xf32, #tpu.memory_space<vmem>>, vector<1x16xf32>,
        %get3A_114 = arith.index_cast %scan3A_44 : i32 to index
        %get3A_115 = arith.constant 80 : index
        %get3A_116 = tpu.vector_load %arg9[%get3A_114, %get3A_115] {strides = array<i32>} : memref<112x128xf32, #tpu.memory_space<vmem>>, vector<1x16xf32>,
        %get3A_117 = vector.shape_cast %get3A_116 : vector<1x16xf32> to vector<16xf32>
        %get3A_118 = arith.index_cast %scan3A_44 : i32 to index
        %get3A_119 = arith.constant 80 : index
        %get3A_120 = tpu.vector_load %arg10[%get3A_118, %get3A_119] {strides = array<i32>} : memref<112x128xf32, #tpu.memory_space<vmem>>, vector<1x16xf32>,
        %get3A_121 = vector.shape_cast %get3A_120 : vector<1x16xf32> to vector<16xf32>
        %add3A_122 = arith.addf %get3A_117, %get3A_121 : vector<16xf32>
        %swap3A_123 = arith.index_cast %scan3A_44 : i32 to index
        %swap3A_124 = arith.constant 80 : index
        %swap3A_125 = tpu.vector_load %arg9[%swap3A_123, %swap3A_124] {strides = array<i32>} : memref<112x128xf32, #tpu.memory_space<vmem>>, vector<1x16xf32>,
        %swap3A_126 = vector.shape_cast %swap3A_125 : vector<1x16xf32> to vector<16xf32>
        %swap3A_127 = vector.shape_cast %add3A_122 : vector<16xf32> to vector<1x16xf32>
        tpu.vector_store %arg9[%swap3A_123, %swap3A_124], %swap3A_127 {strides = array<i32>} : memref<112x128xf32, #tpu.memory_space<vmem>>, vector<1x16xf32>,
        %get3A_128 = arith.index_cast %scan3A_44 : i32 to index
        %get3A_129 = arith.constant 96 : index
        %get3A_130 = tpu.vector_load %arg9[%get3A_128, %get3A_129] {strides = array<i32>} : memref<112x128xf32, #tpu.memory_space<vmem>>, vector<1x16xf32>,
        %get3A_131 = vector.shape_cast %get3A_130 : vector<1x16xf32> to vector<16xf32>
        %get3A_132 = arith.index_cast %scan3A_44 : i32 to index
        %get3A_133 = arith.constant 96 : index
        %get3A_134 = tpu.vector_load %arg10[%get3A_132, %get3A_133] {strides = array<i32>} : memref<112x128xf32, #tpu.memory_space<vmem>>, vector<1x16xf32>,
        %get3A_135 = vector.shape_cast %get3A_134 : vector<1x16xf32> to vector<16xf32>
        %add3A_136 = arith.addf %get3A_131, %get3A_135 : vector<16xf32>
        %swap3A_137 = arith.index_cast %scan3A_44 : i32 to index
        %swap3A_138 = arith.constant 96 : index
        %swap3A_139 = tpu.vector_load %arg9[%swap3A_137, %swap3A_138] {strides = array<i32>} : memref<112x128xf32, #tpu.memory_space<vmem>>, vector<1x16xf32>,
        %swap3A_140 = vector.shape_cast %swap3A_139 : vector<1x16xf32> to vector<16xf32>
        %swap3A_141 = vector.shape_cast %add3A_136 : vector<16xf32> to vector<1x16xf32>
        tpu.vector_store %arg9[%swap3A_137, %swap3A_138], %swap3A_141 {strides = array<i32>} : memref<112x128xf32, #tpu.memory_space<vmem>>, vector<1x16xf32>,
        %get3A_142 = arith.index_cast %scan3A_44 : i32 to index
        %get3A_143 = arith.constant 112 : index
        %get3A_144 = tpu.vector_load %arg9[%get3A_142, %get3A_143] {strides = array<i32>} : memref<112x128xf32, #tpu.memory_space<vmem>>, vector<1x16xf32>,
        %get3A_145 = vector.shape_cast %get3A_144 : vector<1x16xf32> to vector<16xf32>
        %get3A_146 = arith.index_cast %scan3A_44 : i32 to index
        %get3A_147 = arith.constant 112 : index
        %get3A_148 = tpu.vector_load %arg10[%get3A_146, %get3A_147] {strides = array<i32>} : memref<112x128xf32, #tpu.memory_space<vmem>>, vector<1x16xf32>,
        %get3A_149 = vector.shape_cast %get3A_148 : vector<1x16xf32> to vector<16xf32>
        %add3A_150 = arith.addf %get3A_145, %get3A_149 : vector<16xf32>
        %swap3A_151 = arith.index_cast %scan3A_44 : i32 to index
        %swap3A_152 = arith.constant 112 : index
        %swap3A_153 = tpu.vector_load %arg9[%swap3A_151, %swap3A_152] {strides = array<i32>} : memref<112x128xf32, #tpu.memory_space<vmem>>, vector<1x16xf32>,
        %swap3A_154 = vector.shape_cast %swap3A_153 : vector<1x16xf32> to vector<16xf32>
        %swap3A_155 = vector.shape_cast %add3A_150 : vector<16xf32> to vector<1x16xf32>
        tpu.vector_store %arg9[%swap3A_151, %swap3A_152], %swap3A_155 {strides = array<i32>} : memref<112x128xf32, #tpu.memory_space<vmem>>, vector<1x16xf32>,
        %scan3A_156 = arith.constant 0 : i32
        scf.yield %scan3A_156 : i32
      }
      %scan3A_37 = arith.constant 112 : i32
      %mul3A_38 = arith.constant 90 : i32
      %mul3A_39 = arith.muli %add3A, %mul3A_38 : i32
      %add3A_40 = arith.addi %mul3A_39, %scan3A_7 : i32
      %mul3A_41 = arith.constant 112 : i32
      %mul3A_42 = arith.muli %add3A_40, %mul3A_41 : i32
      "tpu.region"() ({
        %run_scoped3A = tpu.sem_alloc : memref<!tpu.dma_semaphore, #tpu.memory_space<semaphore_mem>>
        %dma_start3A_44 = arith.constant 0 : i32
        %dma_start3A_45 = tpu.memref_slice %arg6[%mul3A_42, %dma_start3A_44] : memref<322560x128xf32, #tpu.memory_space<hbm>> -> memref<112x128xf32, #tpu.memory_space<hbm>>
        %dma_start3A_46 = arith.constant 0 : i32
        %dma_start3A_47 = tpu.memref_slice %arg6[%mul3A_42, %dma_start3A_46] : memref<322560x128xf32, #tpu.memory_space<hbm>> -> memref<112x128xf32, #tpu.memory_space<hbm>>
        tpu.enqueue_dma source(%arg9 : memref<112x128xf32, #tpu.memory_space<vmem>>) target(%dma_start3A_47 : memref<112x128xf32, #tpu.memory_space<hbm>>) target_semaphore(%run_scoped3A : memref<!tpu.dma_semaphore, #tpu.memory_space<semaphore_mem>>)
        %dma_wait3A_48 = arith.constant 0 : i32
        %dma_wait3A_49 = tpu.memref_slice %arg6[%mul3A_42, %dma_wait3A_48] : memref<322560x128xf32, #tpu.memory_space<hbm>> -> memref<112x128xf32, #tpu.memory_space<hbm>>
        %dma_wait3A_50 = arith.constant 0 : i32
        %dma_wait3A_51 = tpu.memref_slice %arg6[%mul3A_42, %dma_wait3A_50] : memref<322560x128xf32, #tpu.memory_space<hbm>> -> memref<112x128xf32, #tpu.memory_space<hbm>>
        tpu.wait_dma2 semaphore(%run_scoped3A : memref<!tpu.dma_semaphore, #tpu.memory_space<semaphore_mem>>) src(%arg9 : memref<112x128xf32, #tpu.memory_space<vmem>>) dst(%dma_wait3A_51 : memref<112x128xf32, #tpu.memory_space<hbm>>)
        tpu.yield
      }) : () -> ()
      %scan3A_43 = arith.constant 0 : i32
      scf.yield %scan3A_43 : i32
    }
    %scan3A_6 = arith.constant 90 : i32
    return
  }
}

module attributes {stable_mosaic.version = 14 : i64} {
  func.func @_mm0_body(%arg0: i32, %arg1: memref<1000x128xf32, #tpu.memory_space<vmem>>, %arg2: memref<128x128xf32, #tpu.memory_space<vmem>>, %arg3: memref<1000x128xf32, #tpu.memory_space<vmem>>) attributes {dimension_semantics = [#tpu.dimension_semantics<arbitrary>], iteration_bounds = array<i64: 10>, scalar_prefetch = 0 : i64, scratch_operands = 0 : i64, tpu.core_type = #tpu.core_type<tc>, window_params = [{transform_indices = @transform_0, window_bounds = array<i64: 1000, 128>}, {pipeline_mode = #tpu.pipeline_mode<synchronous>, transform_indices = @transform_1, window_bounds = array<i64: 128, 128>}, {transform_indices = @transform_2, window_bounds = array<i64: 1000, 128>}]} {
    %get3A = arith.constant 0 : index
    %get3A_0 = arith.constant 0 : index
    %get3A_1 = vector.load %arg1[%get3A, %get3A_0] : memref<1000x128xf32, #tpu.memory_space<vmem>>, vector<1000x128xf32>
    %ne3A = arith.cmpf one, %get3A_1, %get3A_1 : vector<1000x128xf32>
    %jit3A = arith.constant 0.000000e+00 : f32
    %broadcast_in_dim3A = vector.broadcast %jit3A : f32 to vector<1000x128xf32>
    %select_n3A = arith.select %ne3A, %broadcast_in_dim3A, %get3A_1 : vector<1000x128xi1>, vector<1000x128xf32>
    %get3A_2 = arith.constant 0 : index
    %get3A_3 = arith.constant 0 : index
    %get3A_4 = vector.load %arg2[%get3A_2, %get3A_3] : memref<128x128xf32, #tpu.memory_space<vmem>>, vector<128x128xf32>
    %dot_general3A = arith.constant dense<0.000000e+00> : vector<1000x128xf32>
    %dot_general3A_5 = tpu.matmul %select_n3A, %get3A_4, %dot_general3A {dimension_numbers = #tpu.dot_dimension_numbers<[1], [0], [0], [1], [0, 0, 1, 1], [], []>, transpose_lhs_hint = false} : vector<1000x128xf32>, vector<128x128xf32>, vector<1000x128xf32> -> vector<1000x128xf32>
    %swap3A = arith.constant 0 : index
    %swap3A_6 = arith.constant 0 : index
    %swap3A_7 = vector.load %arg3[%swap3A, %swap3A_6] : memref<1000x128xf32, #tpu.memory_space<vmem>>, vector<1000x128xf32>
    tpu.vector_store %arg3[%swap3A, %swap3A_6], %dot_general3A_5 {strides = array<i32>} : memref<1000x128xf32, #tpu.memory_space<vmem>>, vector<1000x128xf32>,
    return
  }
  func.func @transform_0(%arg0: i32) -> (i32, i32) {
    %c0_i32 = arith.constant 0 : i32
    %c0_i32_0 = arith.constant 0 : i32
    return %arg0, %c0_i32 : i32, i32
  }
  func.func @transform_1(%arg0: i32) -> (i32, i32) {
    %c0_i32 = arith.constant 0 : i32
    %c0_i32_0 = arith.constant 0 : i32
    %c0_i32_1 = arith.constant 0 : i32
    return %c0_i32, %c0_i32_0 : i32, i32
  }
  func.func @transform_2(%arg0: i32) -> (i32, i32) {
    %c0_i32 = arith.constant 0 : i32
    %c0_i32_0 = arith.constant 0 : i32
    return %arg0, %c0_i32 : i32, i32
  }
}

module attributes {stable_mosaic.version = 14 : i64} {
  func.func @_scale_body(%arg0: i32, %arg1: memref<1000x128xf32, #tpu.memory_space<vmem>>, %arg2: memref<2x1000x128xf32, #tpu.memory_space<vmem>>, %arg3: memref<1000x1xf32, #tpu.memory_space<vmem>>, %arg4: memref<1000x128xf32, #tpu.memory_space<vmem>>) attributes {dimension_semantics = [#tpu.dimension_semantics<arbitrary>], iteration_bounds = array<i64: 10>, scalar_prefetch = 0 : i64, scratch_operands = 0 : i64, tpu.core_type = #tpu.core_type<tc>, window_params = [{transform_indices = @transform_0, window_bounds = array<i64: 1000, 128>}, {transform_indices = @transform_1, window_bounds = array<i64: 2, 1000, 128>}, {transform_indices = @transform_2, window_bounds = array<i64: 1000, 1>}, {transform_indices = @transform_3, window_bounds = array<i64: 1000, 128>}]} {
    %get3A = arith.constant 0 : index
    %get3A_0 = arith.constant 0 : index
    %get3A_1 = arith.constant 0 : index
    %get3A_2 = vector.load %arg2[%get3A, %get3A_0, %get3A_1] : memref<2x1000x128xf32, #tpu.memory_space<vmem>>, vector<1x1000x1xf32>
    %get3A_3 = vector.shape_cast %get3A_2 : vector<1x1000x1xf32> to vector<1000x1xf32>
    %get3A_4 = arith.constant 1 : index
    %get3A_5 = arith.constant 0 : index
    %get3A_6 = arith.constant 0 : index
    %get3A_7 = vector.load %arg2[%get3A_4, %get3A_5, %get3A_6] : memref<2x1000x128xf32, #tpu.memory_space<vmem>>, vector<1x1000x1xf32>
    %get3A_8 = vector.shape_cast %get3A_7 : vector<1x1000x1xf32> to vector<1000x1xf32>
    %add3A = arith.addf %get3A_3, %get3A_8 : vector<1000x1xf32>
    %add3A_9 = arith.constant 1.000000e+00 : f32
    %add3A_10 = vector.broadcast %add3A_9 : f32 to vector<1000x1xf32>
    %add3A_11 = arith.addf %add3A, %add3A_10 : vector<1000x1xf32>
    %rsqrt3A = math.rsqrt %add3A_11 : vector<1000x1xf32>
    %swap3A = arith.constant 0 : index
    %swap3A_12 = arith.constant 0 : index
    %swap3A_13 = vector.load %arg3[%swap3A, %swap3A_12] : memref<1000x1xf32, #tpu.memory_space<vmem>>, vector<1000x1xf32>
    tpu.vector_store %arg3[%swap3A, %swap3A_12], %rsqrt3A {strides = array<i32>} : memref<1000x1xf32, #tpu.memory_space<vmem>>, vector<1000x1xf32>,
    %get3A_14 = arith.constant 0 : index
    %get3A_15 = arith.constant 0 : index
    %get3A_16 = vector.load %arg1[%get3A_14, %get3A_15] : memref<1000x128xf32, #tpu.memory_space<vmem>>, vector<1000x128xf32>
    %mul3A = vector.broadcast %rsqrt3A : vector<1000x1xf32> to vector<1000x128xf32>
    %mul3A_17 = arith.mulf %get3A_16, %mul3A : vector<1000x128xf32>
    %swap3A_18 = arith.constant 0 : index
    %swap3A_19 = arith.constant 0 : index
    %swap3A_20 = vector.load %arg4[%swap3A_18, %swap3A_19] : memref<1000x128xf32, #tpu.memory_space<vmem>>, vector<1000x128xf32>
    tpu.vector_store %arg4[%swap3A_18, %swap3A_19], %mul3A_17 {strides = array<i32>} : memref<1000x128xf32, #tpu.memory_space<vmem>>, vector<1000x128xf32>,
    return
  }
  func.func @transform_0(%arg0: i32) -> (i32, i32) {
    %c0_i32 = arith.constant 0 : i32
    %c0_i32_0 = arith.constant 0 : i32
    return %arg0, %c0_i32 : i32, i32
  }
  func.func @transform_1(%arg0: i32) -> (i32, i32, i32) {
    %c0_i32 = arith.constant 0 : i32
    %c0_i32_0 = arith.constant 0 : i32
    %c0_i32_1 = arith.constant 0 : i32
    return %c0_i32, %arg0, %c0_i32_0 : i32, i32, i32
  }
  func.func @transform_2(%arg0: i32) -> (i32, i32) {
    %c0_i32 = arith.constant 0 : i32
    %c0_i32_0 = arith.constant 0 : i32
    return %arg0, %c0_i32 : i32, i32
  }
  func.func @transform_3(%arg0: i32) -> (i32, i32) {
    %c0_i32 = arith.constant 0 : i32
    %c0_i32_0 = arith.constant 0 : i32
    return %arg0, %c0_i32 : i32, i32
  }
}

module attributes {stable_mosaic.version = 14 : i64} {
  func.func @_stats_body(%arg0: i32, %arg1: memref<2x1000x128xf32, #tpu.memory_space<vmem>>, %arg2: memref<1000x128xf32, #tpu.memory_space<vmem>>, %arg3: memref<1000x1xf32, #tpu.memory_space<vmem>>, %arg4: memref<1x128xf32, #tpu.memory_space<vmem>>, %arg5: memref<1000x128xf32, #tpu.memory_space<vmem>>, %arg6: memref<8x128xf32, #tpu.memory_space<vmem>>, %arg7: memref<8x128xf32, #tpu.memory_space<vmem>>) attributes {dimension_semantics = [#tpu.dimension_semantics<arbitrary>], iteration_bounds = array<i64: 10>, scalar_prefetch = 0 : i64, scratch_operands = 0 : i64, tpu.core_type = #tpu.core_type<tc>, window_params = [{transform_indices = @transform_0, window_bounds = array<i64: 2, 1000, 128>}, {transform_indices = @transform_1, window_bounds = array<i64: 1000, 128>}, {transform_indices = @transform_2, window_bounds = array<i64: 1000, 1>}, {pipeline_mode = #tpu.pipeline_mode<synchronous>, transform_indices = @transform_3, window_bounds = array<i64: 1, 128>}, {transform_indices = @transform_4, window_bounds = array<i64: 1000, 128>}, {pipeline_mode = #tpu.pipeline_mode<synchronous>, transform_indices = @transform_5, window_bounds = array<i64: 8, 128>}, {pipeline_mode = #tpu.pipeline_mode<synchronous>, transform_indices = @transform_6, window_bounds = array<i64: 8, 128>}]} {
    %get3A = arith.constant 0 : index
    %get3A_0 = arith.constant 0 : index
    %get3A_1 = arith.constant 0 : index
    %get3A_2 = vector.load %arg1[%get3A, %get3A_0, %get3A_1] : memref<2x1000x128xf32, #tpu.memory_space<vmem>>, vector<1x1000x128xf32>
    %get3A_3 = vector.shape_cast %get3A_2 : vector<1x1000x128xf32> to vector<1000x128xf32>
    %get3A_4 = arith.constant 1 : index
    %get3A_5 = arith.constant 0 : index
    %get3A_6 = arith.constant 0 : index
    %get3A_7 = vector.load %arg1[%get3A_4, %get3A_5, %get3A_6] : memref<2x1000x128xf32, #tpu.memory_space<vmem>>, vector<1x1000x128xf32>
    %get3A_8 = vector.shape_cast %get3A_7 : vector<1x1000x128xf32> to vector<1000x128xf32>
    %add3A = arith.addf %get3A_3, %get3A_8 : vector<1000x128xf32>
    %get3A_9 = arith.constant 0 : index
    %get3A_10 = arith.constant 0 : index
    %get3A_11 = vector.load %arg2[%get3A_9, %get3A_10] : memref<1000x128xf32, #tpu.memory_space<vmem>>, vector<1000x128xf32>
    %add3A_12 = arith.addf %add3A, %get3A_11 : vector<1000x128xf32>
    %get3A_13 = arith.constant 0 : index
    %get3A_14 = arith.constant 0 : index
    %get3A_15 = vector.load %arg3[%get3A_13, %get3A_14] : memref<1000x1xf32, #tpu.memory_space<vmem>>, vector<1000x1xf32>
    %mul3A = vector.broadcast %get3A_15 : vector<1000x1xf32> to vector<1000x128xf32>
    %mul3A_16 = arith.mulf %add3A_12, %mul3A : vector<1000x128xf32>
    %get3A_17 = arith.constant 0 : index
    %get3A_18 = arith.constant 0 : index
    %get3A_19 = vector.load %arg4[%get3A_17, %get3A_18] : memref<1x128xf32, #tpu.memory_space<vmem>>, vector<1x128xf32>
    %add3A_20 = vector.broadcast %get3A_19 : vector<1x128xf32> to vector<1000x128xf32>
    %add3A_21 = arith.addf %mul3A_16, %add3A_20 : vector<1000x128xf32>
    %swap3A = arith.constant 0 : index
    %swap3A_22 = arith.constant 0 : index
    %swap3A_23 = vector.load %arg5[%swap3A, %swap3A_22] : memref<1000x128xf32, #tpu.memory_space<vmem>>, vector<1000x128xf32>
    tpu.vector_store %arg5[%swap3A, %swap3A_22], %add3A_21 {strides = array<i32>} : memref<1000x128xf32, #tpu.memory_space<vmem>>, vector<1000x128xf32>,
    %reshape3A = vector.shape_cast %add3A_21 : vector<1000x128xf32> to vector<125x8x128xf32>
    %reduce_sum3A = arith.constant dense<0.000000e+00> : vector<8x128xf32>
    %reduce_sum3A_24 = vector.multi_reduction <add>, %reshape3A, %reduce_sum3A [0] : vector<125x8x128xf32> to vector<8x128xf32>
    %mul3A_25 = arith.mulf %add3A_21, %add3A_21 : vector<1000x128xf32>
    %reshape3A_26 = vector.shape_cast %mul3A_25 : vector<1000x128xf32> to vector<125x8x128xf32>
    %reduce_sum3A_27 = arith.constant dense<0.000000e+00> : vector<8x128xf32>
    %reduce_sum3A_28 = vector.multi_reduction <add>, %reshape3A_26, %reduce_sum3A_27 [0] : vector<125x8x128xf32> to vector<8x128xf32>
    %eq3A = arith.constant 0 : i32
    %eq3A_29 = arith.cmpi eq, %arg0, %eq3A : i32
    %convert_element_type3A = arith.extui %eq3A_29 : i1 to i32
    %cond3A = arith.constant 0 : i32
    %cond3A_30 = arith.cmpi ne, %convert_element_type3A, %cond3A : i32
    scf.if %cond3A_30 {
      %swap3A_35 = arith.constant 0 : index
      %swap3A_36 = arith.constant 0 : index
      %swap3A_37 = vector.load %arg6[%swap3A_35, %swap3A_36] : memref<8x128xf32, #tpu.memory_space<vmem>>, vector<8x128xf32>
      tpu.vector_store %arg6[%swap3A_35, %swap3A_36], %reduce_sum3A_24 {strides = array<i32>} : memref<8x128xf32, #tpu.memory_space<vmem>>, vector<8x128xf32>,
      %swap3A_38 = arith.constant 0 : index
      %swap3A_39 = arith.constant 0 : index
      %swap3A_40 = vector.load %arg7[%swap3A_38, %swap3A_39] : memref<8x128xf32, #tpu.memory_space<vmem>>, vector<8x128xf32>
      tpu.vector_store %arg7[%swap3A_38, %swap3A_39], %reduce_sum3A_28 {strides = array<i32>} : memref<8x128xf32, #tpu.memory_space<vmem>>, vector<8x128xf32>,
    } else {
    }
    %gt3A = arith.constant 0 : i32
    %gt3A_31 = arith.cmpi sgt, %arg0, %gt3A : i32
    %convert_element_type3A_32 = arith.extui %gt3A_31 : i1 to i32
    %cond3A_33 = arith.constant 0 : i32
    %cond3A_34 = arith.cmpi ne, %convert_element_type3A_32, %cond3A_33 : i32
    scf.if %cond3A_34 {
      %get3A_35 = arith.constant 0 : index
      %get3A_36 = arith.constant 0 : index
      %get3A_37 = vector.load %arg6[%get3A_35, %get3A_36] : memref<8x128xf32, #tpu.memory_space<vmem>>, vector<8x128xf32>
      %add3A_38 = arith.addf %get3A_37, %reduce_sum3A_24 : vector<8x128xf32>
      %swap3A_39 = arith.constant 0 : index
      %swap3A_40 = arith.constant 0 : index
      %swap3A_41 = vector.load %arg6[%swap3A_39, %swap3A_40] : memref<8x128xf32, #tpu.memory_space<vmem>>, vector<8x128xf32>
      tpu.vector_store %arg6[%swap3A_39, %swap3A_40], %add3A_38 {strides = array<i32>} : memref<8x128xf32, #tpu.memory_space<vmem>>, vector<8x128xf32>,
      %get3A_42 = arith.constant 0 : index
      %get3A_43 = arith.constant 0 : index
      %get3A_44 = vector.load %arg7[%get3A_42, %get3A_43] : memref<8x128xf32, #tpu.memory_space<vmem>>, vector<8x128xf32>
      %add3A_45 = arith.addf %get3A_44, %reduce_sum3A_28 : vector<8x128xf32>
      %swap3A_46 = arith.constant 0 : index
      %swap3A_47 = arith.constant 0 : index
      %swap3A_48 = vector.load %arg7[%swap3A_46, %swap3A_47] : memref<8x128xf32, #tpu.memory_space<vmem>>, vector<8x128xf32>
      tpu.vector_store %arg7[%swap3A_46, %swap3A_47], %add3A_45 {strides = array<i32>} : memref<8x128xf32, #tpu.memory_space<vmem>>, vector<8x128xf32>,
    } else {
    }
    return
  }
  func.func @transform_0(%arg0: i32) -> (i32, i32, i32) {
    %c0_i32 = arith.constant 0 : i32
    %c0_i32_0 = arith.constant 0 : i32
    %c0_i32_1 = arith.constant 0 : i32
    return %c0_i32, %arg0, %c0_i32_0 : i32, i32, i32
  }
  func.func @transform_1(%arg0: i32) -> (i32, i32) {
    %c0_i32 = arith.constant 0 : i32
    %c0_i32_0 = arith.constant 0 : i32
    return %arg0, %c0_i32 : i32, i32
  }
  func.func @transform_2(%arg0: i32) -> (i32, i32) {
    %c0_i32 = arith.constant 0 : i32
    %c0_i32_0 = arith.constant 0 : i32
    return %arg0, %c0_i32 : i32, i32
  }
  func.func @transform_3(%arg0: i32) -> (i32, i32) {
    %c0_i32 = arith.constant 0 : i32
    %c0_i32_0 = arith.constant 0 : i32
    %c0_i32_1 = arith.constant 0 : i32
    return %c0_i32, %c0_i32_0 : i32, i32
  }
  func.func @transform_4(%arg0: i32) -> (i32, i32) {
    %c0_i32 = arith.constant 0 : i32
    %c0_i32_0 = arith.constant 0 : i32
    return %arg0, %c0_i32 : i32, i32
  }
  func.func @transform_5(%arg0: i32) -> (i32, i32) {
    %c0_i32 = arith.constant 0 : i32
    %c0_i32_0 = arith.constant 0 : i32
    %c0_i32_1 = arith.constant 0 : i32
    return %c0_i32, %c0_i32_0 : i32, i32
  }
  func.func @transform_6(%arg0: i32) -> (i32, i32) {
    %c0_i32 = arith.constant 0 : i32
    %c0_i32_0 = arith.constant 0 : i32
    %c0_i32_1 = arith.constant 0 : i32
    return %c0_i32, %c0_i32_0 : i32, i32
  }
}

module attributes {stable_mosaic.version = 14 : i64} {
  func.func @_next_body(%arg0: i32, %arg1: memref<1000x128xf32, #tpu.memory_space<vmem>>, %arg2: memref<8x128xf32, #tpu.memory_space<vmem>>, %arg3: memref<8x128xf32, #tpu.memory_space<vmem>>, %arg4: memref<1x128xf32, #tpu.memory_space<vmem>>, %arg5: memref<1x128xf32, #tpu.memory_space<vmem>>, %arg6: memref<128x128xf32, #tpu.memory_space<vmem>>, %arg7: memref<1000x1xf32, #tpu.memory_space<vmem>>, %arg8: memref<1000x128xf32, #tpu.memory_space<vmem>>) attributes {dimension_semantics = [#tpu.dimension_semantics<arbitrary>], iteration_bounds = array<i64: 10>, scalar_prefetch = 0 : i64, scratch_operands = 0 : i64, tpu.core_type = #tpu.core_type<tc>, window_params = [{transform_indices = @transform_0, window_bounds = array<i64: 1000, 128>}, {pipeline_mode = #tpu.pipeline_mode<synchronous>, transform_indices = @transform_1, window_bounds = array<i64: 8, 128>}, {pipeline_mode = #tpu.pipeline_mode<synchronous>, transform_indices = @transform_2, window_bounds = array<i64: 8, 128>}, {pipeline_mode = #tpu.pipeline_mode<synchronous>, transform_indices = @transform_3, window_bounds = array<i64: 1, 128>}, {pipeline_mode = #tpu.pipeline_mode<synchronous>, transform_indices = @transform_4, window_bounds = array<i64: 1, 128>}, {pipeline_mode = #tpu.pipeline_mode<synchronous>, transform_indices = @transform_5, window_bounds = array<i64: 128, 128>}, {transform_indices = @transform_6, window_bounds = array<i64: 1000, 1>}, {transform_indices = @transform_7, window_bounds = array<i64: 1000, 128>}]} {
    %get3A = arith.constant 0 : index
    %get3A_0 = arith.constant 0 : index
    %get3A_1 = vector.load %arg2[%get3A, %get3A_0] : memref<8x128xf32, #tpu.memory_space<vmem>>, vector<8x128xf32>
    %reduce_sum3A = arith.constant dense<0.000000e+00> : vector<128xf32>
    %reduce_sum3A_2 = vector.multi_reduction <add>, %get3A_1, %reduce_sum3A [0] : vector<8x128xf32> to vector<128xf32>
    %broadcast_in_dim3A = vector.shape_cast %reduce_sum3A_2 : vector<128xf32> to vector<1x128xf32>
    %mul3A = arith.constant 9.99999974E-5 : f32
    %mul3A_3 = vector.broadcast %mul3A : f32 to vector<1x128xf32>
    %mul3A_4 = arith.mulf %broadcast_in_dim3A, %mul3A_3 : vector<1x128xf32>
    %get3A_5 = arith.constant 0 : index
    %get3A_6 = arith.constant 0 : index
    %get3A_7 = vector.load %arg3[%get3A_5, %get3A_6] : memref<8x128xf32, #tpu.memory_space<vmem>>, vector<8x128xf32>
    %reduce_sum3A_8 = arith.constant dense<0.000000e+00> : vector<128xf32>
    %reduce_sum3A_9 = vector.multi_reduction <add>, %get3A_7, %reduce_sum3A_8 [0] : vector<8x128xf32> to vector<128xf32>
    %broadcast_in_dim3A_10 = vector.shape_cast %reduce_sum3A_9 : vector<128xf32> to vector<1x128xf32>
    %mul3A_11 = arith.constant 9.99999974E-5 : f32
    %mul3A_12 = vector.broadcast %mul3A_11 : f32 to vector<1x128xf32>
    %mul3A_13 = arith.mulf %broadcast_in_dim3A_10, %mul3A_12 : vector<1x128xf32>
    %mul3A_14 = arith.mulf %mul3A_4, %mul3A_4 : vector<1x128xf32>
    %sub3A = arith.subf %mul3A_13, %mul3A_14 : vector<1x128xf32>
    %get3A_15 = arith.constant 0 : index
    %get3A_16 = arith.constant 0 : index
    %get3A_17 = vector.load %arg4[%get3A_15, %get3A_16] : memref<1x128xf32, #tpu.memory_space<vmem>>, vector<1x128xf32>
    %add3A = arith.constant 9.99999974E-6 : f32
    %add3A_18 = vector.broadcast %add3A : f32 to vector<1x128xf32>
    %add3A_19 = arith.addf %sub3A, %add3A_18 : vector<1x128xf32>
    %rsqrt3A = math.rsqrt %add3A_19 : vector<1x128xf32>
    %mul3A_20 = arith.mulf %get3A_17, %rsqrt3A : vector<1x128xf32>
    %get3A_21 = arith.constant 0 : index
    %get3A_22 = arith.constant 0 : index
    %get3A_23 = vector.load %arg5[%get3A_21, %get3A_22] : memref<1x128xf32, #tpu.memory_space<vmem>>, vector<1x128xf32>
    %mul3A_24 = arith.mulf %mul3A_4, %mul3A_20 : vector<1x128xf32>
    %sub3A_25 = arith.subf %get3A_23, %mul3A_24 : vector<1x128xf32>
    %get3A_26 = arith.constant 0 : index
    %get3A_27 = arith.constant 0 : index
    %get3A_28 = vector.load %arg1[%get3A_26, %get3A_27] : memref<1000x128xf32, #tpu.memory_space<vmem>>, vector<1000x128xf32>
    %mul3A_29 = vector.broadcast %mul3A_20 : vector<1x128xf32> to vector<1000x128xf32>
    %mul3A_30 = arith.mulf %get3A_28, %mul3A_29 : vector<1000x128xf32>
    %add3A_31 = vector.broadcast %sub3A_25 : vector<1x128xf32> to vector<1000x128xf32>
    %add3A_32 = arith.addf %mul3A_30, %add3A_31 : vector<1000x128xf32>
    %max3A = arith.constant 0.000000e+00 : f32
    %max3A_33 = vector.broadcast %max3A : f32 to vector<1000x128xf32>
    %max3A_34 = arith.maximumf %add3A_32, %max3A_33 : vector<1000x128xf32>
    %get3A_35 = arith.constant 0 : index
    %get3A_36 = arith.constant 0 : index
    %get3A_37 = vector.load %arg6[%get3A_35, %get3A_36] : memref<128x128xf32, #tpu.memory_space<vmem>>, vector<128x128xf32>
    %dot_general3A = arith.constant dense<0.000000e+00> : vector<1000x128xf32>
    %dot_general3A_38 = tpu.matmul %max3A_34, %get3A_37, %dot_general3A {dimension_numbers = #tpu.dot_dimension_numbers<[1], [0], [0], [1], [0, 0, 1, 1], [], []>, transpose_lhs_hint = false} : vector<1000x128xf32>, vector<128x128xf32>, vector<1000x128xf32> -> vector<1000x128xf32>
    %get3A_39 = arith.constant 0 : index
    %get3A_40 = arith.constant 0 : index
    %get3A_41 = vector.load %arg7[%get3A_39, %get3A_40] : memref<1000x1xf32, #tpu.memory_space<vmem>>, vector<1000x1xf32>
    %mul3A_42 = vector.broadcast %get3A_41 : vector<1000x1xf32> to vector<1000x128xf32>
    %mul3A_43 = arith.mulf %dot_general3A_38, %mul3A_42 : vector<1000x128xf32>
    %swap3A = arith.constant 0 : index
    %swap3A_44 = arith.constant 0 : index
    %swap3A_45 = vector.load %arg8[%swap3A, %swap3A_44] : memref<1000x128xf32, #tpu.memory_space<vmem>>, vector<1000x128xf32>
    tpu.vector_store %arg8[%swap3A, %swap3A_44], %mul3A_43 {strides = array<i32>} : memref<1000x128xf32, #tpu.memory_space<vmem>>, vector<1000x128xf32>,
    return
  }
  func.func @transform_0(%arg0: i32) -> (i32, i32) {
    %c0_i32 = arith.constant 0 : i32
    %c0_i32_0 = arith.constant 0 : i32
    return %arg0, %c0_i32 : i32, i32
  }
  func.func @transform_1(%arg0: i32) -> (i32, i32) {
    %c0_i32 = arith.constant 0 : i32
    %c0_i32_0 = arith.constant 0 : i32
    %c0_i32_1 = arith.constant 0 : i32
    return %c0_i32, %c0_i32_0 : i32, i32
  }
  func.func @transform_2(%arg0: i32) -> (i32, i32) {
    %c0_i32 = arith.constant 0 : i32
    %c0_i32_0 = arith.constant 0 : i32
    %c0_i32_1 = arith.constant 0 : i32
    return %c0_i32, %c0_i32_0 : i32, i32
  }
  func.func @transform_3(%arg0: i32) -> (i32, i32) {
    %c0_i32 = arith.constant 0 : i32
    %c0_i32_0 = arith.constant 0 : i32
    %c0_i32_1 = arith.constant 0 : i32
    return %c0_i32, %c0_i32_0 : i32, i32
  }
  func.func @transform_4(%arg0: i32) -> (i32, i32) {
    %c0_i32 = arith.constant 0 : i32
    %c0_i32_0 = arith.constant 0 : i32
    %c0_i32_1 = arith.constant 0 : i32
    return %c0_i32, %c0_i32_0 : i32, i32
  }
  func.func @transform_5(%arg0: i32) -> (i32, i32) {
    %c0_i32 = arith.constant 0 : i32
    %c0_i32_0 = arith.constant 0 : i32
    %c0_i32_1 = arith.constant 0 : i32
    return %c0_i32, %c0_i32_0 : i32, i32
  }
  func.func @transform_6(%arg0: i32) -> (i32, i32) {
    %c0_i32 = arith.constant 0 : i32
    %c0_i32_0 = arith.constant 0 : i32
    return %arg0, %c0_i32 : i32, i32
  }
  func.func @transform_7(%arg0: i32) -> (i32, i32) {
    %c0_i32 = arith.constant 0 : i32
    %c0_i32_0 = arith.constant 0 : i32
    return %arg0, %c0_i32 : i32, i32
  }
}

module attributes {stable_mosaic.version = 14 : i64} {
  func.func @_final_body(%arg0: i32, %arg1: memref<1000x128xf32, #tpu.memory_space<vmem>>, %arg2: memref<8x128xf32, #tpu.memory_space<vmem>>, %arg3: memref<8x128xf32, #tpu.memory_space<vmem>>, %arg4: memref<1x128xf32, #tpu.memory_space<vmem>>, %arg5: memref<1x128xf32, #tpu.memory_space<vmem>>, %arg6: memref<128x128xf32, #tpu.memory_space<vmem>>, %arg7: memref<128x128xf32, #tpu.memory_space<vmem>>, %arg8: memref<1000x128xf32, #tpu.memory_space<vmem>>, %arg9: memref<1000x128xf32, #tpu.memory_space<vmem>>) attributes {dimension_semantics = [#tpu.dimension_semantics<arbitrary>], iteration_bounds = array<i64: 10>, scalar_prefetch = 0 : i64, scratch_operands = 0 : i64, tpu.core_type = #tpu.core_type<tc>, window_params = [{transform_indices = @transform_0, window_bounds = array<i64: 1000, 128>}, {pipeline_mode = #tpu.pipeline_mode<synchronous>, transform_indices = @transform_1, window_bounds = array<i64: 8, 128>}, {pipeline_mode = #tpu.pipeline_mode<synchronous>, transform_indices = @transform_2, window_bounds = array<i64: 8, 128>}, {pipeline_mode = #tpu.pipeline_mode<synchronous>, transform_indices = @transform_3, window_bounds = array<i64: 1, 128>}, {pipeline_mode = #tpu.pipeline_mode<synchronous>, transform_indices = @transform_4, window_bounds = array<i64: 1, 128>}, {pipeline_mode = #tpu.pipeline_mode<synchronous>, transform_indices = @transform_5, window_bounds = array<i64: 128, 128>}, {pipeline_mode = #tpu.pipeline_mode<synchronous>, transform_indices = @transform_6, window_bounds = array<i64: 128, 128>}, {transform_indices = @transform_7, window_bounds = array<i64: 1000, 128>}, {transform_indices = @transform_8, window_bounds = array<i64: 1000, 128>}]} {
    %get3A = arith.constant 0 : index
    %get3A_0 = arith.constant 0 : index
    %get3A_1 = vector.load %arg2[%get3A, %get3A_0] : memref<8x128xf32, #tpu.memory_space<vmem>>, vector<8x128xf32>
    %reduce_sum3A = arith.constant dense<0.000000e+00> : vector<128xf32>
    %reduce_sum3A_2 = vector.multi_reduction <add>, %get3A_1, %reduce_sum3A [0] : vector<8x128xf32> to vector<128xf32>
    %broadcast_in_dim3A = vector.shape_cast %reduce_sum3A_2 : vector<128xf32> to vector<1x128xf32>
    %mul3A = arith.constant 9.99999974E-5 : f32
    %mul3A_3 = vector.broadcast %mul3A : f32 to vector<1x128xf32>
    %mul3A_4 = arith.mulf %broadcast_in_dim3A, %mul3A_3 : vector<1x128xf32>
    %get3A_5 = arith.constant 0 : index
    %get3A_6 = arith.constant 0 : index
    %get3A_7 = vector.load %arg3[%get3A_5, %get3A_6] : memref<8x128xf32, #tpu.memory_space<vmem>>, vector<8x128xf32>
    %reduce_sum3A_8 = arith.constant dense<0.000000e+00> : vector<128xf32>
    %reduce_sum3A_9 = vector.multi_reduction <add>, %get3A_7, %reduce_sum3A_8 [0] : vector<8x128xf32> to vector<128xf32>
    %broadcast_in_dim3A_10 = vector.shape_cast %reduce_sum3A_9 : vector<128xf32> to vector<1x128xf32>
    %mul3A_11 = arith.constant 9.99999974E-5 : f32
    %mul3A_12 = vector.broadcast %mul3A_11 : f32 to vector<1x128xf32>
    %mul3A_13 = arith.mulf %broadcast_in_dim3A_10, %mul3A_12 : vector<1x128xf32>
    %mul3A_14 = arith.mulf %mul3A_4, %mul3A_4 : vector<1x128xf32>
    %sub3A = arith.subf %mul3A_13, %mul3A_14 : vector<1x128xf32>
    %get3A_15 = arith.constant 0 : index
    %get3A_16 = arith.constant 0 : index
    %get3A_17 = vector.load %arg4[%get3A_15, %get3A_16] : memref<1x128xf32, #tpu.memory_space<vmem>>, vector<1x128xf32>
    %add3A = arith.constant 9.99999974E-6 : f32
    %add3A_18 = vector.broadcast %add3A : f32 to vector<1x128xf32>
    %add3A_19 = arith.addf %sub3A, %add3A_18 : vector<1x128xf32>
    %rsqrt3A = math.rsqrt %add3A_19 : vector<1x128xf32>
    %mul3A_20 = arith.mulf %get3A_17, %rsqrt3A : vector<1x128xf32>
    %get3A_21 = arith.constant 0 : index
    %get3A_22 = arith.constant 0 : index
    %get3A_23 = vector.load %arg5[%get3A_21, %get3A_22] : memref<1x128xf32, #tpu.memory_space<vmem>>, vector<1x128xf32>
    %mul3A_24 = arith.mulf %mul3A_4, %mul3A_20 : vector<1x128xf32>
    %sub3A_25 = arith.subf %get3A_23, %mul3A_24 : vector<1x128xf32>
    %get3A_26 = arith.constant 0 : index
    %get3A_27 = arith.constant 0 : index
    %get3A_28 = vector.load %arg1[%get3A_26, %get3A_27] : memref<1000x128xf32, #tpu.memory_space<vmem>>, vector<1000x128xf32>
    %mul3A_29 = vector.broadcast %mul3A_20 : vector<1x128xf32> to vector<1000x128xf32>
    %mul3A_30 = arith.mulf %get3A_28, %mul3A_29 : vector<1000x128xf32>
    %add3A_31 = vector.broadcast %sub3A_25 : vector<1x128xf32> to vector<1000x128xf32>
    %add3A_32 = arith.addf %mul3A_30, %add3A_31 : vector<1000x128xf32>
    %max3A = arith.constant 0.000000e+00 : f32
    %max3A_33 = vector.broadcast %max3A : f32 to vector<1000x128xf32>
    %max3A_34 = arith.maximumf %add3A_32, %max3A_33 : vector<1000x128xf32>
    %get3A_35 = arith.constant 0 : index
    %get3A_36 = arith.constant 0 : index
    %get3A_37 = vector.load %arg6[%get3A_35, %get3A_36] : memref<128x128xf32, #tpu.memory_space<vmem>>, vector<128x128xf32>
    %dot_general3A = arith.constant dense<0.000000e+00> : vector<1000x128xf32>
    %dot_general3A_38 = tpu.matmul %max3A_34, %get3A_37, %dot_general3A {dimension_numbers = #tpu.dot_dimension_numbers<[1], [0], [0], [1], [0, 0, 1, 1], [], []>, transpose_lhs_hint = false} : vector<1000x128xf32>, vector<128x128xf32>, vector<1000x128xf32> -> vector<1000x128xf32>
    %swap3A = arith.constant 0 : index
    %swap3A_39 = arith.constant 0 : index
    %swap3A_40 = vector.load %arg8[%swap3A, %swap3A_39] : memref<1000x128xf32, #tpu.memory_space<vmem>>, vector<1000x128xf32>
    tpu.vector_store %arg8[%swap3A, %swap3A_39], %dot_general3A_38 {strides = array<i32>} : memref<1000x128xf32, #tpu.memory_space<vmem>>, vector<1000x128xf32>,
    %get3A_41 = arith.constant 0 : index
    %get3A_42 = arith.constant 0 : index
    %get3A_43 = vector.load %arg7[%get3A_41, %get3A_42] : memref<128x128xf32, #tpu.memory_space<vmem>>, vector<128x128xf32>
    %dot_general3A_44 = arith.constant dense<0.000000e+00> : vector<1000x128xf32>
    %dot_general3A_45 = tpu.matmul %max3A_34, %get3A_43, %dot_general3A_44 {dimension_numbers = #tpu.dot_dimension_numbers<[1], [0], [0], [1], [0, 0, 1, 1], [], []>, transpose_lhs_hint = false} : vector<1000x128xf32>, vector<128x128xf32>, vector<1000x128xf32> -> vector<1000x128xf32>
    %swap3A_46 = arith.constant 0 : index
    %swap3A_47 = arith.constant 0 : index
    %swap3A_48 = vector.load %arg9[%swap3A_46, %swap3A_47] : memref<1000x128xf32, #tpu.memory_space<vmem>>, vector<1000x128xf32>
    tpu.vector_store %arg9[%swap3A_46, %swap3A_47], %dot_general3A_45 {strides = array<i32>} : memref<1000x128xf32, #tpu.memory_space<vmem>>, vector<1000x128xf32>,
    return
  }
  func.func @transform_0(%arg0: i32) -> (i32, i32) {
    %c0_i32 = arith.constant 0 : i32
    %c0_i32_0 = arith.constant 0 : i32
    return %arg0, %c0_i32 : i32, i32
  }
  func.func @transform_1(%arg0: i32) -> (i32, i32) {
    %c0_i32 = arith.constant 0 : i32
    %c0_i32_0 = arith.constant 0 : i32
    %c0_i32_1 = arith.constant 0 : i32
    return %c0_i32, %c0_i32_0 : i32, i32
  }
  func.func @transform_2(%arg0: i32) -> (i32, i32) {
    %c0_i32 = arith.constant 0 : i32
    %c0_i32_0 = arith.constant 0 : i32
    %c0_i32_1 = arith.constant 0 : i32
    return %c0_i32, %c0_i32_0 : i32, i32
  }
  func.func @transform_3(%arg0: i32) -> (i32, i32) {
    %c0_i32 = arith.constant 0 : i32
    %c0_i32_0 = arith.constant 0 : i32
    %c0_i32_1 = arith.constant 0 : i32
    return %c0_i32, %c0_i32_0 : i32, i32
  }
  func.func @transform_4(%arg0: i32) -> (i32, i32) {
    %c0_i32 = arith.constant 0 : i32
    %c0_i32_0 = arith.constant 0 : i32
    %c0_i32_1 = arith.constant 0 : i32
    return %c0_i32, %c0_i32_0 : i32, i32
  }
  func.func @transform_5(%arg0: i32) -> (i32, i32) {
    %c0_i32 = arith.constant 0 : i32
    %c0_i32_0 = arith.constant 0 : i32
    %c0_i32_1 = arith.constant 0 : i32
    return %c0_i32, %c0_i32_0 : i32, i32
  }
  func.func @transform_6(%arg0: i32) -> (i32, i32) {
    %c0_i32 = arith.constant 0 : i32
    %c0_i32_0 = arith.constant 0 : i32
    %c0_i32_1 = arith.constant 0 : i32
    return %c0_i32, %c0_i32_0 : i32, i32
  }
  func.func @transform_7(%arg0: i32) -> (i32, i32) {
    %c0_i32 = arith.constant 0 : i32
    %c0_i32_0 = arith.constant 0 : i32
    return %arg0, %c0_i32 : i32, i32
  }
  func.func @transform_8(%arg0: i32) -> (i32, i32) {
    %c0_i32 = arith.constant 0 : i32
    %c0_i32_0 = arith.constant 0 : i32
    return %arg0, %c0_i32 : i32, i32
  }
}

module attributes {stable_mosaic.version = 14 : i64} {
  func.func @_mlp_body(%arg0: i32, %arg1: memref<2000x128xf32, #tpu.memory_space<vmem>>, %arg2: memref<2000x16xf32, #tpu.memory_space<vmem>>, %arg3: memref<16x128xf32, #tpu.memory_space<vmem>>, %arg4: memref<1x128xf32, #tpu.memory_space<vmem>>, %arg5: memref<128x64xf32, #tpu.memory_space<vmem>>, %arg6: memref<1x64xf32, #tpu.memory_space<vmem>>, %arg7: memref<64x2xf32, #tpu.memory_space<vmem>>, %arg8: memref<1x2xf32, #tpu.memory_space<vmem>>, %arg9: memref<2000x2xf32, #tpu.memory_space<vmem>>) attributes {dimension_semantics = [#tpu.dimension_semantics<arbitrary>], iteration_bounds = array<i64: 160>, scalar_prefetch = 0 : i64, scratch_operands = 0 : i64, tpu.core_type = #tpu.core_type<tc>, window_params = [{transform_indices = @transform_0, window_bounds = array<i64: 2000, 128>}, {transform_indices = @transform_1, window_bounds = array<i64: 2000, 16>}, {pipeline_mode = #tpu.pipeline_mode<synchronous>, transform_indices = @transform_2, window_bounds = array<i64: 16, 128>}, {pipeline_mode = #tpu.pipeline_mode<synchronous>, transform_indices = @transform_3, window_bounds = array<i64: 1, 128>}, {pipeline_mode = #tpu.pipeline_mode<synchronous>, transform_indices = @transform_4, window_bounds = array<i64: 128, 64>}, {pipeline_mode = #tpu.pipeline_mode<synchronous>, transform_indices = @transform_5, window_bounds = array<i64: 1, 64>}, {pipeline_mode = #tpu.pipeline_mode<synchronous>, transform_indices = @transform_6, window_bounds = array<i64: 64, 2>}, {pipeline_mode = #tpu.pipeline_mode<synchronous>, transform_indices = @transform_7, window_bounds = array<i64: 1, 2>}, {transform_indices = @transform_8, window_bounds = array<i64: 2000, 2>}]} {
    %get3A = arith.constant 0 : index
    %get3A_0 = arith.constant 0 : index
    %get3A_1 = vector.load %arg2[%get3A, %get3A_0] : memref<2000x16xf32, #tpu.memory_space<vmem>>, vector<2000x16xf32>
    %ne3A = arith.cmpf one, %get3A_1, %get3A_1 : vector<2000x16xf32>
    %jit3A = arith.constant 0.000000e+00 : f32
    %broadcast_in_dim3A = vector.broadcast %jit3A : f32 to vector<2000x16xf32>
    %select_n3A = arith.select %ne3A, %broadcast_in_dim3A, %get3A_1 : vector<2000x16xi1>, vector<2000x16xf32>
    %get3A_2 = arith.constant 0 : index
    %get3A_3 = arith.constant 0 : index
    %get3A_4 = vector.load %arg1[%get3A_2, %get3A_3] : memref<2000x128xf32, #tpu.memory_space<vmem>>, vector<2000x128xf32>
    %get3A_5 = arith.constant 0 : index
    %get3A_6 = arith.constant 0 : index
    %get3A_7 = vector.load %arg3[%get3A_5, %get3A_6] : memref<16x128xf32, #tpu.memory_space<vmem>>, vector<16x128xf32>
    %dot_general3A = arith.constant dense<0.000000e+00> : vector<2000x128xf32>
    %dot_general3A_8 = tpu.matmul %select_n3A, %get3A_7, %dot_general3A {dimension_numbers = #tpu.dot_dimension_numbers<[1], [0], [0], [1], [0, 0, 1, 1], [], []>, transpose_lhs_hint = false} : vector<2000x16xf32>, vector<16x128xf32>, vector<2000x128xf32> -> vector<2000x128xf32>
    %add3A = arith.addf %get3A_4, %dot_general3A_8 : vector<2000x128xf32>
    %get3A_9 = arith.constant 0 : index
    %get3A_10 = arith.constant 0 : index
    %get3A_11 = vector.load %arg4[%get3A_9, %get3A_10] : memref<1x128xf32, #tpu.memory_space<vmem>>, vector<1x128xf32>
    %add3A_12 = vector.broadcast %get3A_11 : vector<1x128xf32> to vector<2000x128xf32>
    %add3A_13 = arith.addf %add3A, %add3A_12 : vector<2000x128xf32>
    %max3A = arith.constant 0.000000e+00 : f32
    %max3A_14 = vector.broadcast %max3A : f32 to vector<2000x128xf32>
    %max3A_15 = arith.maximumf %add3A_13, %max3A_14 : vector<2000x128xf32>
    %get3A_16 = arith.constant 0 : index
    %get3A_17 = arith.constant 0 : index
    %get3A_18 = vector.load %arg5[%get3A_16, %get3A_17] : memref<128x64xf32, #tpu.memory_space<vmem>>, vector<128x64xf32>
    %dot_general3A_19 = arith.constant dense<0.000000e+00> : vector<2000x64xf32>
    %dot_general3A_20 = tpu.matmul %max3A_15, %get3A_18, %dot_general3A_19 {dimension_numbers = #tpu.dot_dimension_numbers<[1], [0], [0], [1], [0, 0, 1, 1], [], []>, transpose_lhs_hint = false} : vector<2000x128xf32>, vector<128x64xf32>, vector<2000x64xf32> -> vector<2000x64xf32>
    %get3A_21 = arith.constant 0 : index
    %get3A_22 = arith.constant 0 : index
    %get3A_23 = vector.load %arg6[%get3A_21, %get3A_22] : memref<1x64xf32, #tpu.memory_space<vmem>>, vector<1x64xf32>
    %add3A_24 = vector.broadcast %get3A_23 : vector<1x64xf32> to vector<2000x64xf32>
    %add3A_25 = arith.addf %dot_general3A_20, %add3A_24 : vector<2000x64xf32>
    %max3A_26 = arith.constant 0.000000e+00 : f32
    %max3A_27 = vector.broadcast %max3A_26 : f32 to vector<2000x64xf32>
    %max3A_28 = arith.maximumf %add3A_25, %max3A_27 : vector<2000x64xf32>
    %get3A_29 = arith.constant 0 : index
    %get3A_30 = arith.constant 0 : index
    %get3A_31 = vector.load %arg7[%get3A_29, %get3A_30] : memref<64x2xf32, #tpu.memory_space<vmem>>, vector<64x2xf32>
    %dot_general3A_32 = arith.constant dense<0.000000e+00> : vector<2000x2xf32>
    %dot_general3A_33 = tpu.matmul %max3A_28, %get3A_31, %dot_general3A_32 {dimension_numbers = #tpu.dot_dimension_numbers<[1], [0], [0], [1], [0, 0, 1, 1], [], []>, transpose_lhs_hint = false} : vector<2000x64xf32>, vector<64x2xf32>, vector<2000x2xf32> -> vector<2000x2xf32>
    %get3A_34 = arith.constant 0 : index
    %get3A_35 = arith.constant 0 : index
    %get3A_36 = vector.load %arg8[%get3A_34, %get3A_35] : memref<1x2xf32, #tpu.memory_space<vmem>>, vector<1x2xf32>
    %add3A_37 = vector.broadcast %get3A_36 : vector<1x2xf32> to vector<2000x2xf32>
    %add3A_38 = arith.addf %dot_general3A_33, %add3A_37 : vector<2000x2xf32>
    %swap3A = arith.constant 0 : index
    %swap3A_39 = arith.constant 0 : index
    %swap3A_40 = vector.load %arg9[%swap3A, %swap3A_39] : memref<2000x2xf32, #tpu.memory_space<vmem>>, vector<2000x2xf32>
    tpu.vector_store %arg9[%swap3A, %swap3A_39], %add3A_38 {strides = array<i32>} : memref<2000x2xf32, #tpu.memory_space<vmem>>, vector<2000x2xf32>,
    return
  }
  func.func @transform_0(%arg0: i32) -> (i32, i32) {
    %c0_i32 = arith.constant 0 : i32
    %c0_i32_0 = arith.constant 0 : i32
    return %arg0, %c0_i32 : i32, i32
  }
  func.func @transform_1(%arg0: i32) -> (i32, i32) {
    %c0_i32 = arith.constant 0 : i32
    %c0_i32_0 = arith.constant 0 : i32
    return %arg0, %c0_i32 : i32, i32
  }
  func.func @transform_2(%arg0: i32) -> (i32, i32) {
    %c0_i32 = arith.constant 0 : i32
    %c0_i32_0 = arith.constant 0 : i32
    %c0_i32_1 = arith.constant 0 : i32
    return %c0_i32, %c0_i32_0 : i32, i32
  }
  func.func @transform_3(%arg0: i32) -> (i32, i32) {
    %c0_i32 = arith.constant 0 : i32
    %c0_i32_0 = arith.constant 0 : i32
    %c0_i32_1 = arith.constant 0 : i32
    return %c0_i32, %c0_i32_0 : i32, i32
  }
  func.func @transform_4(%arg0: i32) -> (i32, i32) {
    %c0_i32 = arith.constant 0 : i32
    %c0_i32_0 = arith.constant 0 : i32
    %c0_i32_1 = arith.constant 0 : i32
    return %c0_i32, %c0_i32_0 : i32, i32
  }
  func.func @transform_5(%arg0: i32) -> (i32, i32) {
    %c0_i32 = arith.constant 0 : i32
    %c0_i32_0 = arith.constant 0 : i32
    %c0_i32_1 = arith.constant 0 : i32
    return %c0_i32, %c0_i32_0 : i32, i32
  }
  func.func @transform_6(%arg0: i32) -> (i32, i32) {
    %c0_i32 = arith.constant 0 : i32
    %c0_i32_0 = arith.constant 0 : i32
    %c0_i32_1 = arith.constant 0 : i32
    return %c0_i32, %c0_i32_0 : i32, i32
  }
  func.func @transform_7(%arg0: i32) -> (i32, i32) {
    %c0_i32 = arith.constant 0 : i32
    %c0_i32_0 = arith.constant 0 : i32
    %c0_i32_1 = arith.constant 0 : i32
    return %c0_i32, %c0_i32_0 : i32, i32
  }
  func.func @transform_8(%arg0: i32) -> (i32, i32) {
    %c0_i32 = arith.constant 0 : i32
    %c0_i32_0 = arith.constant 0 : i32
    return %arg0, %c0_i32 : i32, i32
  }
}

</mosaic_0001>

<sc_bundles>
// kernel: kernel.16.cloned.1.call-start
scs
__scs_entry_jumppad:
0x0: {  	(pc) =	sbr.rel $0x88, $3  }
0x1: {  	(tag) =	ssettag $0x0;
	lr =	simm.s32 $0x1  }
0x2: {  	[smem:$0x3F8C] =	sst lr;
	_ =	strace $0xD0000000  }
0x3: {  	_ = 	snop  }
0x4: {  	_ = 	snop  }
0x5: {  	_ = 	snop  }
0x6: {  	_ = 	snop  }
0x7: {  	_ = 	snop  }
__scs_overlays_trampoline_lowered:
0x8: {  	[smem:$0x3F9B] =	sst s0  }
0x9: {  	[smem:$0x3F9C] =	sst s1  }
0xa: {  	[smem:$0x3F9D] =	sst s2  }
0xb: {  	[smem:$0x3F9E] =	sst s3  }
0xc: {  	[smem:$0x3F9F] =	sst s4  }
0xd: {  	[smem:$0x3FA0] =	sst s5  }
0xe: {  	[smem:$0x3FA1] =	sst s6  }
0xf: {  	[smem:$0x3FA2] =	sst s7  }
0x10: {  	[smem:$0x3FA3] =	sst s8  }
0x11: {  	[smem:$0x3FA4] =	sst s9;
	s0 =	simm.s32 @!p0 $0x0  }
0x12: {  	s1 =	sld [smem:$0x3F8A];
	s0 =	simm.s32 @p0 $0x1  }
0x13: {  	[smem:$0x3FA5] =	sst s0;
	s0 =	simm.s32 @!p1 $0x0  }
0x14: {  	s2 =	sld [smem:$0x3F89];
	s0 =	simm.s32 @p1 $0x1  }
0x15: {  	[smem:$0x3FA6] =	sst s0;
	s0 =	simm.s32 @!p2 $0x0  }
0x16: {  	s3 =	sld [smem:$0x3FDB];
	s0 =	simm.s32 @p2 $0x1  }
0x17: {  	s4 =	simm.s32 $0x1BF5;
	[smem:$0x3FA8] =	sst s0  }
0x18: {  	s0 =	sld [smem:$0x3F8B];
	_ =	swait.ge [sflag:s4], $0x0  }
0x19: {  	s7 =	sld [smem:$0x3F8C]  }
0x1a: {  	s8 =	sadd.s32 $0xFFFFE003, lr  }
0x1b: {  	s9 =	sadd.s32 $0xFFFFFEF7, lr;
	s5 =	simm.s32 $0xFFFFFFFF;
	p2 =	slt.u32 s8, $0xFFFFF086  }
0x1c: {  	p1 =	slt.u32 s9, $0xF7A;
	s5 =	simm.s32 @!p2 $0x0  }
0x1d: {  	s5 =	simm.s32 @p1 $0x1;
	p0 =	seq.s32 s7, s2  }
0x1e: {  	s7 =	smul.u32 @!p0 $0xF7A, s2;
	p2 =	seq.s32 @!p0 s5, $0x0  }
0x1f: {  	s9 =	smul.u32 $0xF7A, s1;
	s8 =	simm.s32 @!p0 $0x1BF5;
	p2 =	por !p2, p0  }
0x20: {  	[sflag:s8] =	ssyncset.s32 @!p0 $0xFFFFF086;
	s6 =	sadd.s32 @!p0 s3, s7;
	s7 =	simm.s32 @!p0 $0x108  }
0x21: {  	s3 =	sadd.s32 s3, s9;
	s6 =	sadd.s32 @!p0 $0x88, s6;
	s7 =	simm.s32 @p2 $0x1082  }
0x22: {  	[simem:s7], [sflag:s8] =	dma.local @!p0 [hbm:s6], $0xF7A  }
0x23: {  	s9 =	sor.u32 $0xD0000000, s2;
	s6 =	simm.s32 $0x108;
	_ =	swait.ge @!p0 [sflag:s8], $0x0  }
0x24: {  	s3 =	sadd.s32 $0x88, s3;
	s6 =	simm.s32 @!p1 $0x1082;
	[sflag:s4] =	ssyncset.s32 $0xFFFFF086  }
0x25: {  	[simem:s6], [sflag:s4] =	dma.local [hbm:s3], $0xF7A  }
0x26: {  	[smem:$0x3F8C] =	sst s1;
	(tag) =	ssettag s2;
	_ =	strace s9  }
0x27: {  	s1 =	sld [smem:$0x3F9C]  }
0x28: {  	s2 =	sld [smem:$0x3F9D]  }
0x29: {  	s4 =	sld [smem:$0x3F9F]  }
0x2a: {  	p0 =	seq.s32 s5, $0x0;
	s5 =	sld [smem:$0x3FA0]  }
0x2b: {  	s6 =	sld [smem:$0x3FA1]  }
0x2c: {  	s7 =	sld [smem:$0x3FA2]  }
0x2d: {  	s3 =	simm.s32 $0x108;
	s8 =	sld [smem:$0x3FA3]  }
0x2e: {  	s3 =	simm.s32 @!p0 $0x1082;
	s9 =	sld [smem:$0x3FA4]  }
0x2f: {  	lr =	sadd.s32 s0, s3;
	s0 =	sld [smem:$0x3F9B]  }
0x30: {  	s3 =	sld [smem:$0x3F9E]  }
0x31: {  	[smem:$0x3FA7] =	sst s10  }
0x32: {  	s10 =	sld [smem:$0x3FA5];
	_ =	sdelay $0x3  }
0x33: {  	p0 =	seq.s32 s10, $0x1;
	s10 =	sld [smem:$0x3FA7];
	_ =	sdelay $0x3  }
0x34: {  	[smem:$0x3FA7] =	sst s10  }
0x35: {  	s10 =	sld [smem:$0x3FA6];
	_ =	sdelay $0x3  }
0x36: {  	p1 =	seq.s32 s10, $0x1;
	s10 =	sld [smem:$0x3FA7];
	_ =	sdelay $0x3  }
0x37: {  	[smem:$0x3FA7] =	sst s10  }
0x38: {  	s10 =	sld [smem:$0x3FA8]  }
0x39: {  	_ = 	snop;
	(pc) =	sbr.ind lr, $3  }
0x3a: {  	_ = 	snop  }
0x3b: {  	_ = 	snop  }
0x3c: {  	p2 =	seq.s32 s10, $0x1;
	s10 =	sld [smem:$0x3FA7]  }
0x3d: {  	_ =	shalt  }
0x3e: {  	_ =	shalt  }
0x3f: {  	_ =	shalt  }
0x40: {  	_ =	shalt  }
0x41: {  	_ =	shalt  }
0x42: {  	_ =	shalt  }
0x43: {  	_ =	shalt  }
0x44: {  	_ =	shalt  }
0x45: {  	_ =	shalt  }
0x46: {  	_ =	shalt  }
0x47: {  	_ =	shalt  }
0x48: {  	_ =	shalt  }
0x49: {  	_ =	shalt  }
0x4a: {  	_ =	shalt  }
0x4b: {  	_ =	shalt  }
0x4c: {  	_ =	shalt  }
0x4d: {  	_ =	shalt  }
0x4e: {  	_ =	shalt  }
0x4f: {  	_ =	shalt  }
0x50: {  	_ =	shalt  }
0x51: {  	_ =	shalt  }
0x52: {  	_ =	shalt  }
0x53: {  	_ =	shalt  }
0x54: {  	_ =	shalt  }
0x55: {  	_ =	shalt  }
0x56: {  	_ =	shalt  }
0x57: {  	_ =	shalt  }
0x58: {  	_ =	shalt  }
0x59: {  	_ =	shalt  }
0x5a: {  	_ =	shalt  }
0x5b: {  	_ =	shalt  }
0x5c: {  	_ =	shalt  }
0x5d: {  	_ =	shalt  }
0x5e: {  	_ =	shalt  }
0x5f: {  	_ =	shalt  }
0x60: {  	_ =	shalt  }
0x61: {  	_ =	shalt  }
0x62: {  	_ =	shalt  }
0x63: {  	_ =	shalt  }
0x64: {  	_ =	shalt  }
0x65: {  	_ =	shalt  }
0x66: {  	_ =	shalt  }
0x67: {  	_ =	shalt  }
0x68: {  	_ =	shalt  }
0x69: {  	_ =	shalt  }
0x6a: {  	_ =	shalt  }
0x6b: {  	_ =	shalt  }
0x6c: {  	_ =	shalt  }
0x6d: {  	_ =	shalt  }
0x6e: {  	_ =	shalt  }
0x6f: {  	_ =	shalt  }
0x70: {  	_ =	shalt  }
0x71: {  	_ =	shalt  }
0x72: {  	_ =	shalt  }
0x73: {  	_ =	shalt  }
0x74: {  	_ =	shalt  }
0x75: {  	_ =	shalt  }
0x76: {  	_ =	shalt  }
0x77: {  	_ =	shalt  }
0x78: {  	_ =	shalt  }
0x79: {  	_ =	shalt  }
0x7a: {  	_ =	shalt  }
0x7b: {  	_ =	shalt  }
0x7c: {  	_ =	shalt  }
0x7d: {  	_ =	shalt  }
0x7e: {  	_ =	shalt  }
0x7f: {  	_ =	shalt  }
0x80: {  	_ =	shalt  }
0x81: {  	_ =	shalt  }
0x82: {  	_ =	shalt  }
0x83: {  	_ =	shalt  }
0x84: {  	_ =	shalt  }
0x85: {  	_ =	shalt  }
0x86: {  	_ =	shalt  }
0x87: {  	_ =	shalt  }
.Lfunc_end0:
.L_simem_size_0:
called_computation_lowered:
.L_overlay_start_0:
0x88: {  	s2 =	sld [smem:$0x3FD9]  }
0x89: {  	s3 =	sld [smem:$0x3FFE];
	_ =	sdelay $0x1  }
0x8a: {  	s1 =	srdreg.scid  }
0x8b: {  	s0 =	sand.u32 $0x1, s1  }
0x8c: {  	s17 =	sshll.u32 s0, $0xA;
	s2 =	sadd.s32 s3, s2  }
0x8d: {  	s2 =	sadd.s32 s2, s17  }
0x8e: {  	[smem:$0x3FB3] =	sst s2  }
0x8f: {  	_ = 	snop  }
0x90: {  	s2 =	sld [smem:$0x3FD0];
	(tm) =	ssettm $0x1  }
0x91: {  	s18 =	sld [smem:$0x3FFB];
	_ =	sdelay $0x3  }
0x92: {  	_ =	strace s18  }
0x93: {  	s3 =	sld [smem:$0x3FFC];
	_ =	sdelay $0x3  }
0x94: {  	_ =	strace s3  }
0x95: {  	s3 =	sld [smem:$0x3FFD];
	_ =	sdelay $0x3  }
0x96: {  	_ =	strace s3  }
0x97: {  	_ =	strace $0x8FFFFFFF  }
0x98: {  	s19 =	sld [smem:$0x3FDB];
	_ =	sdelay $0x1  }
0x99: {  	s4 =	simm.s32 $_scs_section_size  }
0x9a: {  	s5 =	simm.s32 $_size__tile_overlayer_lowered;
	s6 =	simm.s32 $_tile_overlayer_lowered  }
0x9b: {  	s22 =	simm.s32 $0x1BFF;
	s21 =	sshll.u32 s6, $0x1;
	s3 =	sadd.s32 s4, s19  }
0x9c: {  	s7 =	simm.s32 $0x0;
	s20 =	sshll.u32 s5, $0x1;
	s5 =	sadd.s32 s21, s3  }
0x9d: {  	[timem:s7], [sflag:s22] =	dma.local [hbm:s5], s20  }
0x9e: {  	_ =	swait.ge [sflag:s22], s20  }
0x9f: {  	s4 =	ssub.s32 $0x0, s20;
	[sflag:s22] =	ssyncset.done $0x0  }
0xa0: {  	[sflag:s22] =	ssyncadd.s32 s4;
	_ =	sdelay $0x1  }
0xa1: {  	s23 =	simm.s32 $0x1B8B  }
0xa2: {  	_ =	swait.ge [sflag:s23], $0x1  }
0xa3: {  	[sflag:s23] =	ssyncset.done $0x0  }
0xa4: {  	s25 =	simm.s32 $0x1B8E;
	s24 =	sld [smem:$0x3FFE];
	[sflag:s23] =	ssyncadd.s32 $0xFFFFFFFF  }
0xa5: {  	s26 =	simm.s32 $execute0_lowered;
	[smem:$0x3FD2] =	sst s25  }
0xa6: {  	s5 =	sshll.u32 s26, $0x1;
	_ =	strace $0x80000046;
	[dreg:$0x1] =	wrdreg $0xFFFFFFFF  }
0xa7: {  	s28 =	simm.s32 $_size_execute0_lowered;
	s3 =	sadd.s32 s3, s5;
	[dreg:$0x0] =	wrdreg $0x0  }
0xa8: {  	s5 =	sshll.u32 s28, $0x1;
	[dreg:$0x2] =	wrdreg s3  }
0xa9: {  	[dreg:$0x3] =	wrdreg s5  }
0xaa: {  	[dreg:$0x4] =	wrdreg $0xC0  }
0xab: {  	_ =	task [dreg:s7], $0x5FFFF  }
0xac: {  	[dreg:$0x1] =	wrdreg $0xFFFFFFFF  }
0xad: {  	[dreg:$0x0] =	wrdreg $0x60  }
0xae: {  	[dreg:$0x2] =	wrdreg s2  }
0xaf: {  	[dreg:$0x3] =	wrdreg s24  }
0xb0: {  	[dreg:$0x4] =	wrdreg $0x68000  }
0xb1: {  	[dreg:$0x5] =	wrdreg $0x9  }
0xb2: {  	_ =	task.clear_ibuf [dreg:s7], $0x6FFFF;
	_ =	strace $0x90000046  }
0xb3: {  	s29 =	simm.s32 $0x9;
	_ =	strace $0x80000048  }
0xb4: {  	_ =	swait.ge [sflag:s29], $0x1  }
0xb5: {  	[sflag:s29] =	ssyncadd.s32 $0xFFFFFFFF  }
0xb6: {  	_ =	strace $0x90000048  }
0xb7: {  	_ =	sfence  }
0xb8: {  	s30 =	sld [smem:$0x0];
	_ =	sdelay $0x2  }
0xb9: {  	s31 =	sshll.u32 s1, $0xD;
	s1 =	sshrl.u32 s1, $0x2  }
0xba: {  	s3 =	sand.u32 $0x4000, s31;
	s1 =	sadd.s32 s1, s30  }
0xbb: {  	s0 =	sor.u32 s3, s0;
	s1 =	sshll.u32 s1, $0x11  }
0xbc: {  	s0 =	sor.u32 s1, s0  }
0xbd: {  	s0 =	sadd.s32 $0x8F2B, s0  }
0xbe: {  	[sflag:s0] =	ssyncadd.remote.s32 $0x1  }
0xbf: {  	_ =	sfence.sel $0xFFFF  }
0xc0: {  	[dreg:$0x0] =	wrdreg $0xFFFFFFFF;
	(pc) =	sbr.abs _section_cstart, $3  }
0xc1: {  	[dreg:$0x1] =	wrdreg $0xFFFFFFFF  }
0xc2: {  	_ =	task.clear_ibuf [dreg:s7], $0x2FFFF;
	_ =	strace $0x9FFFFFFF  }
0xc3: {  	(tm) =	ssettm $0x7FFFFFFF  }
tec
execute0_lowered:
.L_overlay_start_1:
0x0: {  	(tag) =	ssettag $0x1  }
0x1: {  	s10 =	rddreg [dreg:$0x0]  }
0x2: {  	s4 =	rddreg [dreg:$0x1]  }
0x3: {  	s2 =	rddreg [dreg:$0x2]  }
0x4: {  	s0 =	rddreg [dreg:$0x3];
	s5 =	srdreg.scid  }
0x5: {  	s3 =	simm.s32 $0x0;
	s1 =	stileid.u32;
	s21 =	simm.s32 $0x0  }
0x6: {  	s7 =	sand.u32 $0x1, s5;
	[smem:$0x7FF] =	sst s3;
	s6 =	smul.u32 $0x4F000, s1  }
0x7: {  	s11 =	smul.u32 $0x13C00, s1;
	s16 =	sadd.s32 $0x5600, s4;
	s26 =	sshll.u32 s1, $0x1  }
0x8: {  	s5 =	ssub.s32 $0x2, s7;
	_ =	strace $0x80000047;
	s28 =	sor.u32 s7, s26  }
0x9: {  	s20 =	smul.u32 $0x13C000, s7;
	s8 =	sshrl.u32 s5, $0x1;
	s29 =	sshrl.u32 s6, $0x2  }
0xa: {  	s12 =	sadd.s32 $0x3800, s11;
	s13 =	sadd.s32 $0x7000, s11;
	s14 =	sadd.s32 $0xA800, s11  }
0xb: {  	s15 =	smul.u32 $0x600, s28;
	s18 =	sadd.s32 $0xE000, s11;
	s19 =	sadd.s32 $0x11800, s11  }
0xc: {  	s17 =	ssub.s32 s5, s8;
	s4 =	sadd.s32 s29, s2;
	s5 =	sadd.s32 s12, s2  }
0xd: {  	s6 =	sadd.s32 s13, s2;
	s7 =	sadd.s32 s14, s2;
	s8 =	sadd.s32 s18, s2  }
0xe: {  	s9 =	sadd.s32 s19, s2;
	s11 =	sadd.s32 s11, s20;
	s12 =	sadd.s32 s20, s12  }
0xf: {  	s13 =	sadd.s32 s20, s13;
	s14 =	sadd.s32 s20, s14;
	s30 =	sadd.s32 s20, s18  }
0x10: {  	s31 =	sadd.s32 s20, s19;
	s19 =	simm.s32 $0x1;
	s20 =	simm.s32 $0x70  }
0x11: {  	s10 =	sadd.s32 s10, s15;
	s11 =	sshrl.u32 s11, $0x3;
	s12 =	sshrl.u32 s12, $0x3  }
0x12: {  	s13 =	sshrl.u32 s13, $0x3;
	s14 =	sshrl.u32 s14, $0x3;
	s15 =	sshrl.u32 s30, $0x3  }
0x13: {  	s18 =	sshrl.u32 s31, $0x3;
	s17 =	smax.u32 s17, $0x1;
	s11 =	sadd.s32 s16, s11  }
0x14: {  	s12 =	sadd.s32 s16, s12;
	s13 =	sadd.s32 s16, s13;
	s14 =	sadd.s32 s16, s14  }
0x15: {  	v0 =	vimm.f32 $0.0e+00;
	v1 =	vimm.f32 $1.000000000e+00;
	s15 =	sadd.s32 s16, s15;
	s16 =	sadd.s32 s16, s18;
	s18 =	simm.s32 $0x3000  }
.LBB2_1:
0x16: {  	s22 =	simm.s32 $0x0;
	s23 =	simm.s32 $0x200  }
.LBB2_2:
0x17: {  	p0 =	sne.s32 s23, $0xDE00;
	[tilespmem:s22+$0x3070] =	vst v0  }
0x18: {  	[tilespmem:s22+$0x3000] =	vst v0  }
0x19: {  	[tilespmem:s22+$0x3010] =	vst v0  }
.Ltmp0:
0x1a: {  	[tilespmem:s22+$0x3020] =	vst v0;
	(pc) =	sbr.rel @p0 .LBB2_2-.Ltmp0, $4  }
0x1b: {  	[tilespmem:s22+$0x3030] =	vst v0  }
0x1c: {  	[tilespmem:s22+$0x3040] =	vst v0  }
0x1d: {  	[tilespmem:s22+$0x3050] =	vst v0  }
0x1e: {  	[tilespmem:s22+$0x3060] =	vst v0;
	s22 =	sshra.s32 s23, $0x2;
	s23 =	sadd.s32 $0x200, s23  }
0x1f: {  	[tilespmem:s22+$0x3070] =	vst v0  }
0x20: {  	[tilespmem:s22+$0x3000] =	vst v0  }
0x21: {  	[tilespmem:s22+$0x3010] =	vst v0  }
0x22: {  	[tilespmem:s22+$0x3020] =	vst v0  }
0x23: {  	[tilespmem:s22+$0x3030] =	vst v0  }
0x24: {  	[tilespmem:s22+$0x3040] =	vst v0  }
0x25: {  	[tilespmem:s22+$0x3050] =	vst v0  }
0x26: {  	[tilespmem:s22+$0x3060] =	vst v0  }
0x27: {  	[spmem:s4] =	stream.linear.scatter [tilespmem:s18], [sflag:$0x1], $0x3800, $0x38;
	[tilespmem:$0x1A400] =	vst v63  }
0x28: {  	_ =	swait.ge [sflag:s19], $0x3800  }
0x29: {  	[sflag:s19] =	ssyncset.done $0x0  }
0x2a: {  	[sflag:s19] =	ssyncadd.s32 $0xFFFFC800  }
0x2b: {  	[spmem:s5] =	stream.linear.scatter [tilespmem:s18], [sflag:$0x1], $0x3800, $0x38;
	[tilespmem:$0x1A400] =	vst v63  }
0x2c: {  	_ =	swait.ge [sflag:s19], $0x3800  }
0x2d: {  	[sflag:s19] =	ssyncset.done $0x0  }
0x2e: {  	[sflag:s19] =	ssyncadd.s32 $0xFFFFC800  }
0x2f: {  	[spmem:s6] =	stream.linear.scatter [tilespmem:s18], [sflag:$0x1], $0x3800, $0x38;
	[tilespmem:$0x1A400] =	vst v63  }
0x30: {  	_ =	swait.ge [sflag:s19], $0x3800  }
0x31: {  	[sflag:s19] =	ssyncset.done $0x0  }
0x32: {  	[sflag:s19] =	ssyncadd.s32 $0xFFFFC800  }
0x33: {  	[spmem:s7] =	stream.linear.scatter [tilespmem:s18], [sflag:$0x1], $0x3800, $0x38;
	[tilespmem:$0x1A400] =	vst v63  }
0x34: {  	_ =	swait.ge [sflag:s19], $0x3800  }
0x35: {  	[sflag:s19] =	ssyncset.done $0x0  }
0x36: {  	[sflag:s19] =	ssyncadd.s32 $0xFFFFC800  }
0x37: {  	[spmem:s8] =	stream.linear.scatter [tilespmem:s18], [sflag:$0x1], $0x3800, $0x38;
	[tilespmem:$0x1A400] =	vst v63  }
0x38: {  	_ =	swait.ge [sflag:s19], $0x3800  }
0x39: {  	[sflag:s19] =	ssyncset.done $0x0  }
0x3a: {  	[sflag:s19] =	ssyncadd.s32 $0xFFFFC800  }
0x3b: {  	[spmem:s9] =	stream.linear.scatter [tilespmem:s18], [sflag:$0x1], $0x2400, $0x38;
	[tilespmem:$0x1A400] =	vst v63  }
0x3c: {  	_ =	swait.ge [sflag:s19], $0x2400  }
0x3d: {  	[sflag:s19] =	ssyncset.done $0x0  }
0x3e: {  	s31 =	simm.s32 $0x0;
	[sflag:s19] =	ssyncadd.s32 $0xFFFFDC00  }
0x3f: {  	[tilespmem:s31], [sflag:$0x1] =	stream.linear.gather [hbm4b:s10+s31], $0x2D00, $0x38;
	[tilespmem:$0x1A400] =	vst v63  }
0x40: {  	_ =	swait.ge [sflag:s19], $0x2D00  }
0x41: {  	[sflag:s19] =	ssyncset.done $0x0  }
0x42: {  	[sflag:s19] =	ssyncadd.s32 $0xFFFFD300  }
0x43: {  	s22 =	simm.s32 $0x0;
	s23 =	simm.s32 $0x200;
	[bflag:$0x0] =	sbarrier.arrive $0xFFFF  }
.LBB2_4:
0x44: {  	p0 =	sne.s32 s23, $0xDE00;
	[tilespmem:s22+$0x3070] =	vst v1  }
0x45: {  	[tilespmem:s22+$0x3000] =	vst v1  }
0x46: {  	[tilespmem:s22+$0x3010] =	vst v1  }
.Ltmp1:
0x47: {  	[tilespmem:s22+$0x3020] =	vst v1;
	(pc) =	sbr.rel @p0 .LBB2_4-.Ltmp1, $4  }
0x48: {  	[tilespmem:s22+$0x3030] =	vst v1  }
0x49: {  	[tilespmem:s22+$0x3040] =	vst v1  }
0x4a: {  	[tilespmem:s22+$0x3050] =	vst v1  }
0x4b: {  	[tilespmem:s22+$0x3060] =	vst v1;
	s22 =	sshra.s32 s23, $0x2;
	s23 =	sadd.s32 $0x200, s23  }
0x4c: {  	[tilespmem:s22+$0x3070] =	vst v1  }
0x4d: {  	[tilespmem:s22+$0x3000] =	vst v1  }
0x4e: {  	[tilespmem:s22+$0x3010] =	vst v1  }
0x4f: {  	[tilespmem:s22+$0x3020] =	vst v1  }
0x50: {  	[tilespmem:s22+$0x3030] =	vst v1  }
0x51: {  	[tilespmem:s22+$0x3040] =	vst v1  }
0x52: {  	[tilespmem:s22+$0x3050] =	vst v1  }
0x53: {  	[tilespmem:s22+$0x3060] =	vst v1;
	s31 =	simm.s32 $0x0  }
0x54: {  	[spmem:s2] =	stream.indirect.scatter.add.f32 [tilespmem:s18], [sflag:$0x1], $0x80, s31, s20, $0xb8;
	[tilespmem:$0x1A400] =	vst v63  }
0x55: {  	_ =	swait.ge [sflag:s19], $0x3800  }
0x56: {  	s22 =	simm.s32 $0x200;
	[sflag:s19] =	ssyncset.done $0x0  }
.LBB2_6:
0x57: {  	s23 =	sshra.s32 s22, $0x2;
	[sflag:s19] =	ssyncadd.s32 $0xFFFFC800;
	p0 =	sne.s32 s22, $0xB200  }
0x58: {  	[spmem:s2] =	stream.indirect.scatter.add.f32 [tilespmem:s18], [sflag:$0x1], $0x80, s23, s20, $0xb8;
	[tilespmem:$0x1A400] =	vst v63  }
.Ltmp2:
0x59: {  	_ = 	snop;
	(pc) =	sbr.rel @p0 .LBB2_6-.Ltmp2, $4  }
0x5a: {  	_ = 	snop  }
0x5b: {  	s22 =	sadd.s32 $0x200, s22  }
0x5c: {  	_ =	swait.ge [sflag:s19], $0x3800  }
0x5d: {  	[sflag:s19] =	ssyncset.done $0x0  }
0x5e: {  	[sflag:s19] =	ssyncadd.s32 $0xFFFFC800  }
0x5f: {  	[bflag:$0x0] =	sbarrier.arrive $0xFFFF  }
0x60: {  	[tilespmem:s18], [sflag:$0x1] =	stream.linear.gather [spmem:s4], $0x3800, $0x38;
	[tilespmem:$0x1A400] =	vst v63  }
0x61: {  	_ =	swait.ge [sflag:s19], $0x3800  }
0x62: {  	[sflag:s19] =	ssyncset.done $0x0  }
0x63: {  	[sflag:s19] =	ssyncadd.s32 $0xFFFFC800  }
0x64: {  	[hbm4b:s11+s3] =	stream.linear.scatter [tilespmem:s18], [sflag:$0x1], $0x3800, $0x38;
	[tilespmem:$0x1A400] =	vst v63  }
0x65: {  	_ =	swait.ge [sflag:s19], $0x3800  }
0x66: {  	[sflag:s19] =	ssyncset.done $0x0  }
0x67: {  	[sflag:s19] =	ssyncadd.s32 $0xFFFFC800  }
0x68: {  	[tilespmem:s18], [sflag:$0x1] =	stream.linear.gather [spmem:s5], $0x3800, $0x38;
	[tilespmem:$0x1A400] =	vst v63  }
0x69: {  	_ =	swait.ge [sflag:s19], $0x3800  }
0x6a: {  	[sflag:s19] =	ssyncset.done $0x0  }
0x6b: {  	[sflag:s19] =	ssyncadd.s32 $0xFFFFC800  }
0x6c: {  	[hbm4b:s12+s3] =	stream.linear.scatter [tilespmem:s18], [sflag:$0x1], $0x3800, $0x38;
	[tilespmem:$0x1A400] =	vst v63  }
0x6d: {  	_ =	swait.ge [sflag:s19], $0x3800  }
0x6e: {  	[sflag:s19] =	ssyncset.done $0x0  }
0x6f: {  	[sflag:s19] =	ssyncadd.s32 $0xFFFFC800  }
0x70: {  	[tilespmem:s18], [sflag:$0x1] =	stream.linear.gather [spmem:s6], $0x3800, $0x38;
	[tilespmem:$0x1A400] =	vst v63  }
0x71: {  	_ =	swait.ge [sflag:s19], $0x3800  }
0x72: {  	[sflag:s19] =	ssyncset.done $0x0  }
0x73: {  	[sflag:s19] =	ssyncadd.s32 $0xFFFFC800  }
0x74: {  	[hbm4b:s13+s3] =	stream.linear.scatter [tilespmem:s18], [sflag:$0x1], $0x3800, $0x38;
	[tilespmem:$0x1A400] =	vst v63  }
0x75: {  	_ =	swait.ge [sflag:s19], $0x3800  }
0x76: {  	[sflag:s19] =	ssyncset.done $0x0  }
0x77: {  	[sflag:s19] =	ssyncadd.s32 $0xFFFFC800  }
0x78: {  	[tilespmem:s18], [sflag:$0x1] =	stream.linear.gather [spmem:s7], $0x3800, $0x38;
	[tilespmem:$0x1A400] =	vst v63  }
0x79: {  	_ =	swait.ge [sflag:s19], $0x3800  }
0x7a: {  	[sflag:s19] =	ssyncset.done $0x0  }
0x7b: {  	[sflag:s19] =	ssyncadd.s32 $0xFFFFC800  }
0x7c: {  	[hbm4b:s14+s3] =	stream.linear.scatter [tilespmem:s18], [sflag:$0x1], $0x3800, $0x38;
	[tilespmem:$0x1A400] =	vst v63  }
0x7d: {  	_ =	swait.ge [sflag:s19], $0x3800  }
0x7e: {  	[sflag:s19] =	ssyncset.done $0x0  }
0x7f: {  	[sflag:s19] =	ssyncadd.s32 $0xFFFFC800  }
0x80: {  	[tilespmem:s18], [sflag:$0x1] =	stream.linear.gather [spmem:s8], $0x3800, $0x38;
	[tilespmem:$0x1A400] =	vst v63  }
0x81: {  	_ =	swait.ge [sflag:s19], $0x3800  }
0x82: {  	[sflag:s19] =	ssyncset.done $0x0  }
0x83: {  	[sflag:s19] =	ssyncadd.s32 $0xFFFFC800  }
0x84: {  	[hbm4b:s15+s3] =	stream.linear.scatter [tilespmem:s18], [sflag:$0x1], $0x3800, $0x38;
	[tilespmem:$0x1A400] =	vst v63  }
0x85: {  	_ =	swait.ge [sflag:s19], $0x3800  }
0x86: {  	[sflag:s19] =	ssyncset.done $0x0  }
0x87: {  	[sflag:s19] =	ssyncadd.s32 $0xFFFFC800  }
0x88: {  	[tilespmem:s18], [sflag:$0x1] =	stream.linear.gather [spmem:s9], $0x2400, $0x38;
	[tilespmem:$0x1A400] =	vst v63  }
0x89: {  	s21 =	sadd.s32 $0x1, s21;
	_ =	swait.ge [sflag:s19], $0x2400  }
0x8a: {  	p0 =	sne.s32 s21, s17;
	[sflag:s19] =	ssyncset.done $0x0  }
.Ltmp3:
0x8b: {  	[sflag:s19] =	ssyncadd.s32 $0xFFFFDC00;
	(pc) =	sbr.rel @p0 .LBB2_1-.Ltmp3, $4  }
0x8c: {  	[hbm4b:s16+s3] =	stream.linear.scatter [tilespmem:s18], [sflag:$0x1], $0x2400, $0x38;
	[tilespmem:$0x1A400] =	vst v63  }
0x8d: {  	_ =	swait.ge [sflag:s19], $0x2400  }
0x8e: {  	[sflag:s19] =	ssyncset.done $0x0  }
0x8f: {  	[sflag:s19] =	ssyncadd.s32 $0xFFFFDC00  }
0x90: {  	_ =	sfence.sel $0x180000  }
0x91: {  	[bflag:$0x0] =	sbarrier.arrive $0xFFFF  }
0x92: {  	p0 =	sne.s32 s1, $0x0;
	_ =	strace $0x90000047  }
0x93: {  	s0 =	sadd.s32 @!p0 $0x100000, s0;
	[bflag:$0x2] =	sbarrier.arrive $0xFFFF  }
0x94: {  	[sflag:s0] =	ssyncadd.tile.s32 @!p0 $0x1;
	_ =	shalt  }
.Lfunc_end2:
_tile_overlayer_lowered:
.L_overlay_start_2:
0x95: {  	(tag) =	ssettag $0x2  }
0x96: {  	s0 =	rddreg [dreg:$0x0];
	s2 =	stileid.u32  }
0x97: {  	s1 =	rddreg [dreg:$0x1];
	p0 =	sne.s32 s2, $0x0  }
0x98: {  	s3 =	rddreg [dreg:$0x2];
	[bflag:$0x3] =	sbarrier.arrive $0xFFFF;
	s2 =	simm.s32 @!p0 $0x1C01  }
0x99: {  	[timem:s3], [sflag:s2] =	dma.local @!p0 [hbm:s0], s1  }
0x9a: {  	s0 =	simm.s32 @!p0 $0x1  }
0x9b: {  	_ =	swait.ge @!p0 [sflag:s0], s1  }
0x9c: {  	s1 =	ssub.s32 @!p0 $0x0, s1;
	[sflag:s0] =	ssyncset.done @!p0 $0x0  }
0x9d: {  	[sflag:s0] =	ssyncadd.s32 @!p0 s1  }
0x9e: {  	[bflag:$0x3] =	sbarrier.arrive $0xFFFF  }
0x9f: {  	_ =	shalt  }

// kernel: kernel.19.cloned.1.call-start
scs
__scs_entry_jumppad:
0x0: {  	(pc) =	sbr.rel $0x88, $3  }
0x1: {  	(tag) =	ssettag $0x0;
	lr =	simm.s32 $0x1  }
0x2: {  	[smem:$0x3F8C] =	sst lr;
	_ =	strace $0xD0000000  }
0x3: {  	_ = 	snop  }
0x4: {  	_ = 	snop  }
0x5: {  	_ = 	snop  }
0x6: {  	_ = 	snop  }
0x7: {  	_ = 	snop  }
__scs_overlays_trampoline_lowered:
0x8: {  	[smem:$0x3F9B] =	sst s0  }
0x9: {  	[smem:$0x3F9C] =	sst s1  }
0xa: {  	[smem:$0x3F9D] =	sst s2  }
0xb: {  	[smem:$0x3F9E] =	sst s3  }
0xc: {  	[smem:$0x3F9F] =	sst s4  }
0xd: {  	[smem:$0x3FA0] =	sst s5  }
0xe: {  	[smem:$0x3FA1] =	sst s6  }
0xf: {  	[smem:$0x3FA2] =	sst s7  }
0x10: {  	[smem:$0x3FA3] =	sst s8  }
0x11: {  	[smem:$0x3FA4] =	sst s9;
	s0 =	simm.s32 @!p0 $0x0  }
0x12: {  	s1 =	sld [smem:$0x3F8A];
	s0 =	simm.s32 @p0 $0x1  }
0x13: {  	[smem:$0x3FA5] =	sst s0;
	s0 =	simm.s32 @!p1 $0x0  }
0x14: {  	s2 =	sld [smem:$0x3F89];
	s0 =	simm.s32 @p1 $0x1  }
0x15: {  	[smem:$0x3FA6] =	sst s0;
	s0 =	simm.s32 @!p2 $0x0  }
0x16: {  	s3 =	sld [smem:$0x3FDB];
	s0 =	simm.s32 @p2 $0x1  }
0x17: {  	s4 =	simm.s32 $0x1BF5;
	[smem:$0x3FA8] =	sst s0  }
0x18: {  	s0 =	sld [smem:$0x3F8B];
	_ =	swait.ge [sflag:s4], $0x0  }
0x19: {  	s7 =	sld [smem:$0x3F8C]  }
0x1a: {  	s8 =	sadd.s32 $0xFFFFE003, lr  }
0x1b: {  	s9 =	sadd.s32 $0xFFFFFEF7, lr;
	s5 =	simm.s32 $0xFFFFFFFF;
	p2 =	slt.u32 s8, $0xFFFFF086  }
0x1c: {  	p1 =	slt.u32 s9, $0xF7A;
	s5 =	simm.s32 @!p2 $0x0  }
0x1d: {  	s5 =	simm.s32 @p1 $0x1;
	p0 =	seq.s32 s7, s2  }
0x1e: {  	s7 =	smul.u32 @!p0 $0xF7A, s2;
	p2 =	seq.s32 @!p0 s5, $0x0  }
0x1f: {  	s9 =	smul.u32 $0xF7A, s1;
	s8 =	simm.s32 @!p0 $0x1BF5;
	p2 =	por !p2, p0  }
0x20: {  	[sflag:s8] =	ssyncset.s32 @!p0 $0xFFFFF086;
	s6 =	sadd.s32 @!p0 s3, s7;
	s7 =	simm.s32 @!p0 $0x108  }
0x21: {  	s3 =	sadd.s32 s3, s9;
	s6 =	sadd.s32 @!p0 $0x88, s6;
	s7 =	simm.s32 @p2 $0x1082  }
0x22: {  	[simem:s7], [sflag:s8] =	dma.local @!p0 [hbm:s6], $0xF7A  }
0x23: {  	s9 =	sor.u32 $0xD0000000, s2;
	s6 =	simm.s32 $0x108;
	_ =	swait.ge @!p0 [sflag:s8], $0x0  }
0x24: {  	s3 =	sadd.s32 $0x88, s3;
	s6 =	simm.s32 @!p1 $0x1082;
	[sflag:s4] =	ssyncset.s32 $0xFFFFF086  }
0x25: {  	[simem:s6], [sflag:s4] =	dma.local [hbm:s3], $0xF7A  }
0x26: {  	[smem:$0x3F8C] =	sst s1;
	(tag) =	ssettag s2;
	_ =	strace s9  }
0x27: {  	s1 =	sld [smem:$0x3F9C]  }
0x28: {  	s2 =	sld [smem:$0x3F9D]  }
0x29: {  	s4 =	sld [smem:$0x3F9F]  }
0x2a: {  	p0 =	seq.s32 s5, $0x0;
	s5 =	sld [smem:$0x3FA0]  }
0x2b: {  	s6 =	sld [smem:$0x3FA1]  }
0x2c: {  	s7 =	sld [smem:$0x3FA2]  }
0x2d: {  	s3 =	simm.s32 $0x108;
	s8 =	sld [smem:$0x3FA3]  }
0x2e: {  	s3 =	simm.s32 @!p0 $0x1082;
	s9 =	sld [smem:$0x3FA4]  }
0x2f: {  	lr =	sadd.s32 s0, s3;
	s0 =	sld [smem:$0x3F9B]  }
0x30: {  	s3 =	sld [smem:$0x3F9E]  }
0x31: {  	[smem:$0x3FA7] =	sst s10  }
0x32: {  	s10 =	sld [smem:$0x3FA5];
	_ =	sdelay $0x3  }
0x33: {  	p0 =	seq.s32 s10, $0x1;
	s10 =	sld [smem:$0x3FA7];
	_ =	sdelay $0x3  }
0x34: {  	[smem:$0x3FA7] =	sst s10  }
0x35: {  	s10 =	sld [smem:$0x3FA6];
	_ =	sdelay $0x3  }
0x36: {  	p1 =	seq.s32 s10, $0x1;
	s10 =	sld [smem:$0x3FA7];
	_ =	sdelay $0x3  }
0x37: {  	[smem:$0x3FA7] =	sst s10  }
0x38: {  	s10 =	sld [smem:$0x3FA8]  }
0x39: {  	_ = 	snop;
	(pc) =	sbr.ind lr, $3  }
0x3a: {  	_ = 	snop  }
0x3b: {  	_ = 	snop  }
0x3c: {  	p2 =	seq.s32 s10, $0x1;
	s10 =	sld [smem:$0x3FA7]  }
0x3d: {  	_ =	shalt  }
0x3e: {  	_ =	shalt  }
0x3f: {  	_ =	shalt  }
0x40: {  	_ =	shalt  }
0x41: {  	_ =	shalt  }
0x42: {  	_ =	shalt  }
0x43: {  	_ =	shalt  }
0x44: {  	_ =	shalt  }
0x45: {  	_ =	shalt  }
0x46: {  	_ =	shalt  }
0x47: {  	_ =	shalt  }
0x48: {  	_ =	shalt  }
0x49: {  	_ =	shalt  }
0x4a: {  	_ =	shalt  }
0x4b: {  	_ =	shalt  }
0x4c: {  	_ =	shalt  }
0x4d: {  	_ =	shalt  }
0x4e: {  	_ =	shalt  }
0x4f: {  	_ =	shalt  }
0x50: {  	_ =	shalt  }
0x51: {  	_ =	shalt  }
0x52: {  	_ =	shalt  }
0x53: {  	_ =	shalt  }
0x54: {  	_ =	shalt  }
0x55: {  	_ =	shalt  }
0x56: {  	_ =	shalt  }
0x57: {  	_ =	shalt  }
0x58: {  	_ =	shalt  }
0x59: {  	_ =	shalt  }
0x5a: {  	_ =	shalt  }
0x5b: {  	_ =	shalt  }
0x5c: {  	_ =	shalt  }
0x5d: {  	_ =	shalt  }
0x5e: {  	_ =	shalt  }
0x5f: {  	_ =	shalt  }
0x60: {  	_ =	shalt  }
0x61: {  	_ =	shalt  }
0x62: {  	_ =	shalt  }
0x63: {  	_ =	shalt  }
0x64: {  	_ =	shalt  }
0x65: {  	_ =	shalt  }
0x66: {  	_ =	shalt  }
0x67: {  	_ =	shalt  }
0x68: {  	_ =	shalt  }
0x69: {  	_ =	shalt  }
0x6a: {  	_ =	shalt  }
0x6b: {  	_ =	shalt  }
0x6c: {  	_ =	shalt  }
0x6d: {  	_ =	shalt  }
0x6e: {  	_ =	shalt  }
0x6f: {  	_ =	shalt  }
0x70: {  	_ =	shalt  }
0x71: {  	_ =	shalt  }
0x72: {  	_ =	shalt  }
0x73: {  	_ =	shalt  }
0x74: {  	_ =	shalt  }
0x75: {  	_ =	shalt  }
0x76: {  	_ =	shalt  }
0x77: {  	_ =	shalt  }
0x78: {  	_ =	shalt  }
0x79: {  	_ =	shalt  }
0x7a: {  	_ =	shalt  }
0x7b: {  	_ =	shalt  }
0x7c: {  	_ =	shalt  }
0x7d: {  	_ =	shalt  }
0x7e: {  	_ =	shalt  }
0x7f: {  	_ =	shalt  }
0x80: {  	_ =	shalt  }
0x81: {  	_ =	shalt  }
0x82: {  	_ =	shalt  }
0x83: {  	_ =	shalt  }
0x84: {  	_ =	shalt  }
0x85: {  	_ =	shalt  }
0x86: {  	_ =	shalt  }
0x87: {  	_ =	shalt  }
.Lfunc_end0:
.L_simem_size_0:
called_computation.1_lowered:
.L_overlay_start_0:
0x88: {  	s2 =	sld [smem:$0x3FD9]  }
0x89: {  	s3 =	sld [smem:$0x3FFE];
	_ =	sdelay $0x1  }
0x8a: {  	s1 =	srdreg.scid  }
0x8b: {  	s0 =	sand.u32 $0x1, s1  }
0x8c: {  	s17 =	sshll.u32 s0, $0xA;
	s2 =	sadd.s32 s3, s2  }
0x8d: {  	s2 =	sadd.s32 s2, s17  }
0x8e: {  	[smem:$0x3FB3] =	sst s2  }
0x8f: {  	_ = 	snop  }
0x90: {  	s2 =	sld [smem:$0x3FD0];
	(tm) =	ssettm $0x1  }
0x91: {  	s18 =	sld [smem:$0x3FFB];
	_ =	sdelay $0x3  }
0x92: {  	_ =	strace s18  }
0x93: {  	s3 =	sld [smem:$0x3FFC];
	_ =	sdelay $0x3  }
0x94: {  	_ =	strace s3  }
0x95: {  	s3 =	sld [smem:$0x3FFD];
	_ =	sdelay $0x3  }
0x96: {  	_ =	strace s3  }
0x97: {  	_ =	strace $0x8FFFFFFF  }
0x98: {  	s19 =	sld [smem:$0x3FDB];
	_ =	sdelay $0x1  }
0x99: {  	s4 =	simm.s32 $_scs_section_size  }
0x9a: {  	s5 =	simm.s32 $_size__tile_overlayer_lowered;
	s6 =	simm.s32 $_tile_overlayer_lowered  }
0x9b: {  	s22 =	simm.s32 $0x1BFF;
	s21 =	sshll.u32 s6, $0x1;
	s3 =	sadd.s32 s4, s19  }
0x9c: {  	s7 =	simm.s32 $0x0;
	s20 =	sshll.u32 s5, $0x1;
	s5 =	sadd.s32 s21, s3  }
0x9d: {  	[timem:s7], [sflag:s22] =	dma.local [hbm:s5], s20  }
0x9e: {  	_ =	swait.ge [sflag:s22], s20  }
0x9f: {  	s4 =	ssub.s32 $0x0, s20;
	[sflag:s22] =	ssyncset.done $0x0  }
0xa0: {  	[sflag:s22] =	ssyncadd.s32 s4;
	_ =	sdelay $0x1  }
0xa1: {  	s23 =	simm.s32 $0x1B8B  }
0xa2: {  	_ =	swait.ge [sflag:s23], $0x1  }
0xa3: {  	[sflag:s23] =	ssyncset.done $0x0  }
0xa4: {  	s25 =	simm.s32 $0x1B8E;
	s24 =	sld [smem:$0x3FFE];
	[sflag:s23] =	ssyncadd.s32 $0xFFFFFFFF  }
0xa5: {  	s26 =	simm.s32 $execute0_lowered;
	[smem:$0x3FD2] =	sst s25  }
0xa6: {  	s5 =	sshll.u32 s26, $0x1;
	_ =	strace $0x80000049;
	[dreg:$0x1] =	wrdreg $0xFFFFFFFF  }
0xa7: {  	s28 =	simm.s32 $_size_execute0_lowered;
	s3 =	sadd.s32 s3, s5;
	[dreg:$0x0] =	wrdreg $0x0  }
0xa8: {  	s5 =	sshll.u32 s28, $0x1;
	[dreg:$0x2] =	wrdreg s3  }
0xa9: {  	[dreg:$0x3] =	wrdreg s5  }
0xaa: {  	[dreg:$0x4] =	wrdreg $0xC0  }
0xab: {  	_ =	task [dreg:s7], $0x5FFFF  }
0xac: {  	[dreg:$0x1] =	wrdreg $0xFFFFFFFF  }
0xad: {  	[dreg:$0x0] =	wrdreg $0x60  }
0xae: {  	[dreg:$0x2] =	wrdreg s24  }
0xaf: {  	[dreg:$0x3] =	wrdreg s2  }
0xb0: {  	[dreg:$0x4] =	wrdreg $0x98000  }
0xb1: {  	[dreg:$0x5] =	wrdreg $0x9  }
0xb2: {  	_ =	task.clear_ibuf [dreg:s7], $0x6FFFF;
	_ =	strace $0x90000049  }
0xb3: {  	s29 =	simm.s32 $0x9;
	_ =	strace $0x8000004B  }
0xb4: {  	_ =	swait.ge [sflag:s29], $0x1  }
0xb5: {  	[sflag:s29] =	ssyncadd.s32 $0xFFFFFFFF  }
0xb6: {  	_ =	strace $0x9000004B  }
0xb7: {  	_ =	sfence  }
0xb8: {  	s30 =	sld [smem:$0x0];
	_ =	sdelay $0x2  }
0xb9: {  	s31 =	sshll.u32 s1, $0xD;
	s1 =	sshrl.u32 s1, $0x2  }
0xba: {  	s3 =	sand.u32 $0x4000, s31;
	s1 =	sadd.s32 s1, s30  }
0xbb: {  	s0 =	sor.u32 s3, s0;
	s1 =	sshll.u32 s1, $0x11  }
0xbc: {  	s0 =	sor.u32 s1, s0  }
0xbd: {  	s0 =	sadd.s32 $0x8F2B, s0  }
0xbe: {  	[sflag:s0] =	ssyncadd.remote.s32 $0x1  }
0xbf: {  	_ =	sfence.sel $0xFFFF  }
0xc0: {  	[dreg:$0x0] =	wrdreg $0xFFFFFFFF;
	(pc) =	sbr.abs _section_cstart, $3  }
0xc1: {  	[dreg:$0x1] =	wrdreg $0xFFFFFFFF  }
0xc2: {  	_ =	task.clear_ibuf [dreg:s7], $0x2FFFF;
	_ =	strace $0x9FFFFFFF  }
0xc3: {  	(tm) =	ssettm $0x7FFFFFFF  }
tec
execute0_lowered:
.L_overlay_start_1:
0x0: {  	(tag) =	ssettag $0x1  }
0x1: {  	s5 =	rddreg [dreg:$0x0]  }
0x2: {  	s12 =	rddreg [dreg:$0x1]  }
0x3: {  	s2 =	rddreg [dreg:$0x2]  }
0x4: {  	s0 =	rddreg [dreg:$0x3]  }
0x5: {  	s4 =	srdreg.scid;
	s1 =	stileid.u32;
	s3 =	simm.s32 $0x0  }
0x6: {  	s8 =	sand.u32 $0x1, s4;
	s23 =	sshll.u32 s1, $0x1;
	s7 =	smul.u32 $0x4F000, s1  }
0x7: {  	[smem:$0x7FF] =	sst s3;
	s14 =	smul.u32 $0x13C00, s1;
	s18 =	sadd.s32 $0x60600, s5  }
0x8: {  	s4 =	sor.u32 s8, s23;
	_ =	strace $0x8000004A;
	s22 =	smul.u32 $0x13C000, s8  }
0x9: {  	s6 =	ssub.s32 $0x2, s8;
	s23 =	simm.s32 $0x70;
	s13 =	smul.u32 $0x600, s4  }
0xa: {  	s4 =	sadd.s32 $0x5600, s5;
	s9 =	sshrl.u32 s6, $0x1;
	s24 =	sshrl.u32 s7, $0x2  }
0xb: {  	s15 =	sadd.s32 $0x3800, s14;
	s16 =	sadd.s32 $0x7000, s14;
	s17 =	sadd.s32 $0xA800, s14  }
0xc: {  	s20 =	sadd.s32 $0xE000, s14;
	s21 =	sadd.s32 $0x11800, s14;
	s19 =	ssub.s32 s6, s9  }
0xd: {  	s6 =	sadd.s32 s15, s2;
	s7 =	sadd.s32 s16, s2;
	s8 =	sadd.s32 s17, s2  }
0xe: {  	s9 =	sadd.s32 s20, s2;
	s10 =	sadd.s32 s21, s2;
	s25 =	sadd.s32 s14, s22  }
0xf: {  	s26 =	sadd.s32 s22, s15;
	s28 =	sadd.s32 s22, s16;
	s29 =	sadd.s32 s22, s17  }
0x10: {  	s30 =	sadd.s32 s22, s20;
	s31 =	sadd.s32 s22, s21;
	s21 =	simm.s32 $0x2  }
0x11: {  	s22 =	simm.s32 $0x3000;
	s11 =	sadd.s32 s13, s5;
	s5 =	sadd.s32 s24, s2  }
0x12: {  	s12 =	sadd.s32 s12, s13;
	s13 =	sshrl.u32 s25, $0x3;
	s14 =	sshrl.u32 s26, $0x3  }
0x13: {  	s15 =	sshrl.u32 s28, $0x3;
	s16 =	sshrl.u32 s29, $0x3;
	s17 =	sshrl.u32 s30, $0x3  }
0x14: {  	s20 =	sshrl.u32 s31, $0x3;
	s19 =	smax.u32 s19, $0x1;
	s24 =	simm.s32 $0x1  }
0x15: {  	s25 =	simm.s32 $0x0;
	s11 =	sadd.s32 $0x54600, s11;
	s13 =	sadd.s32 s18, s13  }
0x16: {  	s14 =	sadd.s32 s18, s14;
	s15 =	sadd.s32 s18, s15;
	s16 =	sadd.s32 s18, s16  }
0x17: {  	v0 =	vimm.f32 $0.0e+00;
	s17 =	sadd.s32 s18, s17;
	s18 =	sadd.s32 s18, s20;
	s20 =	simm.s32 $0x6000  }
.LBB2_1:
0x18: {  	s26 =	simm.s32 $0x0;
	s28 =	simm.s32 $0x200  }
.LBB2_2:
0x19: {  	p0 =	sne.s32 s28, $0xDE00;
	[tilespmem:s26+$0x6070] =	vst v0  }
0x1a: {  	[tilespmem:s26+$0x6000] =	vst v0  }
0x1b: {  	[tilespmem:s26+$0x6010] =	vst v0  }
.Ltmp0:
0x1c: {  	[tilespmem:s26+$0x6020] =	vst v0;
	(pc) =	sbr.rel @p0 .LBB2_2-.Ltmp0, $4  }
0x1d: {  	[tilespmem:s26+$0x6030] =	vst v0  }
0x1e: {  	[tilespmem:s26+$0x6040] =	vst v0  }
0x1f: {  	[tilespmem:s26+$0x6050] =	vst v0  }
0x20: {  	[tilespmem:s26+$0x6060] =	vst v0;
	s26 =	sshra.s32 s28, $0x2;
	s28 =	sadd.s32 $0x200, s28  }
0x21: {  	[tilespmem:s26+$0x6070] =	vst v0  }
0x22: {  	[tilespmem:s26+$0x6000] =	vst v0  }
0x23: {  	[tilespmem:s26+$0x6010] =	vst v0  }
0x24: {  	[tilespmem:s26+$0x6020] =	vst v0  }
0x25: {  	[tilespmem:s26+$0x6030] =	vst v0  }
0x26: {  	[tilespmem:s26+$0x6040] =	vst v0  }
0x27: {  	[tilespmem:s26+$0x6050] =	vst v0  }
0x28: {  	[tilespmem:s26+$0x6060] =	vst v0  }
0x29: {  	[spmem:s5] =	stream.linear.scatter [tilespmem:s20], [sflag:$0x2], $0x3800, $0x38;
	[tilespmem:$0x1D400] =	vst v63  }
0x2a: {  	_ =	swait.ge [sflag:s21], $0x3800  }
0x2b: {  	[sflag:s21] =	ssyncset.done $0x0  }
0x2c: {  	[sflag:s21] =	ssyncadd.s32 $0xFFFFC800  }
0x2d: {  	[spmem:s6] =	stream.linear.scatter [tilespmem:s20], [sflag:$0x2], $0x3800, $0x38;
	[tilespmem:$0x1D400] =	vst v63  }
0x2e: {  	_ =	swait.ge [sflag:s21], $0x3800  }
0x2f: {  	[sflag:s21] =	ssyncset.done $0x0  }
0x30: {  	[sflag:s21] =	ssyncadd.s32 $0xFFFFC800  }
0x31: {  	[spmem:s7] =	stream.linear.scatter [tilespmem:s20], [sflag:$0x2], $0x3800, $0x38;
	[tilespmem:$0x1D400] =	vst v63  }
0x32: {  	_ =	swait.ge [sflag:s21], $0x3800  }
0x33: {  	[sflag:s21] =	ssyncset.done $0x0  }
0x34: {  	[sflag:s21] =	ssyncadd.s32 $0xFFFFC800  }
0x35: {  	[spmem:s8] =	stream.linear.scatter [tilespmem:s20], [sflag:$0x2], $0x3800, $0x38;
	[tilespmem:$0x1D400] =	vst v63  }
0x36: {  	_ =	swait.ge [sflag:s21], $0x3800  }
0x37: {  	[sflag:s21] =	ssyncset.done $0x0  }
0x38: {  	[sflag:s21] =	ssyncadd.s32 $0xFFFFC800  }
0x39: {  	[spmem:s9] =	stream.linear.scatter [tilespmem:s20], [sflag:$0x2], $0x3800, $0x38;
	[tilespmem:$0x1D400] =	vst v63  }
0x3a: {  	_ =	swait.ge [sflag:s21], $0x3800  }
0x3b: {  	[sflag:s21] =	ssyncset.done $0x0  }
0x3c: {  	[sflag:s21] =	ssyncadd.s32 $0xFFFFC800  }
0x3d: {  	[spmem:s10] =	stream.linear.scatter [tilespmem:s20], [sflag:$0x2], $0x2400, $0x38;
	[tilespmem:$0x1D400] =	vst v63  }
0x3e: {  	_ =	swait.ge [sflag:s21], $0x2400  }
0x3f: {  	[sflag:s21] =	ssyncset.done $0x0  }
0x40: {  	s29 =	simm.s32 $0x0;
	[sflag:s21] =	ssyncadd.s32 $0xFFFFDC00  }
0x41: {  	[tilespmem:s29], [sflag:$0x2] =	stream.linear.gather [hbm4b:s11+s29], $0x2D00, $0x38;
	[tilespmem:$0x1D400] =	vst v63  }
0x42: {  	_ =	swait.ge [sflag:s21], $0x2D00  }
0x43: {  	[sflag:s21] =	ssyncset.done $0x0  }
0x44: {  	[sflag:s21] =	ssyncadd.s32 $0xFFFFD300  }
0x45: {  	[tilespmem:s22], [sflag:$0x2] =	stream.linear.gather [hbm4b:s12+s29], $0x2D00, $0x38;
	[tilespmem:$0x1D400] =	vst v63  }
0x46: {  	_ =	swait.ge [sflag:s21], $0x2D00  }
0x47: {  	[sflag:s21] =	ssyncset.done $0x0  }
0x48: {  	[sflag:s21] =	ssyncadd.s32 $0xFFFFD300  }
0x49: {  	s30 =	simm.s32 $0x0;
	[bflag:$0x0] =	sbarrier.arrive $0xFFFF  }
0x4a: {  	[tilespmem:s20], [sflag:$0x1] =	stream.indirect.gather [hbm4b:s4+s23], $0x80, s30, s23, $0xb8;
	[tilespmem:$0x1D400] =	vst v63  }
0x4b: {  	_ =	swait.ge [sflag:s24], $0x3800  }
0x4c: {  	[sflag:s24] =	ssyncset.done $0x0  }
0x4d: {  	s31 =	simm.s32 $0x3000;
	[sflag:s24] =	ssyncadd.s32 $0xFFFFC800  }
0x4e: {  	[spmem:s2] =	stream.indirect.scatter.add.f32 [tilespmem:s20], [sflag:$0x2], $0x80, s31, s23, $0xb8;
	[tilespmem:$0x1D400] =	vst v63  }
0x4f: {  	_ =	swait.ge [sflag:s21], $0x3800  }
0x50: {  	s26 =	simm.s32 $0x200;
	s28 =	simm.s32 $0x400;
	[sflag:s21] =	ssyncset.done $0x0  }
.LBB2_4:
0x51: {  	s29 =	sshra.s32 s26, $0x2  }
0x52: {  	[sflag:s21] =	ssyncadd.s32 $0xFFFFC800;
	s26 =	smov.u32 s28;
	s30 =	sadd.s32 $0x200, s28  }
0x53: {  	[tilespmem:s20], [sflag:$0x1] =	stream.indirect.gather [hbm4b:s4+s23], $0x80, s29, s23, $0xb8;
	[tilespmem:$0x1D400] =	vst v63  }
0x54: {  	p0 =	sne.s32 s28, $0xB200;
	_ =	swait.ge [sflag:s24], $0x3800  }
.Ltmp1:
0x55: {  	[sflag:s24] =	ssyncset.done $0x0;
	(pc) =	sbr.rel @p0 .LBB2_4-.Ltmp1, $4  }
0x56: {  	s28 =	sadd.s32 $0x3000, s29;
	[sflag:s24] =	ssyncadd.s32 $0xFFFFC800  }
0x57: {  	[spmem:s2] =	stream.indirect.scatter.add.f32 [tilespmem:s20], [sflag:$0x2], $0x80, s28, s23, $0xb8;
	[tilespmem:$0x1D400] =	vst v63  }
0x58: {  	_ =	swait.ge [sflag:s21], $0x3800  }
0x59: {  	s28 =	smov.u32 s30;
	[sflag:s21] =	ssyncset.done $0x0  }
0x5a: {  	s26 =	sshra.s32 s26, $0x2;
	[sflag:s21] =	ssyncadd.s32 $0xFFFFC800  }
0x5b: {  	[tilespmem:s20], [sflag:$0x1] =	stream.indirect.gather [hbm4b:s4+s23], $0x80, s26, s23, $0xb8;
	[tilespmem:$0x1D400] =	vst v63  }
0x5c: {  	_ =	swait.ge [sflag:s24], $0x3800  }
0x5d: {  	[sflag:s24] =	ssyncset.done $0x0  }
0x5e: {  	s26 =	sadd.s32 $0x3000, s26;
	[sflag:s24] =	ssyncadd.s32 $0xFFFFC800  }
0x5f: {  	[spmem:s2] =	stream.indirect.scatter.add.f32 [tilespmem:s20], [sflag:$0x2], $0x80, s26, s23, $0xb8;
	[tilespmem:$0x1D400] =	vst v63  }
0x60: {  	_ =	swait.ge [sflag:s21], $0x3800  }
0x61: {  	[sflag:s21] =	ssyncset.done $0x0  }
0x62: {  	[sflag:s21] =	ssyncadd.s32 $0xFFFFC800  }
0x63: {  	[bflag:$0x0] =	sbarrier.arrive $0xFFFF  }
0x64: {  	[tilespmem:s20], [sflag:$0x2] =	stream.linear.gather [spmem:s5], $0x3800, $0x38;
	[tilespmem:$0x1D400] =	vst v63  }
0x65: {  	_ =	swait.ge [sflag:s21], $0x3800  }
0x66: {  	[sflag:s21] =	ssyncset.done $0x0  }
0x67: {  	[sflag:s21] =	ssyncadd.s32 $0xFFFFC800  }
0x68: {  	[hbm4b:s13+s3] =	stream.linear.scatter [tilespmem:s20], [sflag:$0x2], $0x3800, $0x38;
	[tilespmem:$0x1D400] =	vst v63  }
0x69: {  	_ =	swait.ge [sflag:s21], $0x3800  }
0x6a: {  	[sflag:s21] =	ssyncset.done $0x0  }
0x6b: {  	[sflag:s21] =	ssyncadd.s32 $0xFFFFC800  }
0x6c: {  	[tilespmem:s20], [sflag:$0x2] =	stream.linear.gather [spmem:s6], $0x3800, $0x38;
	[tilespmem:$0x1D400] =	vst v63  }
0x6d: {  	_ =	swait.ge [sflag:s21], $0x3800  }
0x6e: {  	[sflag:s21] =	ssyncset.done $0x0  }
0x6f: {  	[sflag:s21] =	ssyncadd.s32 $0xFFFFC800  }
0x70: {  	[hbm4b:s14+s3] =	stream.linear.scatter [tilespmem:s20], [sflag:$0x2], $0x3800, $0x38;
	[tilespmem:$0x1D400] =	vst v63  }
0x71: {  	_ =	swait.ge [sflag:s21], $0x3800  }
0x72: {  	[sflag:s21] =	ssyncset.done $0x0  }
0x73: {  	[sflag:s21] =	ssyncadd.s32 $0xFFFFC800  }
0x74: {  	[tilespmem:s20], [sflag:$0x2] =	stream.linear.gather [spmem:s7], $0x3800, $0x38;
	[tilespmem:$0x1D400] =	vst v63  }
0x75: {  	_ =	swait.ge [sflag:s21], $0x3800  }
0x76: {  	[sflag:s21] =	ssyncset.done $0x0  }
0x77: {  	[sflag:s21] =	ssyncadd.s32 $0xFFFFC800  }
0x78: {  	[hbm4b:s15+s3] =	stream.linear.scatter [tilespmem:s20], [sflag:$0x2], $0x3800, $0x38;
	[tilespmem:$0x1D400] =	vst v63  }
0x79: {  	_ =	swait.ge [sflag:s21], $0x3800  }
0x7a: {  	[sflag:s21] =	ssyncset.done $0x0  }
0x7b: {  	[sflag:s21] =	ssyncadd.s32 $0xFFFFC800  }
0x7c: {  	[tilespmem:s20], [sflag:$0x2] =	stream.linear.gather [spmem:s8], $0x3800, $0x38;
	[tilespmem:$0x1D400] =	vst v63  }
0x7d: {  	_ =	swait.ge [sflag:s21], $0x3800  }
0x7e: {  	[sflag:s21] =	ssyncset.done $0x0  }
0x7f: {  	[sflag:s21] =	ssyncadd.s32 $0xFFFFC800  }
0x80: {  	[hbm4b:s16+s3] =	stream.linear.scatter [tilespmem:s20], [sflag:$0x2], $0x3800, $0x38;
	[tilespmem:$0x1D400] =	vst v63  }
0x81: {  	_ =	swait.ge [sflag:s21], $0x3800  }
0x82: {  	[sflag:s21] =	ssyncset.done $0x0  }
0x83: {  	[sflag:s21] =	ssyncadd.s32 $0xFFFFC800  }
0x84: {  	[tilespmem:s20], [sflag:$0x2] =	stream.linear.gather [spmem:s9], $0x3800, $0x38;
	[tilespmem:$0x1D400] =	vst v63  }
0x85: {  	_ =	swait.ge [sflag:s21], $0x3800  }
0x86: {  	[sflag:s21] =	ssyncset.done $0x0  }
0x87: {  	[sflag:s21] =	ssyncadd.s32 $0xFFFFC800  }
0x88: {  	[hbm4b:s17+s3] =	stream.linear.scatter [tilespmem:s20], [sflag:$0x2], $0x3800, $0x38;
	[tilespmem:$0x1D400] =	vst v63  }
0x89: {  	_ =	swait.ge [sflag:s21], $0x3800  }
0x8a: {  	[sflag:s21] =	ssyncset.done $0x0  }
0x8b: {  	[sflag:s21] =	ssyncadd.s32 $0xFFFFC800  }
0x8c: {  	[tilespmem:s20], [sflag:$0x2] =	stream.linear.gather [spmem:s10], $0x2400, $0x38;
	[tilespmem:$0x1D400] =	vst v63  }
0x8d: {  	s25 =	sadd.s32 $0x1, s25;
	_ =	swait.ge [sflag:s21], $0x2400  }
0x8e: {  	p0 =	sne.s32 s25, s19;
	[sflag:s21] =	ssyncset.done $0x0  }
.Ltmp2:
0x8f: {  	[sflag:s21] =	ssyncadd.s32 $0xFFFFDC00;
	(pc) =	sbr.rel @p0 .LBB2_1-.Ltmp2, $4  }
0x90: {  	[hbm4b:s18+s3] =	stream.linear.scatter [tilespmem:s20], [sflag:$0x2], $0x2400, $0x38;
	[tilespmem:$0x1D400] =	vst v63  }
0x91: {  	_ =	swait.ge [sflag:s21], $0x2400  }
0x92: {  	[sflag:s21] =	ssyncset.done $0x0  }
0x93: {  	[sflag:s21] =	ssyncadd.s32 $0xFFFFDC00  }
0x94: {  	_ =	sfence.sel $0x180000  }
0x95: {  	[bflag:$0x0] =	sbarrier.arrive $0xFFFF  }
0x96: {  	p0 =	sne.s32 s1, $0x0;
	_ =	strace $0x9000004A  }
0x97: {  	s0 =	sadd.s32 @!p0 $0x100000, s0;
	[bflag:$0x2] =	sbarrier.arrive $0xFFFF  }
0x98: {  	[sflag:s0] =	ssyncadd.tile.s32 @!p0 $0x1;
	_ =	shalt  }
.Lfunc_end2:
_tile_overlayer_lowered:
.L_overlay_start_2:
0x99: {  	(tag) =	ssettag $0x2  }
0x9a: {  	s0 =	rddreg [dreg:$0x0];
	s2 =	stileid.u32  }
0x9b: {  	s1 =	rddreg [dreg:$0x1];
	p0 =	sne.s32 s2, $0x0  }
0x9c: {  	s3 =	rddreg [dreg:$0x2];
	[bflag:$0x3] =	sbarrier.arrive $0xFFFF;
	s2 =	simm.s32 @!p0 $0x1C02  }
0x9d: {  	[timem:s3], [sflag:s2] =	dma.local @!p0 [hbm:s0], s1  }
0x9e: {  	s0 =	simm.s32 @!p0 $0x2  }
0x9f: {  	_ =	swait.ge @!p0 [sflag:s0], s1  }
0xa0: {  	s1 =	ssub.s32 @!p0 $0x0, s1;
	[sflag:s0] =	ssyncset.done @!p0 $0x0  }
0xa1: {  	[sflag:s0] =	ssyncadd.s32 @!p0 s1  }
0xa2: {  	[bflag:$0x3] =	sbarrier.arrive $0xFFFF  }
0xa3: {  	_ =	shalt  }

// kernel: kernel.22.cloned.1.call-start
scs
__scs_entry_jumppad:
0x0: {  	(pc) =	sbr.rel $0x88, $3  }
0x1: {  	(tag) =	ssettag $0x0;
	lr =	simm.s32 $0x1  }
0x2: {  	[smem:$0x3F8C] =	sst lr;
	_ =	strace $0xD0000000  }
0x3: {  	_ = 	snop  }
0x4: {  	_ = 	snop  }
0x5: {  	_ = 	snop  }
0x6: {  	_ = 	snop  }
0x7: {  	_ = 	snop  }
__scs_overlays_trampoline_lowered:
0x8: {  	[smem:$0x3F9B] =	sst s0  }
0x9: {  	[smem:$0x3F9C] =	sst s1  }
0xa: {  	[smem:$0x3F9D] =	sst s2  }
0xb: {  	[smem:$0x3F9E] =	sst s3  }
0xc: {  	[smem:$0x3F9F] =	sst s4  }
0xd: {  	[smem:$0x3FA0] =	sst s5  }
0xe: {  	[smem:$0x3FA1] =	sst s6  }
0xf: {  	[smem:$0x3FA2] =	sst s7  }
0x10: {  	[smem:$0x3FA3] =	sst s8  }
0x11: {  	[smem:$0x3FA4] =	sst s9;
	s0 =	simm.s32 @!p0 $0x0  }
0x12: {  	s1 =	sld [smem:$0x3F8A];
	s0 =	simm.s32 @p0 $0x1  }
0x13: {  	[smem:$0x3FA5] =	sst s0;
	s0 =	simm.s32 @!p1 $0x0  }
0x14: {  	s2 =	sld [smem:$0x3F89];
	s0 =	simm.s32 @p1 $0x1  }
0x15: {  	[smem:$0x3FA6] =	sst s0;
	s0 =	simm.s32 @!p2 $0x0  }
0x16: {  	s3 =	sld [smem:$0x3FDB];
	s0 =	simm.s32 @p2 $0x1  }
0x17: {  	s4 =	simm.s32 $0x1BF5;
	[smem:$0x3FA8] =	sst s0  }
0x18: {  	s0 =	sld [smem:$0x3F8B];
	_ =	swait.ge [sflag:s4], $0x0  }
0x19: {  	s7 =	sld [smem:$0x3F8C]  }
0x1a: {  	s8 =	sadd.s32 $0xFFFFE003, lr  }
0x1b: {  	s9 =	sadd.s32 $0xFFFFFEF7, lr;
	s5 =	simm.s32 $0xFFFFFFFF;
	p2 =	slt.u32 s8, $0xFFFFF086  }
0x1c: {  	p1 =	slt.u32 s9, $0xF7A;
	s5 =	simm.s32 @!p2 $0x0  }
0x1d: {  	s5 =	simm.s32 @p1 $0x1;
	p0 =	seq.s32 s7, s2  }
0x1e: {  	s7 =	smul.u32 @!p0 $0xF7A, s2;
	p2 =	seq.s32 @!p0 s5, $0x0  }
0x1f: {  	s9 =	smul.u32 $0xF7A, s1;
	s8 =	simm.s32 @!p0 $0x1BF5;
	p2 =	por !p2, p0  }
0x20: {  	[sflag:s8] =	ssyncset.s32 @!p0 $0xFFFFF086;
	s6 =	sadd.s32 @!p0 s3, s7;
	s7 =	simm.s32 @!p0 $0x108  }
0x21: {  	s3 =	sadd.s32 s3, s9;
	s6 =	sadd.s32 @!p0 $0x88, s6;
	s7 =	simm.s32 @p2 $0x1082  }
0x22: {  	[simem:s7], [sflag:s8] =	dma.local @!p0 [hbm:s6], $0xF7A  }
0x23: {  	s9 =	sor.u32 $0xD0000000, s2;
	s6 =	simm.s32 $0x108;
	_ =	swait.ge @!p0 [sflag:s8], $0x0  }
0x24: {  	s3 =	sadd.s32 $0x88, s3;
	s6 =	simm.s32 @!p1 $0x1082;
	[sflag:s4] =	ssyncset.s32 $0xFFFFF086  }
0x25: {  	[simem:s6], [sflag:s4] =	dma.local [hbm:s3], $0xF7A  }
0x26: {  	[smem:$0x3F8C] =	sst s1;
	(tag) =	ssettag s2;
	_ =	strace s9  }
0x27: {  	s1 =	sld [smem:$0x3F9C]  }
0x28: {  	s2 =	sld [smem:$0x3F9D]  }
0x29: {  	s4 =	sld [smem:$0x3F9F]  }
0x2a: {  	p0 =	seq.s32 s5, $0x0;
	s5 =	sld [smem:$0x3FA0]  }
0x2b: {  	s6 =	sld [smem:$0x3FA1]  }
0x2c: {  	s7 =	sld [smem:$0x3FA2]  }
0x2d: {  	s3 =	simm.s32 $0x108;
	s8 =	sld [smem:$0x3FA3]  }
0x2e: {  	s3 =	simm.s32 @!p0 $0x1082;
	s9 =	sld [smem:$0x3FA4]  }
0x2f: {  	lr =	sadd.s32 s0, s3;
	s0 =	sld [smem:$0x3F9B]  }
0x30: {  	s3 =	sld [smem:$0x3F9E]  }
0x31: {  	[smem:$0x3FA7] =	sst s10  }
0x32: {  	s10 =	sld [smem:$0x3FA5];
	_ =	sdelay $0x3  }
0x33: {  	p0 =	seq.s32 s10, $0x1;
	s10 =	sld [smem:$0x3FA7];
	_ =	sdelay $0x3  }
0x34: {  	[smem:$0x3FA7] =	sst s10  }
0x35: {  	s10 =	sld [smem:$0x3FA6];
	_ =	sdelay $0x3  }
0x36: {  	p1 =	seq.s32 s10, $0x1;
	s10 =	sld [smem:$0x3FA7];
	_ =	sdelay $0x3  }
0x37: {  	[smem:$0x3FA7] =	sst s10  }
0x38: {  	s10 =	sld [smem:$0x3FA8]  }
0x39: {  	_ = 	snop;
	(pc) =	sbr.ind lr, $3  }
0x3a: {  	_ = 	snop  }
0x3b: {  	_ = 	snop  }
0x3c: {  	p2 =	seq.s32 s10, $0x1;
	s10 =	sld [smem:$0x3FA7]  }
0x3d: {  	_ =	shalt  }
0x3e: {  	_ =	shalt  }
0x3f: {  	_ =	shalt  }
0x40: {  	_ =	shalt  }
0x41: {  	_ =	shalt  }
0x42: {  	_ =	shalt  }
0x43: {  	_ =	shalt  }
0x44: {  	_ =	shalt  }
0x45: {  	_ =	shalt  }
0x46: {  	_ =	shalt  }
0x47: {  	_ =	shalt  }
0x48: {  	_ =	shalt  }
0x49: {  	_ =	shalt  }
0x4a: {  	_ =	shalt  }
0x4b: {  	_ =	shalt  }
0x4c: {  	_ =	shalt  }
0x4d: {  	_ =	shalt  }
0x4e: {  	_ =	shalt  }
0x4f: {  	_ =	shalt  }
0x50: {  	_ =	shalt  }
0x51: {  	_ =	shalt  }
0x52: {  	_ =	shalt  }
0x53: {  	_ =	shalt  }
0x54: {  	_ =	shalt  }
0x55: {  	_ =	shalt  }
0x56: {  	_ =	shalt  }
0x57: {  	_ =	shalt  }
0x58: {  	_ =	shalt  }
0x59: {  	_ =	shalt  }
0x5a: {  	_ =	shalt  }
0x5b: {  	_ =	shalt  }
0x5c: {  	_ =	shalt  }
0x5d: {  	_ =	shalt  }
0x5e: {  	_ =	shalt  }
0x5f: {  	_ =	shalt  }
0x60: {  	_ =	shalt  }
0x61: {  	_ =	shalt  }
0x62: {  	_ =	shalt  }
0x63: {  	_ =	shalt  }
0x64: {  	_ =	shalt  }
0x65: {  	_ =	shalt  }
0x66: {  	_ =	shalt  }
0x67: {  	_ =	shalt  }
0x68: {  	_ =	shalt  }
0x69: {  	_ =	shalt  }
0x6a: {  	_ =	shalt  }
0x6b: {  	_ =	shalt  }
0x6c: {  	_ =	shalt  }
0x6d: {  	_ =	shalt  }
0x6e: {  	_ =	shalt  }
0x6f: {  	_ =	shalt  }
0x70: {  	_ =	shalt  }
0x71: {  	_ =	shalt  }
0x72: {  	_ =	shalt  }
0x73: {  	_ =	shalt  }
0x74: {  	_ =	shalt  }
0x75: {  	_ =	shalt  }
0x76: {  	_ =	shalt  }
0x77: {  	_ =	shalt  }
0x78: {  	_ =	shalt  }
0x79: {  	_ =	shalt  }
0x7a: {  	_ =	shalt  }
0x7b: {  	_ =	shalt  }
0x7c: {  	_ =	shalt  }
0x7d: {  	_ =	shalt  }
0x7e: {  	_ =	shalt  }
0x7f: {  	_ =	shalt  }
0x80: {  	_ =	shalt  }
0x81: {  	_ =	shalt  }
0x82: {  	_ =	shalt  }
0x83: {  	_ =	shalt  }
0x84: {  	_ =	shalt  }
0x85: {  	_ =	shalt  }
0x86: {  	_ =	shalt  }
0x87: {  	_ =	shalt  }
.Lfunc_end0:
.L_simem_size_0:
called_computation.2_lowered:
.L_overlay_start_0:
0x88: {  	s2 =	sld [smem:$0x3FD9]  }
0x89: {  	s3 =	sld [smem:$0x3FFE];
	_ =	sdelay $0x1  }
0x8a: {  	s1 =	srdreg.scid  }
0x8b: {  	s0 =	sand.u32 $0x1, s1  }
0x8c: {  	s17 =	sshll.u32 s0, $0xA;
	s2 =	sadd.s32 s3, s2  }
0x8d: {  	s2 =	sadd.s32 s2, s17  }
0x8e: {  	[smem:$0x3FB3] =	sst s2  }
0x8f: {  	_ = 	snop  }
0x90: {  	s2 =	sld [smem:$0x3FD0];
	(tm) =	ssettm $0x1  }
0x91: {  	s18 =	sld [smem:$0x3FFB];
	_ =	sdelay $0x3  }
0x92: {  	_ =	strace s18  }
0x93: {  	s3 =	sld [smem:$0x3FFC];
	_ =	sdelay $0x3  }
0x94: {  	_ =	strace s3  }
0x95: {  	s3 =	sld [smem:$0x3FFD];
	_ =	sdelay $0x3  }
0x96: {  	_ =	strace s3  }
0x97: {  	_ =	strace $0x8FFFFFFF  }
0x98: {  	s19 =	sld [smem:$0x3FDB];
	_ =	sdelay $0x1  }
0x99: {  	s4 =	simm.s32 $_scs_section_size  }
0x9a: {  	s5 =	simm.s32 $_size__tile_overlayer_lowered;
	s6 =	simm.s32 $_tile_overlayer_lowered  }
0x9b: {  	s22 =	simm.s32 $0x1BFF;
	s21 =	sshll.u32 s6, $0x1;
	s3 =	sadd.s32 s4, s19  }
0x9c: {  	s7 =	simm.s32 $0x0;
	s20 =	sshll.u32 s5, $0x1;
	s5 =	sadd.s32 s21, s3  }
0x9d: {  	[timem:s7], [sflag:s22] =	dma.local [hbm:s5], s20  }
0x9e: {  	_ =	swait.ge [sflag:s22], s20  }
0x9f: {  	s4 =	ssub.s32 $0x0, s20;
	[sflag:s22] =	ssyncset.done $0x0  }
0xa0: {  	[sflag:s22] =	ssyncadd.s32 s4;
	_ =	sdelay $0x1  }
0xa1: {  	s23 =	simm.s32 $0x1B8B  }
0xa2: {  	_ =	swait.ge [sflag:s23], $0x1  }
0xa3: {  	[sflag:s23] =	ssyncset.done $0x0  }
0xa4: {  	s25 =	simm.s32 $0x1B8E;
	s24 =	sld [smem:$0x3FFE];
	[sflag:s23] =	ssyncadd.s32 $0xFFFFFFFF  }
0xa5: {  	s26 =	simm.s32 $execute0_lowered;
	[smem:$0x3FD2] =	sst s25  }
0xa6: {  	s5 =	sshll.u32 s26, $0x1;
	_ =	strace $0x8000004C;
	[dreg:$0x1] =	wrdreg $0xFFFFFFFF  }
0xa7: {  	s28 =	simm.s32 $_size_execute0_lowered;
	s3 =	sadd.s32 s3, s5;
	[dreg:$0x0] =	wrdreg $0x0  }
0xa8: {  	s5 =	sshll.u32 s28, $0x1;
	[dreg:$0x2] =	wrdreg s3  }
0xa9: {  	[dreg:$0x3] =	wrdreg s5  }
0xaa: {  	[dreg:$0x4] =	wrdreg $0xC0  }
0xab: {  	_ =	task [dreg:s7], $0x5FFFF  }
0xac: {  	[dreg:$0x1] =	wrdreg $0xFFFFFFFF  }
0xad: {  	[dreg:$0x0] =	wrdreg $0x60  }
0xae: {  	[dreg:$0x2] =	wrdreg s24  }
0xaf: {  	[dreg:$0x3] =	wrdreg s2  }
0xb0: {  	[dreg:$0x4] =	wrdreg $0x98000  }
0xb1: {  	[dreg:$0x5] =	wrdreg $0x9  }
0xb2: {  	_ =	task.clear_ibuf [dreg:s7], $0x6FFFF;
	_ =	strace $0x9000004C  }
0xb3: {  	s29 =	simm.s32 $0x9;
	_ =	strace $0x8000004E  }
0xb4: {  	_ =	swait.ge [sflag:s29], $0x1  }
0xb5: {  	[sflag:s29] =	ssyncadd.s32 $0xFFFFFFFF  }
0xb6: {  	_ =	strace $0x9000004E  }
0xb7: {  	_ =	sfence  }
0xb8: {  	s30 =	sld [smem:$0x0];
	_ =	sdelay $0x2  }
0xb9: {  	s31 =	sshll.u32 s1, $0xD;
	s1 =	sshrl.u32 s1, $0x2  }
0xba: {  	s3 =	sand.u32 $0x4000, s31;
	s1 =	sadd.s32 s1, s30  }
0xbb: {  	s0 =	sor.u32 s3, s0;
	s1 =	sshll.u32 s1, $0x11  }
0xbc: {  	s0 =	sor.u32 s1, s0  }
0xbd: {  	s0 =	sadd.s32 $0x8F2B, s0  }
0xbe: {  	[sflag:s0] =	ssyncadd.remote.s32 $0x1  }
0xbf: {  	_ =	sfence.sel $0xFFFF  }
0xc0: {  	[dreg:$0x0] =	wrdreg $0xFFFFFFFF;
	(pc) =	sbr.abs _section_cstart, $3  }
0xc1: {  	[dreg:$0x1] =	wrdreg $0xFFFFFFFF  }
0xc2: {  	_ =	task.clear_ibuf [dreg:s7], $0x2FFFF;
	_ =	strace $0x9FFFFFFF  }
0xc3: {  	(tm) =	ssettm $0x7FFFFFFF  }
tec
execute0_lowered:
.L_overlay_start_1:
0x0: {  	(tag) =	ssettag $0x1  }
0x1: {  	s5 =	rddreg [dreg:$0x0]  }
0x2: {  	s12 =	rddreg [dreg:$0x1]  }
0x3: {  	s2 =	rddreg [dreg:$0x2]  }
0x4: {  	s0 =	rddreg [dreg:$0x3]  }
0x5: {  	s4 =	srdreg.scid;
	s1 =	stileid.u32;
	s3 =	simm.s32 $0x0  }
0x6: {  	s8 =	sand.u32 $0x1, s4;
	s23 =	sshll.u32 s1, $0x1;
	s7 =	smul.u32 $0x4F000, s1  }
0x7: {  	[smem:$0x7FF] =	sst s3;
	s14 =	smul.u32 $0x13C00, s1;
	s18 =	sadd.s32 $0x60600, s5  }
0x8: {  	s4 =	sor.u32 s8, s23;
	_ =	strace $0x8000004D;
	s22 =	smul.u32 $0x13C000, s8  }
0x9: {  	s6 =	ssub.s32 $0x2, s8;
	s23 =	simm.s32 $0x70;
	s13 =	smul.u32 $0x600, s4  }
0xa: {  	s4 =	sadd.s32 $0x5600, s5;
	s9 =	sshrl.u32 s6, $0x1;
	s24 =	sshrl.u32 s7, $0x2  }
0xb: {  	s15 =	sadd.s32 $0x3800, s14;
	s16 =	sadd.s32 $0x7000, s14;
	s17 =	sadd.s32 $0xA800, s14  }
0xc: {  	s20 =	sadd.s32 $0xE000, s14;
	s21 =	sadd.s32 $0x11800, s14;
	s19 =	ssub.s32 s6, s9  }
0xd: {  	s6 =	sadd.s32 s15, s2;
	s7 =	sadd.s32 s16, s2;
	s8 =	sadd.s32 s17, s2  }
0xe: {  	s9 =	sadd.s32 s20, s2;
	s10 =	sadd.s32 s21, s2;
	s25 =	sadd.s32 s14, s22  }
0xf: {  	s26 =	sadd.s32 s22, s15;
	s28 =	sadd.s32 s22, s16;
	s29 =	sadd.s32 s22, s17  }
0x10: {  	s30 =	sadd.s32 s22, s20;
	s31 =	sadd.s32 s22, s21;
	s21 =	simm.s32 $0x2  }
0x11: {  	s22 =	simm.s32 $0x3000;
	s11 =	sadd.s32 s13, s5;
	s5 =	sadd.s32 s24, s2  }
0x12: {  	s12 =	sadd.s32 s12, s13;
	s13 =	sshrl.u32 s25, $0x3;
	s14 =	sshrl.u32 s26, $0x3  }
0x13: {  	s15 =	sshrl.u32 s28, $0x3;
	s16 =	sshrl.u32 s29, $0x3;
	s17 =	sshrl.u32 s30, $0x3  }
0x14: {  	s20 =	sshrl.u32 s31, $0x3;
	s19 =	smax.u32 s19, $0x1;
	s24 =	simm.s32 $0x1  }
0x15: {  	s25 =	simm.s32 $0x0;
	s11 =	sadd.s32 $0x54600, s11;
	s13 =	sadd.s32 s18, s13  }
0x16: {  	s14 =	sadd.s32 s18, s14;
	s15 =	sadd.s32 s18, s15;
	s16 =	sadd.s32 s18, s16  }
0x17: {  	v0 =	vimm.f32 $0.0e+00;
	s17 =	sadd.s32 s18, s17;
	s18 =	sadd.s32 s18, s20;
	s20 =	simm.s32 $0x6000  }
.LBB2_1:
0x18: {  	s26 =	simm.s32 $0x0;
	s28 =	simm.s32 $0x200  }
.LBB2_2:
0x19: {  	p0 =	sne.s32 s28, $0xDE00;
	[tilespmem:s26+$0x6070] =	vst v0  }
0x1a: {  	[tilespmem:s26+$0x6000] =	vst v0  }
0x1b: {  	[tilespmem:s26+$0x6010] =	vst v0  }
.Ltmp0:
0x1c: {  	[tilespmem:s26+$0x6020] =	vst v0;
	(pc) =	sbr.rel @p0 .LBB2_2-.Ltmp0, $4  }
0x1d: {  	[tilespmem:s26+$0x6030] =	vst v0  }
0x1e: {  	[tilespmem:s26+$0x6040] =	vst v0  }
0x1f: {  	[tilespmem:s26+$0x6050] =	vst v0  }
0x20: {  	[tilespmem:s26+$0x6060] =	vst v0;
	s26 =	sshra.s32 s28, $0x2;
	s28 =	sadd.s32 $0x200, s28  }
0x21: {  	[tilespmem:s26+$0x6070] =	vst v0  }
0x22: {  	[tilespmem:s26+$0x6000] =	vst v0  }
0x23: {  	[tilespmem:s26+$0x6010] =	vst v0  }
0x24: {  	[tilespmem:s26+$0x6020] =	vst v0  }
0x25: {  	[tilespmem:s26+$0x6030] =	vst v0  }
0x26: {  	[tilespmem:s26+$0x6040] =	vst v0  }
0x27: {  	[tilespmem:s26+$0x6050] =	vst v0  }
0x28: {  	[tilespmem:s26+$0x6060] =	vst v0  }
0x29: {  	[spmem:s5] =	stream.linear.scatter [tilespmem:s20], [sflag:$0x2], $0x3800, $0x38;
	[tilespmem:$0x1D400] =	vst v63  }
0x2a: {  	_ =	swait.ge [sflag:s21], $0x3800  }
0x2b: {  	[sflag:s21] =	ssyncset.done $0x0  }
0x2c: {  	[sflag:s21] =	ssyncadd.s32 $0xFFFFC800  }
0x2d: {  	[spmem:s6] =	stream.linear.scatter [tilespmem:s20], [sflag:$0x2], $0x3800, $0x38;
	[tilespmem:$0x1D400] =	vst v63  }
0x2e: {  	_ =	swait.ge [sflag:s21], $0x3800  }
0x2f: {  	[sflag:s21] =	ssyncset.done $0x0  }
0x30: {  	[sflag:s21] =	ssyncadd.s32 $0xFFFFC800  }
0x31: {  	[spmem:s7] =	stream.linear.scatter [tilespmem:s20], [sflag:$0x2], $0x3800, $0x38;
	[tilespmem:$0x1D400] =	vst v63  }
0x32: {  	_ =	swait.ge [sflag:s21], $0x3800  }
0x33: {  	[sflag:s21] =	ssyncset.done $0x0  }
0x34: {  	[sflag:s21] =	ssyncadd.s32 $0xFFFFC800  }
0x35: {  	[spmem:s8] =	stream.linear.scatter [tilespmem:s20], [sflag:$0x2], $0x3800, $0x38;
	[tilespmem:$0x1D400] =	vst v63  }
0x36: {  	_ =	swait.ge [sflag:s21], $0x3800  }
0x37: {  	[sflag:s21] =	ssyncset.done $0x0  }
0x38: {  	[sflag:s21] =	ssyncadd.s32 $0xFFFFC800  }
0x39: {  	[spmem:s9] =	stream.linear.scatter [tilespmem:s20], [sflag:$0x2], $0x3800, $0x38;
	[tilespmem:$0x1D400] =	vst v63  }
0x3a: {  	_ =	swait.ge [sflag:s21], $0x3800  }
0x3b: {  	[sflag:s21] =	ssyncset.done $0x0  }
0x3c: {  	[sflag:s21] =	ssyncadd.s32 $0xFFFFC800  }
0x3d: {  	[spmem:s10] =	stream.linear.scatter [tilespmem:s20], [sflag:$0x2], $0x2400, $0x38;
	[tilespmem:$0x1D400] =	vst v63  }
0x3e: {  	_ =	swait.ge [sflag:s21], $0x2400  }
0x3f: {  	[sflag:s21] =	ssyncset.done $0x0  }
0x40: {  	s29 =	simm.s32 $0x0;
	[sflag:s21] =	ssyncadd.s32 $0xFFFFDC00  }
0x41: {  	[tilespmem:s29], [sflag:$0x2] =	stream.linear.gather [hbm4b:s11+s29], $0x2D00, $0x38;
	[tilespmem:$0x1D400] =	vst v63  }
0x42: {  	_ =	swait.ge [sflag:s21], $0x2D00  }
0x43: {  	[sflag:s21] =	ssyncset.done $0x0  }
0x44: {  	[sflag:s21] =	ssyncadd.s32 $0xFFFFD300  }
0x45: {  	[tilespmem:s22], [sflag:$0x2] =	stream.linear.gather [hbm4b:s12+s29], $0x2D00, $0x38;
	[tilespmem:$0x1D400] =	vst v63  }
0x46: {  	_ =	swait.ge [sflag:s21], $0x2D00  }
0x47: {  	[sflag:s21] =	ssyncset.done $0x0  }
0x48: {  	[sflag:s21] =	ssyncadd.s32 $0xFFFFD300  }
0x49: {  	s30 =	simm.s32 $0x0;
	[bflag:$0x0] =	sbarrier.arrive $0xFFFF  }
0x4a: {  	[tilespmem:s20], [sflag:$0x1] =	stream.indirect.gather [hbm4b:s4+s23], $0x80, s30, s23, $0xb8;
	[tilespmem:$0x1D400] =	vst v63  }
0x4b: {  	_ =	swait.ge [sflag:s24], $0x3800  }
0x4c: {  	[sflag:s24] =	ssyncset.done $0x0  }
0x4d: {  	s31 =	simm.s32 $0x3000;
	[sflag:s24] =	ssyncadd.s32 $0xFFFFC800  }
0x4e: {  	[spmem:s2] =	stream.indirect.scatter.add.f32 [tilespmem:s20], [sflag:$0x2], $0x80, s31, s23, $0xb8;
	[tilespmem:$0x1D400] =	vst v63  }
0x4f: {  	_ =	swait.ge [sflag:s21], $0x3800  }
0x50: {  	s26 =	simm.s32 $0x200;
	s28 =	simm.s32 $0x400;
	[sflag:s21] =	ssyncset.done $0x0  }
.LBB2_4:
0x51: {  	s29 =	sshra.s32 s26, $0x2  }
0x52: {  	[sflag:s21] =	ssyncadd.s32 $0xFFFFC800;
	s26 =	smov.u32 s28;
	s30 =	sadd.s32 $0x200, s28  }
0x53: {  	[tilespmem:s20], [sflag:$0x1] =	stream.indirect.gather [hbm4b:s4+s23], $0x80, s29, s23, $0xb8;
	[tilespmem:$0x1D400] =	vst v63  }
0x54: {  	p0 =	sne.s32 s28, $0xB200;
	_ =	swait.ge [sflag:s24], $0x3800  }
.Ltmp1:
0x55: {  	[sflag:s24] =	ssyncset.done $0x0;
	(pc) =	sbr.rel @p0 .LBB2_4-.Ltmp1, $4  }
0x56: {  	s28 =	sadd.s32 $0x3000, s29;
	[sflag:s24] =	ssyncadd.s32 $0xFFFFC800  }
0x57: {  	[spmem:s2] =	stream.indirect.scatter.add.f32 [tilespmem:s20], [sflag:$0x2], $0x80, s28, s23, $0xb8;
	[tilespmem:$0x1D400] =	vst v63  }
0x58: {  	_ =	swait.ge [sflag:s21], $0x3800  }
0x59: {  	s28 =	smov.u32 s30;
	[sflag:s21] =	ssyncset.done $0x0  }
0x5a: {  	s26 =	sshra.s32 s26, $0x2;
	[sflag:s21] =	ssyncadd.s32 $0xFFFFC800  }
0x5b: {  	[tilespmem:s20], [sflag:$0x1] =	stream.indirect.gather [hbm4b:s4+s23], $0x80, s26, s23, $0xb8;
	[tilespmem:$0x1D400] =	vst v63  }
0x5c: {  	_ =	swait.ge [sflag:s24], $0x3800  }
0x5d: {  	[sflag:s24] =	ssyncset.done $0x0  }
0x5e: {  	s26 =	sadd.s32 $0x3000, s26;
	[sflag:s24] =	ssyncadd.s32 $0xFFFFC800  }
0x5f: {  	[spmem:s2] =	stream.indirect.scatter.add.f32 [tilespmem:s20], [sflag:$0x2], $0x80, s26, s23, $0xb8;
	[tilespmem:$0x1D400] =	vst v63  }
0x60: {  	_ =	swait.ge [sflag:s21], $0x3800  }
0x61: {  	[sflag:s21] =	ssyncset.done $0x0  }
0x62: {  	[sflag:s21] =	ssyncadd.s32 $0xFFFFC800  }
0x63: {  	[bflag:$0x0] =	sbarrier.arrive $0xFFFF  }
0x64: {  	[tilespmem:s20], [sflag:$0x2] =	stream.linear.gather [spmem:s5], $0x3800, $0x38;
	[tilespmem:$0x1D400] =	vst v63  }
0x65: {  	_ =	swait.ge [sflag:s21], $0x3800  }
0x66: {  	[sflag:s21] =	ssyncset.done $0x0  }
0x67: {  	[sflag:s21] =	ssyncadd.s32 $0xFFFFC800  }
0x68: {  	[hbm4b:s13+s3] =	stream.linear.scatter [tilespmem:s20], [sflag:$0x2], $0x3800, $0x38;
	[tilespmem:$0x1D400] =	vst v63  }
0x69: {  	_ =	swait.ge [sflag:s21], $0x3800  }
0x6a: {  	[sflag:s21] =	ssyncset.done $0x0  }
0x6b: {  	[sflag:s21] =	ssyncadd.s32 $0xFFFFC800  }
0x6c: {  	[tilespmem:s20], [sflag:$0x2] =	stream.linear.gather [spmem:s6], $0x3800, $0x38;
	[tilespmem:$0x1D400] =	vst v63  }
0x6d: {  	_ =	swait.ge [sflag:s21], $0x3800  }
0x6e: {  	[sflag:s21] =	ssyncset.done $0x0  }
0x6f: {  	[sflag:s21] =	ssyncadd.s32 $0xFFFFC800  }
0x70: {  	[hbm4b:s14+s3] =	stream.linear.scatter [tilespmem:s20], [sflag:$0x2], $0x3800, $0x38;
	[tilespmem:$0x1D400] =	vst v63  }
0x71: {  	_ =	swait.ge [sflag:s21], $0x3800  }
0x72: {  	[sflag:s21] =	ssyncset.done $0x0  }
0x73: {  	[sflag:s21] =	ssyncadd.s32 $0xFFFFC800  }
0x74: {  	[tilespmem:s20], [sflag:$0x2] =	stream.linear.gather [spmem:s7], $0x3800, $0x38;
	[tilespmem:$0x1D400] =	vst v63  }
0x75: {  	_ =	swait.ge [sflag:s21], $0x3800  }
0x76: {  	[sflag:s21] =	ssyncset.done $0x0  }
0x77: {  	[sflag:s21] =	ssyncadd.s32 $0xFFFFC800  }
0x78: {  	[hbm4b:s15+s3] =	stream.linear.scatter [tilespmem:s20], [sflag:$0x2], $0x3800, $0x38;
	[tilespmem:$0x1D400] =	vst v63  }
0x79: {  	_ =	swait.ge [sflag:s21], $0x3800  }
0x7a: {  	[sflag:s21] =	ssyncset.done $0x0  }
0x7b: {  	[sflag:s21] =	ssyncadd.s32 $0xFFFFC800  }
0x7c: {  	[tilespmem:s20], [sflag:$0x2] =	stream.linear.gather [spmem:s8], $0x3800, $0x38;
	[tilespmem:$0x1D400] =	vst v63  }
0x7d: {  	_ =	swait.ge [sflag:s21], $0x3800  }
0x7e: {  	[sflag:s21] =	ssyncset.done $0x0  }
0x7f: {  	[sflag:s21] =	ssyncadd.s32 $0xFFFFC800  }
0x80: {  	[hbm4b:s16+s3] =	stream.linear.scatter [tilespmem:s20], [sflag:$0x2], $0x3800, $0x38;
	[tilespmem:$0x1D400] =	vst v63  }
0x81: {  	_ =	swait.ge [sflag:s21], $0x3800  }
0x82: {  	[sflag:s21] =	ssyncset.done $0x0  }
0x83: {  	[sflag:s21] =	ssyncadd.s32 $0xFFFFC800  }
0x84: {  	[tilespmem:s20], [sflag:$0x2] =	stream.linear.gather [spmem:s9], $0x3800, $0x38;
	[tilespmem:$0x1D400] =	vst v63  }
0x85: {  	_ =	swait.ge [sflag:s21], $0x3800  }
0x86: {  	[sflag:s21] =	ssyncset.done $0x0  }
0x87: {  	[sflag:s21] =	ssyncadd.s32 $0xFFFFC800  }
0x88: {  	[hbm4b:s17+s3] =	stream.linear.scatter [tilespmem:s20], [sflag:$0x2], $0x3800, $0x38;
	[tilespmem:$0x1D400] =	vst v63  }
0x89: {  	_ =	swait.ge [sflag:s21], $0x3800  }
0x8a: {  	[sflag:s21] =	ssyncset.done $0x0  }
0x8b: {  	[sflag:s21] =	ssyncadd.s32 $0xFFFFC800  }
0x8c: {  	[tilespmem:s20], [sflag:$0x2] =	stream.linear.gather [spmem:s10], $0x2400, $0x38;
	[tilespmem:$0x1D400] =	vst v63  }
0x8d: {  	s25 =	sadd.s32 $0x1, s25;
	_ =	swait.ge [sflag:s21], $0x2400  }
0x8e: {  	p0 =	sne.s32 s25, s19;
	[sflag:s21] =	ssyncset.done $0x0  }
.Ltmp2:
0x8f: {  	[sflag:s21] =	ssyncadd.s32 $0xFFFFDC00;
	(pc) =	sbr.rel @p0 .LBB2_1-.Ltmp2, $4  }
0x90: {  	[hbm4b:s18+s3] =	stream.linear.scatter [tilespmem:s20], [sflag:$0x2], $0x2400, $0x38;
	[tilespmem:$0x1D400] =	vst v63  }
0x91: {  	_ =	swait.ge [sflag:s21], $0x2400  }
0x92: {  	[sflag:s21] =	ssyncset.done $0x0  }
0x93: {  	[sflag:s21] =	ssyncadd.s32 $0xFFFFDC00  }
0x94: {  	_ =	sfence.sel $0x180000  }
0x95: {  	[bflag:$0x0] =	sbarrier.arrive $0xFFFF  }
0x96: {  	p0 =	sne.s32 s1, $0x0;
	_ =	strace $0x9000004D  }
0x97: {  	s0 =	sadd.s32 @!p0 $0x100000, s0;
	[bflag:$0x2] =	sbarrier.arrive $0xFFFF  }
0x98: {  	[sflag:s0] =	ssyncadd.tile.s32 @!p0 $0x1;
	_ =	shalt  }
.Lfunc_end2:
_tile_overlayer_lowered:
.L_overlay_start_2:
0x99: {  	(tag) =	ssettag $0x2  }
0x9a: {  	s0 =	rddreg [dreg:$0x0];
	s2 =	stileid.u32  }
0x9b: {  	s1 =	rddreg [dreg:$0x1];
	p0 =	sne.s32 s2, $0x0  }
0x9c: {  	s3 =	rddreg [dreg:$0x2];
	[bflag:$0x3] =	sbarrier.arrive $0xFFFF;
	s2 =	simm.s32 @!p0 $0x1C02  }
0x9d: {  	[timem:s3], [sflag:s2] =	dma.local @!p0 [hbm:s0], s1  }
0x9e: {  	s0 =	simm.s32 @!p0 $0x2  }
0x9f: {  	_ =	swait.ge @!p0 [sflag:s0], s1  }
0xa0: {  	s1 =	ssub.s32 @!p0 $0x0, s1;
	[sflag:s0] =	ssyncset.done @!p0 $0x0  }
0xa1: {  	[sflag:s0] =	ssyncadd.s32 @!p0 s1  }
0xa2: {  	[bflag:$0x3] =	sbarrier.arrive $0xFFFF  }
0xa3: {  	_ =	shalt  }

// kernel: kernel.25.cloned.1.call-start
scs
__scs_entry_jumppad:
0x0: {  	(pc) =	sbr.rel $0x88, $3  }
0x1: {  	(tag) =	ssettag $0x0;
	lr =	simm.s32 $0x1  }
0x2: {  	[smem:$0x3F8C] =	sst lr;
	_ =	strace $0xD0000000  }
0x3: {  	_ = 	snop  }
0x4: {  	_ = 	snop  }
0x5: {  	_ = 	snop  }
0x6: {  	_ = 	snop  }
0x7: {  	_ = 	snop  }
__scs_overlays_trampoline_lowered:
0x8: {  	[smem:$0x3F9B] =	sst s0  }
0x9: {  	[smem:$0x3F9C] =	sst s1  }
0xa: {  	[smem:$0x3F9D] =	sst s2  }
0xb: {  	[smem:$0x3F9E] =	sst s3  }
0xc: {  	[smem:$0x3F9F] =	sst s4  }
0xd: {  	[smem:$0x3FA0] =	sst s5  }
0xe: {  	[smem:$0x3FA1] =	sst s6  }
0xf: {  	[smem:$0x3FA2] =	sst s7  }
0x10: {  	[smem:$0x3FA3] =	sst s8  }
0x11: {  	[smem:$0x3FA4] =	sst s9;
	s0 =	simm.s32 @!p0 $0x0  }
0x12: {  	s1 =	sld [smem:$0x3F8A];
	s0 =	simm.s32 @p0 $0x1  }
0x13: {  	[smem:$0x3FA5] =	sst s0;
	s0 =	simm.s32 @!p1 $0x0  }
0x14: {  	s2 =	sld [smem:$0x3F89];
	s0 =	simm.s32 @p1 $0x1  }
0x15: {  	[smem:$0x3FA6] =	sst s0;
	s0 =	simm.s32 @!p2 $0x0  }
0x16: {  	s3 =	sld [smem:$0x3FDB];
	s0 =	simm.s32 @p2 $0x1  }
0x17: {  	s4 =	simm.s32 $0x1BF5;
	[smem:$0x3FA8] =	sst s0  }
0x18: {  	s0 =	sld [smem:$0x3F8B];
	_ =	swait.ge [sflag:s4], $0x0  }
0x19: {  	s7 =	sld [smem:$0x3F8C]  }
0x1a: {  	s8 =	sadd.s32 $0xFFFFE003, lr  }
0x1b: {  	s9 =	sadd.s32 $0xFFFFFEF7, lr;
	s5 =	simm.s32 $0xFFFFFFFF;
	p2 =	slt.u32 s8, $0xFFFFF086  }
0x1c: {  	p1 =	slt.u32 s9, $0xF7A;
	s5 =	simm.s32 @!p2 $0x0  }
0x1d: {  	s5 =	simm.s32 @p1 $0x1;
	p0 =	seq.s32 s7, s2  }
0x1e: {  	s7 =	smul.u32 @!p0 $0xF7A, s2;
	p2 =	seq.s32 @!p0 s5, $0x0  }
0x1f: {  	s9 =	smul.u32 $0xF7A, s1;
	s8 =	simm.s32 @!p0 $0x1BF5;
	p2 =	por !p2, p0  }
0x20: {  	[sflag:s8] =	ssyncset.s32 @!p0 $0xFFFFF086;
	s6 =	sadd.s32 @!p0 s3, s7;
	s7 =	simm.s32 @!p0 $0x108  }
0x21: {  	s3 =	sadd.s32 s3, s9;
	s6 =	sadd.s32 @!p0 $0x88, s6;
	s7 =	simm.s32 @p2 $0x1082  }
0x22: {  	[simem:s7], [sflag:s8] =	dma.local @!p0 [hbm:s6], $0xF7A  }
0x23: {  	s9 =	sor.u32 $0xD0000000, s2;
	s6 =	simm.s32 $0x108;
	_ =	swait.ge @!p0 [sflag:s8], $0x0  }
0x24: {  	s3 =	sadd.s32 $0x88, s3;
	s6 =	simm.s32 @!p1 $0x1082;
	[sflag:s4] =	ssyncset.s32 $0xFFFFF086  }
0x25: {  	[simem:s6], [sflag:s4] =	dma.local [hbm:s3], $0xF7A  }
0x26: {  	[smem:$0x3F8C] =	sst s1;
	(tag) =	ssettag s2;
	_ =	strace s9  }
0x27: {  	s1 =	sld [smem:$0x3F9C]  }
0x28: {  	s2 =	sld [smem:$0x3F9D]  }
0x29: {  	s4 =	sld [smem:$0x3F9F]  }
0x2a: {  	p0 =	seq.s32 s5, $0x0;
	s5 =	sld [smem:$0x3FA0]  }
0x2b: {  	s6 =	sld [smem:$0x3FA1]  }
0x2c: {  	s7 =	sld [smem:$0x3FA2]  }
0x2d: {  	s3 =	simm.s32 $0x108;
	s8 =	sld [smem:$0x3FA3]  }
0x2e: {  	s3 =	simm.s32 @!p0 $0x1082;
	s9 =	sld [smem:$0x3FA4]  }
0x2f: {  	lr =	sadd.s32 s0, s3;
	s0 =	sld [smem:$0x3F9B]  }
0x30: {  	s3 =	sld [smem:$0x3F9E]  }
0x31: {  	[smem:$0x3FA7] =	sst s10  }
0x32: {  	s10 =	sld [smem:$0x3FA5];
	_ =	sdelay $0x3  }
0x33: {  	p0 =	seq.s32 s10, $0x1;
	s10 =	sld [smem:$0x3FA7];
	_ =	sdelay $0x3  }
0x34: {  	[smem:$0x3FA7] =	sst s10  }
0x35: {  	s10 =	sld [smem:$0x3FA6];
	_ =	sdelay $0x3  }
0x36: {  	p1 =	seq.s32 s10, $0x1;
	s10 =	sld [smem:$0x3FA7];
	_ =	sdelay $0x3  }
0x37: {  	[smem:$0x3FA7] =	sst s10  }
0x38: {  	s10 =	sld [smem:$0x3FA8]  }
0x39: {  	_ = 	snop;
	(pc) =	sbr.ind lr, $3  }
0x3a: {  	_ = 	snop  }
0x3b: {  	_ = 	snop  }
0x3c: {  	p2 =	seq.s32 s10, $0x1;
	s10 =	sld [smem:$0x3FA7]  }
0x3d: {  	_ =	shalt  }
0x3e: {  	_ =	shalt  }
0x3f: {  	_ =	shalt  }
0x40: {  	_ =	shalt  }
0x41: {  	_ =	shalt  }
0x42: {  	_ =	shalt  }
0x43: {  	_ =	shalt  }
0x44: {  	_ =	shalt  }
0x45: {  	_ =	shalt  }
0x46: {  	_ =	shalt  }
0x47: {  	_ =	shalt  }
0x48: {  	_ =	shalt  }
0x49: {  	_ =	shalt  }
0x4a: {  	_ =	shalt  }
0x4b: {  	_ =	shalt  }
0x4c: {  	_ =	shalt  }
0x4d: {  	_ =	shalt  }
0x4e: {  	_ =	shalt  }
0x4f: {  	_ =	shalt  }
0x50: {  	_ =	shalt  }
0x51: {  	_ =	shalt  }
0x52: {  	_ =	shalt  }
0x53: {  	_ =	shalt  }
0x54: {  	_ =	shalt  }
0x55: {  	_ =	shalt  }
0x56: {  	_ =	shalt  }
0x57: {  	_ =	shalt  }
0x58: {  	_ =	shalt  }
0x59: {  	_ =	shalt  }
0x5a: {  	_ =	shalt  }
0x5b: {  	_ =	shalt  }
0x5c: {  	_ =	shalt  }
0x5d: {  	_ =	shalt  }
0x5e: {  	_ =	shalt  }
0x5f: {  	_ =	shalt  }
0x60: {  	_ =	shalt  }
0x61: {  	_ =	shalt  }
0x62: {  	_ =	shalt  }
0x63: {  	_ =	shalt  }
0x64: {  	_ =	shalt  }
0x65: {  	_ =	shalt  }
0x66: {  	_ =	shalt  }
0x67: {  	_ =	shalt  }
0x68: {  	_ =	shalt  }
0x69: {  	_ =	shalt  }
0x6a: {  	_ =	shalt  }
0x6b: {  	_ =	shalt  }
0x6c: {  	_ =	shalt  }
0x6d: {  	_ =	shalt  }
0x6e: {  	_ =	shalt  }
0x6f: {  	_ =	shalt  }
0x70: {  	_ =	shalt  }
0x71: {  	_ =	shalt  }
0x72: {  	_ =	shalt  }
0x73: {  	_ =	shalt  }
0x74: {  	_ =	shalt  }
0x75: {  	_ =	shalt  }
0x76: {  	_ =	shalt  }
0x77: {  	_ =	shalt  }
0x78: {  	_ =	shalt  }
0x79: {  	_ =	shalt  }
0x7a: {  	_ =	shalt  }
0x7b: {  	_ =	shalt  }
0x7c: {  	_ =	shalt  }
0x7d: {  	_ =	shalt  }
0x7e: {  	_ =	shalt  }
0x7f: {  	_ =	shalt  }
0x80: {  	_ =	shalt  }
0x81: {  	_ =	shalt  }
0x82: {  	_ =	shalt  }
0x83: {  	_ =	shalt  }
0x84: {  	_ =	shalt  }
0x85: {  	_ =	shalt  }
0x86: {  	_ =	shalt  }
0x87: {  	_ =	shalt  }
.Lfunc_end0:
.L_simem_size_0:
called_computation.3_lowered:
.L_overlay_start_0:
0x88: {  	s2 =	sld [smem:$0x3FD9]  }
0x89: {  	s3 =	sld [smem:$0x3FFE];
	_ =	sdelay $0x1  }
0x8a: {  	s1 =	srdreg.scid  }
0x8b: {  	s0 =	sand.u32 $0x1, s1  }
0x8c: {  	s17 =	sshll.u32 s0, $0xA;
	s2 =	sadd.s32 s3, s2  }
0x8d: {  	s2 =	sadd.s32 s2, s17  }
0x8e: {  	[smem:$0x3FB3] =	sst s2  }
0x8f: {  	_ = 	snop  }
0x90: {  	s2 =	sld [smem:$0x3FD0];
	(tm) =	ssettm $0x1  }
0x91: {  	s18 =	sld [smem:$0x3FFB];
	_ =	sdelay $0x3  }
0x92: {  	_ =	strace s18  }
0x93: {  	s3 =	sld [smem:$0x3FFC];
	_ =	sdelay $0x3  }
0x94: {  	_ =	strace s3  }
0x95: {  	s3 =	sld [smem:$0x3FFD];
	_ =	sdelay $0x3  }
0x96: {  	_ =	strace s3  }
0x97: {  	_ =	strace $0x8FFFFFFF  }
0x98: {  	s19 =	sld [smem:$0x3FDB];
	_ =	sdelay $0x1  }
0x99: {  	s4 =	simm.s32 $_scs_section_size  }
0x9a: {  	s5 =	simm.s32 $_size__tile_overlayer_lowered;
	s6 =	simm.s32 $_tile_overlayer_lowered  }
0x9b: {  	s22 =	simm.s32 $0x1BFF;
	s21 =	sshll.u32 s6, $0x1;
	s3 =	sadd.s32 s4, s19  }
0x9c: {  	s7 =	simm.s32 $0x0;
	s20 =	sshll.u32 s5, $0x1;
	s5 =	sadd.s32 s21, s3  }
0x9d: {  	[timem:s7], [sflag:s22] =	dma.local [hbm:s5], s20  }
0x9e: {  	_ =	swait.ge [sflag:s22], s20  }
0x9f: {  	s4 =	ssub.s32 $0x0, s20;
	[sflag:s22] =	ssyncset.done $0x0  }
0xa0: {  	[sflag:s22] =	ssyncadd.s32 s4;
	_ =	sdelay $0x1  }
0xa1: {  	s23 =	simm.s32 $0x1B8B  }
0xa2: {  	_ =	swait.ge [sflag:s23], $0x1  }
0xa3: {  	[sflag:s23] =	ssyncset.done $0x0  }
0xa4: {  	s25 =	simm.s32 $0x1B8E;
	s24 =	sld [smem:$0x3FFE];
	[sflag:s23] =	ssyncadd.s32 $0xFFFFFFFF  }
0xa5: {  	s26 =	simm.s32 $execute0_lowered;
	[smem:$0x3FD2] =	sst s25  }
0xa6: {  	s5 =	sshll.u32 s26, $0x1;
	_ =	strace $0x8000004F;
	[dreg:$0x1] =	wrdreg $0xFFFFFFFF  }
0xa7: {  	s28 =	simm.s32 $_size_execute0_lowered;
	s3 =	sadd.s32 s3, s5;
	[dreg:$0x0] =	wrdreg $0x0  }
0xa8: {  	s5 =	sshll.u32 s28, $0x1;
	[dreg:$0x2] =	wrdreg s3  }
0xa9: {  	[dreg:$0x3] =	wrdreg s5  }
0xaa: {  	[dreg:$0x4] =	wrdreg $0xC0  }
0xab: {  	_ =	task [dreg:s7], $0x5FFFF  }
0xac: {  	[dreg:$0x1] =	wrdreg $0xFFFFFFFF  }
0xad: {  	[dreg:$0x0] =	wrdreg $0x60  }
0xae: {  	[dreg:$0x2] =	wrdreg s24  }
0xaf: {  	[dreg:$0x3] =	wrdreg s2  }
0xb0: {  	[dreg:$0x4] =	wrdreg $0x98000  }
0xb1: {  	[dreg:$0x5] =	wrdreg $0x9  }
0xb2: {  	_ =	task.clear_ibuf [dreg:s7], $0x6FFFF;
	_ =	strace $0x9000004F  }
0xb3: {  	s29 =	simm.s32 $0x9;
	_ =	strace $0x80000051  }
0xb4: {  	_ =	swait.ge [sflag:s29], $0x1  }
0xb5: {  	[sflag:s29] =	ssyncadd.s32 $0xFFFFFFFF  }
0xb6: {  	_ =	strace $0x90000051  }
0xb7: {  	_ =	sfence  }
0xb8: {  	s30 =	sld [smem:$0x0];
	_ =	sdelay $0x2  }
0xb9: {  	s31 =	sshll.u32 s1, $0xD;
	s1 =	sshrl.u32 s1, $0x2  }
0xba: {  	s3 =	sand.u32 $0x4000, s31;
	s1 =	sadd.s32 s1, s30  }
0xbb: {  	s0 =	sor.u32 s3, s0;
	s1 =	sshll.u32 s1, $0x11  }
0xbc: {  	s0 =	sor.u32 s1, s0  }
0xbd: {  	s0 =	sadd.s32 $0x8F2B, s0  }
0xbe: {  	[sflag:s0] =	ssyncadd.remote.s32 $0x1  }
0xbf: {  	_ =	sfence.sel $0xFFFF  }
0xc0: {  	[dreg:$0x0] =	wrdreg $0xFFFFFFFF;
	(pc) =	sbr.abs _section_cstart, $3  }
0xc1: {  	[dreg:$0x1] =	wrdreg $0xFFFFFFFF  }
0xc2: {  	_ =	task.clear_ibuf [dreg:s7], $0x2FFFF;
	_ =	strace $0x9FFFFFFF  }
0xc3: {  	(tm) =	ssettm $0x7FFFFFFF  }
tec
execute0_lowered:
.L_overlay_start_1:
0x0: {  	(tag) =	ssettag $0x1  }
0x1: {  	s5 =	rddreg [dreg:$0x0]  }
0x2: {  	s12 =	rddreg [dreg:$0x1]  }
0x3: {  	s2 =	rddreg [dreg:$0x2]  }
0x4: {  	s0 =	rddreg [dreg:$0x3]  }
0x5: {  	s4 =	srdreg.scid;
	s1 =	stileid.u32;
	s3 =	simm.s32 $0x0  }
0x6: {  	s8 =	sand.u32 $0x1, s4;
	s23 =	sshll.u32 s1, $0x1;
	s7 =	smul.u32 $0x4F000, s1  }
0x7: {  	[smem:$0x7FF] =	sst s3;
	s14 =	smul.u32 $0x13C00, s1;
	s18 =	sadd.s32 $0x60600, s5  }
0x8: {  	s4 =	sor.u32 s8, s23;
	_ =	strace $0x80000050;
	s22 =	smul.u32 $0x13C000, s8  }
0x9: {  	s6 =	ssub.s32 $0x2, s8;
	s23 =	simm.s32 $0x70;
	s13 =	smul.u32 $0x600, s4  }
0xa: {  	s4 =	sadd.s32 $0x5600, s5;
	s9 =	sshrl.u32 s6, $0x1;
	s24 =	sshrl.u32 s7, $0x2  }
0xb: {  	s15 =	sadd.s32 $0x3800, s14;
	s16 =	sadd.s32 $0x7000, s14;
	s17 =	sadd.s32 $0xA800, s14  }
0xc: {  	s20 =	sadd.s32 $0xE000, s14;
	s21 =	sadd.s32 $0x11800, s14;
	s19 =	ssub.s32 s6, s9  }
0xd: {  	s6 =	sadd.s32 s15, s2;
	s7 =	sadd.s32 s16, s2;
	s8 =	sadd.s32 s17, s2  }
0xe: {  	s9 =	sadd.s32 s20, s2;
	s10 =	sadd.s32 s21, s2;
	s25 =	sadd.s32 s14, s22  }
0xf: {  	s26 =	sadd.s32 s22, s15;
	s28 =	sadd.s32 s22, s16;
	s29 =	sadd.s32 s22, s17  }
0x10: {  	s30 =	sadd.s32 s22, s20;
	s31 =	sadd.s32 s22, s21;
	s21 =	simm.s32 $0x2  }
0x11: {  	s22 =	simm.s32 $0x3000;
	s11 =	sadd.s32 s13, s5;
	s5 =	sadd.s32 s24, s2  }
0x12: {  	s12 =	sadd.s32 s12, s13;
	s13 =	sshrl.u32 s25, $0x3;
	s14 =	sshrl.u32 s26, $0x3  }
0x13: {  	s15 =	sshrl.u32 s28, $0x3;
	s16 =	sshrl.u32 s29, $0x3;
	s17 =	sshrl.u32 s30, $0x3  }
0x14: {  	s20 =	sshrl.u32 s31, $0x3;
	s19 =	smax.u32 s19, $0x1;
	s24 =	simm.s32 $0x1  }
0x15: {  	s25 =	simm.s32 $0x0;
	s11 =	sadd.s32 $0x54600, s11;
	s13 =	sadd.s32 s18, s13  }
0x16: {  	s14 =	sadd.s32 s18, s14;
	s15 =	sadd.s32 s18, s15;
	s16 =	sadd.s32 s18, s16  }
0x17: {  	v0 =	vimm.f32 $0.0e+00;
	s17 =	sadd.s32 s18, s17;
	s18 =	sadd.s32 s18, s20;
	s20 =	simm.s32 $0x6000  }
.LBB2_1:
0x18: {  	s26 =	simm.s32 $0x0;
	s28 =	simm.s32 $0x200  }
.LBB2_2:
0x19: {  	p0 =	sne.s32 s28, $0xDE00;
	[tilespmem:s26+$0x6070] =	vst v0  }
0x1a: {  	[tilespmem:s26+$0x6000] =	vst v0  }
0x1b: {  	[tilespmem:s26+$0x6010] =	vst v0  }
.Ltmp0:
0x1c: {  	[tilespmem:s26+$0x6020] =	vst v0;
	(pc) =	sbr.rel @p0 .LBB2_2-.Ltmp0, $4  }
0x1d: {  	[tilespmem:s26+$0x6030] =	vst v0  }
0x1e: {  	[tilespmem:s26+$0x6040] =	vst v0  }
0x1f: {  	[tilespmem:s26+$0x6050] =	vst v0  }
0x20: {  	[tilespmem:s26+$0x6060] =	vst v0;
	s26 =	sshra.s32 s28, $0x2;
	s28 =	sadd.s32 $0x200, s28  }
0x21: {  	[tilespmem:s26+$0x6070] =	vst v0  }
0x22: {  	[tilespmem:s26+$0x6000] =	vst v0  }
0x23: {  	[tilespmem:s26+$0x6010] =	vst v0  }
0x24: {  	[tilespmem:s26+$0x6020] =	vst v0  }
0x25: {  	[tilespmem:s26+$0x6030] =	vst v0  }
0x26: {  	[tilespmem:s26+$0x6040] =	vst v0  }
0x27: {  	[tilespmem:s26+$0x6050] =	vst v0  }
0x28: {  	[tilespmem:s26+$0x6060] =	vst v0  }
0x29: {  	[spmem:s5] =	stream.linear.scatter [tilespmem:s20], [sflag:$0x2], $0x3800, $0x38;
	[tilespmem:$0x1D400] =	vst v63  }
0x2a: {  	_ =	swait.ge [sflag:s21], $0x3800  }
0x2b: {  	[sflag:s21] =	ssyncset.done $0x0  }
0x2c: {  	[sflag:s21] =	ssyncadd.s32 $0xFFFFC800  }
0x2d: {  	[spmem:s6] =	stream.linear.scatter [tilespmem:s20], [sflag:$0x2], $0x3800, $0x38;
	[tilespmem:$0x1D400] =	vst v63  }
0x2e: {  	_ =	swait.ge [sflag:s21], $0x3800  }
0x2f: {  	[sflag:s21] =	ssyncset.done $0x0  }
0x30: {  	[sflag:s21] =	ssyncadd.s32 $0xFFFFC800  }
0x31: {  	[spmem:s7] =	stream.linear.scatter [tilespmem:s20], [sflag:$0x2], $0x3800, $0x38;
	[tilespmem:$0x1D400] =	vst v63  }
0x32: {  	_ =	swait.ge [sflag:s21], $0x3800  }
0x33: {  	[sflag:s21] =	ssyncset.done $0x0  }
0x34: {  	[sflag:s21] =	ssyncadd.s32 $0xFFFFC800  }
0x35: {  	[spmem:s8] =	stream.linear.scatter [tilespmem:s20], [sflag:$0x2], $0x3800, $0x38;
	[tilespmem:$0x1D400] =	vst v63  }
0x36: {  	_ =	swait.ge [sflag:s21], $0x3800  }
0x37: {  	[sflag:s21] =	ssyncset.done $0x0  }
0x38: {  	[sflag:s21] =	ssyncadd.s32 $0xFFFFC800  }
0x39: {  	[spmem:s9] =	stream.linear.scatter [tilespmem:s20], [sflag:$0x2], $0x3800, $0x38;
	[tilespmem:$0x1D400] =	vst v63  }
0x3a: {  	_ =	swait.ge [sflag:s21], $0x3800  }
0x3b: {  	[sflag:s21] =	ssyncset.done $0x0  }
0x3c: {  	[sflag:s21] =	ssyncadd.s32 $0xFFFFC800  }
0x3d: {  	[spmem:s10] =	stream.linear.scatter [tilespmem:s20], [sflag:$0x2], $0x2400, $0x38;
	[tilespmem:$0x1D400] =	vst v63  }
0x3e: {  	_ =	swait.ge [sflag:s21], $0x2400  }
0x3f: {  	[sflag:s21] =	ssyncset.done $0x0  }
0x40: {  	s29 =	simm.s32 $0x0;
	[sflag:s21] =	ssyncadd.s32 $0xFFFFDC00  }
0x41: {  	[tilespmem:s29], [sflag:$0x2] =	stream.linear.gather [hbm4b:s11+s29], $0x2D00, $0x38;
	[tilespmem:$0x1D400] =	vst v63  }
0x42: {  	_ =	swait.ge [sflag:s21], $0x2D00  }
0x43: {  	[sflag:s21] =	ssyncset.done $0x0  }
0x44: {  	[sflag:s21] =	ssyncadd.s32 $0xFFFFD300  }
0x45: {  	[tilespmem:s22], [sflag:$0x2] =	stream.linear.gather [hbm4b:s12+s29], $0x2D00, $0x38;
	[tilespmem:$0x1D400] =	vst v63  }
0x46: {  	_ =	swait.ge [sflag:s21], $0x2D00  }
0x47: {  	[sflag:s21] =	ssyncset.done $0x0  }
0x48: {  	[sflag:s21] =	ssyncadd.s32 $0xFFFFD300  }
0x49: {  	s30 =	simm.s32 $0x0;
	[bflag:$0x0] =	sbarrier.arrive $0xFFFF  }
0x4a: {  	[tilespmem:s20], [sflag:$0x1] =	stream.indirect.gather [hbm4b:s4+s23], $0x80, s30, s23, $0xb8;
	[tilespmem:$0x1D400] =	vst v63  }
0x4b: {  	_ =	swait.ge [sflag:s24], $0x3800  }
0x4c: {  	[sflag:s24] =	ssyncset.done $0x0  }
0x4d: {  	s31 =	simm.s32 $0x3000;
	[sflag:s24] =	ssyncadd.s32 $0xFFFFC800  }
0x4e: {  	[spmem:s2] =	stream.indirect.scatter.add.f32 [tilespmem:s20], [sflag:$0x2], $0x80, s31, s23, $0xb8;
	[tilespmem:$0x1D400] =	vst v63  }
0x4f: {  	_ =	swait.ge [sflag:s21], $0x3800  }
0x50: {  	s26 =	simm.s32 $0x200;
	s28 =	simm.s32 $0x400;
	[sflag:s21] =	ssyncset.done $0x0  }
.LBB2_4:
0x51: {  	s29 =	sshra.s32 s26, $0x2  }
0x52: {  	[sflag:s21] =	ssyncadd.s32 $0xFFFFC800;
	s26 =	smov.u32 s28;
	s30 =	sadd.s32 $0x200, s28  }
0x53: {  	[tilespmem:s20], [sflag:$0x1] =	stream.indirect.gather [hbm4b:s4+s23], $0x80, s29, s23, $0xb8;
	[tilespmem:$0x1D400] =	vst v63  }
0x54: {  	p0 =	sne.s32 s28, $0xB200;
	_ =	swait.ge [sflag:s24], $0x3800  }
.Ltmp1:
0x55: {  	[sflag:s24] =	ssyncset.done $0x0;
	(pc) =	sbr.rel @p0 .LBB2_4-.Ltmp1, $4  }
0x56: {  	s28 =	sadd.s32 $0x3000, s29;
	[sflag:s24] =	ssyncadd.s32 $0xFFFFC800  }
0x57: {  	[spmem:s2] =	stream.indirect.scatter.add.f32 [tilespmem:s20], [sflag:$0x2], $0x80, s28, s23, $0xb8;
	[tilespmem:$0x1D400] =	vst v63  }
0x58: {  	_ =	swait.ge [sflag:s21], $0x3800  }
0x59: {  	s28 =	smov.u32 s30;
	[sflag:s21] =	ssyncset.done $0x0  }
0x5a: {  	s26 =	sshra.s32 s26, $0x2;
	[sflag:s21] =	ssyncadd.s32 $0xFFFFC800  }
0x5b: {  	[tilespmem:s20], [sflag:$0x1] =	stream.indirect.gather [hbm4b:s4+s23], $0x80, s26, s23, $0xb8;
	[tilespmem:$0x1D400] =	vst v63  }
0x5c: {  	_ =	swait.ge [sflag:s24], $0x3800  }
0x5d: {  	[sflag:s24] =	ssyncset.done $0x0  }
0x5e: {  	s26 =	sadd.s32 $0x3000, s26;
	[sflag:s24] =	ssyncadd.s32 $0xFFFFC800  }
0x5f: {  	[spmem:s2] =	stream.indirect.scatter.add.f32 [tilespmem:s20], [sflag:$0x2], $0x80, s26, s23, $0xb8;
	[tilespmem:$0x1D400] =	vst v63  }
0x60: {  	_ =	swait.ge [sflag:s21], $0x3800  }
0x61: {  	[sflag:s21] =	ssyncset.done $0x0  }
0x62: {  	[sflag:s21] =	ssyncadd.s32 $0xFFFFC800  }
0x63: {  	[bflag:$0x0] =	sbarrier.arrive $0xFFFF  }
0x64: {  	[tilespmem:s20], [sflag:$0x2] =	stream.linear.gather [spmem:s5], $0x3800, $0x38;
	[tilespmem:$0x1D400] =	vst v63  }
0x65: {  	_ =	swait.ge [sflag:s21], $0x3800  }
0x66: {  	[sflag:s21] =	ssyncset.done $0x0  }
0x67: {  	[sflag:s21] =	ssyncadd.s32 $0xFFFFC800  }
0x68: {  	[hbm4b:s13+s3] =	stream.linear.scatter [tilespmem:s20], [sflag:$0x2], $0x3800, $0x38;
	[tilespmem:$0x1D400] =	vst v63  }
0x69: {  	_ =	swait.ge [sflag:s21], $0x3800  }
0x6a: {  	[sflag:s21] =	ssyncset.done $0x0  }
0x6b: {  	[sflag:s21] =	ssyncadd.s32 $0xFFFFC800  }
0x6c: {  	[tilespmem:s20], [sflag:$0x2] =	stream.linear.gather [spmem:s6], $0x3800, $0x38;
	[tilespmem:$0x1D400] =	vst v63  }
0x6d: {  	_ =	swait.ge [sflag:s21], $0x3800  }
0x6e: {  	[sflag:s21] =	ssyncset.done $0x0  }
0x6f: {  	[sflag:s21] =	ssyncadd.s32 $0xFFFFC800  }
0x70: {  	[hbm4b:s14+s3] =	stream.linear.scatter [tilespmem:s20], [sflag:$0x2], $0x3800, $0x38;
	[tilespmem:$0x1D400] =	vst v63  }
0x71: {  	_ =	swait.ge [sflag:s21], $0x3800  }
0x72: {  	[sflag:s21] =	ssyncset.done $0x0  }
0x73: {  	[sflag:s21] =	ssyncadd.s32 $0xFFFFC800  }
0x74: {  	[tilespmem:s20], [sflag:$0x2] =	stream.linear.gather [spmem:s7], $0x3800, $0x38;
	[tilespmem:$0x1D400] =	vst v63  }
0x75: {  	_ =	swait.ge [sflag:s21], $0x3800  }
0x76: {  	[sflag:s21] =	ssyncset.done $0x0  }
0x77: {  	[sflag:s21] =	ssyncadd.s32 $0xFFFFC800  }
0x78: {  	[hbm4b:s15+s3] =	stream.linear.scatter [tilespmem:s20], [sflag:$0x2], $0x3800, $0x38;
	[tilespmem:$0x1D400] =	vst v63  }
0x79: {  	_ =	swait.ge [sflag:s21], $0x3800  }
0x7a: {  	[sflag:s21] =	ssyncset.done $0x0  }
0x7b: {  	[sflag:s21] =	ssyncadd.s32 $0xFFFFC800  }
0x7c: {  	[tilespmem:s20], [sflag:$0x2] =	stream.linear.gather [spmem:s8], $0x3800, $0x38;
	[tilespmem:$0x1D400] =	vst v63  }
0x7d: {  	_ =	swait.ge [sflag:s21], $0x3800  }
0x7e: {  	[sflag:s21] =	ssyncset.done $0x0  }
0x7f: {  	[sflag:s21] =	ssyncadd.s32 $0xFFFFC800  }
0x80: {  	[hbm4b:s16+s3] =	stream.linear.scatter [tilespmem:s20], [sflag:$0x2], $0x3800, $0x38;
	[tilespmem:$0x1D400] =	vst v63  }
0x81: {  	_ =	swait.ge [sflag:s21], $0x3800  }
0x82: {  	[sflag:s21] =	ssyncset.done $0x0  }
0x83: {  	[sflag:s21] =	ssyncadd.s32 $0xFFFFC800  }
0x84: {  	[tilespmem:s20], [sflag:$0x2] =	stream.linear.gather [spmem:s9], $0x3800, $0x38;
	[tilespmem:$0x1D400] =	vst v63  }
0x85: {  	_ =	swait.ge [sflag:s21], $0x3800  }
0x86: {  	[sflag:s21] =	ssyncset.done $0x0  }
0x87: {  	[sflag:s21] =	ssyncadd.s32 $0xFFFFC800  }
0x88: {  	[hbm4b:s17+s3] =	stream.linear.scatter [tilespmem:s20], [sflag:$0x2], $0x3800, $0x38;
	[tilespmem:$0x1D400] =	vst v63  }
0x89: {  	_ =	swait.ge [sflag:s21], $0x3800  }
0x8a: {  	[sflag:s21] =	ssyncset.done $0x0  }
0x8b: {  	[sflag:s21] =	ssyncadd.s32 $0xFFFFC800  }
0x8c: {  	[tilespmem:s20], [sflag:$0x2] =	stream.linear.gather [spmem:s10], $0x2400, $0x38;
	[tilespmem:$0x1D400] =	vst v63  }
0x8d: {  	s25 =	sadd.s32 $0x1, s25;
	_ =	swait.ge [sflag:s21], $0x2400  }
0x8e: {  	p0 =	sne.s32 s25, s19;
	[sflag:s21] =	ssyncset.done $0x0  }
.Ltmp2:
0x8f: {  	[sflag:s21] =	ssyncadd.s32 $0xFFFFDC00;
	(pc) =	sbr.rel @p0 .LBB2_1-.Ltmp2, $4  }
0x90: {  	[hbm4b:s18+s3] =	stream.linear.scatter [tilespmem:s20], [sflag:$0x2], $0x2400, $0x38;
	[tilespmem:$0x1D400] =	vst v63  }
0x91: {  	_ =	swait.ge [sflag:s21], $0x2400  }
0x92: {  	[sflag:s21] =	ssyncset.done $0x0  }
0x93: {  	[sflag:s21] =	ssyncadd.s32 $0xFFFFDC00  }
0x94: {  	_ =	sfence.sel $0x180000  }
0x95: {  	[bflag:$0x0] =	sbarrier.arrive $0xFFFF  }
0x96: {  	p0 =	sne.s32 s1, $0x0;
	_ =	strace $0x90000050  }
0x97: {  	s0 =	sadd.s32 @!p0 $0x100000, s0;
	[bflag:$0x2] =	sbarrier.arrive $0xFFFF  }
0x98: {  	[sflag:s0] =	ssyncadd.tile.s32 @!p0 $0x1;
	_ =	shalt  }
.Lfunc_end2:
_tile_overlayer_lowered:
.L_overlay_start_2:
0x99: {  	(tag) =	ssettag $0x2  }
0x9a: {  	s0 =	rddreg [dreg:$0x0];
	s2 =	stileid.u32  }
0x9b: {  	s1 =	rddreg [dreg:$0x1];
	p0 =	sne.s32 s2, $0x0  }
0x9c: {  	s3 =	rddreg [dreg:$0x2];
	[bflag:$0x3] =	sbarrier.arrive $0xFFFF;
	s2 =	simm.s32 @!p0 $0x1C02  }
0x9d: {  	[timem:s3], [sflag:s2] =	dma.local @!p0 [hbm:s0], s1  }
0x9e: {  	s0 =	simm.s32 @!p0 $0x2  }
0x9f: {  	_ =	swait.ge @!p0 [sflag:s0], s1  }
0xa0: {  	s1 =	ssub.s32 @!p0 $0x0, s1;
	[sflag:s0] =	ssyncset.done @!p0 $0x0  }
0xa1: {  	[sflag:s0] =	ssyncadd.s32 @!p0 s1  }
0xa2: {  	[bflag:$0x3] =	sbarrier.arrive $0xFFFF  }
0xa3: {  	_ =	shalt  }

// kernel: kernel.28.cloned.1.call-start
scs
__scs_entry_jumppad:
0x0: {  	(pc) =	sbr.rel $0x88, $3  }
0x1: {  	(tag) =	ssettag $0x0;
	lr =	simm.s32 $0x1  }
0x2: {  	[smem:$0x3F8C] =	sst lr;
	_ =	strace $0xD0000000  }
0x3: {  	_ = 	snop  }
0x4: {  	_ = 	snop  }
0x5: {  	_ = 	snop  }
0x6: {  	_ = 	snop  }
0x7: {  	_ = 	snop  }
__scs_overlays_trampoline_lowered:
0x8: {  	[smem:$0x3F9B] =	sst s0  }
0x9: {  	[smem:$0x3F9C] =	sst s1  }
0xa: {  	[smem:$0x3F9D] =	sst s2  }
0xb: {  	[smem:$0x3F9E] =	sst s3  }
0xc: {  	[smem:$0x3F9F] =	sst s4  }
0xd: {  	[smem:$0x3FA0] =	sst s5  }
0xe: {  	[smem:$0x3FA1] =	sst s6  }
0xf: {  	[smem:$0x3FA2] =	sst s7  }
0x10: {  	[smem:$0x3FA3] =	sst s8  }
0x11: {  	[smem:$0x3FA4] =	sst s9;
	s0 =	simm.s32 @!p0 $0x0  }
0x12: {  	s1 =	sld [smem:$0x3F8A];
	s0 =	simm.s32 @p0 $0x1  }
0x13: {  	[smem:$0x3FA5] =	sst s0;
	s0 =	simm.s32 @!p1 $0x0  }
0x14: {  	s2 =	sld [smem:$0x3F89];
	s0 =	simm.s32 @p1 $0x1  }
0x15: {  	[smem:$0x3FA6] =	sst s0;
	s0 =	simm.s32 @!p2 $0x0  }
0x16: {  	s3 =	sld [smem:$0x3FDB];
	s0 =	simm.s32 @p2 $0x1  }
0x17: {  	s4 =	simm.s32 $0x1BF5;
	[smem:$0x3FA8] =	sst s0  }
0x18: {  	s0 =	sld [smem:$0x3F8B];
	_ =	swait.ge [sflag:s4], $0x0  }
0x19: {  	s7 =	sld [smem:$0x3F8C]  }
0x1a: {  	s8 =	sadd.s32 $0xFFFFE003, lr  }
0x1b: {  	s9 =	sadd.s32 $0xFFFFFEF7, lr;
	s5 =	simm.s32 $0xFFFFFFFF;
	p2 =	slt.u32 s8, $0xFFFFF086  }
0x1c: {  	p1 =	slt.u32 s9, $0xF7A;
	s5 =	simm.s32 @!p2 $0x0  }
0x1d: {  	s5 =	simm.s32 @p1 $0x1;
	p0 =	seq.s32 s7, s2  }
0x1e: {  	s7 =	smul.u32 @!p0 $0xF7A, s2;
	p2 =	seq.s32 @!p0 s5, $0x0  }
0x1f: {  	s9 =	smul.u32 $0xF7A, s1;
	s8 =	simm.s32 @!p0 $0x1BF5;
	p2 =	por !p2, p0  }
0x20: {  	[sflag:s8] =	ssyncset.s32 @!p0 $0xFFFFF086;
	s6 =	sadd.s32 @!p0 s3, s7;
	s7 =	simm.s32 @!p0 $0x108  }
0x21: {  	s3 =	sadd.s32 s3, s9;
	s6 =	sadd.s32 @!p0 $0x88, s6;
	s7 =	simm.s32 @p2 $0x1082  }
0x22: {  	[simem:s7], [sflag:s8] =	dma.local @!p0 [hbm:s6], $0xF7A  }
0x23: {  	s9 =	sor.u32 $0xD0000000, s2;
	s6 =	simm.s32 $0x108;
	_ =	swait.ge @!p0 [sflag:s8], $0x0  }
0x24: {  	s3 =	sadd.s32 $0x88, s3;
	s6 =	simm.s32 @!p1 $0x1082;
	[sflag:s4] =	ssyncset.s32 $0xFFFFF086  }
0x25: {  	[simem:s6], [sflag:s4] =	dma.local [hbm:s3], $0xF7A  }
0x26: {  	[smem:$0x3F8C] =	sst s1;
	(tag) =	ssettag s2;
	_ =	strace s9  }
0x27: {  	s1 =	sld [smem:$0x3F9C]  }
0x28: {  	s2 =	sld [smem:$0x3F9D]  }
0x29: {  	s4 =	sld [smem:$0x3F9F]  }
0x2a: {  	p0 =	seq.s32 s5, $0x0;
	s5 =	sld [smem:$0x3FA0]  }
0x2b: {  	s6 =	sld [smem:$0x3FA1]  }
0x2c: {  	s7 =	sld [smem:$0x3FA2]  }
0x2d: {  	s3 =	simm.s32 $0x108;
	s8 =	sld [smem:$0x3FA3]  }
0x2e: {  	s3 =	simm.s32 @!p0 $0x1082;
	s9 =	sld [smem:$0x3FA4]  }
0x2f: {  	lr =	sadd.s32 s0, s3;
	s0 =	sld [smem:$0x3F9B]  }
0x30: {  	s3 =	sld [smem:$0x3F9E]  }
0x31: {  	[smem:$0x3FA7] =	sst s10  }
0x32: {  	s10 =	sld [smem:$0x3FA5];
	_ =	sdelay $0x3  }
0x33: {  	p0 =	seq.s32 s10, $0x1;
	s10 =	sld [smem:$0x3FA7];
	_ =	sdelay $0x3  }
0x34: {  	[smem:$0x3FA7] =	sst s10  }
0x35: {  	s10 =	sld [smem:$0x3FA6];
	_ =	sdelay $0x3  }
0x36: {  	p1 =	seq.s32 s10, $0x1;
	s10 =	sld [smem:$0x3FA7];
	_ =	sdelay $0x3  }
0x37: {  	[smem:$0x3FA7] =	sst s10  }
0x38: {  	s10 =	sld [smem:$0x3FA8]  }
0x39: {  	_ = 	snop;
	(pc) =	sbr.ind lr, $3  }
0x3a: {  	_ = 	snop  }
0x3b: {  	_ = 	snop  }
0x3c: {  	p2 =	seq.s32 s10, $0x1;
	s10 =	sld [smem:$0x3FA7]  }
0x3d: {  	_ =	shalt  }
0x3e: {  	_ =	shalt  }
0x3f: {  	_ =	shalt  }
0x40: {  	_ =	shalt  }
0x41: {  	_ =	shalt  }
0x42: {  	_ =	shalt  }
0x43: {  	_ =	shalt  }
0x44: {  	_ =	shalt  }
0x45: {  	_ =	shalt  }
0x46: {  	_ =	shalt  }
0x47: {  	_ =	shalt  }
0x48: {  	_ =	shalt  }
0x49: {  	_ =	shalt  }
0x4a: {  	_ =	shalt  }
0x4b: {  	_ =	shalt  }
0x4c: {  	_ =	shalt  }
0x4d: {  	_ =	shalt  }
0x4e: {  	_ =	shalt  }
0x4f: {  	_ =	shalt  }
0x50: {  	_ =	shalt  }
0x51: {  	_ =	shalt  }
0x52: {  	_ =	shalt  }
0x53: {  	_ =	shalt  }
0x54: {  	_ =	shalt  }
0x55: {  	_ =	shalt  }
0x56: {  	_ =	shalt  }
0x57: {  	_ =	shalt  }
0x58: {  	_ =	shalt  }
0x59: {  	_ =	shalt  }
0x5a: {  	_ =	shalt  }
0x5b: {  	_ =	shalt  }
0x5c: {  	_ =	shalt  }
0x5d: {  	_ =	shalt  }
0x5e: {  	_ =	shalt  }
0x5f: {  	_ =	shalt  }
0x60: {  	_ =	shalt  }
0x61: {  	_ =	shalt  }
0x62: {  	_ =	shalt  }
0x63: {  	_ =	shalt  }
0x64: {  	_ =	shalt  }
0x65: {  	_ =	shalt  }
0x66: {  	_ =	shalt  }
0x67: {  	_ =	shalt  }
0x68: {  	_ =	shalt  }
0x69: {  	_ =	shalt  }
0x6a: {  	_ =	shalt  }
0x6b: {  	_ =	shalt  }
0x6c: {  	_ =	shalt  }
0x6d: {  	_ =	shalt  }
0x6e: {  	_ =	shalt  }
0x6f: {  	_ =	shalt  }
0x70: {  	_ =	shalt  }
0x71: {  	_ =	shalt  }
0x72: {  	_ =	shalt  }
0x73: {  	_ =	shalt  }
0x74: {  	_ =	shalt  }
0x75: {  	_ =	shalt  }
0x76: {  	_ =	shalt  }
0x77: {  	_ =	shalt  }
0x78: {  	_ =	shalt  }
0x79: {  	_ =	shalt  }
0x7a: {  	_ =	shalt  }
0x7b: {  	_ =	shalt  }
0x7c: {  	_ =	shalt  }
0x7d: {  	_ =	shalt  }
0x7e: {  	_ =	shalt  }
0x7f: {  	_ =	shalt  }
0x80: {  	_ =	shalt  }
0x81: {  	_ =	shalt  }
0x82: {  	_ =	shalt  }
0x83: {  	_ =	shalt  }
0x84: {  	_ =	shalt  }
0x85: {  	_ =	shalt  }
0x86: {  	_ =	shalt  }
0x87: {  	_ =	shalt  }
.Lfunc_end0:
.L_simem_size_0:
called_computation.4_lowered:
.L_overlay_start_0:
0x88: {  	s2 =	sld [smem:$0x3FD9]  }
0x89: {  	s3 =	sld [smem:$0x3FFE];
	_ =	sdelay $0x1  }
0x8a: {  	s1 =	srdreg.scid  }
0x8b: {  	s0 =	sand.u32 $0x1, s1  }
0x8c: {  	s16 =	sshll.u32 s0, $0xA;
	s2 =	sadd.s32 s3, s2  }
0x8d: {  	s2 =	sadd.s32 s2, s16  }
0x8e: {  	[smem:$0x3FB3] =	sst s2  }
0x8f: {  	_ = 	snop  }
0x90: {  	(tm) =	ssettm $0x1  }
0x91: {  	s17 =	sld [smem:$0x3FFB];
	_ =	sdelay $0x3  }
0x92: {  	_ =	strace s17  }
0x93: {  	s2 =	sld [smem:$0x3FFC];
	_ =	sdelay $0x3  }
0x94: {  	_ =	strace s2  }
0x95: {  	s2 =	sld [smem:$0x3FFD];
	_ =	sdelay $0x3  }
0x96: {  	_ =	strace s2  }
0x97: {  	_ =	strace $0x8FFFFFFF  }
0x98: {  	s18 =	sld [smem:$0x3FDB];
	_ =	sdelay $0x1  }
0x99: {  	s19 =	simm.s32 $_scs_section_size  }
0x9a: {  	s4 =	simm.s32 $_size__tile_overlayer_lowered;
	s5 =	simm.s32 $_tile_overlayer_lowered  }
0x9b: {  	s22 =	simm.s32 $0x1BFF;
	s21 =	sshll.u32 s5, $0x1;
	s2 =	sadd.s32 s19, s18  }
0x9c: {  	s6 =	simm.s32 $0x0;
	s20 =	sshll.u32 s4, $0x1;
	s4 =	sadd.s32 s21, s2  }
0x9d: {  	[timem:s6], [sflag:s22] =	dma.local [hbm:s4], s20  }
0x9e: {  	_ =	swait.ge [sflag:s22], s20  }
0x9f: {  	s3 =	ssub.s32 $0x0, s20;
	[sflag:s22] =	ssyncset.done $0x0  }
0xa0: {  	[sflag:s22] =	ssyncadd.s32 s3;
	_ =	sdelay $0x1  }
0xa1: {  	s23 =	simm.s32 $0x1B8B  }
0xa2: {  	_ =	swait.ge [sflag:s23], $0x1  }
0xa3: {  	[sflag:s23] =	ssyncset.done $0x0  }
0xa4: {  	s25 =	simm.s32 $0x1B8E;
	s24 =	sld [smem:$0x3FFE];
	[sflag:s23] =	ssyncadd.s32 $0xFFFFFFFF  }
0xa5: {  	s26 =	simm.s32 $execute0_lowered;
	[smem:$0x3FD2] =	sst s25  }
0xa6: {  	s4 =	sshll.u32 s26, $0x1;
	_ =	strace $0x80000052;
	[dreg:$0x1] =	wrdreg $0xFFFFFFFF  }
0xa7: {  	s28 =	simm.s32 $_size_execute0_lowered;
	s2 =	sadd.s32 s2, s4;
	[dreg:$0x0] =	wrdreg $0x0  }
0xa8: {  	s4 =	sshll.u32 s28, $0x1;
	[dreg:$0x2] =	wrdreg s2  }
0xa9: {  	[dreg:$0x3] =	wrdreg s4  }
0xaa: {  	[dreg:$0x4] =	wrdreg $0xC0  }
0xab: {  	_ =	task [dreg:s6], $0x5FFFF  }
0xac: {  	[dreg:$0x1] =	wrdreg $0xFFFFFFFF  }
0xad: {  	[dreg:$0x0] =	wrdreg $0x60  }
0xae: {  	[dreg:$0x2] =	wrdreg s24  }
0xaf: {  	[dreg:$0x3] =	wrdreg $0x9  }
0xb0: {  	_ =	task.clear_ibuf [dreg:s6], $0x4FFFF;
	_ =	strace $0x90000052  }
0xb1: {  	s29 =	simm.s32 $0x9;
	_ =	strace $0x80000054  }
0xb2: {  	_ =	swait.ge [sflag:s29], $0x1  }
0xb3: {  	[sflag:s29] =	ssyncadd.s32 $0xFFFFFFFF  }
0xb4: {  	_ =	strace $0x90000054  }
0xb5: {  	_ =	sfence  }
0xb6: {  	s30 =	sld [smem:$0x0];
	_ =	sdelay $0x2  }
0xb7: {  	s31 =	sshll.u32 s1, $0xD;
	s1 =	sshrl.u32 s1, $0x2  }
0xb8: {  	s3 =	sand.u32 $0x4000, s31;
	s1 =	sadd.s32 s1, s30  }
0xb9: {  	s0 =	sor.u32 s3, s0;
	s1 =	sshll.u32 s1, $0x11  }
0xba: {  	s0 =	sor.u32 s1, s0  }
0xbb: {  	s0 =	sadd.s32 $0x8F2B, s0  }
0xbc: {  	[sflag:s0] =	ssyncadd.remote.s32 $0x1  }
0xbd: {  	_ =	sfence.sel $0xFFFF  }
0xbe: {  	[dreg:$0x0] =	wrdreg $0xFFFFFFFF;
	(pc) =	sbr.abs _section_cstart, $3  }
0xbf: {  	[dreg:$0x1] =	wrdreg $0xFFFFFFFF  }
0xc0: {  	_ =	task.clear_ibuf [dreg:s6], $0x2FFFF;
	_ =	strace $0x9FFFFFFF  }
0xc1: {  	(tm) =	ssettm $0x7FFFFFFF  }
tec
execute0_lowered:
.L_overlay_start_1:
0x0: {  	(tag) =	ssettag $0x1  }
0x1: {  	s5 =	rddreg [dreg:$0x0]  }
0x2: {  	s0 =	rddreg [dreg:$0x1];
	s3 =	srdreg.scid  }
0x3: {  	s1 =	stileid.u32;
	s2 =	simm.s32 $0x0;
	s11 =	simm.s32 $0x3000  }
0x4: {  	s12 =	simm.s32 $0x70;
	s13 =	simm.s32 $0x6000;
	s14 =	simm.s32 $0x9800  }
0x5: {  	s15 =	simm.s32 $0x1;
	s16 =	simm.s32 $0x2;
	s17 =	simm.s32 $0x0  }
0x6: {  	s3 =	sand.u32 $0x1, s3;
	s4 =	sshll.u32 s1, $0x1;
	[smem:$0x7FF] =	sst s2  }
0x7: {  	s8 =	sor.u32 s3, s4;
	_ =	strace $0x80000053;
	s7 =	ssub.s32 $0x2, s3  }
0x8: {  	s3 =	sadd.s32 $0x5600, s5;
	s6 =	smul.u32 $0x600, s8;
	s9 =	sshrl.u32 s7, $0x1  }
0x9: {  	s4 =	sadd.s32 $0x60600, s5;
	s8 =	smul.u32 $0x5A, s8;
	s9 =	ssub.s32 s7, s9  }
0xa: {  	s10 =	sadd.s32 s6, s5;
	s5 =	sadd.s32 $0x87800, s5;
	s9 =	smax.u32 s9, $0x1  }
0xb: {  	s6 =	sadd.s32 $0x54600, s10;
	s7 =	sadd.s32 $0x2C800, s10;
	s10 =	simm.s32 $0x3  }
.LBB2_1:
0xc: {  	[tilespmem:s2], [sflag:$0x3] =	stream.linear.gather [hbm4b:s6+s2], $0x2D00, $0x38;
	[tilespmem:$0xD000] =	vst v63  }
0xd: {  	_ =	swait.ge [sflag:s10], $0x2D00  }
0xe: {  	[sflag:s10] =	ssyncset.done $0x0  }
0xf: {  	[sflag:s10] =	ssyncadd.s32 $0xFFFFD300  }
0x10: {  	[tilespmem:s11], [sflag:$0x3] =	stream.linear.gather [hbm4b:s7+s2], $0x2D00, $0x38;
	[tilespmem:$0xD000] =	vst v63  }
0x11: {  	_ =	swait.ge [sflag:s10], $0x2D00  }
0x12: {  	[sflag:s10] =	ssyncset.done $0x0  }
0x13: {  	s18 =	simm.s32 $0x0;
	[sflag:s10] =	ssyncadd.s32 $0xFFFFD300  }
.LBB2_2:
0x14: {  	s19 =	sshll.u32 s18, $0x7  }
0x15: {  	[tilespmem:s13], [sflag:$0x1] =	stream.indirect.gather [hbm4b:s3+s12], $0x80, s19, s12, $0xb8;
	[tilespmem:$0xD000] =	vst v63  }
0x16: {  	s19 =	sadd.s32 $0x3000, s19  }
0x17: {  	[tilespmem:s14], [sflag:$0x2] =	stream.indirect.gather [hbm4b:s4+s12], $0x80, s19, s12, $0xb8;
	[tilespmem:$0xD000] =	vst v63  }
0x18: {  	_ =	swait.ge [sflag:s15], $0x3800  }
0x19: {  	[sflag:s15] =	ssyncset.done $0x0  }
0x1a: {  	[sflag:s15] =	ssyncadd.s32 $0xFFFFC800  }
0x1b: {  	_ =	swait.ge [sflag:s16], $0x3800  }
0x1c: {  	[sflag:s16] =	ssyncset.done $0x0  }
0x1d: {  	s19 =	simm.s32 $0x0;
	[sflag:s16] =	ssyncadd.s32 $0xFFFFC800  }
0x1e: {  	v7 =	vld [tilespmem:s19+$0x9800]  }
0x1f: {  	v11 =	vld [tilespmem:s19+$0x9810]  }
0x20: {  	v5 =	vld [tilespmem:s19+$0x9820]  }
0x21: {  	v4 =	vld [tilespmem:s19+$0x9830]  }
0x22: {  	v3 =	vld [tilespmem:s19+$0x9840]  }
0x23: {  	v2 =	vld [tilespmem:s19+$0x9850]  }
0x24: {  	v1 =	vld [tilespmem:s19+$0x9860]  }
0x25: {  	v0 =	vld [tilespmem:s19+$0x9870]  }
0x26: {  	v12 =	vld [tilespmem:s19+$0x6000]  }
0x27: {  	v13 =	vld [tilespmem:s19+$0x6010]  }
0x28: {  	v10 =	vld [tilespmem:s19+$0x6020]  }
0x29: {  	v9 =	vld [tilespmem:s19+$0x6030]  }
0x2a: {  	v8 =	vld [tilespmem:s19+$0x6040]  }
0x2b: {  	v6 =	vld [tilespmem:s19+$0x6050];
	v12 =	vadd.f32 v7, v12  }
0x2c: {  	s20 =	simm.s32 $0x200;
	v11 =	vadd.f32 v11, v13;
	v7 =	vld [tilespmem:s19+$0x6060]  }
.LBB2_3:
0x2d: {  	s21 =	sshra.s32 s20, $0x2;
	p0 =	sne.s32 s20, $0xDE00;
	[tilespmem:s19+$0x6000] =	vst v12;
	v5 =	vadd.f32 v5, v10;
	v10 =	vld [tilespmem:s19+$0x6070]  }
0x2e: {  	v12 =	vld [tilespmem:s21+$0x9800];
	[tilespmem:s19+$0x6010] =	vst v11;
	v4 =	vadd.f32 v4, v9  }
0x2f: {  	v11 =	vld [tilespmem:s21+$0x9810];
	[tilespmem:s19+$0x6020] =	vst v5;
	v3 =	vadd.f32 v3, v8  }
0x30: {  	v5 =	vld [tilespmem:s21+$0x9820];
	[tilespmem:s19+$0x6030] =	vst v4;
	v2 =	vadd.f32 v2, v6  }
0x31: {  	v4 =	vld [tilespmem:s21+$0x9830];
	[tilespmem:s19+$0x6040] =	vst v3;
	v1 =	vadd.f32 v1, v7  }
0x32: {  	v3 =	vld [tilespmem:s21+$0x9840];
	[tilespmem:s19+$0x6050] =	vst v2;
	v0 =	vadd.f32 v0, v10  }
0x33: {  	v2 =	vld [tilespmem:s21+$0x9850];
	[tilespmem:s19+$0x6060] =	vst v1  }
0x34: {  	v1 =	vld [tilespmem:s21+$0x9860];
	[tilespmem:s19+$0x6070] =	vst v0;
	s19 =	smov.u32 s21  }
0x35: {  	v0 =	vld [tilespmem:s19+$0x9870]  }
0x36: {  	v6 =	vld [tilespmem:s19+$0x6000]  }
0x37: {  	v7 =	vld [tilespmem:s19+$0x6010]  }
.Ltmp0:
0x38: {  	v10 =	vld [tilespmem:s19+$0x6020];
	(pc) =	sbr.rel @p0 .LBB2_3-.Ltmp0, $4  }
0x39: {  	v9 =	vld [tilespmem:s19+$0x6030]  }
0x3a: {  	v8 =	vld [tilespmem:s19+$0x6040]  }
0x3b: {  	v12 =	vadd.f32 v12, v6;
	v6 =	vld [tilespmem:s19+$0x6050]  }
0x3c: {  	s20 =	sadd.s32 $0x200, s20;
	v11 =	vadd.f32 v11, v7;
	v7 =	vld [tilespmem:s19+$0x6060]  }
0x3d: {  	[tilespmem:s19+$0x6000] =	vst v12;
	v5 =	vadd.f32 v5, v10;
	v63 =	vld [tilespmem:s19+$0x6070]  }
0x3e: {  	[tilespmem:s19+$0x6010] =	vst v11;
	v4 =	vadd.f32 v4, v9  }
0x3f: {  	[tilespmem:s19+$0x6020] =	vst v5;
	v3 =	vadd.f32 v3, v8  }
0x40: {  	[tilespmem:s19+$0x6030] =	vst v4;
	v2 =	vadd.f32 v2, v6  }
0x41: {  	s20 =	sadd.s32 s8, s18;
	[tilespmem:s19+$0x6040] =	vst v3;
	v1 =	vadd.f32 v1, v7  }
0x42: {  	s18 =	sadd.s32 $0x1, s18;
	s20 =	smul.u32 $0x700, s20;
	[tilespmem:s19+$0x6050] =	vst v2;
	v0 =	vadd.f32 v0, v63  }
0x43: {  	p0 =	sne.s32 s18, $0x5A;
	[tilespmem:s19+$0x6060] =	vst v1  }
.Ltmp1:
0x44: {  	s31 =	sadd.s32 s5, s20;
	[tilespmem:s19+$0x6070] =	vst v0;
	(pc) =	sbr.rel @p0 .LBB2_2-.Ltmp1, $4  }
0x45: {  	[hbm4b:s31+s2] =	stream.linear.scatter [tilespmem:s13], [sflag:$0x3], $0x3800, $0x38;
	[tilespmem:$0xD000] =	vst v63  }
0x46: {  	_ =	swait.ge [sflag:s10], $0x3800  }
0x47: {  	[sflag:s10] =	ssyncset.done $0x0  }
0x48: {  	[sflag:s10] =	ssyncadd.s32 $0xFFFFC800  }
0x49: {  	s17 =	sadd.s32 $0x1, s17  }
0x4a: {  	p0 =	sne.s32 s17, s9  }
.Ltmp2:
0x4b: {  	_ = 	snop;
	(pc) =	sbr.rel @p0 .LBB2_1-.Ltmp2, $1  }
0x4c: {  	_ =	sdelay $0x3  }
0x4d: {  	_ =	sfence.sel $0x180000  }
0x4e: {  	[bflag:$0x0] =	sbarrier.arrive $0xFFFF  }
0x4f: {  	p0 =	sne.s32 s1, $0x0;
	_ =	strace $0x90000053  }
0x50: {  	s0 =	sadd.s32 @!p0 $0x100000, s0;
	[bflag:$0x2] =	sbarrier.arrive $0xFFFF  }
0x51: {  	[sflag:s0] =	ssyncadd.tile.s32 @!p0 $0x1;
	_ =	shalt  }
.Lfunc_end2:
_tile_overlayer_lowered:
.L_overlay_start_2:
0x52: {  	(tag) =	ssettag $0x2  }
0x53: {  	s0 =	rddreg [dreg:$0x0];
	s2 =	stileid.u32  }
0x54: {  	s1 =	rddreg [dreg:$0x1];
	p0 =	sne.s32 s2, $0x0  }
0x55: {  	s3 =	rddreg [dreg:$0x2];
	[bflag:$0x3] =	sbarrier.arrive $0xFFFF;
	s2 =	simm.s32 @!p0 $0x1C03  }
0x56: {  	[timem:s3], [sflag:s2] =	dma.local @!p0 [hbm:s0], s1  }
0x57: {  	s0 =	simm.s32 @!p0 $0x3  }
0x58: {  	_ =	swait.ge @!p0 [sflag:s0], s1  }
0x59: {  	s1 =	ssub.s32 @!p0 $0x0, s1;
	[sflag:s0] =	ssyncset.done @!p0 $0x0  }
0x5a: {  	[sflag:s0] =	ssyncadd.s32 @!p0 s1  }
0x5b: {  	[bflag:$0x3] =	sbarrier.arrive $0xFFFF  }
0x5c: {  	_ =	shalt  }

</sc_bundles>
